<compile_context>
chip_gen: v7x
topology: tpu7x:2x2x1
jax: 0.10.2.dev20260603
libtpu: 0.0.44.dev20260713+nightly
codegen_flags: <defaults>
</compile_context>

<pallas_src>
import dataclasses
import functools

import jax
import jax.numpy as jnp
import numpy as np
from jax import lax
from jax.experimental import pallas as pl
from jax.experimental.pallas import tpu as pltpu
from jax.experimental.pallas import tpu_sc as plsc

_NC = 2
_NS = 16
_NW = _NC * _NS
_CHUNK = 128
_CW = 128
_ZR = 128
_NPAD = 10240
_PADNODE = 10200


def _vmesh():
    return plsc.VectorSubcoreMesh(core_axis_name="c", subcore_axis_name="s",
                                  num_cores=_NC, num_subcores=_NS)


def _sc_params():
    cp = pltpu.CompilerParams()
    if "needs_layout_passes" in pltpu.CompilerParams.__dataclass_fields__:
        cp = dataclasses.replace(cp, needs_layout_passes=False)
    return cp


def _sc_degrees(src1d, dst1d):
    ept = src1d.shape[0] // _NW
    stripe = _NPAD // _NS

    @functools.partial(
        pl.kernel,
        out_type=jax.ShapeDtypeStruct((_NC, 2, _NPAD), jnp.float32),
        mesh=_vmesh(),
        scratch_types=[
            pltpu.VMEM((ept,), jnp.int32),
            pltpu.VMEM((ept,), jnp.int32),
            pltpu.VMEM((_NPAD,), jnp.float32),
            pltpu.VMEM((_NPAD,), jnp.float32),
            pltpu.VMEM((stripe,), jnp.float32),
            pltpu.VMEM((stripe,), jnp.float32),
            pltpu.VMEM_SHARED((_NS, 2, _NPAD), jnp.float32),
        ],
        compiler_params=_sc_params(),
    )
    def deg(src_hbm, dst_hbm, out_hbm, sidx, didx, hs, hd, tmp, accb, stage):
        c = lax.axis_index("c")
        s = lax.axis_index("s")
        wid = c * _NS + s
        zeros16 = jnp.zeros((16,), jnp.float32)
        ones16 = jnp.ones((16,), jnp.float32)

        pre = pl.multiple_of(wid * ept, 128)
        pltpu.sync_copy(src_hbm.at[pl.ds(pre, ept)], sidx)
        pltpu.sync_copy(dst_hbm.at[pl.ds(pre, ept)], didx)

        @pl.loop(0, _NPAD, step=16)
        def _(i):
            hs[pl.ds(i, 16)] = zeros16
            hd[pl.ds(i, 16)] = zeros16

        @pl.loop(0, ept, step=16)
        def _(l):
            plsc.addupdate_scatter(hs, [sidx[pl.ds(l, 16)]], ones16)
            plsc.addupdate_scatter(hd, [didx[pl.ds(l, 16)]], ones16)

        pltpu.sync_copy(hs, stage.at[s, 0])
        pltpu.sync_copy(hd, stage.at[s, 1])
        plsc.subcore_barrier()

        @pl.loop(0, 2)
        def _(k):
            @pl.loop(0, stripe, step=16)
            def _(i):
                accb[pl.ds(i, 16)] = zeros16

            @pl.loop(0, _NS)
            def _(t):
                pltpu.sync_copy(stage.at[t, k, pl.ds(pl.multiple_of(s * stripe, 128), stripe)], tmp)

                @pl.loop(0, stripe, step=16)
                def _(i):
                    accb[pl.ds(i, 16)] = accb[pl.ds(i, 16)] + tmp[pl.ds(i, 16)]

            pltpu.sync_copy(accb, out_hbm.at[c, k, pl.ds(pl.multiple_of(s * stripe, 128), stripe)])

    return deg(src1d, dst1d)


def _sc_aggregate(g, src2d, dst2d):
    n_chunks = src2d.shape[0]
    cpt = n_chunks // _NW
    ept = cpt * _CHUNK
    rows_per_tile = _NPAD // _NS

    @functools.partial(
        pl.kernel,
        out_type=jax.ShapeDtypeStruct((_NC, _NPAD, _CW), jnp.float32),
        mesh=_vmesh(),
        scratch_types=[
            pltpu.VMEM((ept,), jnp.int32),
            pltpu.VMEM((_CHUNK,), jnp.int32),
            pltpu.VMEM((_CHUNK, _CW), jnp.float32),
            pltpu.VMEM((_ZR, _CW), jnp.float32),
            pltpu.VMEM_SHARED((_NPAD, _CW), jnp.float32),
            pltpu.SemaphoreType.DMA,
        ],
    )
    def agg(g_hbm, srcf_hbm, dst_hbm, out_hbm,
            sidx, didx, rows0, zbuf, acc, gsem):
        c = lax.axis_index("c")
        s = lax.axis_index("s")
        wid = c * _NS + s
        base_chunk = wid * cpt
        zrow = jnp.zeros((1, 16), jnp.float32)

        pltpu.sync_copy(
            srcf_hbm.at[pl.ds(pl.multiple_of(wid * ept, 128), ept)], sidx)

        @pl.loop(0, _ZR)
        def _(r):
            @pl.loop(0, _CW, step=16)
            def _(l):
                zbuf.at[pl.ds(r, 1), pl.ds(l, 16)][...] = zrow

        @pl.loop(0, rows_per_tile, step=_ZR)
        def _(r0):
            pltpu.sync_copy(zbuf, acc.at[pl.ds(pl.multiple_of(s * rows_per_tile + r0, 8), _ZR)])

        plsc.subcore_barrier()

        @pl.loop(0, cpt)
        def _(j):
            pltpu.sync_copy(dst_hbm.at[base_chunk + j], didx)
            gi = sidx.at[pl.ds(pl.multiple_of(j * _CHUNK, 128), _CHUNK)]
            pltpu.async_copy(g_hbm.at[gi], rows0, gsem).wait()
            pltpu.sync_copy(rows0, acc.at[didx], add=True)

        plsc.subcore_barrier()

        @pl.loop(0, rows_per_tile, step=_ZR)
        def _(r0):
            base = pl.multiple_of(s * rows_per_tile + r0, 8)
            pltpu.sync_copy(acc.at[pl.ds(base, _ZR)], zbuf)
            pltpu.sync_copy(zbuf, out_hbm.at[c, pl.ds(base, _ZR)])

    return agg(g, src2d.reshape(-1), dst2d)


def _dot(a, b):
    return jnp.dot(a, b, preferred_element_type=jnp.float32,
                   precision=lax.Precision.HIGHEST)


def _tc_prelayer(x, cnts):
    n, d = x.shape

    def body(x_ref, cnt_ref, g_ref, dor_ref, dir_ref):
        cs = cnt_ref[0, 0, :, :] + cnt_ref[1, 0, :, :]
        cd = cnt_ref[0, 1, :, :] + cnt_ref[1, 1, :, :]
        dor = lax.rsqrt(jnp.maximum(cs, 1.0))[:n]
        dir_ = lax.rsqrt(jnp.maximum(cd, 1.0))[:n]
        dor_ref[...] = dor
        dir_ref[...] = dir_
        g_ref[pl.ds(0, n), :] = x_ref[...] * dor

    return pl.pallas_call(
        body,
        out_shape=(
            jax.ShapeDtypeStruct((_NPAD, d), jnp.float32),
            jax.ShapeDtypeStruct((n, 1), jnp.float32),
            jax.ShapeDtypeStruct((n, 1), jnp.float32),
        ),
    )(x, cnts.reshape(_NC, 2, _NPAD, 1))


def _tc_layer1(a1, dir_, W1, b1, dor, W2s):
    n = dir_.shape[0]
    br = 1000
    grid = (n // br,)
    d_in = W1.shape[0]
    h1 = W1.shape[1]
    nchunk = W2s.shape[0]

    def body(a_ref, dir_ref, w1_ref, b1_ref, dor_ref, w2_ref, *outs):
        a = (a_ref[0] + a_ref[1]) * dir_ref[...]
        h = jnp.maximum(_dot(a, w1_ref[...]) + b1_ref[...], 0.0)
        hs = h * dor_ref[...]
        for c in range(nchunk):
            outs[c][...] = _dot(hs, w2_ref[c])

    return pl.pallas_call(
        body,
        grid=grid,
        in_specs=[
            pl.BlockSpec((_NC, br, d_in), lambda i: (0, i, 0)),
            pl.BlockSpec((br, 1), lambda i: (i, 0)),
            pl.BlockSpec((d_in, h1), lambda i: (0, 0)),
            pl.BlockSpec((1, h1), lambda i: (0, 0)),
            pl.BlockSpec((br, 1), lambda i: (i, 0)),
            pl.BlockSpec(W2s.shape, lambda i: (0, 0, 0)),
        ],
        out_specs=[pl.BlockSpec((br, _CW), lambda i: (i, 0))] * nchunk,
        out_shape=[jax.ShapeDtypeStruct((_NPAD, _CW), jnp.float32)] * nchunk,
    )(a1, dir_, W1, b1.reshape(1, h1), dor, W2s)


def _tc_midlayer(parts, dir_, b, dor, Ws):
    n = dir_.shape[0]
    br = 1000
    grid = (n // br,)
    nchunk = Ws.shape[0]
    hwid = Ws.shape[1]

    def body(*refs):
        a_refs = refs[:nchunk]
        dir_ref, b_ref, dor_ref, w_ref = refs[nchunk:nchunk + 4]
        outs = refs[nchunk + 4:]
        agg = jnp.concatenate([r[0] + r[1] for r in a_refs], axis=1)
        h = jnp.maximum(agg * dir_ref[...] + b_ref[...], 0.0)
        hs = h * dor_ref[...]
        for c in range(nchunk):
            outs[c][...] = _dot(hs, w_ref[c])

    return pl.pallas_call(
        body,
        grid=grid,
        in_specs=(
            [pl.BlockSpec((_NC, br, _CW), lambda i: (0, i, 0))] * nchunk
            + [
                pl.BlockSpec((br, 1), lambda i: (i, 0)),
                pl.BlockSpec((1, hwid), lambda i: (0, 0)),
                pl.BlockSpec((br, 1), lambda i: (i, 0)),
                pl.BlockSpec(Ws.shape, lambda i: (0, 0, 0)),
            ]
        ),
        out_specs=[pl.BlockSpec((br, _CW), lambda i: (i, 0))] * nchunk,
        out_shape=[jax.ShapeDtypeStruct((_NPAD, _CW), jnp.float32)] * nchunk,
    )(*parts, dir_, b.reshape(1, hwid), dor, Ws)


def _tc_lastlayer(parts, dir_, b):
    n = dir_.shape[0]
    br = 1000
    grid = (n // br,)
    nchunk = len(parts)
    hwid = b.shape[0]

    def body(*refs):
        a_refs = refs[:nchunk]
        dir_ref, b_ref = refs[nchunk:nchunk + 2]
        out_ref = refs[nchunk + 2]
        agg = jnp.concatenate([r[0] + r[1] for r in a_refs], axis=1)
        out_ref[...] = jnp.maximum(agg * dir_ref[...] + b_ref[...], 0.0)

    return pl.pallas_call(
        body,
        grid=grid,
        in_specs=(
            [pl.BlockSpec((_NC, br, _CW), lambda i: (0, i, 0))] * nchunk
            + [
                pl.BlockSpec((br, 1), lambda i: (i, 0)),
                pl.BlockSpec((1, hwid), lambda i: (0, 0)),
            ]
        ),
        out_specs=pl.BlockSpec((br, hwid), lambda i: (i, 0)),
        out_shape=jax.ShapeDtypeStruct((n, hwid), jnp.float32),
    )(*parts, dir_, b.reshape(1, hwid))


def kernel(in_feat, edge_index, W1, b1, W2, b2, W3, b3):
    n, d_in = in_feat.shape
    e = edge_index.shape[1]
    h1 = W1.shape[1]
    h2 = W2.shape[1]
    h3 = W3.shape[1]

    epc = _CHUNK * _NW
    e_pad = -(-e // epc) * epc
    src = edge_index[0]
    dst = edge_index[1]
    if e_pad != e:
        fill = (n + np.arange(e_pad - e, dtype=np.int32) % (_NPAD - n)
                ).astype(np.int32)
        src = jnp.concatenate([src, jnp.asarray(fill)])
        dst = jnp.concatenate([dst, jnp.asarray(fill)])
    n_real = e // _CHUNK
    n_tot = e_pad // _CHUNK
    cpt = n_tot // _NW
    extra = n_real - (n_real // _NW) * _NW
    perm = []
    r, dmy = 0, n_real
    for w in range(_NW):
        take = n_real // _NW + (1 if w < extra else 0)
        perm.extend(range(r, r + take))
        r += take
        perm.extend(range(dmy, dmy + cpt - take))
        dmy += cpt - take
    perm = np.asarray(perm, dtype=np.int32)

    W2s = W2.reshape(W2.shape[0], h2 // _CW, _CW).transpose(1, 0, 2)
    W3s = W3.reshape(W3.shape[0], h3 // _CW, _CW).transpose(1, 0, 2)

    src2d = src.reshape(n_tot, _CHUNK)[perm]
    dst2d = dst.reshape(n_tot, _CHUNK)[perm]
    src = src2d.reshape(-1)
    dst = dst2d.reshape(-1)

    cnts = _sc_degrees(src, dst)
    g1, dor, dir_ = _tc_prelayer(in_feat, cnts)

    a1 = _sc_aggregate(g1, src2d, dst2d)
    g2 = _tc_layer1(a1, dir_, W1, b1, dor, W2s)

    a2 = [_sc_aggregate(gc, src2d, dst2d) for gc in g2]
    g3 = _tc_midlayer(a2, dir_, b2, dor, W3s)

    a3 = [_sc_aggregate(gc, src2d, dst2d) for gc in g3]
    return _tc_lastlayer(a3, dir_, b3)

# --- scband reference (transcript-rebuilt; emitter-appended) ---
"""Pipeline reference for scband-graph-sage-7739531067725 (READ-ONLY COPY).

The authoritative reference and input builder live on the scoring server;
editing this copy changes nothing except your own understanding.
"""

import jax, jax.numpy as jnp
import numpy as np

N = 10000
E = 320000
D_IN = 128
H1 = 1024
H2 = 512
H3 = 512


def setup_inputs(seed: int = 0) -> dict:
    key = jax.random.key(seed)
    ks = jax.random.split(key, 8)
    x = jax.random.normal(ks[0], (N, D_IN), dtype=jnp.float32)
    edge_index = jax.random.randint(ks[1], (2, E), 0, N, dtype=jnp.int32)
    # Learned parameters (Glorot-ish init)
    W1 = jax.random.normal(ks[2], (D_IN, H1), dtype=jnp.float32) * (1.0 / np.sqrt(D_IN))
    b1 = jnp.zeros((H1,), dtype=jnp.float32)
    W2 = jax.random.normal(ks[3], (H1, H2), dtype=jnp.float32) * (1.0 / np.sqrt(H1))
    b2 = jnp.zeros((H2,), dtype=jnp.float32)
    W3 = jax.random.normal(ks[4], (H2, H3), dtype=jnp.float32) * (1.0 / np.sqrt(H2))
    b3 = jnp.zeros((H3,), dtype=jnp.float32)
    return {"in_feat": x, "edge_index": edge_index, "W1": W1, "b1": b1, "W2": W2, "b2": b2, "W3": W3, "b3": b3}


def _graph_conv(x, src, dst, deg_out_rsqrt, deg_in_rsqrt, W, b):
    # DGL GraphConv with norm='both': symmetric normalization, sum aggregation
    h = x * deg_out_rsqrt[:, None]
    msg = h[src]                                   # gather over edges
    agg = jax.ops.segment_sum(msg, dst, num_segments=N)  # scatter-add
    agg = agg * deg_in_rsqrt[:, None]
    return jax.nn.relu(agg @ W + b)


def reference(in_feat, edge_index, W1, b1, W2, b2, W3, b3):
    src = edge_index[0]
    dst = edge_index[1]
    deg_out = jnp.clip(jnp.bincount(src, length=N), 1).astype(jnp.float32)
    deg_in = jnp.clip(jnp.bincount(dst, length=N), 1).astype(jnp.float32)
    deg_out_rsqrt = jax.lax.rsqrt(deg_out)
    deg_in_rsqrt = jax.lax.rsqrt(deg_in)
    # dropout(p=0.25) is identity at inference (training=False)
    h = _graph_conv(in_feat, src, dst, deg_out_rsqrt, deg_in_rsqrt, W1, b1)
    h = _graph_conv(h, src, dst, deg_out_rsqrt, deg_in_rsqrt, W2, b2)
    h = _graph_conv(h, src, dst, deg_out_rsqrt, deg_in_rsqrt, W3, b3)
    return h

if __name__ == "__main__":
    import jax
    _d = setup_inputs()
    print(jax.jit(kernel)(*tuple(_d.values())))

</pallas_src>

<mosaic_0001>
#map = affine_map<(d0, d1) -> (0)>
#map1 = affine_map<(d0, d1) -> (0, 0, 0)>
module attributes {stable_mosaic.version = 14 : i64} {
  func.func @deg(%arg0: i32, %arg1: i32, %arg2: memref<323584xi32, #tpu.memory_space<hbm>>, %arg3: memref<323584xi32, #tpu.memory_space<hbm>>, %arg4: memref<2x2x10240xf32, #tpu.memory_space<hbm>>, %arg5: memref<10112xi32, #tpu.memory_space<vmem>>, %arg6: memref<10112xi32, #tpu.memory_space<vmem>>, %arg7: memref<10240xf32, #tpu.memory_space<vmem>>, %arg8: memref<10240xf32, #tpu.memory_space<vmem>>, %arg9: memref<640xf32, #tpu.memory_space<vmem>>, %arg10: memref<640xf32, #tpu.memory_space<vmem>>, %arg11: memref<16x2x10240xf32, #tpu.memory_space<vmem_shared>>) attributes {dimension_semantics = [#tpu.dimension_semantics<core_parallel>, #tpu.dimension_semantics<subcore_parallel>], iteration_bounds = array<i64: 2, 16>, scalar_prefetch = 0 : i64, scratch_operands = 7 : i64, tpu.core_type = #tpu.core_type<sc_vector_subcore>, window_params = [{transform_indices = #map}, {transform_indices = #map}, {transform_indices = #map1}]} {
    %mul3A = arith.constant 16 : i32
    %mul3A_0 = arith.muli %arg0, %mul3A : i32
    %add3A = arith.addi %mul3A_0, %arg1 : i32
    %broadcast_in_dim3A = arith.constant 0.000000e+00 : f32
    %broadcast_in_dim3A_1 = vector.broadcast %broadcast_in_dim3A : f32 to vector<16xf32>
    %broadcast_in_dim3A_2 = arith.constant 1.000000e+00 : f32
    %broadcast_in_dim3A_3 = vector.broadcast %broadcast_in_dim3A_2 : f32 to vector<16xf32>
    %mul3A_4 = arith.constant 10112 : i32
    %mul3A_5 = arith.muli %add3A, %mul3A_4 : i32
    %multiple_of3A = tpu.assume_multiple %mul3A_5, 128 : i32
    "tpu.region"() ({
      %run_scoped3A_21 = tpu.sem_alloc : memref<!tpu.dma_semaphore, #tpu.memory_space<semaphore_mem>>
      %dma_start3A = tpu.memref_slice %arg2[%multiple_of3A] : memref<323584xi32, #tpu.memory_space<hbm>> -> memref<10112xi32, #tpu.memory_space<hbm>>
      %dma_start3A_22 = tpu.memref_slice %arg2[%multiple_of3A] : memref<323584xi32, #tpu.memory_space<hbm>> -> memref<10112xi32, #tpu.memory_space<hbm>>
      tpu.enqueue_dma source(%dma_start3A_22 : memref<10112xi32, #tpu.memory_space<hbm>>) target(%arg5 : memref<10112xi32, #tpu.memory_space<vmem>>) target_semaphore(%run_scoped3A_21 : memref<!tpu.dma_semaphore, #tpu.memory_space<semaphore_mem>>)
      %dma_wait3A = tpu.memref_slice %arg2[%multiple_of3A] : memref<323584xi32, #tpu.memory_space<hbm>> -> memref<10112xi32, #tpu.memory_space<hbm>>
      %dma_wait3A_23 = tpu.memref_slice %arg2[%multiple_of3A] : memref<323584xi32, #tpu.memory_space<hbm>> -> memref<10112xi32, #tpu.memory_space<hbm>>
      tpu.wait_dma2 semaphore(%run_scoped3A_21 : memref<!tpu.dma_semaphore, #tpu.memory_space<semaphore_mem>>) src(%dma_wait3A_23 : memref<10112xi32, #tpu.memory_space<hbm>>) dst(%arg5 : memref<10112xi32, #tpu.memory_space<vmem>>)
      tpu.yield
    }) : () -> ()
    "tpu.region"() ({
      %run_scoped3A_21 = tpu.sem_alloc : memref<!tpu.dma_semaphore, #tpu.memory_space<semaphore_mem>>
      %dma_start3A = tpu.memref_slice %arg3[%multiple_of3A] : memref<323584xi32, #tpu.memory_space<hbm>> -> memref<10112xi32, #tpu.memory_space<hbm>>
      %dma_start3A_22 = tpu.memref_slice %arg3[%multiple_of3A] : memref<323584xi32, #tpu.memory_space<hbm>> -> memref<10112xi32, #tpu.memory_space<hbm>>
      tpu.enqueue_dma source(%dma_start3A_22 : memref<10112xi32, #tpu.memory_space<hbm>>) target(%arg6 : memref<10112xi32, #tpu.memory_space<vmem>>) target_semaphore(%run_scoped3A_21 : memref<!tpu.dma_semaphore, #tpu.memory_space<semaphore_mem>>)
      %dma_wait3A = tpu.memref_slice %arg3[%multiple_of3A] : memref<323584xi32, #tpu.memory_space<hbm>> -> memref<10112xi32, #tpu.memory_space<hbm>>
      %dma_wait3A_23 = tpu.memref_slice %arg3[%multiple_of3A] : memref<323584xi32, #tpu.memory_space<hbm>> -> memref<10112xi32, #tpu.memory_space<hbm>>
      tpu.wait_dma2 semaphore(%run_scoped3A_21 : memref<!tpu.dma_semaphore, #tpu.memory_space<semaphore_mem>>) src(%dma_wait3A_23 : memref<10112xi32, #tpu.memory_space<hbm>>) dst(%arg6 : memref<10112xi32, #tpu.memory_space<vmem>>)
      tpu.yield
    }) : () -> ()
    %scan3A = arith.constant 0 : i32
    %scan3A_6 = arith.constant 640 : i32
    %scan3A_7 = arith.addi %scan3A, %scan3A_6 : i32
    %scan3A_8 = arith.constant 1 : i32
    scf.for %scan3A_21 = %scan3A to %scan3A_7 step %scan3A_8  : i32 {
      %mul3A_22 = arith.constant 16 : i32
      %mul3A_23 = arith.muli %scan3A_21, %mul3A_22 : i32
      %add3A_24 = arith.constant 0 : i32
      %add3A_25 = arith.addi %add3A_24, %mul3A_23 : i32
      %swap3A = arith.index_cast %add3A_25 : i32 to index
      %swap3A_26 = tpu.vector_load %arg7[%swap3A] {strides = array<i32>} : memref<10240xf32, #tpu.memory_space<vmem>>, vector<16xf32>,
      tpu.vector_store %arg7[%swap3A], %broadcast_in_dim3A_1 {strides = array<i32>} : memref<10240xf32, #tpu.memory_space<vmem>>, vector<16xf32>,
      %swap3A_27 = arith.index_cast %add3A_25 : i32 to index
      %swap3A_28 = tpu.vector_load %arg8[%swap3A_27] {strides = array<i32>} : memref<10240xf32, #tpu.memory_space<vmem>>, vector<16xf32>,
      tpu.vector_store %arg8[%swap3A_27], %broadcast_in_dim3A_1 {strides = array<i32>} : memref<10240xf32, #tpu.memory_space<vmem>>, vector<16xf32>,
    }
    %scan3A_9 = arith.constant 640 : i32
    %scan3A_10 = arith.constant 0 : i32
    %scan3A_11 = arith.constant 632 : i32
    %scan3A_12 = arith.addi %scan3A_10, %scan3A_11 : i32
    %scan3A_13 = arith.constant 1 : i32
    scf.for %scan3A_21 = %scan3A_10 to %scan3A_12 step %scan3A_13  : i32 {
      %mul3A_22 = arith.constant 16 : i32
      %mul3A_23 = arith.muli %scan3A_21, %mul3A_22 : i32
      %add3A_24 = arith.constant 0 : i32
      %add3A_25 = arith.addi %add3A_24, %mul3A_23 : i32
      %get3A = arith.index_cast %add3A_25 : i32 to index
      %get3A_26 = tpu.vector_load %arg5[%get3A] {strides = array<i32>} : memref<10112xi32, #tpu.memory_space<vmem>>, vector<16xi32>,
      tpu.vector_store_idx %arg7[%get3A_26], %broadcast_in_dim3A_3 {add = true} : memref<10240xf32, #tpu.memory_space<vmem>>[vector<16xi32>], vector<16xf32>,
      %get3A_27 = arith.index_cast %add3A_25 : i32 to index
      %get3A_28 = tpu.vector_load %arg6[%get3A_27] {strides = array<i32>} : memref<10112xi32, #tpu.memory_space<vmem>>, vector<16xi32>,
      tpu.vector_store_idx %arg8[%get3A_28], %broadcast_in_dim3A_3 {add = true} : memref<10240xf32, #tpu.memory_space<vmem>>[vector<16xi32>], vector<16xf32>,
    }
    %scan3A_14 = arith.constant 632 : i32
    %run_scoped3A = arith.constant 0 : i32
    "tpu.region"() ({
      %run_scoped3A_21 = tpu.sem_alloc : memref<!tpu.dma_semaphore, #tpu.memory_space<semaphore_mem>>
      %dma_start3A = arith.constant 0 : i32
      %dma_start3A_22 = tpu.memref_slice %arg11[%arg1, %run_scoped3A, %dma_start3A] : memref<16x2x10240xf32, #tpu.memory_space<vmem_shared>> -> memref<1x1x10240xf32, #tpu.memory_space<vmem_shared>>
      %dma_start3A_23 = tpu.memref_squeeze %dma_start3A_22 : memref<1x1x10240xf32, #tpu.memory_space<vmem_shared>> -> memref<10240xf32, #tpu.memory_space<vmem_shared>>
      %dma_start3A_24 = arith.constant 0 : i32
      %dma_start3A_25 = tpu.memref_slice %arg11[%arg1, %run_scoped3A, %dma_start3A_24] : memref<16x2x10240xf32, #tpu.memory_space<vmem_shared>> -> memref<1x1x10240xf32, #tpu.memory_space<vmem_shared>>
      %dma_start3A_26 = tpu.memref_squeeze %dma_start3A_25 : memref<1x1x10240xf32, #tpu.memory_space<vmem_shared>> -> memref<10240xf32, #tpu.memory_space<vmem_shared>>
      tpu.enqueue_dma source(%arg7 : memref<10240xf32, #tpu.memory_space<vmem>>) target(%dma_start3A_26 : memref<10240xf32, #tpu.memory_space<vmem_shared>>) target_semaphore(%run_scoped3A_21 : memref<!tpu.dma_semaphore, #tpu.memory_space<semaphore_mem>>)
      %dma_wait3A = arith.constant 0 : i32
      %dma_wait3A_27 = tpu.memref_slice %arg11[%arg1, %run_scoped3A, %dma_wait3A] : memref<16x2x10240xf32, #tpu.memory_space<vmem_shared>> -> memref<1x1x10240xf32, #tpu.memory_space<vmem_shared>>
      %dma_wait3A_28 = tpu.memref_squeeze %dma_wait3A_27 : memref<1x1x10240xf32, #tpu.memory_space<vmem_shared>> -> memref<10240xf32, #tpu.memory_space<vmem_shared>>
      %dma_wait3A_29 = arith.constant 0 : i32
      %dma_wait3A_30 = tpu.memref_slice %arg11[%arg1, %run_scoped3A, %dma_wait3A_29] : memref<16x2x10240xf32, #tpu.memory_space<vmem_shared>> -> memref<1x1x10240xf32, #tpu.memory_space<vmem_shared>>
      %dma_wait3A_31 = tpu.memref_squeeze %dma_wait3A_30 : memref<1x1x10240xf32, #tpu.memory_space<vmem_shared>> -> memref<10240xf32, #tpu.memory_space<vmem_shared>>
      tpu.wait_dma2 semaphore(%run_scoped3A_21 : memref<!tpu.dma_semaphore, #tpu.memory_space<semaphore_mem>>) src(%arg7 : memref<10240xf32, #tpu.memory_space<vmem>>) dst(%dma_wait3A_31 : memref<10240xf32, #tpu.memory_space<vmem_shared>>)
      tpu.yield
    }) : () -> ()
    %run_scoped3A_15 = arith.constant 1 : i32
    "tpu.region"() ({
      %run_scoped3A_21 = tpu.sem_alloc : memref<!tpu.dma_semaphore, #tpu.memory_space<semaphore_mem>>
      %dma_start3A = arith.constant 0 : i32
      %dma_start3A_22 = tpu.memref_slice %arg11[%arg1, %run_scoped3A_15, %dma_start3A] : memref<16x2x10240xf32, #tpu.memory_space<vmem_shared>> -> memref<1x1x10240xf32, #tpu.memory_space<vmem_shared>>
      %dma_start3A_23 = tpu.memref_squeeze %dma_start3A_22 : memref<1x1x10240xf32, #tpu.memory_space<vmem_shared>> -> memref<10240xf32, #tpu.memory_space<vmem_shared>>
      %dma_start3A_24 = arith.constant 0 : i32
      %dma_start3A_25 = tpu.memref_slice %arg11[%arg1, %run_scoped3A_15, %dma_start3A_24] : memref<16x2x10240xf32, #tpu.memory_space<vmem_shared>> -> memref<1x1x10240xf32, #tpu.memory_space<vmem_shared>>
      %dma_start3A_26 = tpu.memref_squeeze %dma_start3A_25 : memref<1x1x10240xf32, #tpu.memory_space<vmem_shared>> -> memref<10240xf32, #tpu.memory_space<vmem_shared>>
      tpu.enqueue_dma source(%arg8 : memref<10240xf32, #tpu.memory_space<vmem>>) target(%dma_start3A_26 : memref<10240xf32, #tpu.memory_space<vmem_shared>>) target_semaphore(%run_scoped3A_21 : memref<!tpu.dma_semaphore, #tpu.memory_space<semaphore_mem>>)
      %dma_wait3A = arith.constant 0 : i32
      %dma_wait3A_27 = tpu.memref_slice %arg11[%arg1, %run_scoped3A_15, %dma_wait3A] : memref<16x2x10240xf32, #tpu.memory_space<vmem_shared>> -> memref<1x1x10240xf32, #tpu.memory_space<vmem_shared>>
      %dma_wait3A_28 = tpu.memref_squeeze %dma_wait3A_27 : memref<1x1x10240xf32, #tpu.memory_space<vmem_shared>> -> memref<10240xf32, #tpu.memory_space<vmem_shared>>
      %dma_wait3A_29 = arith.constant 0 : i32
      %dma_wait3A_30 = tpu.memref_slice %arg11[%arg1, %run_scoped3A_15, %dma_wait3A_29] : memref<16x2x10240xf32, #tpu.memory_space<vmem_shared>> -> memref<1x1x10240xf32, #tpu.memory_space<vmem_shared>>
      %dma_wait3A_31 = tpu.memref_squeeze %dma_wait3A_30 : memref<1x1x10240xf32, #tpu.memory_space<vmem_shared>> -> memref<10240xf32, #tpu.memory_space<vmem_shared>>
      tpu.wait_dma2 semaphore(%run_scoped3A_21 : memref<!tpu.dma_semaphore, #tpu.memory_space<semaphore_mem>>) src(%arg8 : memref<10240xf32, #tpu.memory_space<vmem>>) dst(%dma_wait3A_31 : memref<10240xf32, #tpu.memory_space<vmem_shared>>)
      tpu.yield
    }) : () -> ()
    %barrier3A = arith.constant 0 : index
    tpu.barrier barrier_id(%barrier3A)
    %scan3A_16 = arith.constant 0 : i32
    %scan3A_17 = arith.constant 2 : i32
    %scan3A_18 = arith.addi %scan3A_16, %scan3A_17 : i32
    %scan3A_19 = arith.constant 1 : i32
    scf.for %scan3A_21 = %scan3A_16 to %scan3A_18 step %scan3A_19  : i32 {
      %mul3A_22 = arith.constant 1 : i32
      %mul3A_23 = arith.muli %scan3A_21, %mul3A_22 : i32
      %add3A_24 = arith.constant 0 : i32
      %add3A_25 = arith.addi %add3A_24, %mul3A_23 : i32
      %scan3A_26 = arith.constant 0 : i32
      %scan3A_27 = arith.constant 40 : i32
      %scan3A_28 = arith.addi %scan3A_26, %scan3A_27 : i32
      %scan3A_29 = arith.constant 1 : i32
      scf.for %scan3A_39 = %scan3A_26 to %scan3A_28 step %scan3A_29  : i32 {
        %mul3A_40 = arith.constant 16 : i32
        %mul3A_41 = arith.muli %scan3A_39, %mul3A_40 : i32
        %add3A_42 = arith.constant 0 : i32
        %add3A_43 = arith.addi %add3A_42, %mul3A_41 : i32
        %swap3A = arith.index_cast %add3A_43 : i32 to index
        %swap3A_44 = tpu.vector_load %arg10[%swap3A] {strides = array<i32>} : memref<640xf32, #tpu.memory_space<vmem>>, vector<16xf32>,
        tpu.vector_store %arg10[%swap3A], %broadcast_in_dim3A_1 {strides = array<i32>} : memref<640xf32, #tpu.memory_space<vmem>>, vector<16xf32>,
      }
      %scan3A_30 = arith.constant 40 : i32
      %scan3A_31 = arith.constant 0 : i32
      %scan3A_32 = arith.constant 16 : i32
      %scan3A_33 = arith.addi %scan3A_31, %scan3A_32 : i32
      %scan3A_34 = arith.constant 1 : i32
      scf.for %scan3A_39 = %scan3A_31 to %scan3A_33 step %scan3A_34  : i32 {
        %mul3A_40 = arith.constant 1 : i32
        %mul3A_41 = arith.muli %scan3A_39, %mul3A_40 : i32
        %add3A_42 = arith.constant 0 : i32
        %add3A_43 = arith.addi %add3A_42, %mul3A_41 : i32
        %mul3A_44 = arith.constant 640 : i32
        %mul3A_45 = arith.muli %arg1, %mul3A_44 : i32
        %multiple_of3A_46 = tpu.assume_multiple %mul3A_45, 128 : i32
        "tpu.region"() ({
          %run_scoped3A_52 = tpu.sem_alloc : memref<!tpu.dma_semaphore, #tpu.memory_space<semaphore_mem>>
          %dma_start3A = tpu.memref_slice %arg11[%add3A_43, %add3A_25, %multiple_of3A_46] : memref<16x2x10240xf32, #tpu.memory_space<vmem_shared>> -> memref<1x1x640xf32, #tpu.memory_space<vmem_shared>>
          %dma_start3A_53 = tpu.memref_squeeze %dma_start3A : memref<1x1x640xf32, #tpu.memory_space<vmem_shared>> -> memref<640xf32, #tpu.memory_space<vmem_shared>>
          %dma_start3A_54 = tpu.memref_slice %arg11[%add3A_43, %add3A_25, %multiple_of3A_46] : memref<16x2x10240xf32, #tpu.memory_space<vmem_shared>> -> memref<1x1x640xf32, #tpu.memory_space<vmem_shared>>
          %dma_start3A_55 = tpu.memref_squeeze %dma_start3A_54 : memref<1x1x640xf32, #tpu.memory_space<vmem_shared>> -> memref<640xf32, #tpu.memory_space<vmem_shared>>
          tpu.enqueue_dma source(%dma_start3A_55 : memref<640xf32, #tpu.memory_space<vmem_shared>>) target(%arg9 : memref<640xf32, #tpu.memory_space<vmem>>) target_semaphore(%run_scoped3A_52 : memref<!tpu.dma_semaphore, #tpu.memory_space<semaphore_mem>>)
          %dma_wait3A = tpu.memref_slice %arg11[%add3A_43, %add3A_25, %multiple_of3A_46] : memref<16x2x10240xf32, #tpu.memory_space<vmem_shared>> -> memref<1x1x640xf32, #tpu.memory_space<vmem_shared>>
          %dma_wait3A_56 = tpu.memref_squeeze %dma_wait3A : memref<1x1x640xf32, #tpu.memory_space<vmem_shared>> -> memref<640xf32, #tpu.memory_space<vmem_shared>>
          %dma_wait3A_57 = tpu.memref_slice %arg11[%add3A_43, %add3A_25, %multiple_of3A_46] : memref<16x2x10240xf32, #tpu.memory_space<vmem_shared>> -> memref<1x1x640xf32, #tpu.memory_space<vmem_shared>>
          %dma_wait3A_58 = tpu.memref_squeeze %dma_wait3A_57 : memref<1x1x640xf32, #tpu.memory_space<vmem_shared>> -> memref<640xf32, #tpu.memory_space<vmem_shared>>
          tpu.wait_dma2 semaphore(%run_scoped3A_52 : memref<!tpu.dma_semaphore, #tpu.memory_space<semaphore_mem>>) src(%dma_wait3A_58 : memref<640xf32, #tpu.memory_space<vmem_shared>>) dst(%arg9 : memref<640xf32, #tpu.memory_space<vmem>>)
          tpu.yield
        }) : () -> ()
        %scan3A_47 = arith.constant 0 : i32
        %scan3A_48 = arith.constant 40 : i32
        %scan3A_49 = arith.addi %scan3A_47, %scan3A_48 : i32
        %scan3A_50 = arith.constant 1 : i32
        scf.for %scan3A_52 = %scan3A_47 to %scan3A_49 step %scan3A_50  : i32 {
          %mul3A_53 = arith.constant 16 : i32
          %mul3A_54 = arith.muli %scan3A_52, %mul3A_53 : i32
          %add3A_55 = arith.constant 0 : i32
          %add3A_56 = arith.addi %add3A_55, %mul3A_54 : i32
          %get3A = arith.index_cast %add3A_56 : i32 to index
          %get3A_57 = tpu.vector_load %arg10[%get3A] {strides = array<i32>} : memref<640xf32, #tpu.memory_space<vmem>>, vector<16xf32>,
          %get3A_58 = arith.index_cast %add3A_56 : i32 to index
          %get3A_59 = tpu.vector_load %arg9[%get3A_58] {strides = array<i32>} : memref<640xf32, #tpu.memory_space<vmem>>, vector<16xf32>,
          %add3A_60 = arith.addf %get3A_57, %get3A_59 : vector<16xf32>
          %swap3A = arith.index_cast %add3A_56 : i32 to index
          %swap3A_61 = tpu.vector_load %arg10[%swap3A] {strides = array<i32>} : memref<640xf32, #tpu.memory_space<vmem>>, vector<16xf32>,
          tpu.vector_store %arg10[%swap3A], %add3A_60 {strides = array<i32>} : memref<640xf32, #tpu.memory_space<vmem>>, vector<16xf32>,
        }
        %scan3A_51 = arith.constant 40 : i32
      }
      %scan3A_35 = arith.constant 16 : i32
      %mul3A_36 = arith.constant 640 : i32
      %mul3A_37 = arith.muli %arg1, %mul3A_36 : i32
      %multiple_of3A_38 = tpu.assume_multiple %mul3A_37, 128 : i32
      "tpu.region"() ({
        %run_scoped3A_39 = tpu.sem_alloc : memref<!tpu.dma_semaphore, #tpu.memory_space<semaphore_mem>>
        %dma_start3A = tpu.memref_slice %arg4[%arg0, %add3A_25, %multiple_of3A_38] : memref<2x2x10240xf32, #tpu.memory_space<hbm>> -> memref<1x1x640xf32, #tpu.memory_space<hbm>>
        %dma_start3A_40 = tpu.memref_squeeze %dma_start3A : memref<1x1x640xf32, #tpu.memory_space<hbm>> -> memref<640xf32, #tpu.memory_space<hbm>>
        %dma_start3A_41 = tpu.memref_slice %arg4[%arg0, %add3A_25, %multiple_of3A_38] : memref<2x2x10240xf32, #tpu.memory_space<hbm>> -> memref<1x1x640xf32, #tpu.memory_space<hbm>>
        %dma_start3A_42 = tpu.memref_squeeze %dma_start3A_41 : memref<1x1x640xf32, #tpu.memory_space<hbm>> -> memref<640xf32, #tpu.memory_space<hbm>>
        tpu.enqueue_dma source(%arg10 : memref<640xf32, #tpu.memory_space<vmem>>) target(%dma_start3A_42 : memref<640xf32, #tpu.memory_space<hbm>>) target_semaphore(%run_scoped3A_39 : memref<!tpu.dma_semaphore, #tpu.memory_space<semaphore_mem>>)
        %dma_wait3A = tpu.memref_slice %arg4[%arg0, %add3A_25, %multiple_of3A_38] : memref<2x2x10240xf32, #tpu.memory_space<hbm>> -> memref<1x1x640xf32, #tpu.memory_space<hbm>>
        %dma_wait3A_43 = tpu.memref_squeeze %dma_wait3A : memref<1x1x640xf32, #tpu.memory_space<hbm>> -> memref<640xf32, #tpu.memory_space<hbm>>
        %dma_wait3A_44 = tpu.memref_slice %arg4[%arg0, %add3A_25, %multiple_of3A_38] : memref<2x2x10240xf32, #tpu.memory_space<hbm>> -> memref<1x1x640xf32, #tpu.memory_space<hbm>>
        %dma_wait3A_45 = tpu.memref_squeeze %dma_wait3A_44 : memref<1x1x640xf32, #tpu.memory_space<hbm>> -> memref<640xf32, #tpu.memory_space<hbm>>
        tpu.wait_dma2 semaphore(%run_scoped3A_39 : memref<!tpu.dma_semaphore, #tpu.memory_space<semaphore_mem>>) src(%arg10 : memref<640xf32, #tpu.memory_space<vmem>>) dst(%dma_wait3A_45 : memref<640xf32, #tpu.memory_space<hbm>>)
        tpu.yield
      }) : () -> ()
    }
    %scan3A_20 = arith.constant 2 : i32
    return
  }
}

#map = affine_map<(d0, d1) -> (0, 0)>
#map1 = affine_map<(d0, d1) -> (0)>
#map2 = affine_map<(d0, d1) -> (0, 0, 0)>
module attributes {stable_mosaic.version = 14 : i64} {
  func.func @agg(%arg0: i32, %arg1: i32, %arg2: memref<10240x128xf32, #tpu.memory_space<hbm>>, %arg3: memref<323584xi32, #tpu.memory_space<hbm>>, %arg4: memref<2528x128xi32, #tpu.memory_space<hbm>>, %arg5: memref<2x10240x128xf32, #tpu.memory_space<hbm>>, %arg6: memref<10112xi32, #tpu.memory_space<vmem>>, %arg7: memref<128xi32, #tpu.memory_space<vmem>>, %arg8: memref<128x128xf32, #tpu.memory_space<vmem>>, %arg9: memref<128x128xf32, #tpu.memory_space<vmem>>, %arg10: memref<10240x128xf32, #tpu.memory_space<vmem_shared>>, %arg11: memref<!tpu.dma_semaphore, #tpu.memory_space<semaphore_mem>>) attributes {dimension_semantics = [#tpu.dimension_semantics<core_parallel>, #tpu.dimension_semantics<subcore_parallel>], iteration_bounds = array<i64: 2, 16>, scalar_prefetch = 0 : i64, scratch_operands = 6 : i64, tpu.core_type = #tpu.core_type<sc_vector_subcore>, window_params = [{transform_indices = #map}, {transform_indices = #map1}, {transform_indices = #map}, {transform_indices = #map2}]} {
    %mul3A = arith.constant 16 : i32
    %mul3A_0 = arith.muli %arg0, %mul3A : i32
    %add3A = arith.addi %mul3A_0, %arg1 : i32
    %mul3A_1 = arith.constant 79 : i32
    %mul3A_2 = arith.muli %add3A, %mul3A_1 : i32
    %broadcast_in_dim3A = arith.constant 0.000000e+00 : f32
    %broadcast_in_dim3A_3 = vector.broadcast %broadcast_in_dim3A : f32 to vector<1x16xf32>
    %mul3A_4 = arith.constant 10112 : i32
    %mul3A_5 = arith.muli %add3A, %mul3A_4 : i32
    %multiple_of3A = tpu.assume_multiple %mul3A_5, 128 : i32
    "tpu.region"() ({
      %run_scoped3A = tpu.sem_alloc : memref<!tpu.dma_semaphore, #tpu.memory_space<semaphore_mem>>
      %dma_start3A = tpu.memref_slice %arg3[%multiple_of3A] : memref<323584xi32, #tpu.memory_space<hbm>> -> memref<10112xi32, #tpu.memory_space<hbm>>
      %dma_start3A_26 = tpu.memref_slice %arg3[%multiple_of3A] : memref<323584xi32, #tpu.memory_space<hbm>> -> memref<10112xi32, #tpu.memory_space<hbm>>
      tpu.enqueue_dma source(%dma_start3A_26 : memref<10112xi32, #tpu.memory_space<hbm>>) target(%arg6 : memref<10112xi32, #tpu.memory_space<vmem>>) target_semaphore(%run_scoped3A : memref<!tpu.dma_semaphore, #tpu.memory_space<semaphore_mem>>)
      %dma_wait3A = tpu.memref_slice %arg3[%multiple_of3A] : memref<323584xi32, #tpu.memory_space<hbm>> -> memref<10112xi32, #tpu.memory_space<hbm>>
      %dma_wait3A_27 = tpu.memref_slice %arg3[%multiple_of3A] : memref<323584xi32, #tpu.memory_space<hbm>> -> memref<10112xi32, #tpu.memory_space<hbm>>
      tpu.wait_dma2 semaphore(%run_scoped3A : memref<!tpu.dma_semaphore, #tpu.memory_space<semaphore_mem>>) src(%dma_wait3A_27 : memref<10112xi32, #tpu.memory_space<hbm>>) dst(%arg6 : memref<10112xi32, #tpu.memory_space<vmem>>)
      tpu.yield
    }) : () -> ()
    %scan3A = arith.constant 0 : i32
    %scan3A_6 = arith.constant 128 : i32
    %scan3A_7 = arith.addi %scan3A, %scan3A_6 : i32
    %scan3A_8 = arith.constant 1 : i32
    scf.for %scan3A_26 = %scan3A to %scan3A_7 step %scan3A_8  : i32 {
      %mul3A_27 = arith.constant 1 : i32
      %mul3A_28 = arith.muli %scan3A_26, %mul3A_27 : i32
      %add3A_29 = arith.constant 0 : i32
      %add3A_30 = arith.addi %add3A_29, %mul3A_28 : i32
      %scan3A_31 = arith.constant 0 : i32
      %scan3A_32 = arith.constant 8 : i32
      %scan3A_33 = arith.addi %scan3A_31, %scan3A_32 : i32
      %scan3A_34 = arith.constant 1 : i32
      scf.for %scan3A_36 = %scan3A_31 to %scan3A_33 step %scan3A_34  : i32 {
        %mul3A_37 = arith.constant 16 : i32
        %mul3A_38 = arith.muli %scan3A_36, %mul3A_37 : i32
        %add3A_39 = arith.constant 0 : i32
        %add3A_40 = arith.addi %add3A_39, %mul3A_38 : i32
        %swap3A = arith.index_cast %add3A_30 : i32 to index
        %swap3A_41 = arith.index_cast %add3A_40 : i32 to index
        %swap3A_42 = tpu.vector_load %arg9[%swap3A, %swap3A_41] {strides = array<i32>} : memref<128x128xf32, #tpu.memory_space<vmem>>, vector<1x16xf32>,
        %swap3A_43 = vector.shape_cast %swap3A_42 : vector<1x16xf32> to vector<1x16xf32>
        %swap3A_44 = vector.shape_cast %broadcast_in_dim3A_3 : vector<1x16xf32> to vector<1x16xf32>
        tpu.vector_store %arg9[%swap3A, %swap3A_41], %swap3A_44 {strides = array<i32>} : memref<128x128xf32, #tpu.memory_space<vmem>>, vector<1x16xf32>,
      }
      %scan3A_35 = arith.constant 8 : i32
    }
    %scan3A_9 = arith.constant 128 : i32
    %scan3A_10 = arith.constant 0 : i32
    %scan3A_11 = arith.constant 5 : i32
    %scan3A_12 = arith.addi %scan3A_10, %scan3A_11 : i32
    %scan3A_13 = arith.constant 1 : i32
    scf.for %scan3A_26 = %scan3A_10 to %scan3A_12 step %scan3A_13  : i32 {
      %mul3A_27 = arith.constant 128 : i32
      %mul3A_28 = arith.muli %scan3A_26, %mul3A_27 : i32
      %add3A_29 = arith.constant 0 : i32
      %add3A_30 = arith.addi %add3A_29, %mul3A_28 : i32
      %mul3A_31 = arith.constant 640 : i32
      %mul3A_32 = arith.muli %arg1, %mul3A_31 : i32
      %add3A_33 = arith.addi %mul3A_32, %add3A_30 : i32
      %multiple_of3A_34 = tpu.assume_multiple %add3A_33, 8 : i32
      "tpu.region"() ({
        %run_scoped3A = tpu.sem_alloc : memref<!tpu.dma_semaphore, #tpu.memory_space<semaphore_mem>>
        %dma_start3A = arith.constant 0 : i32
        %dma_start3A_35 = tpu.memref_slice %arg10[%multiple_of3A_34, %dma_start3A] : memref<10240x128xf32, #tpu.memory_space<vmem_shared>> -> memref<128x128xf32, #tpu.memory_space<vmem_shared>>
        %dma_start3A_36 = arith.constant 0 : i32
        %dma_start3A_37 = tpu.memref_slice %arg10[%multiple_of3A_34, %dma_start3A_36] : memref<10240x128xf32, #tpu.memory_space<vmem_shared>> -> memref<128x128xf32, #tpu.memory_space<vmem_shared>>
        tpu.enqueue_dma source(%arg9 : memref<128x128xf32, #tpu.memory_space<vmem>>) target(%dma_start3A_37 : memref<128x128xf32, #tpu.memory_space<vmem_shared>>) target_semaphore(%run_scoped3A : memref<!tpu.dma_semaphore, #tpu.memory_space<semaphore_mem>>)
        %dma_wait3A = arith.constant 0 : i32
        %dma_wait3A_38 = tpu.memref_slice %arg10[%multiple_of3A_34, %dma_wait3A] : memref<10240x128xf32, #tpu.memory_space<vmem_shared>> -> memref<128x128xf32, #tpu.memory_space<vmem_shared>>
        %dma_wait3A_39 = arith.constant 0 : i32
        %dma_wait3A_40 = tpu.memref_slice %arg10[%multiple_of3A_34, %dma_wait3A_39] : memref<10240x128xf32, #tpu.memory_space<vmem_shared>> -> memref<128x128xf32, #tpu.memory_space<vmem_shared>>
        tpu.wait_dma2 semaphore(%run_scoped3A : memref<!tpu.dma_semaphore, #tpu.memory_space<semaphore_mem>>) src(%arg9 : memref<128x128xf32, #tpu.memory_space<vmem>>) dst(%dma_wait3A_40 : memref<128x128xf32, #tpu.memory_space<vmem_shared>>)
        tpu.yield
      }) : () -> ()
    }
    %scan3A_14 = arith.constant 5 : i32
    %barrier3A = arith.constant 0 : index
    tpu.barrier barrier_id(%barrier3A)
    %scan3A_15 = arith.constant 0 : i32
    %scan3A_16 = arith.constant 79 : i32
    %scan3A_17 = arith.addi %scan3A_15, %scan3A_16 : i32
    %scan3A_18 = arith.constant 1 : i32
    scf.for %scan3A_26 = %scan3A_15 to %scan3A_17 step %scan3A_18  : i32 {
      %mul3A_27 = arith.constant 1 : i32
      %mul3A_28 = arith.muli %scan3A_26, %mul3A_27 : i32
      %add3A_29 = arith.constant 0 : i32
      %add3A_30 = arith.addi %add3A_29, %mul3A_28 : i32
      %add3A_31 = arith.addi %mul3A_2, %add3A_30 : i32
      "tpu.region"() ({
        %run_scoped3A = tpu.sem_alloc : memref<!tpu.dma_semaphore, #tpu.memory_space<semaphore_mem>>
        %dma_start3A_41 = arith.constant 0 : i32
        %dma_start3A_42 = tpu.memref_slice %arg4[%add3A_31, %dma_start3A_41] : memref<2528x128xi32, #tpu.memory_space<hbm>> -> memref<1x128xi32, #tpu.memory_space<hbm>>
        %dma_start3A_43 = tpu.memref_squeeze %dma_start3A_42 : memref<1x128xi32, #tpu.memory_space<hbm>> -> memref<128xi32, #tpu.memory_space<hbm>>
        %dma_start3A_44 = arith.constant 0 : i32
        %dma_start3A_45 = tpu.memref_slice %arg4[%add3A_31, %dma_start3A_44] : memref<2528x128xi32, #tpu.memory_space<hbm>> -> memref<1x128xi32, #tpu.memory_space<hbm>>
        %dma_start3A_46 = tpu.memref_squeeze %dma_start3A_45 : memref<1x128xi32, #tpu.memory_space<hbm>> -> memref<128xi32, #tpu.memory_space<hbm>>
        tpu.enqueue_dma source(%dma_start3A_46 : memref<128xi32, #tpu.memory_space<hbm>>) target(%arg7 : memref<128xi32, #tpu.memory_space<vmem>>) target_semaphore(%run_scoped3A : memref<!tpu.dma_semaphore, #tpu.memory_space<semaphore_mem>>)
        %dma_wait3A_47 = arith.constant 0 : i32
        %dma_wait3A_48 = tpu.memref_slice %arg4[%add3A_31, %dma_wait3A_47] : memref<2528x128xi32, #tpu.memory_space<hbm>> -> memref<1x128xi32, #tpu.memory_space<hbm>>
        %dma_wait3A_49 = tpu.memref_squeeze %dma_wait3A_48 : memref<1x128xi32, #tpu.memory_space<hbm>> -> memref<128xi32, #tpu.memory_space<hbm>>
        %dma_wait3A_50 = arith.constant 0 : i32
        %dma_wait3A_51 = tpu.memref_slice %arg4[%add3A_31, %dma_wait3A_50] : memref<2528x128xi32, #tpu.memory_space<hbm>> -> memref<1x128xi32, #tpu.memory_space<hbm>>
        %dma_wait3A_52 = tpu.memref_squeeze %dma_wait3A_51 : memref<1x128xi32, #tpu.memory_space<hbm>> -> memref<128xi32, #tpu.memory_space<hbm>>
        tpu.wait_dma2 semaphore(%run_scoped3A : memref<!tpu.dma_semaphore, #tpu.memory_space<semaphore_mem>>) src(%dma_wait3A_52 : memref<128xi32, #tpu.memory_space<hbm>>) dst(%arg7 : memref<128xi32, #tpu.memory_space<vmem>>)
        tpu.yield
      }) : () -> ()
      %mul3A_32 = arith.constant 128 : i32
      %mul3A_33 = arith.muli %add3A_30, %mul3A_32 : i32
      %multiple_of3A_34 = tpu.assume_multiple %mul3A_33, 128 : i32
      %dma_start3A = tpu.memref_slice %arg6[%multiple_of3A_34] : memref<10112xi32, #tpu.memory_space<vmem>> -> memref<128xi32, #tpu.memory_space<vmem>>
      %dma_start3A_35 = arith.constant 0 : i32
      %dma_start3A_36 = arith.constant 0 : i32
      %dma_start3A_37 = tpu.memref_slice %arg2[%dma_start3A_35, %dma_start3A_36] : memref<10240x128xf32, #tpu.memory_space<hbm>> -> memref<10240x128xf32, #tpu.memory_space<hbm>>
      tpu.enqueue_indirect_dma source(%dma_start3A_37 : memref<10240x128xf32, #tpu.memory_space<hbm>>) target(%arg8 : memref<128x128xf32, #tpu.memory_space<vmem>>) offsets(%dma_start3A : memref<128xi32, #tpu.memory_space<vmem>>) semaphore(%arg11 : memref<!tpu.dma_semaphore, #tpu.memory_space<semaphore_mem>>)
      %dma_wait3A = tpu.memref_slice %arg6[%multiple_of3A_34] : memref<10112xi32, #tpu.memory_space<vmem>> -> memref<128xi32, #tpu.memory_space<vmem>>
      %dma_wait3A_38 = arith.constant 0 : i32
      %dma_wait3A_39 = arith.constant 0 : i32
      %dma_wait3A_40 = tpu.memref_slice %arg2[%dma_wait3A_38, %dma_wait3A_39] : memref<10240x128xf32, #tpu.memory_space<hbm>> -> memref<10240x128xf32, #tpu.memory_space<hbm>>
      tpu.wait_indirect_dma semaphore(%arg11 : memref<!tpu.dma_semaphore, #tpu.memory_space<semaphore_mem>>) src(%dma_wait3A_40 : memref<10240x128xf32, #tpu.memory_space<hbm>>) dst(%arg8 : memref<128x128xf32, #tpu.memory_space<vmem>>)
      "tpu.region"() ({
        %run_scoped3A = tpu.sem_alloc : memref<!tpu.dma_semaphore, #tpu.memory_space<semaphore_mem>>
        %dma_start3A_41 = arith.constant 0 : i32
        %dma_start3A_42 = arith.constant 0 : i32
        %dma_start3A_43 = tpu.memref_slice %arg10[%dma_start3A_41, %dma_start3A_42] : memref<10240x128xf32, #tpu.memory_space<vmem_shared>> -> memref<10240x128xf32, #tpu.memory_space<vmem_shared>>
        tpu.enqueue_indirect_dma source(%arg8 : memref<128x128xf32, #tpu.memory_space<vmem>>) target(%dma_start3A_43 : memref<10240x128xf32, #tpu.memory_space<vmem_shared>>) offsets(%arg7 : memref<128xi32, #tpu.memory_space<vmem>>) semaphore(%run_scoped3A : memref<!tpu.dma_semaphore, #tpu.memory_space<semaphore_mem>>) {add = true}
        %dma_wait3A_44 = arith.constant 0 : i32
        %dma_wait3A_45 = arith.constant 0 : i32
        %dma_wait3A_46 = tpu.memref_slice %arg10[%dma_wait3A_44, %dma_wait3A_45] : memref<10240x128xf32, #tpu.memory_space<vmem_shared>> -> memref<10240x128xf32, #tpu.memory_space<vmem_shared>>
        tpu.wait_indirect_dma semaphore(%run_scoped3A : memref<!tpu.dma_semaphore, #tpu.memory_space<semaphore_mem>>) src(%arg8 : memref<128x128xf32, #tpu.memory_space<vmem>>) dst(%dma_wait3A_46 : memref<10240x128xf32, #tpu.memory_space<vmem_shared>>)
        tpu.yield
      }) : () -> ()
    }
    %scan3A_19 = arith.constant 79 : i32
    %barrier3A_20 = arith.constant 0 : index
    tpu.barrier barrier_id(%barrier3A_20)
    %scan3A_21 = arith.constant 0 : i32
    %scan3A_22 = arith.constant 5 : i32
    %scan3A_23 = arith.addi %scan3A_21, %scan3A_22 : i32
    %scan3A_24 = arith.constant 1 : i32
    scf.for %scan3A_26 = %scan3A_21 to %scan3A_23 step %scan3A_24  : i32 {
      %mul3A_27 = arith.constant 128 : i32
      %mul3A_28 = arith.muli %scan3A_26, %mul3A_27 : i32
      %add3A_29 = arith.constant 0 : i32
      %add3A_30 = arith.addi %add3A_29, %mul3A_28 : i32
      %mul3A_31 = arith.constant 640 : i32
      %mul3A_32 = arith.muli %arg1, %mul3A_31 : i32
      %add3A_33 = arith.addi %mul3A_32, %add3A_30 : i32
      %multiple_of3A_34 = tpu.assume_multiple %add3A_33, 8 : i32
      "tpu.region"() ({
        %run_scoped3A = tpu.sem_alloc : memref<!tpu.dma_semaphore, #tpu.memory_space<semaphore_mem>>
        %dma_start3A = arith.constant 0 : i32
        %dma_start3A_35 = tpu.memref_slice %arg10[%multiple_of3A_34, %dma_start3A] : memref<10240x128xf32, #tpu.memory_space<vmem_shared>> -> memref<128x128xf32, #tpu.memory_space<vmem_shared>>
        %dma_start3A_36 = arith.constant 0 : i32
        %dma_start3A_37 = tpu.memref_slice %arg10[%multiple_of3A_34, %dma_start3A_36] : memref<10240x128xf32, #tpu.memory_space<vmem_shared>> -> memref<128x128xf32, #tpu.memory_space<vmem_shared>>
        tpu.enqueue_dma source(%dma_start3A_37 : memref<128x128xf32, #tpu.memory_space<vmem_shared>>) target(%arg9 : memref<128x128xf32, #tpu.memory_space<vmem>>) target_semaphore(%run_scoped3A : memref<!tpu.dma_semaphore, #tpu.memory_space<semaphore_mem>>)
        %dma_wait3A = arith.constant 0 : i32
        %dma_wait3A_38 = tpu.memref_slice %arg10[%multiple_of3A_34, %dma_wait3A] : memref<10240x128xf32, #tpu.memory_space<vmem_shared>> -> memref<128x128xf32, #tpu.memory_space<vmem_shared>>
        %dma_wait3A_39 = arith.constant 0 : i32
        %dma_wait3A_40 = tpu.memref_slice %arg10[%multiple_of3A_34, %dma_wait3A_39] : memref<10240x128xf32, #tpu.memory_space<vmem_shared>> -> memref<128x128xf32, #tpu.memory_space<vmem_shared>>
        tpu.wait_dma2 semaphore(%run_scoped3A : memref<!tpu.dma_semaphore, #tpu.memory_space<semaphore_mem>>) src(%dma_wait3A_40 : memref<128x128xf32, #tpu.memory_space<vmem_shared>>) dst(%arg9 : memref<128x128xf32, #tpu.memory_space<vmem>>)
        tpu.yield
      }) : () -> ()
      "tpu.region"() ({
        %run_scoped3A = tpu.sem_alloc : memref<!tpu.dma_semaphore, #tpu.memory_space<semaphore_mem>>
        %dma_start3A = arith.constant 0 : i32
        %dma_start3A_35 = tpu.memref_slice %arg5[%arg0, %multiple_of3A_34, %dma_start3A] : memref<2x10240x128xf32, #tpu.memory_space<hbm>> -> memref<1x128x128xf32, #tpu.memory_space<hbm>>
        %dma_start3A_36 = tpu.memref_squeeze %dma_start3A_35 : memref<1x128x128xf32, #tpu.memory_space<hbm>> -> memref<128x128xf32, #tpu.memory_space<hbm>>
        %dma_start3A_37 = arith.constant 0 : i32
        %dma_start3A_38 = tpu.memref_slice %arg5[%arg0, %multiple_of3A_34, %dma_start3A_37] : memref<2x10240x128xf32, #tpu.memory_space<hbm>> -> memref<1x128x128xf32, #tpu.memory_space<hbm>>
        %dma_start3A_39 = tpu.memref_squeeze %dma_start3A_38 : memref<1x128x128xf32, #tpu.memory_space<hbm>> -> memref<128x128xf32, #tpu.memory_space<hbm>>
        tpu.enqueue_dma source(%arg9 : memref<128x128xf32, #tpu.memory_space<vmem>>) target(%dma_start3A_39 : memref<128x128xf32, #tpu.memory_space<hbm>>) target_semaphore(%run_scoped3A : memref<!tpu.dma_semaphore, #tpu.memory_space<semaphore_mem>>)
        %dma_wait3A = arith.constant 0 : i32
        %dma_wait3A_40 = tpu.memref_slice %arg5[%arg0, %multiple_of3A_34, %dma_wait3A] : memref<2x10240x128xf32, #tpu.memory_space<hbm>> -> memref<1x128x128xf32, #tpu.memory_space<hbm>>
        %dma_wait3A_41 = tpu.memref_squeeze %dma_wait3A_40 : memref<1x128x128xf32, #tpu.memory_space<hbm>> -> memref<128x128xf32, #tpu.memory_space<hbm>>
        %dma_wait3A_42 = arith.constant 0 : i32
        %dma_wait3A_43 = tpu.memref_slice %arg5[%arg0, %multiple_of3A_34, %dma_wait3A_42] : memref<2x10240x128xf32, #tpu.memory_space<hbm>> -> memref<1x128x128xf32, #tpu.memory_space<hbm>>
        %dma_wait3A_44 = tpu.memref_squeeze %dma_wait3A_43 : memref<1x128x128xf32, #tpu.memory_space<hbm>> -> memref<128x128xf32, #tpu.memory_space<hbm>>
        tpu.wait_dma2 semaphore(%run_scoped3A : memref<!tpu.dma_semaphore, #tpu.memory_space<semaphore_mem>>) src(%arg9 : memref<128x128xf32, #tpu.memory_space<vmem>>) dst(%dma_wait3A_44 : memref<128x128xf32, #tpu.memory_space<hbm>>)
        tpu.yield
      }) : () -> ()
    }
    %scan3A_25 = arith.constant 5 : i32
    return
  }
}

#map = affine_map<(d0, d1) -> (0, 0)>
#map1 = affine_map<(d0, d1) -> (0)>
#map2 = affine_map<(d0, d1) -> (0, 0, 0)>
module attributes {stable_mosaic.version = 14 : i64} {
  func.func @agg(%arg0: i32, %arg1: i32, %arg2: memref<10240x128xf32, #tpu.memory_space<hbm>>, %arg3: memref<323584xi32, #tpu.memory_space<hbm>>, %arg4: memref<2528x128xi32, #tpu.memory_space<hbm>>, %arg5: memref<2x10240x128xf32, #tpu.memory_space<hbm>>, %arg6: memref<10112xi32, #tpu.memory_space<vmem>>, %arg7: memref<128xi32, #tpu.memory_space<vmem>>, %arg8: memref<128x128xf32, #tpu.memory_space<vmem>>, %arg9: memref<128x128xf32, #tpu.memory_space<vmem>>, %arg10: memref<10240x128xf32, #tpu.memory_space<vmem_shared>>, %arg11: memref<!tpu.dma_semaphore, #tpu.memory_space<semaphore_mem>>) attributes {dimension_semantics = [#tpu.dimension_semantics<core_parallel>, #tpu.dimension_semantics<subcore_parallel>], iteration_bounds = array<i64: 2, 16>, scalar_prefetch = 0 : i64, scratch_operands = 6 : i64, tpu.core_type = #tpu.core_type<sc_vector_subcore>, window_params = [{transform_indices = #map}, {transform_indices = #map1}, {transform_indices = #map}, {transform_indices = #map2}]} {
    %mul3A = arith.constant 16 : i32
    %mul3A_0 = arith.muli %arg0, %mul3A : i32
    %add3A = arith.addi %mul3A_0, %arg1 : i32
    %mul3A_1 = arith.constant 79 : i32
    %mul3A_2 = arith.muli %add3A, %mul3A_1 : i32
    %broadcast_in_dim3A = arith.constant 0.000000e+00 : f32
    %broadcast_in_dim3A_3 = vector.broadcast %broadcast_in_dim3A : f32 to vector<1x16xf32>
    %mul3A_4 = arith.constant 10112 : i32
    %mul3A_5 = arith.muli %add3A, %mul3A_4 : i32
    %multiple_of3A = tpu.assume_multiple %mul3A_5, 128 : i32
    "tpu.region"() ({
      %run_scoped3A = tpu.sem_alloc : memref<!tpu.dma_semaphore, #tpu.memory_space<semaphore_mem>>
      %dma_start3A = tpu.memref_slice %arg3[%multiple_of3A] : memref<323584xi32, #tpu.memory_space<hbm>> -> memref<10112xi32, #tpu.memory_space<hbm>>
      %dma_start3A_26 = tpu.memref_slice %arg3[%multiple_of3A] : memref<323584xi32, #tpu.memory_space<hbm>> -> memref<10112xi32, #tpu.memory_space<hbm>>
      tpu.enqueue_dma source(%dma_start3A_26 : memref<10112xi32, #tpu.memory_space<hbm>>) target(%arg6 : memref<10112xi32, #tpu.memory_space<vmem>>) target_semaphore(%run_scoped3A : memref<!tpu.dma_semaphore, #tpu.memory_space<semaphore_mem>>)
      %dma_wait3A = tpu.memref_slice %arg3[%multiple_of3A] : memref<323584xi32, #tpu.memory_space<hbm>> -> memref<10112xi32, #tpu.memory_space<hbm>>
      %dma_wait3A_27 = tpu.memref_slice %arg3[%multiple_of3A] : memref<323584xi32, #tpu.memory_space<hbm>> -> memref<10112xi32, #tpu.memory_space<hbm>>
      tpu.wait_dma2 semaphore(%run_scoped3A : memref<!tpu.dma_semaphore, #tpu.memory_space<semaphore_mem>>) src(%dma_wait3A_27 : memref<10112xi32, #tpu.memory_space<hbm>>) dst(%arg6 : memref<10112xi32, #tpu.memory_space<vmem>>)
      tpu.yield
    }) : () -> ()
    %scan3A = arith.constant 0 : i32
    %scan3A_6 = arith.constant 128 : i32
    %scan3A_7 = arith.addi %scan3A, %scan3A_6 : i32
    %scan3A_8 = arith.constant 1 : i32
    scf.for %scan3A_26 = %scan3A to %scan3A_7 step %scan3A_8  : i32 {
      %mul3A_27 = arith.constant 1 : i32
      %mul3A_28 = arith.muli %scan3A_26, %mul3A_27 : i32
      %add3A_29 = arith.constant 0 : i32
      %add3A_30 = arith.addi %add3A_29, %mul3A_28 : i32
      %scan3A_31 = arith.constant 0 : i32
      %scan3A_32 = arith.constant 8 : i32
      %scan3A_33 = arith.addi %scan3A_31, %scan3A_32 : i32
      %scan3A_34 = arith.constant 1 : i32
      scf.for %scan3A_36 = %scan3A_31 to %scan3A_33 step %scan3A_34  : i32 {
        %mul3A_37 = arith.constant 16 : i32
        %mul3A_38 = arith.muli %scan3A_36, %mul3A_37 : i32
        %add3A_39 = arith.constant 0 : i32
        %add3A_40 = arith.addi %add3A_39, %mul3A_38 : i32
        %swap3A = arith.index_cast %add3A_30 : i32 to index
        %swap3A_41 = arith.index_cast %add3A_40 : i32 to index
        %swap3A_42 = tpu.vector_load %arg9[%swap3A, %swap3A_41] {strides = array<i32>} : memref<128x128xf32, #tpu.memory_space<vmem>>, vector<1x16xf32>,
        %swap3A_43 = vector.shape_cast %swap3A_42 : vector<1x16xf32> to vector<1x16xf32>
        %swap3A_44 = vector.shape_cast %broadcast_in_dim3A_3 : vector<1x16xf32> to vector<1x16xf32>
        tpu.vector_store %arg9[%swap3A, %swap3A_41], %swap3A_44 {strides = array<i32>} : memref<128x128xf32, #tpu.memory_space<vmem>>, vector<1x16xf32>,
      }
      %scan3A_35 = arith.constant 8 : i32
    }
    %scan3A_9 = arith.constant 128 : i32
    %scan3A_10 = arith.constant 0 : i32
    %scan3A_11 = arith.constant 5 : i32
    %scan3A_12 = arith.addi %scan3A_10, %scan3A_11 : i32
    %scan3A_13 = arith.constant 1 : i32
    scf.for %scan3A_26 = %scan3A_10 to %scan3A_12 step %scan3A_13  : i32 {
      %mul3A_27 = arith.constant 128 : i32
      %mul3A_28 = arith.muli %scan3A_26, %mul3A_27 : i32
      %add3A_29 = arith.constant 0 : i32
      %add3A_30 = arith.addi %add3A_29, %mul3A_28 : i32
      %mul3A_31 = arith.constant 640 : i32
      %mul3A_32 = arith.muli %arg1, %mul3A_31 : i32
      %add3A_33 = arith.addi %mul3A_32, %add3A_30 : i32
      %multiple_of3A_34 = tpu.assume_multiple %add3A_33, 8 : i32
      "tpu.region"() ({
        %run_scoped3A = tpu.sem_alloc : memref<!tpu.dma_semaphore, #tpu.memory_space<semaphore_mem>>
        %dma_start3A = arith.constant 0 : i32
        %dma_start3A_35 = tpu.memref_slice %arg10[%multiple_of3A_34, %dma_start3A] : memref<10240x128xf32, #tpu.memory_space<vmem_shared>> -> memref<128x128xf32, #tpu.memory_space<vmem_shared>>
        %dma_start3A_36 = arith.constant 0 : i32
        %dma_start3A_37 = tpu.memref_slice %arg10[%multiple_of3A_34, %dma_start3A_36] : memref<10240x128xf32, #tpu.memory_space<vmem_shared>> -> memref<128x128xf32, #tpu.memory_space<vmem_shared>>
        tpu.enqueue_dma source(%arg9 : memref<128x128xf32, #tpu.memory_space<vmem>>) target(%dma_start3A_37 : memref<128x128xf32, #tpu.memory_space<vmem_shared>>) target_semaphore(%run_scoped3A : memref<!tpu.dma_semaphore, #tpu.memory_space<semaphore_mem>>)
        %dma_wait3A = arith.constant 0 : i32
        %dma_wait3A_38 = tpu.memref_slice %arg10[%multiple_of3A_34, %dma_wait3A] : memref<10240x128xf32, #tpu.memory_space<vmem_shared>> -> memref<128x128xf32, #tpu.memory_space<vmem_shared>>
        %dma_wait3A_39 = arith.constant 0 : i32
        %dma_wait3A_40 = tpu.memref_slice %arg10[%multiple_of3A_34, %dma_wait3A_39] : memref<10240x128xf32, #tpu.memory_space<vmem_shared>> -> memref<128x128xf32, #tpu.memory_space<vmem_shared>>
        tpu.wait_dma2 semaphore(%run_scoped3A : memref<!tpu.dma_semaphore, #tpu.memory_space<semaphore_mem>>) src(%arg9 : memref<128x128xf32, #tpu.memory_space<vmem>>) dst(%dma_wait3A_40 : memref<128x128xf32, #tpu.memory_space<vmem_shared>>)
        tpu.yield
      }) : () -> ()
    }
    %scan3A_14 = arith.constant 5 : i32
    %barrier3A = arith.constant 0 : index
    tpu.barrier barrier_id(%barrier3A)
    %scan3A_15 = arith.constant 0 : i32
    %scan3A_16 = arith.constant 79 : i32
    %scan3A_17 = arith.addi %scan3A_15, %scan3A_16 : i32
    %scan3A_18 = arith.constant 1 : i32
    scf.for %scan3A_26 = %scan3A_15 to %scan3A_17 step %scan3A_18  : i32 {
      %mul3A_27 = arith.constant 1 : i32
      %mul3A_28 = arith.muli %scan3A_26, %mul3A_27 : i32
      %add3A_29 = arith.constant 0 : i32
      %add3A_30 = arith.addi %add3A_29, %mul3A_28 : i32
      %add3A_31 = arith.addi %mul3A_2, %add3A_30 : i32
      "tpu.region"() ({
        %run_scoped3A = tpu.sem_alloc : memref<!tpu.dma_semaphore, #tpu.memory_space<semaphore_mem>>
        %dma_start3A_41 = arith.constant 0 : i32
        %dma_start3A_42 = tpu.memref_slice %arg4[%add3A_31, %dma_start3A_41] : memref<2528x128xi32, #tpu.memory_space<hbm>> -> memref<1x128xi32, #tpu.memory_space<hbm>>
        %dma_start3A_43 = tpu.memref_squeeze %dma_start3A_42 : memref<1x128xi32, #tpu.memory_space<hbm>> -> memref<128xi32, #tpu.memory_space<hbm>>
        %dma_start3A_44 = arith.constant 0 : i32
        %dma_start3A_45 = tpu.memref_slice %arg4[%add3A_31, %dma_start3A_44] : memref<2528x128xi32, #tpu.memory_space<hbm>> -> memref<1x128xi32, #tpu.memory_space<hbm>>
        %dma_start3A_46 = tpu.memref_squeeze %dma_start3A_45 : memref<1x128xi32, #tpu.memory_space<hbm>> -> memref<128xi32, #tpu.memory_space<hbm>>
        tpu.enqueue_dma source(%dma_start3A_46 : memref<128xi32, #tpu.memory_space<hbm>>) target(%arg7 : memref<128xi32, #tpu.memory_space<vmem>>) target_semaphore(%run_scoped3A : memref<!tpu.dma_semaphore, #tpu.memory_space<semaphore_mem>>)
        %dma_wait3A_47 = arith.constant 0 : i32
        %dma_wait3A_48 = tpu.memref_slice %arg4[%add3A_31, %dma_wait3A_47] : memref<2528x128xi32, #tpu.memory_space<hbm>> -> memref<1x128xi32, #tpu.memory_space<hbm>>
        %dma_wait3A_49 = tpu.memref_squeeze %dma_wait3A_48 : memref<1x128xi32, #tpu.memory_space<hbm>> -> memref<128xi32, #tpu.memory_space<hbm>>
        %dma_wait3A_50 = arith.constant 0 : i32
        %dma_wait3A_51 = tpu.memref_slice %arg4[%add3A_31, %dma_wait3A_50] : memref<2528x128xi32, #tpu.memory_space<hbm>> -> memref<1x128xi32, #tpu.memory_space<hbm>>
        %dma_wait3A_52 = tpu.memref_squeeze %dma_wait3A_51 : memref<1x128xi32, #tpu.memory_space<hbm>> -> memref<128xi32, #tpu.memory_space<hbm>>
        tpu.wait_dma2 semaphore(%run_scoped3A : memref<!tpu.dma_semaphore, #tpu.memory_space<semaphore_mem>>) src(%dma_wait3A_52 : memref<128xi32, #tpu.memory_space<hbm>>) dst(%arg7 : memref<128xi32, #tpu.memory_space<vmem>>)
        tpu.yield
      }) : () -> ()
      %mul3A_32 = arith.constant 128 : i32
      %mul3A_33 = arith.muli %add3A_30, %mul3A_32 : i32
      %multiple_of3A_34 = tpu.assume_multiple %mul3A_33, 128 : i32
      %dma_start3A = tpu.memref_slice %arg6[%multiple_of3A_34] : memref<10112xi32, #tpu.memory_space<vmem>> -> memref<128xi32, #tpu.memory_space<vmem>>
      %dma_start3A_35 = arith.constant 0 : i32
      %dma_start3A_36 = arith.constant 0 : i32
      %dma_start3A_37 = tpu.memref_slice %arg2[%dma_start3A_35, %dma_start3A_36] : memref<10240x128xf32, #tpu.memory_space<hbm>> -> memref<10240x128xf32, #tpu.memory_space<hbm>>
      tpu.enqueue_indirect_dma source(%dma_start3A_37 : memref<10240x128xf32, #tpu.memory_space<hbm>>) target(%arg8 : memref<128x128xf32, #tpu.memory_space<vmem>>) offsets(%dma_start3A : memref<128xi32, #tpu.memory_space<vmem>>) semaphore(%arg11 : memref<!tpu.dma_semaphore, #tpu.memory_space<semaphore_mem>>)
      %dma_wait3A = tpu.memref_slice %arg6[%multiple_of3A_34] : memref<10112xi32, #tpu.memory_space<vmem>> -> memref<128xi32, #tpu.memory_space<vmem>>
      %dma_wait3A_38 = arith.constant 0 : i32
      %dma_wait3A_39 = arith.constant 0 : i32
      %dma_wait3A_40 = tpu.memref_slice %arg2[%dma_wait3A_38, %dma_wait3A_39] : memref<10240x128xf32, #tpu.memory_space<hbm>> -> memref<10240x128xf32, #tpu.memory_space<hbm>>
      tpu.wait_indirect_dma semaphore(%arg11 : memref<!tpu.dma_semaphore, #tpu.memory_space<semaphore_mem>>) src(%dma_wait3A_40 : memref<10240x128xf32, #tpu.memory_space<hbm>>) dst(%arg8 : memref<128x128xf32, #tpu.memory_space<vmem>>)
      "tpu.region"() ({
        %run_scoped3A = tpu.sem_alloc : memref<!tpu.dma_semaphore, #tpu.memory_space<semaphore_mem>>
        %dma_start3A_41 = arith.constant 0 : i32
        %dma_start3A_42 = arith.constant 0 : i32
        %dma_start3A_43 = tpu.memref_slice %arg10[%dma_start3A_41, %dma_start3A_42] : memref<10240x128xf32, #tpu.memory_space<vmem_shared>> -> memref<10240x128xf32, #tpu.memory_space<vmem_shared>>
        tpu.enqueue_indirect_dma source(%arg8 : memref<128x128xf32, #tpu.memory_space<vmem>>) target(%dma_start3A_43 : memref<10240x128xf32, #tpu.memory_space<vmem_shared>>) offsets(%arg7 : memref<128xi32, #tpu.memory_space<vmem>>) semaphore(%run_scoped3A : memref<!tpu.dma_semaphore, #tpu.memory_space<semaphore_mem>>) {add = true}
        %dma_wait3A_44 = arith.constant 0 : i32
        %dma_wait3A_45 = arith.constant 0 : i32
        %dma_wait3A_46 = tpu.memref_slice %arg10[%dma_wait3A_44, %dma_wait3A_45] : memref<10240x128xf32, #tpu.memory_space<vmem_shared>> -> memref<10240x128xf32, #tpu.memory_space<vmem_shared>>
        tpu.wait_indirect_dma semaphore(%run_scoped3A : memref<!tpu.dma_semaphore, #tpu.memory_space<semaphore_mem>>) src(%arg8 : memref<128x128xf32, #tpu.memory_space<vmem>>) dst(%dma_wait3A_46 : memref<10240x128xf32, #tpu.memory_space<vmem_shared>>)
        tpu.yield
      }) : () -> ()
    }
    %scan3A_19 = arith.constant 79 : i32
    %barrier3A_20 = arith.constant 0 : index
    tpu.barrier barrier_id(%barrier3A_20)
    %scan3A_21 = arith.constant 0 : i32
    %scan3A_22 = arith.constant 5 : i32
    %scan3A_23 = arith.addi %scan3A_21, %scan3A_22 : i32
    %scan3A_24 = arith.constant 1 : i32
    scf.for %scan3A_26 = %scan3A_21 to %scan3A_23 step %scan3A_24  : i32 {
      %mul3A_27 = arith.constant 128 : i32
      %mul3A_28 = arith.muli %scan3A_26, %mul3A_27 : i32
      %add3A_29 = arith.constant 0 : i32
      %add3A_30 = arith.addi %add3A_29, %mul3A_28 : i32
      %mul3A_31 = arith.constant 640 : i32
      %mul3A_32 = arith.muli %arg1, %mul3A_31 : i32
      %add3A_33 = arith.addi %mul3A_32, %add3A_30 : i32
      %multiple_of3A_34 = tpu.assume_multiple %add3A_33, 8 : i32
      "tpu.region"() ({
        %run_scoped3A = tpu.sem_alloc : memref<!tpu.dma_semaphore, #tpu.memory_space<semaphore_mem>>
        %dma_start3A = arith.constant 0 : i32
        %dma_start3A_35 = tpu.memref_slice %arg10[%multiple_of3A_34, %dma_start3A] : memref<10240x128xf32, #tpu.memory_space<vmem_shared>> -> memref<128x128xf32, #tpu.memory_space<vmem_shared>>
        %dma_start3A_36 = arith.constant 0 : i32
        %dma_start3A_37 = tpu.memref_slice %arg10[%multiple_of3A_34, %dma_start3A_36] : memref<10240x128xf32, #tpu.memory_space<vmem_shared>> -> memref<128x128xf32, #tpu.memory_space<vmem_shared>>
        tpu.enqueue_dma source(%dma_start3A_37 : memref<128x128xf32, #tpu.memory_space<vmem_shared>>) target(%arg9 : memref<128x128xf32, #tpu.memory_space<vmem>>) target_semaphore(%run_scoped3A : memref<!tpu.dma_semaphore, #tpu.memory_space<semaphore_mem>>)
        %dma_wait3A = arith.constant 0 : i32
        %dma_wait3A_38 = tpu.memref_slice %arg10[%multiple_of3A_34, %dma_wait3A] : memref<10240x128xf32, #tpu.memory_space<vmem_shared>> -> memref<128x128xf32, #tpu.memory_space<vmem_shared>>
        %dma_wait3A_39 = arith.constant 0 : i32
        %dma_wait3A_40 = tpu.memref_slice %arg10[%multiple_of3A_34, %dma_wait3A_39] : memref<10240x128xf32, #tpu.memory_space<vmem_shared>> -> memref<128x128xf32, #tpu.memory_space<vmem_shared>>
        tpu.wait_dma2 semaphore(%run_scoped3A : memref<!tpu.dma_semaphore, #tpu.memory_space<semaphore_mem>>) src(%dma_wait3A_40 : memref<128x128xf32, #tpu.memory_space<vmem_shared>>) dst(%arg9 : memref<128x128xf32, #tpu.memory_space<vmem>>)
        tpu.yield
      }) : () -> ()
      "tpu.region"() ({
        %run_scoped3A = tpu.sem_alloc : memref<!tpu.dma_semaphore, #tpu.memory_space<semaphore_mem>>
        %dma_start3A = arith.constant 0 : i32
        %dma_start3A_35 = tpu.memref_slice %arg5[%arg0, %multiple_of3A_34, %dma_start3A] : memref<2x10240x128xf32, #tpu.memory_space<hbm>> -> memref<1x128x128xf32, #tpu.memory_space<hbm>>
        %dma_start3A_36 = tpu.memref_squeeze %dma_start3A_35 : memref<1x128x128xf32, #tpu.memory_space<hbm>> -> memref<128x128xf32, #tpu.memory_space<hbm>>
        %dma_start3A_37 = arith.constant 0 : i32
        %dma_start3A_38 = tpu.memref_slice %arg5[%arg0, %multiple_of3A_34, %dma_start3A_37] : memref<2x10240x128xf32, #tpu.memory_space<hbm>> -> memref<1x128x128xf32, #tpu.memory_space<hbm>>
        %dma_start3A_39 = tpu.memref_squeeze %dma_start3A_38 : memref<1x128x128xf32, #tpu.memory_space<hbm>> -> memref<128x128xf32, #tpu.memory_space<hbm>>
        tpu.enqueue_dma source(%arg9 : memref<128x128xf32, #tpu.memory_space<vmem>>) target(%dma_start3A_39 : memref<128x128xf32, #tpu.memory_space<hbm>>) target_semaphore(%run_scoped3A : memref<!tpu.dma_semaphore, #tpu.memory_space<semaphore_mem>>)
        %dma_wait3A = arith.constant 0 : i32
        %dma_wait3A_40 = tpu.memref_slice %arg5[%arg0, %multiple_of3A_34, %dma_wait3A] : memref<2x10240x128xf32, #tpu.memory_space<hbm>> -> memref<1x128x128xf32, #tpu.memory_space<hbm>>
        %dma_wait3A_41 = tpu.memref_squeeze %dma_wait3A_40 : memref<1x128x128xf32, #tpu.memory_space<hbm>> -> memref<128x128xf32, #tpu.memory_space<hbm>>
        %dma_wait3A_42 = arith.constant 0 : i32
        %dma_wait3A_43 = tpu.memref_slice %arg5[%arg0, %multiple_of3A_34, %dma_wait3A_42] : memref<2x10240x128xf32, #tpu.memory_space<hbm>> -> memref<1x128x128xf32, #tpu.memory_space<hbm>>
        %dma_wait3A_44 = tpu.memref_squeeze %dma_wait3A_43 : memref<1x128x128xf32, #tpu.memory_space<hbm>> -> memref<128x128xf32, #tpu.memory_space<hbm>>
        tpu.wait_dma2 semaphore(%run_scoped3A : memref<!tpu.dma_semaphore, #tpu.memory_space<semaphore_mem>>) src(%arg9 : memref<128x128xf32, #tpu.memory_space<vmem>>) dst(%dma_wait3A_44 : memref<128x128xf32, #tpu.memory_space<hbm>>)
        tpu.yield
      }) : () -> ()
    }
    %scan3A_25 = arith.constant 5 : i32
    return
  }
}

#map = affine_map<(d0, d1) -> (0, 0)>
#map1 = affine_map<(d0, d1) -> (0)>
#map2 = affine_map<(d0, d1) -> (0, 0, 0)>
module attributes {stable_mosaic.version = 14 : i64} {
  func.func @agg(%arg0: i32, %arg1: i32, %arg2: memref<10240x128xf32, #tpu.memory_space<hbm>>, %arg3: memref<323584xi32, #tpu.memory_space<hbm>>, %arg4: memref<2528x128xi32, #tpu.memory_space<hbm>>, %arg5: memref<2x10240x128xf32, #tpu.memory_space<hbm>>, %arg6: memref<10112xi32, #tpu.memory_space<vmem>>, %arg7: memref<128xi32, #tpu.memory_space<vmem>>, %arg8: memref<128x128xf32, #tpu.memory_space<vmem>>, %arg9: memref<128x128xf32, #tpu.memory_space<vmem>>, %arg10: memref<10240x128xf32, #tpu.memory_space<vmem_shared>>, %arg11: memref<!tpu.dma_semaphore, #tpu.memory_space<semaphore_mem>>) attributes {dimension_semantics = [#tpu.dimension_semantics<core_parallel>, #tpu.dimension_semantics<subcore_parallel>], iteration_bounds = array<i64: 2, 16>, scalar_prefetch = 0 : i64, scratch_operands = 6 : i64, tpu.core_type = #tpu.core_type<sc_vector_subcore>, window_params = [{transform_indices = #map}, {transform_indices = #map1}, {transform_indices = #map}, {transform_indices = #map2}]} {
    %mul3A = arith.constant 16 : i32
    %mul3A_0 = arith.muli %arg0, %mul3A : i32
    %add3A = arith.addi %mul3A_0, %arg1 : i32
    %mul3A_1 = arith.constant 79 : i32
    %mul3A_2 = arith.muli %add3A, %mul3A_1 : i32
    %broadcast_in_dim3A = arith.constant 0.000000e+00 : f32
    %broadcast_in_dim3A_3 = vector.broadcast %broadcast_in_dim3A : f32 to vector<1x16xf32>
    %mul3A_4 = arith.constant 10112 : i32
    %mul3A_5 = arith.muli %add3A, %mul3A_4 : i32
    %multiple_of3A = tpu.assume_multiple %mul3A_5, 128 : i32
    "tpu.region"() ({
      %run_scoped3A = tpu.sem_alloc : memref<!tpu.dma_semaphore, #tpu.memory_space<semaphore_mem>>
      %dma_start3A = tpu.memref_slice %arg3[%multiple_of3A] : memref<323584xi32, #tpu.memory_space<hbm>> -> memref<10112xi32, #tpu.memory_space<hbm>>
      %dma_start3A_26 = tpu.memref_slice %arg3[%multiple_of3A] : memref<323584xi32, #tpu.memory_space<hbm>> -> memref<10112xi32, #tpu.memory_space<hbm>>
      tpu.enqueue_dma source(%dma_start3A_26 : memref<10112xi32, #tpu.memory_space<hbm>>) target(%arg6 : memref<10112xi32, #tpu.memory_space<vmem>>) target_semaphore(%run_scoped3A : memref<!tpu.dma_semaphore, #tpu.memory_space<semaphore_mem>>)
      %dma_wait3A = tpu.memref_slice %arg3[%multiple_of3A] : memref<323584xi32, #tpu.memory_space<hbm>> -> memref<10112xi32, #tpu.memory_space<hbm>>
      %dma_wait3A_27 = tpu.memref_slice %arg3[%multiple_of3A] : memref<323584xi32, #tpu.memory_space<hbm>> -> memref<10112xi32, #tpu.memory_space<hbm>>
      tpu.wait_dma2 semaphore(%run_scoped3A : memref<!tpu.dma_semaphore, #tpu.memory_space<semaphore_mem>>) src(%dma_wait3A_27 : memref<10112xi32, #tpu.memory_space<hbm>>) dst(%arg6 : memref<10112xi32, #tpu.memory_space<vmem>>)
      tpu.yield
    }) : () -> ()
    %scan3A = arith.constant 0 : i32
    %scan3A_6 = arith.constant 128 : i32
    %scan3A_7 = arith.addi %scan3A, %scan3A_6 : i32
    %scan3A_8 = arith.constant 1 : i32
    scf.for %scan3A_26 = %scan3A to %scan3A_7 step %scan3A_8  : i32 {
      %mul3A_27 = arith.constant 1 : i32
      %mul3A_28 = arith.muli %scan3A_26, %mul3A_27 : i32
      %add3A_29 = arith.constant 0 : i32
      %add3A_30 = arith.addi %add3A_29, %mul3A_28 : i32
      %scan3A_31 = arith.constant 0 : i32
      %scan3A_32 = arith.constant 8 : i32
      %scan3A_33 = arith.addi %scan3A_31, %scan3A_32 : i32
      %scan3A_34 = arith.constant 1 : i32
      scf.for %scan3A_36 = %scan3A_31 to %scan3A_33 step %scan3A_34  : i32 {
        %mul3A_37 = arith.constant 16 : i32
        %mul3A_38 = arith.muli %scan3A_36, %mul3A_37 : i32
        %add3A_39 = arith.constant 0 : i32
        %add3A_40 = arith.addi %add3A_39, %mul3A_38 : i32
        %swap3A = arith.index_cast %add3A_30 : i32 to index
        %swap3A_41 = arith.index_cast %add3A_40 : i32 to index
        %swap3A_42 = tpu.vector_load %arg9[%swap3A, %swap3A_41] {strides = array<i32>} : memref<128x128xf32, #tpu.memory_space<vmem>>, vector<1x16xf32>,
        %swap3A_43 = vector.shape_cast %swap3A_42 : vector<1x16xf32> to vector<1x16xf32>
        %swap3A_44 = vector.shape_cast %broadcast_in_dim3A_3 : vector<1x16xf32> to vector<1x16xf32>
        tpu.vector_store %arg9[%swap3A, %swap3A_41], %swap3A_44 {strides = array<i32>} : memref<128x128xf32, #tpu.memory_space<vmem>>, vector<1x16xf32>,
      }
      %scan3A_35 = arith.constant 8 : i32
    }
    %scan3A_9 = arith.constant 128 : i32
    %scan3A_10 = arith.constant 0 : i32
    %scan3A_11 = arith.constant 5 : i32
    %scan3A_12 = arith.addi %scan3A_10, %scan3A_11 : i32
    %scan3A_13 = arith.constant 1 : i32
    scf.for %scan3A_26 = %scan3A_10 to %scan3A_12 step %scan3A_13  : i32 {
      %mul3A_27 = arith.constant 128 : i32
      %mul3A_28 = arith.muli %scan3A_26, %mul3A_27 : i32
      %add3A_29 = arith.constant 0 : i32
      %add3A_30 = arith.addi %add3A_29, %mul3A_28 : i32
      %mul3A_31 = arith.constant 640 : i32
      %mul3A_32 = arith.muli %arg1, %mul3A_31 : i32
      %add3A_33 = arith.addi %mul3A_32, %add3A_30 : i32
      %multiple_of3A_34 = tpu.assume_multiple %add3A_33, 8 : i32
      "tpu.region"() ({
        %run_scoped3A = tpu.sem_alloc : memref<!tpu.dma_semaphore, #tpu.memory_space<semaphore_mem>>
        %dma_start3A = arith.constant 0 : i32
        %dma_start3A_35 = tpu.memref_slice %arg10[%multiple_of3A_34, %dma_start3A] : memref<10240x128xf32, #tpu.memory_space<vmem_shared>> -> memref<128x128xf32, #tpu.memory_space<vmem_shared>>
        %dma_start3A_36 = arith.constant 0 : i32
        %dma_start3A_37 = tpu.memref_slice %arg10[%multiple_of3A_34, %dma_start3A_36] : memref<10240x128xf32, #tpu.memory_space<vmem_shared>> -> memref<128x128xf32, #tpu.memory_space<vmem_shared>>
        tpu.enqueue_dma source(%arg9 : memref<128x128xf32, #tpu.memory_space<vmem>>) target(%dma_start3A_37 : memref<128x128xf32, #tpu.memory_space<vmem_shared>>) target_semaphore(%run_scoped3A : memref<!tpu.dma_semaphore, #tpu.memory_space<semaphore_mem>>)
        %dma_wait3A = arith.constant 0 : i32
        %dma_wait3A_38 = tpu.memref_slice %arg10[%multiple_of3A_34, %dma_wait3A] : memref<10240x128xf32, #tpu.memory_space<vmem_shared>> -> memref<128x128xf32, #tpu.memory_space<vmem_shared>>
        %dma_wait3A_39 = arith.constant 0 : i32
        %dma_wait3A_40 = tpu.memref_slice %arg10[%multiple_of3A_34, %dma_wait3A_39] : memref<10240x128xf32, #tpu.memory_space<vmem_shared>> -> memref<128x128xf32, #tpu.memory_space<vmem_shared>>
        tpu.wait_dma2 semaphore(%run_scoped3A : memref<!tpu.dma_semaphore, #tpu.memory_space<semaphore_mem>>) src(%arg9 : memref<128x128xf32, #tpu.memory_space<vmem>>) dst(%dma_wait3A_40 : memref<128x128xf32, #tpu.memory_space<vmem_shared>>)
        tpu.yield
      }) : () -> ()
    }
    %scan3A_14 = arith.constant 5 : i32
    %barrier3A = arith.constant 0 : index
    tpu.barrier barrier_id(%barrier3A)
    %scan3A_15 = arith.constant 0 : i32
    %scan3A_16 = arith.constant 79 : i32
    %scan3A_17 = arith.addi %scan3A_15, %scan3A_16 : i32
    %scan3A_18 = arith.constant 1 : i32
    scf.for %scan3A_26 = %scan3A_15 to %scan3A_17 step %scan3A_18  : i32 {
      %mul3A_27 = arith.constant 1 : i32
      %mul3A_28 = arith.muli %scan3A_26, %mul3A_27 : i32
      %add3A_29 = arith.constant 0 : i32
      %add3A_30 = arith.addi %add3A_29, %mul3A_28 : i32
      %add3A_31 = arith.addi %mul3A_2, %add3A_30 : i32
      "tpu.region"() ({
        %run_scoped3A = tpu.sem_alloc : memref<!tpu.dma_semaphore, #tpu.memory_space<semaphore_mem>>
        %dma_start3A_41 = arith.constant 0 : i32
        %dma_start3A_42 = tpu.memref_slice %arg4[%add3A_31, %dma_start3A_41] : memref<2528x128xi32, #tpu.memory_space<hbm>> -> memref<1x128xi32, #tpu.memory_space<hbm>>
        %dma_start3A_43 = tpu.memref_squeeze %dma_start3A_42 : memref<1x128xi32, #tpu.memory_space<hbm>> -> memref<128xi32, #tpu.memory_space<hbm>>
        %dma_start3A_44 = arith.constant 0 : i32
        %dma_start3A_45 = tpu.memref_slice %arg4[%add3A_31, %dma_start3A_44] : memref<2528x128xi32, #tpu.memory_space<hbm>> -> memref<1x128xi32, #tpu.memory_space<hbm>>
        %dma_start3A_46 = tpu.memref_squeeze %dma_start3A_45 : memref<1x128xi32, #tpu.memory_space<hbm>> -> memref<128xi32, #tpu.memory_space<hbm>>
        tpu.enqueue_dma source(%dma_start3A_46 : memref<128xi32, #tpu.memory_space<hbm>>) target(%arg7 : memref<128xi32, #tpu.memory_space<vmem>>) target_semaphore(%run_scoped3A : memref<!tpu.dma_semaphore, #tpu.memory_space<semaphore_mem>>)
        %dma_wait3A_47 = arith.constant 0 : i32
        %dma_wait3A_48 = tpu.memref_slice %arg4[%add3A_31, %dma_wait3A_47] : memref<2528x128xi32, #tpu.memory_space<hbm>> -> memref<1x128xi32, #tpu.memory_space<hbm>>
        %dma_wait3A_49 = tpu.memref_squeeze %dma_wait3A_48 : memref<1x128xi32, #tpu.memory_space<hbm>> -> memref<128xi32, #tpu.memory_space<hbm>>
        %dma_wait3A_50 = arith.constant 0 : i32
        %dma_wait3A_51 = tpu.memref_slice %arg4[%add3A_31, %dma_wait3A_50] : memref<2528x128xi32, #tpu.memory_space<hbm>> -> memref<1x128xi32, #tpu.memory_space<hbm>>
        %dma_wait3A_52 = tpu.memref_squeeze %dma_wait3A_51 : memref<1x128xi32, #tpu.memory_space<hbm>> -> memref<128xi32, #tpu.memory_space<hbm>>
        tpu.wait_dma2 semaphore(%run_scoped3A : memref<!tpu.dma_semaphore, #tpu.memory_space<semaphore_mem>>) src(%dma_wait3A_52 : memref<128xi32, #tpu.memory_space<hbm>>) dst(%arg7 : memref<128xi32, #tpu.memory_space<vmem>>)
        tpu.yield
      }) : () -> ()
      %mul3A_32 = arith.constant 128 : i32
      %mul3A_33 = arith.muli %add3A_30, %mul3A_32 : i32
      %multiple_of3A_34 = tpu.assume_multiple %mul3A_33, 128 : i32
      %dma_start3A = tpu.memref_slice %arg6[%multiple_of3A_34] : memref<10112xi32, #tpu.memory_space<vmem>> -> memref<128xi32, #tpu.memory_space<vmem>>
      %dma_start3A_35 = arith.constant 0 : i32
      %dma_start3A_36 = arith.constant 0 : i32
      %dma_start3A_37 = tpu.memref_slice %arg2[%dma_start3A_35, %dma_start3A_36] : memref<10240x128xf32, #tpu.memory_space<hbm>> -> memref<10240x128xf32, #tpu.memory_space<hbm>>
      tpu.enqueue_indirect_dma source(%dma_start3A_37 : memref<10240x128xf32, #tpu.memory_space<hbm>>) target(%arg8 : memref<128x128xf32, #tpu.memory_space<vmem>>) offsets(%dma_start3A : memref<128xi32, #tpu.memory_space<vmem>>) semaphore(%arg11 : memref<!tpu.dma_semaphore, #tpu.memory_space<semaphore_mem>>)
      %dma_wait3A = tpu.memref_slice %arg6[%multiple_of3A_34] : memref<10112xi32, #tpu.memory_space<vmem>> -> memref<128xi32, #tpu.memory_space<vmem>>
      %dma_wait3A_38 = arith.constant 0 : i32
      %dma_wait3A_39 = arith.constant 0 : i32
      %dma_wait3A_40 = tpu.memref_slice %arg2[%dma_wait3A_38, %dma_wait3A_39] : memref<10240x128xf32, #tpu.memory_space<hbm>> -> memref<10240x128xf32, #tpu.memory_space<hbm>>
      tpu.wait_indirect_dma semaphore(%arg11 : memref<!tpu.dma_semaphore, #tpu.memory_space<semaphore_mem>>) src(%dma_wait3A_40 : memref<10240x128xf32, #tpu.memory_space<hbm>>) dst(%arg8 : memref<128x128xf32, #tpu.memory_space<vmem>>)
      "tpu.region"() ({
        %run_scoped3A = tpu.sem_alloc : memref<!tpu.dma_semaphore, #tpu.memory_space<semaphore_mem>>
        %dma_start3A_41 = arith.constant 0 : i32
        %dma_start3A_42 = arith.constant 0 : i32
        %dma_start3A_43 = tpu.memref_slice %arg10[%dma_start3A_41, %dma_start3A_42] : memref<10240x128xf32, #tpu.memory_space<vmem_shared>> -> memref<10240x128xf32, #tpu.memory_space<vmem_shared>>
        tpu.enqueue_indirect_dma source(%arg8 : memref<128x128xf32, #tpu.memory_space<vmem>>) target(%dma_start3A_43 : memref<10240x128xf32, #tpu.memory_space<vmem_shared>>) offsets(%arg7 : memref<128xi32, #tpu.memory_space<vmem>>) semaphore(%run_scoped3A : memref<!tpu.dma_semaphore, #tpu.memory_space<semaphore_mem>>) {add = true}
        %dma_wait3A_44 = arith.constant 0 : i32
        %dma_wait3A_45 = arith.constant 0 : i32
        %dma_wait3A_46 = tpu.memref_slice %arg10[%dma_wait3A_44, %dma_wait3A_45] : memref<10240x128xf32, #tpu.memory_space<vmem_shared>> -> memref<10240x128xf32, #tpu.memory_space<vmem_shared>>
        tpu.wait_indirect_dma semaphore(%run_scoped3A : memref<!tpu.dma_semaphore, #tpu.memory_space<semaphore_mem>>) src(%arg8 : memref<128x128xf32, #tpu.memory_space<vmem>>) dst(%dma_wait3A_46 : memref<10240x128xf32, #tpu.memory_space<vmem_shared>>)
        tpu.yield
      }) : () -> ()
    }
    %scan3A_19 = arith.constant 79 : i32
    %barrier3A_20 = arith.constant 0 : index
    tpu.barrier barrier_id(%barrier3A_20)
    %scan3A_21 = arith.constant 0 : i32
    %scan3A_22 = arith.constant 5 : i32
    %scan3A_23 = arith.addi %scan3A_21, %scan3A_22 : i32
    %scan3A_24 = arith.constant 1 : i32
    scf.for %scan3A_26 = %scan3A_21 to %scan3A_23 step %scan3A_24  : i32 {
      %mul3A_27 = arith.constant 128 : i32
      %mul3A_28 = arith.muli %scan3A_26, %mul3A_27 : i32
      %add3A_29 = arith.constant 0 : i32
      %add3A_30 = arith.addi %add3A_29, %mul3A_28 : i32
      %mul3A_31 = arith.constant 640 : i32
      %mul3A_32 = arith.muli %arg1, %mul3A_31 : i32
      %add3A_33 = arith.addi %mul3A_32, %add3A_30 : i32
      %multiple_of3A_34 = tpu.assume_multiple %add3A_33, 8 : i32
      "tpu.region"() ({
        %run_scoped3A = tpu.sem_alloc : memref<!tpu.dma_semaphore, #tpu.memory_space<semaphore_mem>>
        %dma_start3A = arith.constant 0 : i32
        %dma_start3A_35 = tpu.memref_slice %arg10[%multiple_of3A_34, %dma_start3A] : memref<10240x128xf32, #tpu.memory_space<vmem_shared>> -> memref<128x128xf32, #tpu.memory_space<vmem_shared>>
        %dma_start3A_36 = arith.constant 0 : i32
        %dma_start3A_37 = tpu.memref_slice %arg10[%multiple_of3A_34, %dma_start3A_36] : memref<10240x128xf32, #tpu.memory_space<vmem_shared>> -> memref<128x128xf32, #tpu.memory_space<vmem_shared>>
        tpu.enqueue_dma source(%dma_start3A_37 : memref<128x128xf32, #tpu.memory_space<vmem_shared>>) target(%arg9 : memref<128x128xf32, #tpu.memory_space<vmem>>) target_semaphore(%run_scoped3A : memref<!tpu.dma_semaphore, #tpu.memory_space<semaphore_mem>>)
        %dma_wait3A = arith.constant 0 : i32
        %dma_wait3A_38 = tpu.memref_slice %arg10[%multiple_of3A_34, %dma_wait3A] : memref<10240x128xf32, #tpu.memory_space<vmem_shared>> -> memref<128x128xf32, #tpu.memory_space<vmem_shared>>
        %dma_wait3A_39 = arith.constant 0 : i32
        %dma_wait3A_40 = tpu.memref_slice %arg10[%multiple_of3A_34, %dma_wait3A_39] : memref<10240x128xf32, #tpu.memory_space<vmem_shared>> -> memref<128x128xf32, #tpu.memory_space<vmem_shared>>
        tpu.wait_dma2 semaphore(%run_scoped3A : memref<!tpu.dma_semaphore, #tpu.memory_space<semaphore_mem>>) src(%dma_wait3A_40 : memref<128x128xf32, #tpu.memory_space<vmem_shared>>) dst(%arg9 : memref<128x128xf32, #tpu.memory_space<vmem>>)
        tpu.yield
      }) : () -> ()
      "tpu.region"() ({
        %run_scoped3A = tpu.sem_alloc : memref<!tpu.dma_semaphore, #tpu.memory_space<semaphore_mem>>
        %dma_start3A = arith.constant 0 : i32
        %dma_start3A_35 = tpu.memref_slice %arg5[%arg0, %multiple_of3A_34, %dma_start3A] : memref<2x10240x128xf32, #tpu.memory_space<hbm>> -> memref<1x128x128xf32, #tpu.memory_space<hbm>>
        %dma_start3A_36 = tpu.memref_squeeze %dma_start3A_35 : memref<1x128x128xf32, #tpu.memory_space<hbm>> -> memref<128x128xf32, #tpu.memory_space<hbm>>
        %dma_start3A_37 = arith.constant 0 : i32
        %dma_start3A_38 = tpu.memref_slice %arg5[%arg0, %multiple_of3A_34, %dma_start3A_37] : memref<2x10240x128xf32, #tpu.memory_space<hbm>> -> memref<1x128x128xf32, #tpu.memory_space<hbm>>
        %dma_start3A_39 = tpu.memref_squeeze %dma_start3A_38 : memref<1x128x128xf32, #tpu.memory_space<hbm>> -> memref<128x128xf32, #tpu.memory_space<hbm>>
        tpu.enqueue_dma source(%arg9 : memref<128x128xf32, #tpu.memory_space<vmem>>) target(%dma_start3A_39 : memref<128x128xf32, #tpu.memory_space<hbm>>) target_semaphore(%run_scoped3A : memref<!tpu.dma_semaphore, #tpu.memory_space<semaphore_mem>>)
        %dma_wait3A = arith.constant 0 : i32
        %dma_wait3A_40 = tpu.memref_slice %arg5[%arg0, %multiple_of3A_34, %dma_wait3A] : memref<2x10240x128xf32, #tpu.memory_space<hbm>> -> memref<1x128x128xf32, #tpu.memory_space<hbm>>
        %dma_wait3A_41 = tpu.memref_squeeze %dma_wait3A_40 : memref<1x128x128xf32, #tpu.memory_space<hbm>> -> memref<128x128xf32, #tpu.memory_space<hbm>>
        %dma_wait3A_42 = arith.constant 0 : i32
        %dma_wait3A_43 = tpu.memref_slice %arg5[%arg0, %multiple_of3A_34, %dma_wait3A_42] : memref<2x10240x128xf32, #tpu.memory_space<hbm>> -> memref<1x128x128xf32, #tpu.memory_space<hbm>>
        %dma_wait3A_44 = tpu.memref_squeeze %dma_wait3A_43 : memref<1x128x128xf32, #tpu.memory_space<hbm>> -> memref<128x128xf32, #tpu.memory_space<hbm>>
        tpu.wait_dma2 semaphore(%run_scoped3A : memref<!tpu.dma_semaphore, #tpu.memory_space<semaphore_mem>>) src(%arg9 : memref<128x128xf32, #tpu.memory_space<vmem>>) dst(%dma_wait3A_44 : memref<128x128xf32, #tpu.memory_space<hbm>>)
        tpu.yield
      }) : () -> ()
    }
    %scan3A_25 = arith.constant 5 : i32
    return
  }
}

#map = affine_map<(d0, d1) -> (0, 0)>
#map1 = affine_map<(d0, d1) -> (0)>
#map2 = affine_map<(d0, d1) -> (0, 0, 0)>
module attributes {stable_mosaic.version = 14 : i64} {
  func.func @agg(%arg0: i32, %arg1: i32, %arg2: memref<10240x128xf32, #tpu.memory_space<hbm>>, %arg3: memref<323584xi32, #tpu.memory_space<hbm>>, %arg4: memref<2528x128xi32, #tpu.memory_space<hbm>>, %arg5: memref<2x10240x128xf32, #tpu.memory_space<hbm>>, %arg6: memref<10112xi32, #tpu.memory_space<vmem>>, %arg7: memref<128xi32, #tpu.memory_space<vmem>>, %arg8: memref<128x128xf32, #tpu.memory_space<vmem>>, %arg9: memref<128x128xf32, #tpu.memory_space<vmem>>, %arg10: memref<10240x128xf32, #tpu.memory_space<vmem_shared>>, %arg11: memref<!tpu.dma_semaphore, #tpu.memory_space<semaphore_mem>>) attributes {dimension_semantics = [#tpu.dimension_semantics<core_parallel>, #tpu.dimension_semantics<subcore_parallel>], iteration_bounds = array<i64: 2, 16>, scalar_prefetch = 0 : i64, scratch_operands = 6 : i64, tpu.core_type = #tpu.core_type<sc_vector_subcore>, window_params = [{transform_indices = #map}, {transform_indices = #map1}, {transform_indices = #map}, {transform_indices = #map2}]} {
    %mul3A = arith.constant 16 : i32
    %mul3A_0 = arith.muli %arg0, %mul3A : i32
    %add3A = arith.addi %mul3A_0, %arg1 : i32
    %mul3A_1 = arith.constant 79 : i32
    %mul3A_2 = arith.muli %add3A, %mul3A_1 : i32
    %broadcast_in_dim3A = arith.constant 0.000000e+00 : f32
    %broadcast_in_dim3A_3 = vector.broadcast %broadcast_in_dim3A : f32 to vector<1x16xf32>
    %mul3A_4 = arith.constant 10112 : i32
    %mul3A_5 = arith.muli %add3A, %mul3A_4 : i32
    %multiple_of3A = tpu.assume_multiple %mul3A_5, 128 : i32
    "tpu.region"() ({
      %run_scoped3A = tpu.sem_alloc : memref<!tpu.dma_semaphore, #tpu.memory_space<semaphore_mem>>
      %dma_start3A = tpu.memref_slice %arg3[%multiple_of3A] : memref<323584xi32, #tpu.memory_space<hbm>> -> memref<10112xi32, #tpu.memory_space<hbm>>
      %dma_start3A_26 = tpu.memref_slice %arg3[%multiple_of3A] : memref<323584xi32, #tpu.memory_space<hbm>> -> memref<10112xi32, #tpu.memory_space<hbm>>
      tpu.enqueue_dma source(%dma_start3A_26 : memref<10112xi32, #tpu.memory_space<hbm>>) target(%arg6 : memref<10112xi32, #tpu.memory_space<vmem>>) target_semaphore(%run_scoped3A : memref<!tpu.dma_semaphore, #tpu.memory_space<semaphore_mem>>)
      %dma_wait3A = tpu.memref_slice %arg3[%multiple_of3A] : memref<323584xi32, #tpu.memory_space<hbm>> -> memref<10112xi32, #tpu.memory_space<hbm>>
      %dma_wait3A_27 = tpu.memref_slice %arg3[%multiple_of3A] : memref<323584xi32, #tpu.memory_space<hbm>> -> memref<10112xi32, #tpu.memory_space<hbm>>
      tpu.wait_dma2 semaphore(%run_scoped3A : memref<!tpu.dma_semaphore, #tpu.memory_space<semaphore_mem>>) src(%dma_wait3A_27 : memref<10112xi32, #tpu.memory_space<hbm>>) dst(%arg6 : memref<10112xi32, #tpu.memory_space<vmem>>)
      tpu.yield
    }) : () -> ()
    %scan3A = arith.constant 0 : i32
    %scan3A_6 = arith.constant 128 : i32
    %scan3A_7 = arith.addi %scan3A, %scan3A_6 : i32
    %scan3A_8 = arith.constant 1 : i32
    scf.for %scan3A_26 = %scan3A to %scan3A_7 step %scan3A_8  : i32 {
      %mul3A_27 = arith.constant 1 : i32
      %mul3A_28 = arith.muli %scan3A_26, %mul3A_27 : i32
      %add3A_29 = arith.constant 0 : i32
      %add3A_30 = arith.addi %add3A_29, %mul3A_28 : i32
      %scan3A_31 = arith.constant 0 : i32
      %scan3A_32 = arith.constant 8 : i32
      %scan3A_33 = arith.addi %scan3A_31, %scan3A_32 : i32
      %scan3A_34 = arith.constant 1 : i32
      scf.for %scan3A_36 = %scan3A_31 to %scan3A_33 step %scan3A_34  : i32 {
        %mul3A_37 = arith.constant 16 : i32
        %mul3A_38 = arith.muli %scan3A_36, %mul3A_37 : i32
        %add3A_39 = arith.constant 0 : i32
        %add3A_40 = arith.addi %add3A_39, %mul3A_38 : i32
        %swap3A = arith.index_cast %add3A_30 : i32 to index
        %swap3A_41 = arith.index_cast %add3A_40 : i32 to index
        %swap3A_42 = tpu.vector_load %arg9[%swap3A, %swap3A_41] {strides = array<i32>} : memref<128x128xf32, #tpu.memory_space<vmem>>, vector<1x16xf32>,
        %swap3A_43 = vector.shape_cast %swap3A_42 : vector<1x16xf32> to vector<1x16xf32>
        %swap3A_44 = vector.shape_cast %broadcast_in_dim3A_3 : vector<1x16xf32> to vector<1x16xf32>
        tpu.vector_store %arg9[%swap3A, %swap3A_41], %swap3A_44 {strides = array<i32>} : memref<128x128xf32, #tpu.memory_space<vmem>>, vector<1x16xf32>,
      }
      %scan3A_35 = arith.constant 8 : i32
    }
    %scan3A_9 = arith.constant 128 : i32
    %scan3A_10 = arith.constant 0 : i32
    %scan3A_11 = arith.constant 5 : i32
    %scan3A_12 = arith.addi %scan3A_10, %scan3A_11 : i32
    %scan3A_13 = arith.constant 1 : i32
    scf.for %scan3A_26 = %scan3A_10 to %scan3A_12 step %scan3A_13  : i32 {
      %mul3A_27 = arith.constant 128 : i32
      %mul3A_28 = arith.muli %scan3A_26, %mul3A_27 : i32
      %add3A_29 = arith.constant 0 : i32
      %add3A_30 = arith.addi %add3A_29, %mul3A_28 : i32
      %mul3A_31 = arith.constant 640 : i32
      %mul3A_32 = arith.muli %arg1, %mul3A_31 : i32
      %add3A_33 = arith.addi %mul3A_32, %add3A_30 : i32
      %multiple_of3A_34 = tpu.assume_multiple %add3A_33, 8 : i32
      "tpu.region"() ({
        %run_scoped3A = tpu.sem_alloc : memref<!tpu.dma_semaphore, #tpu.memory_space<semaphore_mem>>
        %dma_start3A = arith.constant 0 : i32
        %dma_start3A_35 = tpu.memref_slice %arg10[%multiple_of3A_34, %dma_start3A] : memref<10240x128xf32, #tpu.memory_space<vmem_shared>> -> memref<128x128xf32, #tpu.memory_space<vmem_shared>>
        %dma_start3A_36 = arith.constant 0 : i32
        %dma_start3A_37 = tpu.memref_slice %arg10[%multiple_of3A_34, %dma_start3A_36] : memref<10240x128xf32, #tpu.memory_space<vmem_shared>> -> memref<128x128xf32, #tpu.memory_space<vmem_shared>>
        tpu.enqueue_dma source(%arg9 : memref<128x128xf32, #tpu.memory_space<vmem>>) target(%dma_start3A_37 : memref<128x128xf32, #tpu.memory_space<vmem_shared>>) target_semaphore(%run_scoped3A : memref<!tpu.dma_semaphore, #tpu.memory_space<semaphore_mem>>)
        %dma_wait3A = arith.constant 0 : i32
        %dma_wait3A_38 = tpu.memref_slice %arg10[%multiple_of3A_34, %dma_wait3A] : memref<10240x128xf32, #tpu.memory_space<vmem_shared>> -> memref<128x128xf32, #tpu.memory_space<vmem_shared>>
        %dma_wait3A_39 = arith.constant 0 : i32
        %dma_wait3A_40 = tpu.memref_slice %arg10[%multiple_of3A_34, %dma_wait3A_39] : memref<10240x128xf32, #tpu.memory_space<vmem_shared>> -> memref<128x128xf32, #tpu.memory_space<vmem_shared>>
        tpu.wait_dma2 semaphore(%run_scoped3A : memref<!tpu.dma_semaphore, #tpu.memory_space<semaphore_mem>>) src(%arg9 : memref<128x128xf32, #tpu.memory_space<vmem>>) dst(%dma_wait3A_40 : memref<128x128xf32, #tpu.memory_space<vmem_shared>>)
        tpu.yield
      }) : () -> ()
    }
    %scan3A_14 = arith.constant 5 : i32
    %barrier3A = arith.constant 0 : index
    tpu.barrier barrier_id(%barrier3A)
    %scan3A_15 = arith.constant 0 : i32
    %scan3A_16 = arith.constant 79 : i32
    %scan3A_17 = arith.addi %scan3A_15, %scan3A_16 : i32
    %scan3A_18 = arith.constant 1 : i32
    scf.for %scan3A_26 = %scan3A_15 to %scan3A_17 step %scan3A_18  : i32 {
      %mul3A_27 = arith.constant 1 : i32
      %mul3A_28 = arith.muli %scan3A_26, %mul3A_27 : i32
      %add3A_29 = arith.constant 0 : i32
      %add3A_30 = arith.addi %add3A_29, %mul3A_28 : i32
      %add3A_31 = arith.addi %mul3A_2, %add3A_30 : i32
      "tpu.region"() ({
        %run_scoped3A = tpu.sem_alloc : memref<!tpu.dma_semaphore, #tpu.memory_space<semaphore_mem>>
        %dma_start3A_41 = arith.constant 0 : i32
        %dma_start3A_42 = tpu.memref_slice %arg4[%add3A_31, %dma_start3A_41] : memref<2528x128xi32, #tpu.memory_space<hbm>> -> memref<1x128xi32, #tpu.memory_space<hbm>>
        %dma_start3A_43 = tpu.memref_squeeze %dma_start3A_42 : memref<1x128xi32, #tpu.memory_space<hbm>> -> memref<128xi32, #tpu.memory_space<hbm>>
        %dma_start3A_44 = arith.constant 0 : i32
        %dma_start3A_45 = tpu.memref_slice %arg4[%add3A_31, %dma_start3A_44] : memref<2528x128xi32, #tpu.memory_space<hbm>> -> memref<1x128xi32, #tpu.memory_space<hbm>>
        %dma_start3A_46 = tpu.memref_squeeze %dma_start3A_45 : memref<1x128xi32, #tpu.memory_space<hbm>> -> memref<128xi32, #tpu.memory_space<hbm>>
        tpu.enqueue_dma source(%dma_start3A_46 : memref<128xi32, #tpu.memory_space<hbm>>) target(%arg7 : memref<128xi32, #tpu.memory_space<vmem>>) target_semaphore(%run_scoped3A : memref<!tpu.dma_semaphore, #tpu.memory_space<semaphore_mem>>)
        %dma_wait3A_47 = arith.constant 0 : i32
        %dma_wait3A_48 = tpu.memref_slice %arg4[%add3A_31, %dma_wait3A_47] : memref<2528x128xi32, #tpu.memory_space<hbm>> -> memref<1x128xi32, #tpu.memory_space<hbm>>
        %dma_wait3A_49 = tpu.memref_squeeze %dma_wait3A_48 : memref<1x128xi32, #tpu.memory_space<hbm>> -> memref<128xi32, #tpu.memory_space<hbm>>
        %dma_wait3A_50 = arith.constant 0 : i32
        %dma_wait3A_51 = tpu.memref_slice %arg4[%add3A_31, %dma_wait3A_50] : memref<2528x128xi32, #tpu.memory_space<hbm>> -> memref<1x128xi32, #tpu.memory_space<hbm>>
        %dma_wait3A_52 = tpu.memref_squeeze %dma_wait3A_51 : memref<1x128xi32, #tpu.memory_space<hbm>> -> memref<128xi32, #tpu.memory_space<hbm>>
        tpu.wait_dma2 semaphore(%run_scoped3A : memref<!tpu.dma_semaphore, #tpu.memory_space<semaphore_mem>>) src(%dma_wait3A_52 : memref<128xi32, #tpu.memory_space<hbm>>) dst(%arg7 : memref<128xi32, #tpu.memory_space<vmem>>)
        tpu.yield
      }) : () -> ()
      %mul3A_32 = arith.constant 128 : i32
      %mul3A_33 = arith.muli %add3A_30, %mul3A_32 : i32
      %multiple_of3A_34 = tpu.assume_multiple %mul3A_33, 128 : i32
      %dma_start3A = tpu.memref_slice %arg6[%multiple_of3A_34] : memref<10112xi32, #tpu.memory_space<vmem>> -> memref<128xi32, #tpu.memory_space<vmem>>
      %dma_start3A_35 = arith.constant 0 : i32
      %dma_start3A_36 = arith.constant 0 : i32
      %dma_start3A_37 = tpu.memref_slice %arg2[%dma_start3A_35, %dma_start3A_36] : memref<10240x128xf32, #tpu.memory_space<hbm>> -> memref<10240x128xf32, #tpu.memory_space<hbm>>
      tpu.enqueue_indirect_dma source(%dma_start3A_37 : memref<10240x128xf32, #tpu.memory_space<hbm>>) target(%arg8 : memref<128x128xf32, #tpu.memory_space<vmem>>) offsets(%dma_start3A : memref<128xi32, #tpu.memory_space<vmem>>) semaphore(%arg11 : memref<!tpu.dma_semaphore, #tpu.memory_space<semaphore_mem>>)
      %dma_wait3A = tpu.memref_slice %arg6[%multiple_of3A_34] : memref<10112xi32, #tpu.memory_space<vmem>> -> memref<128xi32, #tpu.memory_space<vmem>>
      %dma_wait3A_38 = arith.constant 0 : i32
      %dma_wait3A_39 = arith.constant 0 : i32
      %dma_wait3A_40 = tpu.memref_slice %arg2[%dma_wait3A_38, %dma_wait3A_39] : memref<10240x128xf32, #tpu.memory_space<hbm>> -> memref<10240x128xf32, #tpu.memory_space<hbm>>
      tpu.wait_indirect_dma semaphore(%arg11 : memref<!tpu.dma_semaphore, #tpu.memory_space<semaphore_mem>>) src(%dma_wait3A_40 : memref<10240x128xf32, #tpu.memory_space<hbm>>) dst(%arg8 : memref<128x128xf32, #tpu.memory_space<vmem>>)
      "tpu.region"() ({
        %run_scoped3A = tpu.sem_alloc : memref<!tpu.dma_semaphore, #tpu.memory_space<semaphore_mem>>
        %dma_start3A_41 = arith.constant 0 : i32
        %dma_start3A_42 = arith.constant 0 : i32
        %dma_start3A_43 = tpu.memref_slice %arg10[%dma_start3A_41, %dma_start3A_42] : memref<10240x128xf32, #tpu.memory_space<vmem_shared>> -> memref<10240x128xf32, #tpu.memory_space<vmem_shared>>
        tpu.enqueue_indirect_dma source(%arg8 : memref<128x128xf32, #tpu.memory_space<vmem>>) target(%dma_start3A_43 : memref<10240x128xf32, #tpu.memory_space<vmem_shared>>) offsets(%arg7 : memref<128xi32, #tpu.memory_space<vmem>>) semaphore(%run_scoped3A : memref<!tpu.dma_semaphore, #tpu.memory_space<semaphore_mem>>) {add = true}
        %dma_wait3A_44 = arith.constant 0 : i32
        %dma_wait3A_45 = arith.constant 0 : i32
        %dma_wait3A_46 = tpu.memref_slice %arg10[%dma_wait3A_44, %dma_wait3A_45] : memref<10240x128xf32, #tpu.memory_space<vmem_shared>> -> memref<10240x128xf32, #tpu.memory_space<vmem_shared>>
        tpu.wait_indirect_dma semaphore(%run_scoped3A : memref<!tpu.dma_semaphore, #tpu.memory_space<semaphore_mem>>) src(%arg8 : memref<128x128xf32, #tpu.memory_space<vmem>>) dst(%dma_wait3A_46 : memref<10240x128xf32, #tpu.memory_space<vmem_shared>>)
        tpu.yield
      }) : () -> ()
    }
    %scan3A_19 = arith.constant 79 : i32
    %barrier3A_20 = arith.constant 0 : index
    tpu.barrier barrier_id(%barrier3A_20)
    %scan3A_21 = arith.constant 0 : i32
    %scan3A_22 = arith.constant 5 : i32
    %scan3A_23 = arith.addi %scan3A_21, %scan3A_22 : i32
    %scan3A_24 = arith.constant 1 : i32
    scf.for %scan3A_26 = %scan3A_21 to %scan3A_23 step %scan3A_24  : i32 {
      %mul3A_27 = arith.constant 128 : i32
      %mul3A_28 = arith.muli %scan3A_26, %mul3A_27 : i32
      %add3A_29 = arith.constant 0 : i32
      %add3A_30 = arith.addi %add3A_29, %mul3A_28 : i32
      %mul3A_31 = arith.constant 640 : i32
      %mul3A_32 = arith.muli %arg1, %mul3A_31 : i32
      %add3A_33 = arith.addi %mul3A_32, %add3A_30 : i32
      %multiple_of3A_34 = tpu.assume_multiple %add3A_33, 8 : i32
      "tpu.region"() ({
        %run_scoped3A = tpu.sem_alloc : memref<!tpu.dma_semaphore, #tpu.memory_space<semaphore_mem>>
        %dma_start3A = arith.constant 0 : i32
        %dma_start3A_35 = tpu.memref_slice %arg10[%multiple_of3A_34, %dma_start3A] : memref<10240x128xf32, #tpu.memory_space<vmem_shared>> -> memref<128x128xf32, #tpu.memory_space<vmem_shared>>
        %dma_start3A_36 = arith.constant 0 : i32
        %dma_start3A_37 = tpu.memref_slice %arg10[%multiple_of3A_34, %dma_start3A_36] : memref<10240x128xf32, #tpu.memory_space<vmem_shared>> -> memref<128x128xf32, #tpu.memory_space<vmem_shared>>
        tpu.enqueue_dma source(%dma_start3A_37 : memref<128x128xf32, #tpu.memory_space<vmem_shared>>) target(%arg9 : memref<128x128xf32, #tpu.memory_space<vmem>>) target_semaphore(%run_scoped3A : memref<!tpu.dma_semaphore, #tpu.memory_space<semaphore_mem>>)
        %dma_wait3A = arith.constant 0 : i32
        %dma_wait3A_38 = tpu.memref_slice %arg10[%multiple_of3A_34, %dma_wait3A] : memref<10240x128xf32, #tpu.memory_space<vmem_shared>> -> memref<128x128xf32, #tpu.memory_space<vmem_shared>>
        %dma_wait3A_39 = arith.constant 0 : i32
        %dma_wait3A_40 = tpu.memref_slice %arg10[%multiple_of3A_34, %dma_wait3A_39] : memref<10240x128xf32, #tpu.memory_space<vmem_shared>> -> memref<128x128xf32, #tpu.memory_space<vmem_shared>>
        tpu.wait_dma2 semaphore(%run_scoped3A : memref<!tpu.dma_semaphore, #tpu.memory_space<semaphore_mem>>) src(%dma_wait3A_40 : memref<128x128xf32, #tpu.memory_space<vmem_shared>>) dst(%arg9 : memref<128x128xf32, #tpu.memory_space<vmem>>)
        tpu.yield
      }) : () -> ()
      "tpu.region"() ({
        %run_scoped3A = tpu.sem_alloc : memref<!tpu.dma_semaphore, #tpu.memory_space<semaphore_mem>>
        %dma_start3A = arith.constant 0 : i32
        %dma_start3A_35 = tpu.memref_slice %arg5[%arg0, %multiple_of3A_34, %dma_start3A] : memref<2x10240x128xf32, #tpu.memory_space<hbm>> -> memref<1x128x128xf32, #tpu.memory_space<hbm>>
        %dma_start3A_36 = tpu.memref_squeeze %dma_start3A_35 : memref<1x128x128xf32, #tpu.memory_space<hbm>> -> memref<128x128xf32, #tpu.memory_space<hbm>>
        %dma_start3A_37 = arith.constant 0 : i32
        %dma_start3A_38 = tpu.memref_slice %arg5[%arg0, %multiple_of3A_34, %dma_start3A_37] : memref<2x10240x128xf32, #tpu.memory_space<hbm>> -> memref<1x128x128xf32, #tpu.memory_space<hbm>>
        %dma_start3A_39 = tpu.memref_squeeze %dma_start3A_38 : memref<1x128x128xf32, #tpu.memory_space<hbm>> -> memref<128x128xf32, #tpu.memory_space<hbm>>
        tpu.enqueue_dma source(%arg9 : memref<128x128xf32, #tpu.memory_space<vmem>>) target(%dma_start3A_39 : memref<128x128xf32, #tpu.memory_space<hbm>>) target_semaphore(%run_scoped3A : memref<!tpu.dma_semaphore, #tpu.memory_space<semaphore_mem>>)
        %dma_wait3A = arith.constant 0 : i32
        %dma_wait3A_40 = tpu.memref_slice %arg5[%arg0, %multiple_of3A_34, %dma_wait3A] : memref<2x10240x128xf32, #tpu.memory_space<hbm>> -> memref<1x128x128xf32, #tpu.memory_space<hbm>>
        %dma_wait3A_41 = tpu.memref_squeeze %dma_wait3A_40 : memref<1x128x128xf32, #tpu.memory_space<hbm>> -> memref<128x128xf32, #tpu.memory_space<hbm>>
        %dma_wait3A_42 = arith.constant 0 : i32
        %dma_wait3A_43 = tpu.memref_slice %arg5[%arg0, %multiple_of3A_34, %dma_wait3A_42] : memref<2x10240x128xf32, #tpu.memory_space<hbm>> -> memref<1x128x128xf32, #tpu.memory_space<hbm>>
        %dma_wait3A_44 = tpu.memref_squeeze %dma_wait3A_43 : memref<1x128x128xf32, #tpu.memory_space<hbm>> -> memref<128x128xf32, #tpu.memory_space<hbm>>
        tpu.wait_dma2 semaphore(%run_scoped3A : memref<!tpu.dma_semaphore, #tpu.memory_space<semaphore_mem>>) src(%arg9 : memref<128x128xf32, #tpu.memory_space<vmem>>) dst(%dma_wait3A_44 : memref<128x128xf32, #tpu.memory_space<hbm>>)
        tpu.yield
      }) : () -> ()
    }
    %scan3A_25 = arith.constant 5 : i32
    return
  }
}

#map = affine_map<(d0, d1) -> (0, 0)>
#map1 = affine_map<(d0, d1) -> (0)>
#map2 = affine_map<(d0, d1) -> (0, 0, 0)>
module attributes {stable_mosaic.version = 14 : i64} {
  func.func @agg(%arg0: i32, %arg1: i32, %arg2: memref<10240x128xf32, #tpu.memory_space<hbm>>, %arg3: memref<323584xi32, #tpu.memory_space<hbm>>, %arg4: memref<2528x128xi32, #tpu.memory_space<hbm>>, %arg5: memref<2x10240x128xf32, #tpu.memory_space<hbm>>, %arg6: memref<10112xi32, #tpu.memory_space<vmem>>, %arg7: memref<128xi32, #tpu.memory_space<vmem>>, %arg8: memref<128x128xf32, #tpu.memory_space<vmem>>, %arg9: memref<128x128xf32, #tpu.memory_space<vmem>>, %arg10: memref<10240x128xf32, #tpu.memory_space<vmem_shared>>, %arg11: memref<!tpu.dma_semaphore, #tpu.memory_space<semaphore_mem>>) attributes {dimension_semantics = [#tpu.dimension_semantics<core_parallel>, #tpu.dimension_semantics<subcore_parallel>], iteration_bounds = array<i64: 2, 16>, scalar_prefetch = 0 : i64, scratch_operands = 6 : i64, tpu.core_type = #tpu.core_type<sc_vector_subcore>, window_params = [{transform_indices = #map}, {transform_indices = #map1}, {transform_indices = #map}, {transform_indices = #map2}]} {
    %mul3A = arith.constant 16 : i32
    %mul3A_0 = arith.muli %arg0, %mul3A : i32
    %add3A = arith.addi %mul3A_0, %arg1 : i32
    %mul3A_1 = arith.constant 79 : i32
    %mul3A_2 = arith.muli %add3A, %mul3A_1 : i32
    %broadcast_in_dim3A = arith.constant 0.000000e+00 : f32
    %broadcast_in_dim3A_3 = vector.broadcast %broadcast_in_dim3A : f32 to vector<1x16xf32>
    %mul3A_4 = arith.constant 10112 : i32
    %mul3A_5 = arith.muli %add3A, %mul3A_4 : i32
    %multiple_of3A = tpu.assume_multiple %mul3A_5, 128 : i32
    "tpu.region"() ({
      %run_scoped3A = tpu.sem_alloc : memref<!tpu.dma_semaphore, #tpu.memory_space<semaphore_mem>>
      %dma_start3A = tpu.memref_slice %arg3[%multiple_of3A] : memref<323584xi32, #tpu.memory_space<hbm>> -> memref<10112xi32, #tpu.memory_space<hbm>>
      %dma_start3A_26 = tpu.memref_slice %arg3[%multiple_of3A] : memref<323584xi32, #tpu.memory_space<hbm>> -> memref<10112xi32, #tpu.memory_space<hbm>>
      tpu.enqueue_dma source(%dma_start3A_26 : memref<10112xi32, #tpu.memory_space<hbm>>) target(%arg6 : memref<10112xi32, #tpu.memory_space<vmem>>) target_semaphore(%run_scoped3A : memref<!tpu.dma_semaphore, #tpu.memory_space<semaphore_mem>>)
      %dma_wait3A = tpu.memref_slice %arg3[%multiple_of3A] : memref<323584xi32, #tpu.memory_space<hbm>> -> memref<10112xi32, #tpu.memory_space<hbm>>
      %dma_wait3A_27 = tpu.memref_slice %arg3[%multiple_of3A] : memref<323584xi32, #tpu.memory_space<hbm>> -> memref<10112xi32, #tpu.memory_space<hbm>>
      tpu.wait_dma2 semaphore(%run_scoped3A : memref<!tpu.dma_semaphore, #tpu.memory_space<semaphore_mem>>) src(%dma_wait3A_27 : memref<10112xi32, #tpu.memory_space<hbm>>) dst(%arg6 : memref<10112xi32, #tpu.memory_space<vmem>>)
      tpu.yield
    }) : () -> ()
    %scan3A = arith.constant 0 : i32
    %scan3A_6 = arith.constant 128 : i32
    %scan3A_7 = arith.addi %scan3A, %scan3A_6 : i32
    %scan3A_8 = arith.constant 1 : i32
    scf.for %scan3A_26 = %scan3A to %scan3A_7 step %scan3A_8  : i32 {
      %mul3A_27 = arith.constant 1 : i32
      %mul3A_28 = arith.muli %scan3A_26, %mul3A_27 : i32
      %add3A_29 = arith.constant 0 : i32
      %add3A_30 = arith.addi %add3A_29, %mul3A_28 : i32
      %scan3A_31 = arith.constant 0 : i32
      %scan3A_32 = arith.constant 8 : i32
      %scan3A_33 = arith.addi %scan3A_31, %scan3A_32 : i32
      %scan3A_34 = arith.constant 1 : i32
      scf.for %scan3A_36 = %scan3A_31 to %scan3A_33 step %scan3A_34  : i32 {
        %mul3A_37 = arith.constant 16 : i32
        %mul3A_38 = arith.muli %scan3A_36, %mul3A_37 : i32
        %add3A_39 = arith.constant 0 : i32
        %add3A_40 = arith.addi %add3A_39, %mul3A_38 : i32
        %swap3A = arith.index_cast %add3A_30 : i32 to index
        %swap3A_41 = arith.index_cast %add3A_40 : i32 to index
        %swap3A_42 = tpu.vector_load %arg9[%swap3A, %swap3A_41] {strides = array<i32>} : memref<128x128xf32, #tpu.memory_space<vmem>>, vector<1x16xf32>,
        %swap3A_43 = vector.shape_cast %swap3A_42 : vector<1x16xf32> to vector<1x16xf32>
        %swap3A_44 = vector.shape_cast %broadcast_in_dim3A_3 : vector<1x16xf32> to vector<1x16xf32>
        tpu.vector_store %arg9[%swap3A, %swap3A_41], %swap3A_44 {strides = array<i32>} : memref<128x128xf32, #tpu.memory_space<vmem>>, vector<1x16xf32>,
      }
      %scan3A_35 = arith.constant 8 : i32
    }
    %scan3A_9 = arith.constant 128 : i32
    %scan3A_10 = arith.constant 0 : i32
    %scan3A_11 = arith.constant 5 : i32
    %scan3A_12 = arith.addi %scan3A_10, %scan3A_11 : i32
    %scan3A_13 = arith.constant 1 : i32
    scf.for %scan3A_26 = %scan3A_10 to %scan3A_12 step %scan3A_13  : i32 {
      %mul3A_27 = arith.constant 128 : i32
      %mul3A_28 = arith.muli %scan3A_26, %mul3A_27 : i32
      %add3A_29 = arith.constant 0 : i32
      %add3A_30 = arith.addi %add3A_29, %mul3A_28 : i32
      %mul3A_31 = arith.constant 640 : i32
      %mul3A_32 = arith.muli %arg1, %mul3A_31 : i32
      %add3A_33 = arith.addi %mul3A_32, %add3A_30 : i32
      %multiple_of3A_34 = tpu.assume_multiple %add3A_33, 8 : i32
      "tpu.region"() ({
        %run_scoped3A = tpu.sem_alloc : memref<!tpu.dma_semaphore, #tpu.memory_space<semaphore_mem>>
        %dma_start3A = arith.constant 0 : i32
        %dma_start3A_35 = tpu.memref_slice %arg10[%multiple_of3A_34, %dma_start3A] : memref<10240x128xf32, #tpu.memory_space<vmem_shared>> -> memref<128x128xf32, #tpu.memory_space<vmem_shared>>
        %dma_start3A_36 = arith.constant 0 : i32
        %dma_start3A_37 = tpu.memref_slice %arg10[%multiple_of3A_34, %dma_start3A_36] : memref<10240x128xf32, #tpu.memory_space<vmem_shared>> -> memref<128x128xf32, #tpu.memory_space<vmem_shared>>
        tpu.enqueue_dma source(%arg9 : memref<128x128xf32, #tpu.memory_space<vmem>>) target(%dma_start3A_37 : memref<128x128xf32, #tpu.memory_space<vmem_shared>>) target_semaphore(%run_scoped3A : memref<!tpu.dma_semaphore, #tpu.memory_space<semaphore_mem>>)
        %dma_wait3A = arith.constant 0 : i32
        %dma_wait3A_38 = tpu.memref_slice %arg10[%multiple_of3A_34, %dma_wait3A] : memref<10240x128xf32, #tpu.memory_space<vmem_shared>> -> memref<128x128xf32, #tpu.memory_space<vmem_shared>>
        %dma_wait3A_39 = arith.constant 0 : i32
        %dma_wait3A_40 = tpu.memref_slice %arg10[%multiple_of3A_34, %dma_wait3A_39] : memref<10240x128xf32, #tpu.memory_space<vmem_shared>> -> memref<128x128xf32, #tpu.memory_space<vmem_shared>>
        tpu.wait_dma2 semaphore(%run_scoped3A : memref<!tpu.dma_semaphore, #tpu.memory_space<semaphore_mem>>) src(%arg9 : memref<128x128xf32, #tpu.memory_space<vmem>>) dst(%dma_wait3A_40 : memref<128x128xf32, #tpu.memory_space<vmem_shared>>)
        tpu.yield
      }) : () -> ()
    }
    %scan3A_14 = arith.constant 5 : i32
    %barrier3A = arith.constant 0 : index
    tpu.barrier barrier_id(%barrier3A)
    %scan3A_15 = arith.constant 0 : i32
    %scan3A_16 = arith.constant 79 : i32
    %scan3A_17 = arith.addi %scan3A_15, %scan3A_16 : i32
    %scan3A_18 = arith.constant 1 : i32
    scf.for %scan3A_26 = %scan3A_15 to %scan3A_17 step %scan3A_18  : i32 {
      %mul3A_27 = arith.constant 1 : i32
      %mul3A_28 = arith.muli %scan3A_26, %mul3A_27 : i32
      %add3A_29 = arith.constant 0 : i32
      %add3A_30 = arith.addi %add3A_29, %mul3A_28 : i32
      %add3A_31 = arith.addi %mul3A_2, %add3A_30 : i32
      "tpu.region"() ({
        %run_scoped3A = tpu.sem_alloc : memref<!tpu.dma_semaphore, #tpu.memory_space<semaphore_mem>>
        %dma_start3A_41 = arith.constant 0 : i32
        %dma_start3A_42 = tpu.memref_slice %arg4[%add3A_31, %dma_start3A_41] : memref<2528x128xi32, #tpu.memory_space<hbm>> -> memref<1x128xi32, #tpu.memory_space<hbm>>
        %dma_start3A_43 = tpu.memref_squeeze %dma_start3A_42 : memref<1x128xi32, #tpu.memory_space<hbm>> -> memref<128xi32, #tpu.memory_space<hbm>>
        %dma_start3A_44 = arith.constant 0 : i32
        %dma_start3A_45 = tpu.memref_slice %arg4[%add3A_31, %dma_start3A_44] : memref<2528x128xi32, #tpu.memory_space<hbm>> -> memref<1x128xi32, #tpu.memory_space<hbm>>
        %dma_start3A_46 = tpu.memref_squeeze %dma_start3A_45 : memref<1x128xi32, #tpu.memory_space<hbm>> -> memref<128xi32, #tpu.memory_space<hbm>>
        tpu.enqueue_dma source(%dma_start3A_46 : memref<128xi32, #tpu.memory_space<hbm>>) target(%arg7 : memref<128xi32, #tpu.memory_space<vmem>>) target_semaphore(%run_scoped3A : memref<!tpu.dma_semaphore, #tpu.memory_space<semaphore_mem>>)
        %dma_wait3A_47 = arith.constant 0 : i32
        %dma_wait3A_48 = tpu.memref_slice %arg4[%add3A_31, %dma_wait3A_47] : memref<2528x128xi32, #tpu.memory_space<hbm>> -> memref<1x128xi32, #tpu.memory_space<hbm>>
        %dma_wait3A_49 = tpu.memref_squeeze %dma_wait3A_48 : memref<1x128xi32, #tpu.memory_space<hbm>> -> memref<128xi32, #tpu.memory_space<hbm>>
        %dma_wait3A_50 = arith.constant 0 : i32
        %dma_wait3A_51 = tpu.memref_slice %arg4[%add3A_31, %dma_wait3A_50] : memref<2528x128xi32, #tpu.memory_space<hbm>> -> memref<1x128xi32, #tpu.memory_space<hbm>>
        %dma_wait3A_52 = tpu.memref_squeeze %dma_wait3A_51 : memref<1x128xi32, #tpu.memory_space<hbm>> -> memref<128xi32, #tpu.memory_space<hbm>>
        tpu.wait_dma2 semaphore(%run_scoped3A : memref<!tpu.dma_semaphore, #tpu.memory_space<semaphore_mem>>) src(%dma_wait3A_52 : memref<128xi32, #tpu.memory_space<hbm>>) dst(%arg7 : memref<128xi32, #tpu.memory_space<vmem>>)
        tpu.yield
      }) : () -> ()
      %mul3A_32 = arith.constant 128 : i32
      %mul3A_33 = arith.muli %add3A_30, %mul3A_32 : i32
      %multiple_of3A_34 = tpu.assume_multiple %mul3A_33, 128 : i32
      %dma_start3A = tpu.memref_slice %arg6[%multiple_of3A_34] : memref<10112xi32, #tpu.memory_space<vmem>> -> memref<128xi32, #tpu.memory_space<vmem>>
      %dma_start3A_35 = arith.constant 0 : i32
      %dma_start3A_36 = arith.constant 0 : i32
      %dma_start3A_37 = tpu.memref_slice %arg2[%dma_start3A_35, %dma_start3A_36] : memref<10240x128xf32, #tpu.memory_space<hbm>> -> memref<10240x128xf32, #tpu.memory_space<hbm>>
      tpu.enqueue_indirect_dma source(%dma_start3A_37 : memref<10240x128xf32, #tpu.memory_space<hbm>>) target(%arg8 : memref<128x128xf32, #tpu.memory_space<vmem>>) offsets(%dma_start3A : memref<128xi32, #tpu.memory_space<vmem>>) semaphore(%arg11 : memref<!tpu.dma_semaphore, #tpu.memory_space<semaphore_mem>>)
      %dma_wait3A = tpu.memref_slice %arg6[%multiple_of3A_34] : memref<10112xi32, #tpu.memory_space<vmem>> -> memref<128xi32, #tpu.memory_space<vmem>>
      %dma_wait3A_38 = arith.constant 0 : i32
      %dma_wait3A_39 = arith.constant 0 : i32
      %dma_wait3A_40 = tpu.memref_slice %arg2[%dma_wait3A_38, %dma_wait3A_39] : memref<10240x128xf32, #tpu.memory_space<hbm>> -> memref<10240x128xf32, #tpu.memory_space<hbm>>
      tpu.wait_indirect_dma semaphore(%arg11 : memref<!tpu.dma_semaphore, #tpu.memory_space<semaphore_mem>>) src(%dma_wait3A_40 : memref<10240x128xf32, #tpu.memory_space<hbm>>) dst(%arg8 : memref<128x128xf32, #tpu.memory_space<vmem>>)
      "tpu.region"() ({
        %run_scoped3A = tpu.sem_alloc : memref<!tpu.dma_semaphore, #tpu.memory_space<semaphore_mem>>
        %dma_start3A_41 = arith.constant 0 : i32
        %dma_start3A_42 = arith.constant 0 : i32
        %dma_start3A_43 = tpu.memref_slice %arg10[%dma_start3A_41, %dma_start3A_42] : memref<10240x128xf32, #tpu.memory_space<vmem_shared>> -> memref<10240x128xf32, #tpu.memory_space<vmem_shared>>
        tpu.enqueue_indirect_dma source(%arg8 : memref<128x128xf32, #tpu.memory_space<vmem>>) target(%dma_start3A_43 : memref<10240x128xf32, #tpu.memory_space<vmem_shared>>) offsets(%arg7 : memref<128xi32, #tpu.memory_space<vmem>>) semaphore(%run_scoped3A : memref<!tpu.dma_semaphore, #tpu.memory_space<semaphore_mem>>) {add = true}
        %dma_wait3A_44 = arith.constant 0 : i32
        %dma_wait3A_45 = arith.constant 0 : i32
        %dma_wait3A_46 = tpu.memref_slice %arg10[%dma_wait3A_44, %dma_wait3A_45] : memref<10240x128xf32, #tpu.memory_space<vmem_shared>> -> memref<10240x128xf32, #tpu.memory_space<vmem_shared>>
        tpu.wait_indirect_dma semaphore(%run_scoped3A : memref<!tpu.dma_semaphore, #tpu.memory_space<semaphore_mem>>) src(%arg8 : memref<128x128xf32, #tpu.memory_space<vmem>>) dst(%dma_wait3A_46 : memref<10240x128xf32, #tpu.memory_space<vmem_shared>>)
        tpu.yield
      }) : () -> ()
    }
    %scan3A_19 = arith.constant 79 : i32
    %barrier3A_20 = arith.constant 0 : index
    tpu.barrier barrier_id(%barrier3A_20)
    %scan3A_21 = arith.constant 0 : i32
    %scan3A_22 = arith.constant 5 : i32
    %scan3A_23 = arith.addi %scan3A_21, %scan3A_22 : i32
    %scan3A_24 = arith.constant 1 : i32
    scf.for %scan3A_26 = %scan3A_21 to %scan3A_23 step %scan3A_24  : i32 {
      %mul3A_27 = arith.constant 128 : i32
      %mul3A_28 = arith.muli %scan3A_26, %mul3A_27 : i32
      %add3A_29 = arith.constant 0 : i32
      %add3A_30 = arith.addi %add3A_29, %mul3A_28 : i32
      %mul3A_31 = arith.constant 640 : i32
      %mul3A_32 = arith.muli %arg1, %mul3A_31 : i32
      %add3A_33 = arith.addi %mul3A_32, %add3A_30 : i32
      %multiple_of3A_34 = tpu.assume_multiple %add3A_33, 8 : i32
      "tpu.region"() ({
        %run_scoped3A = tpu.sem_alloc : memref<!tpu.dma_semaphore, #tpu.memory_space<semaphore_mem>>
        %dma_start3A = arith.constant 0 : i32
        %dma_start3A_35 = tpu.memref_slice %arg10[%multiple_of3A_34, %dma_start3A] : memref<10240x128xf32, #tpu.memory_space<vmem_shared>> -> memref<128x128xf32, #tpu.memory_space<vmem_shared>>
        %dma_start3A_36 = arith.constant 0 : i32
        %dma_start3A_37 = tpu.memref_slice %arg10[%multiple_of3A_34, %dma_start3A_36] : memref<10240x128xf32, #tpu.memory_space<vmem_shared>> -> memref<128x128xf32, #tpu.memory_space<vmem_shared>>
        tpu.enqueue_dma source(%dma_start3A_37 : memref<128x128xf32, #tpu.memory_space<vmem_shared>>) target(%arg9 : memref<128x128xf32, #tpu.memory_space<vmem>>) target_semaphore(%run_scoped3A : memref<!tpu.dma_semaphore, #tpu.memory_space<semaphore_mem>>)
        %dma_wait3A = arith.constant 0 : i32
        %dma_wait3A_38 = tpu.memref_slice %arg10[%multiple_of3A_34, %dma_wait3A] : memref<10240x128xf32, #tpu.memory_space<vmem_shared>> -> memref<128x128xf32, #tpu.memory_space<vmem_shared>>
        %dma_wait3A_39 = arith.constant 0 : i32
        %dma_wait3A_40 = tpu.memref_slice %arg10[%multiple_of3A_34, %dma_wait3A_39] : memref<10240x128xf32, #tpu.memory_space<vmem_shared>> -> memref<128x128xf32, #tpu.memory_space<vmem_shared>>
        tpu.wait_dma2 semaphore(%run_scoped3A : memref<!tpu.dma_semaphore, #tpu.memory_space<semaphore_mem>>) src(%dma_wait3A_40 : memref<128x128xf32, #tpu.memory_space<vmem_shared>>) dst(%arg9 : memref<128x128xf32, #tpu.memory_space<vmem>>)
        tpu.yield
      }) : () -> ()
      "tpu.region"() ({
        %run_scoped3A = tpu.sem_alloc : memref<!tpu.dma_semaphore, #tpu.memory_space<semaphore_mem>>
        %dma_start3A = arith.constant 0 : i32
        %dma_start3A_35 = tpu.memref_slice %arg5[%arg0, %multiple_of3A_34, %dma_start3A] : memref<2x10240x128xf32, #tpu.memory_space<hbm>> -> memref<1x128x128xf32, #tpu.memory_space<hbm>>
        %dma_start3A_36 = tpu.memref_squeeze %dma_start3A_35 : memref<1x128x128xf32, #tpu.memory_space<hbm>> -> memref<128x128xf32, #tpu.memory_space<hbm>>
        %dma_start3A_37 = arith.constant 0 : i32
        %dma_start3A_38 = tpu.memref_slice %arg5[%arg0, %multiple_of3A_34, %dma_start3A_37] : memref<2x10240x128xf32, #tpu.memory_space<hbm>> -> memref<1x128x128xf32, #tpu.memory_space<hbm>>
        %dma_start3A_39 = tpu.memref_squeeze %dma_start3A_38 : memref<1x128x128xf32, #tpu.memory_space<hbm>> -> memref<128x128xf32, #tpu.memory_space<hbm>>
        tpu.enqueue_dma source(%arg9 : memref<128x128xf32, #tpu.memory_space<vmem>>) target(%dma_start3A_39 : memref<128x128xf32, #tpu.memory_space<hbm>>) target_semaphore(%run_scoped3A : memref<!tpu.dma_semaphore, #tpu.memory_space<semaphore_mem>>)
        %dma_wait3A = arith.constant 0 : i32
        %dma_wait3A_40 = tpu.memref_slice %arg5[%arg0, %multiple_of3A_34, %dma_wait3A] : memref<2x10240x128xf32, #tpu.memory_space<hbm>> -> memref<1x128x128xf32, #tpu.memory_space<hbm>>
        %dma_wait3A_41 = tpu.memref_squeeze %dma_wait3A_40 : memref<1x128x128xf32, #tpu.memory_space<hbm>> -> memref<128x128xf32, #tpu.memory_space<hbm>>
        %dma_wait3A_42 = arith.constant 0 : i32
        %dma_wait3A_43 = tpu.memref_slice %arg5[%arg0, %multiple_of3A_34, %dma_wait3A_42] : memref<2x10240x128xf32, #tpu.memory_space<hbm>> -> memref<1x128x128xf32, #tpu.memory_space<hbm>>
        %dma_wait3A_44 = tpu.memref_squeeze %dma_wait3A_43 : memref<1x128x128xf32, #tpu.memory_space<hbm>> -> memref<128x128xf32, #tpu.memory_space<hbm>>
        tpu.wait_dma2 semaphore(%run_scoped3A : memref<!tpu.dma_semaphore, #tpu.memory_space<semaphore_mem>>) src(%arg9 : memref<128x128xf32, #tpu.memory_space<vmem>>) dst(%dma_wait3A_44 : memref<128x128xf32, #tpu.memory_space<hbm>>)
        tpu.yield
      }) : () -> ()
    }
    %scan3A_25 = arith.constant 5 : i32
    return
  }
}

#map = affine_map<(d0, d1) -> (0, 0)>
#map1 = affine_map<(d0, d1) -> (0)>
#map2 = affine_map<(d0, d1) -> (0, 0, 0)>
module attributes {stable_mosaic.version = 14 : i64} {
  func.func @agg(%arg0: i32, %arg1: i32, %arg2: memref<10240x128xf32, #tpu.memory_space<hbm>>, %arg3: memref<323584xi32, #tpu.memory_space<hbm>>, %arg4: memref<2528x128xi32, #tpu.memory_space<hbm>>, %arg5: memref<2x10240x128xf32, #tpu.memory_space<hbm>>, %arg6: memref<10112xi32, #tpu.memory_space<vmem>>, %arg7: memref<128xi32, #tpu.memory_space<vmem>>, %arg8: memref<128x128xf32, #tpu.memory_space<vmem>>, %arg9: memref<128x128xf32, #tpu.memory_space<vmem>>, %arg10: memref<10240x128xf32, #tpu.memory_space<vmem_shared>>, %arg11: memref<!tpu.dma_semaphore, #tpu.memory_space<semaphore_mem>>) attributes {dimension_semantics = [#tpu.dimension_semantics<core_parallel>, #tpu.dimension_semantics<subcore_parallel>], iteration_bounds = array<i64: 2, 16>, scalar_prefetch = 0 : i64, scratch_operands = 6 : i64, tpu.core_type = #tpu.core_type<sc_vector_subcore>, window_params = [{transform_indices = #map}, {transform_indices = #map1}, {transform_indices = #map}, {transform_indices = #map2}]} {
    %mul3A = arith.constant 16 : i32
    %mul3A_0 = arith.muli %arg0, %mul3A : i32
    %add3A = arith.addi %mul3A_0, %arg1 : i32
    %mul3A_1 = arith.constant 79 : i32
    %mul3A_2 = arith.muli %add3A, %mul3A_1 : i32
    %broadcast_in_dim3A = arith.constant 0.000000e+00 : f32
    %broadcast_in_dim3A_3 = vector.broadcast %broadcast_in_dim3A : f32 to vector<1x16xf32>
    %mul3A_4 = arith.constant 10112 : i32
    %mul3A_5 = arith.muli %add3A, %mul3A_4 : i32
    %multiple_of3A = tpu.assume_multiple %mul3A_5, 128 : i32
    "tpu.region"() ({
      %run_scoped3A = tpu.sem_alloc : memref<!tpu.dma_semaphore, #tpu.memory_space<semaphore_mem>>
      %dma_start3A = tpu.memref_slice %arg3[%multiple_of3A] : memref<323584xi32, #tpu.memory_space<hbm>> -> memref<10112xi32, #tpu.memory_space<hbm>>
      %dma_start3A_26 = tpu.memref_slice %arg3[%multiple_of3A] : memref<323584xi32, #tpu.memory_space<hbm>> -> memref<10112xi32, #tpu.memory_space<hbm>>
      tpu.enqueue_dma source(%dma_start3A_26 : memref<10112xi32, #tpu.memory_space<hbm>>) target(%arg6 : memref<10112xi32, #tpu.memory_space<vmem>>) target_semaphore(%run_scoped3A : memref<!tpu.dma_semaphore, #tpu.memory_space<semaphore_mem>>)
      %dma_wait3A = tpu.memref_slice %arg3[%multiple_of3A] : memref<323584xi32, #tpu.memory_space<hbm>> -> memref<10112xi32, #tpu.memory_space<hbm>>
      %dma_wait3A_27 = tpu.memref_slice %arg3[%multiple_of3A] : memref<323584xi32, #tpu.memory_space<hbm>> -> memref<10112xi32, #tpu.memory_space<hbm>>
      tpu.wait_dma2 semaphore(%run_scoped3A : memref<!tpu.dma_semaphore, #tpu.memory_space<semaphore_mem>>) src(%dma_wait3A_27 : memref<10112xi32, #tpu.memory_space<hbm>>) dst(%arg6 : memref<10112xi32, #tpu.memory_space<vmem>>)
      tpu.yield
    }) : () -> ()
    %scan3A = arith.constant 0 : i32
    %scan3A_6 = arith.constant 128 : i32
    %scan3A_7 = arith.addi %scan3A, %scan3A_6 : i32
    %scan3A_8 = arith.constant 1 : i32
    scf.for %scan3A_26 = %scan3A to %scan3A_7 step %scan3A_8  : i32 {
      %mul3A_27 = arith.constant 1 : i32
      %mul3A_28 = arith.muli %scan3A_26, %mul3A_27 : i32
      %add3A_29 = arith.constant 0 : i32
      %add3A_30 = arith.addi %add3A_29, %mul3A_28 : i32
      %scan3A_31 = arith.constant 0 : i32
      %scan3A_32 = arith.constant 8 : i32
      %scan3A_33 = arith.addi %scan3A_31, %scan3A_32 : i32
      %scan3A_34 = arith.constant 1 : i32
      scf.for %scan3A_36 = %scan3A_31 to %scan3A_33 step %scan3A_34  : i32 {
        %mul3A_37 = arith.constant 16 : i32
        %mul3A_38 = arith.muli %scan3A_36, %mul3A_37 : i32
        %add3A_39 = arith.constant 0 : i32
        %add3A_40 = arith.addi %add3A_39, %mul3A_38 : i32
        %swap3A = arith.index_cast %add3A_30 : i32 to index
        %swap3A_41 = arith.index_cast %add3A_40 : i32 to index
        %swap3A_42 = tpu.vector_load %arg9[%swap3A, %swap3A_41] {strides = array<i32>} : memref<128x128xf32, #tpu.memory_space<vmem>>, vector<1x16xf32>,
        %swap3A_43 = vector.shape_cast %swap3A_42 : vector<1x16xf32> to vector<1x16xf32>
        %swap3A_44 = vector.shape_cast %broadcast_in_dim3A_3 : vector<1x16xf32> to vector<1x16xf32>
        tpu.vector_store %arg9[%swap3A, %swap3A_41], %swap3A_44 {strides = array<i32>} : memref<128x128xf32, #tpu.memory_space<vmem>>, vector<1x16xf32>,
      }
      %scan3A_35 = arith.constant 8 : i32
    }
    %scan3A_9 = arith.constant 128 : i32
    %scan3A_10 = arith.constant 0 : i32
    %scan3A_11 = arith.constant 5 : i32
    %scan3A_12 = arith.addi %scan3A_10, %scan3A_11 : i32
    %scan3A_13 = arith.constant 1 : i32
    scf.for %scan3A_26 = %scan3A_10 to %scan3A_12 step %scan3A_13  : i32 {
      %mul3A_27 = arith.constant 128 : i32
      %mul3A_28 = arith.muli %scan3A_26, %mul3A_27 : i32
      %add3A_29 = arith.constant 0 : i32
      %add3A_30 = arith.addi %add3A_29, %mul3A_28 : i32
      %mul3A_31 = arith.constant 640 : i32
      %mul3A_32 = arith.muli %arg1, %mul3A_31 : i32
      %add3A_33 = arith.addi %mul3A_32, %add3A_30 : i32
      %multiple_of3A_34 = tpu.assume_multiple %add3A_33, 8 : i32
      "tpu.region"() ({
        %run_scoped3A = tpu.sem_alloc : memref<!tpu.dma_semaphore, #tpu.memory_space<semaphore_mem>>
        %dma_start3A = arith.constant 0 : i32
        %dma_start3A_35 = tpu.memref_slice %arg10[%multiple_of3A_34, %dma_start3A] : memref<10240x128xf32, #tpu.memory_space<vmem_shared>> -> memref<128x128xf32, #tpu.memory_space<vmem_shared>>
        %dma_start3A_36 = arith.constant 0 : i32
        %dma_start3A_37 = tpu.memref_slice %arg10[%multiple_of3A_34, %dma_start3A_36] : memref<10240x128xf32, #tpu.memory_space<vmem_shared>> -> memref<128x128xf32, #tpu.memory_space<vmem_shared>>
        tpu.enqueue_dma source(%arg9 : memref<128x128xf32, #tpu.memory_space<vmem>>) target(%dma_start3A_37 : memref<128x128xf32, #tpu.memory_space<vmem_shared>>) target_semaphore(%run_scoped3A : memref<!tpu.dma_semaphore, #tpu.memory_space<semaphore_mem>>)
        %dma_wait3A = arith.constant 0 : i32
        %dma_wait3A_38 = tpu.memref_slice %arg10[%multiple_of3A_34, %dma_wait3A] : memref<10240x128xf32, #tpu.memory_space<vmem_shared>> -> memref<128x128xf32, #tpu.memory_space<vmem_shared>>
        %dma_wait3A_39 = arith.constant 0 : i32
        %dma_wait3A_40 = tpu.memref_slice %arg10[%multiple_of3A_34, %dma_wait3A_39] : memref<10240x128xf32, #tpu.memory_space<vmem_shared>> -> memref<128x128xf32, #tpu.memory_space<vmem_shared>>
        tpu.wait_dma2 semaphore(%run_scoped3A : memref<!tpu.dma_semaphore, #tpu.memory_space<semaphore_mem>>) src(%arg9 : memref<128x128xf32, #tpu.memory_space<vmem>>) dst(%dma_wait3A_40 : memref<128x128xf32, #tpu.memory_space<vmem_shared>>)
        tpu.yield
      }) : () -> ()
    }
    %scan3A_14 = arith.constant 5 : i32
    %barrier3A = arith.constant 0 : index
    tpu.barrier barrier_id(%barrier3A)
    %scan3A_15 = arith.constant 0 : i32
    %scan3A_16 = arith.constant 79 : i32
    %scan3A_17 = arith.addi %scan3A_15, %scan3A_16 : i32
    %scan3A_18 = arith.constant 1 : i32
    scf.for %scan3A_26 = %scan3A_15 to %scan3A_17 step %scan3A_18  : i32 {
      %mul3A_27 = arith.constant 1 : i32
      %mul3A_28 = arith.muli %scan3A_26, %mul3A_27 : i32
      %add3A_29 = arith.constant 0 : i32
      %add3A_30 = arith.addi %add3A_29, %mul3A_28 : i32
      %add3A_31 = arith.addi %mul3A_2, %add3A_30 : i32
      "tpu.region"() ({
        %run_scoped3A = tpu.sem_alloc : memref<!tpu.dma_semaphore, #tpu.memory_space<semaphore_mem>>
        %dma_start3A_41 = arith.constant 0 : i32
        %dma_start3A_42 = tpu.memref_slice %arg4[%add3A_31, %dma_start3A_41] : memref<2528x128xi32, #tpu.memory_space<hbm>> -> memref<1x128xi32, #tpu.memory_space<hbm>>
        %dma_start3A_43 = tpu.memref_squeeze %dma_start3A_42 : memref<1x128xi32, #tpu.memory_space<hbm>> -> memref<128xi32, #tpu.memory_space<hbm>>
        %dma_start3A_44 = arith.constant 0 : i32
        %dma_start3A_45 = tpu.memref_slice %arg4[%add3A_31, %dma_start3A_44] : memref<2528x128xi32, #tpu.memory_space<hbm>> -> memref<1x128xi32, #tpu.memory_space<hbm>>
        %dma_start3A_46 = tpu.memref_squeeze %dma_start3A_45 : memref<1x128xi32, #tpu.memory_space<hbm>> -> memref<128xi32, #tpu.memory_space<hbm>>
        tpu.enqueue_dma source(%dma_start3A_46 : memref<128xi32, #tpu.memory_space<hbm>>) target(%arg7 : memref<128xi32, #tpu.memory_space<vmem>>) target_semaphore(%run_scoped3A : memref<!tpu.dma_semaphore, #tpu.memory_space<semaphore_mem>>)
        %dma_wait3A_47 = arith.constant 0 : i32
        %dma_wait3A_48 = tpu.memref_slice %arg4[%add3A_31, %dma_wait3A_47] : memref<2528x128xi32, #tpu.memory_space<hbm>> -> memref<1x128xi32, #tpu.memory_space<hbm>>
        %dma_wait3A_49 = tpu.memref_squeeze %dma_wait3A_48 : memref<1x128xi32, #tpu.memory_space<hbm>> -> memref<128xi32, #tpu.memory_space<hbm>>
        %dma_wait3A_50 = arith.constant 0 : i32
        %dma_wait3A_51 = tpu.memref_slice %arg4[%add3A_31, %dma_wait3A_50] : memref<2528x128xi32, #tpu.memory_space<hbm>> -> memref<1x128xi32, #tpu.memory_space<hbm>>
        %dma_wait3A_52 = tpu.memref_squeeze %dma_wait3A_51 : memref<1x128xi32, #tpu.memory_space<hbm>> -> memref<128xi32, #tpu.memory_space<hbm>>
        tpu.wait_dma2 semaphore(%run_scoped3A : memref<!tpu.dma_semaphore, #tpu.memory_space<semaphore_mem>>) src(%dma_wait3A_52 : memref<128xi32, #tpu.memory_space<hbm>>) dst(%arg7 : memref<128xi32, #tpu.memory_space<vmem>>)
        tpu.yield
      }) : () -> ()
      %mul3A_32 = arith.constant 128 : i32
      %mul3A_33 = arith.muli %add3A_30, %mul3A_32 : i32
      %multiple_of3A_34 = tpu.assume_multiple %mul3A_33, 128 : i32
      %dma_start3A = tpu.memref_slice %arg6[%multiple_of3A_34] : memref<10112xi32, #tpu.memory_space<vmem>> -> memref<128xi32, #tpu.memory_space<vmem>>
      %dma_start3A_35 = arith.constant 0 : i32
      %dma_start3A_36 = arith.constant 0 : i32
      %dma_start3A_37 = tpu.memref_slice %arg2[%dma_start3A_35, %dma_start3A_36] : memref<10240x128xf32, #tpu.memory_space<hbm>> -> memref<10240x128xf32, #tpu.memory_space<hbm>>
      tpu.enqueue_indirect_dma source(%dma_start3A_37 : memref<10240x128xf32, #tpu.memory_space<hbm>>) target(%arg8 : memref<128x128xf32, #tpu.memory_space<vmem>>) offsets(%dma_start3A : memref<128xi32, #tpu.memory_space<vmem>>) semaphore(%arg11 : memref<!tpu.dma_semaphore, #tpu.memory_space<semaphore_mem>>)
      %dma_wait3A = tpu.memref_slice %arg6[%multiple_of3A_34] : memref<10112xi32, #tpu.memory_space<vmem>> -> memref<128xi32, #tpu.memory_space<vmem>>
      %dma_wait3A_38 = arith.constant 0 : i32
      %dma_wait3A_39 = arith.constant 0 : i32
      %dma_wait3A_40 = tpu.memref_slice %arg2[%dma_wait3A_38, %dma_wait3A_39] : memref<10240x128xf32, #tpu.memory_space<hbm>> -> memref<10240x128xf32, #tpu.memory_space<hbm>>
      tpu.wait_indirect_dma semaphore(%arg11 : memref<!tpu.dma_semaphore, #tpu.memory_space<semaphore_mem>>) src(%dma_wait3A_40 : memref<10240x128xf32, #tpu.memory_space<hbm>>) dst(%arg8 : memref<128x128xf32, #tpu.memory_space<vmem>>)
      "tpu.region"() ({
        %run_scoped3A = tpu.sem_alloc : memref<!tpu.dma_semaphore, #tpu.memory_space<semaphore_mem>>
        %dma_start3A_41 = arith.constant 0 : i32
        %dma_start3A_42 = arith.constant 0 : i32
        %dma_start3A_43 = tpu.memref_slice %arg10[%dma_start3A_41, %dma_start3A_42] : memref<10240x128xf32, #tpu.memory_space<vmem_shared>> -> memref<10240x128xf32, #tpu.memory_space<vmem_shared>>
        tpu.enqueue_indirect_dma source(%arg8 : memref<128x128xf32, #tpu.memory_space<vmem>>) target(%dma_start3A_43 : memref<10240x128xf32, #tpu.memory_space<vmem_shared>>) offsets(%arg7 : memref<128xi32, #tpu.memory_space<vmem>>) semaphore(%run_scoped3A : memref<!tpu.dma_semaphore, #tpu.memory_space<semaphore_mem>>) {add = true}
        %dma_wait3A_44 = arith.constant 0 : i32
        %dma_wait3A_45 = arith.constant 0 : i32
        %dma_wait3A_46 = tpu.memref_slice %arg10[%dma_wait3A_44, %dma_wait3A_45] : memref<10240x128xf32, #tpu.memory_space<vmem_shared>> -> memref<10240x128xf32, #tpu.memory_space<vmem_shared>>
        tpu.wait_indirect_dma semaphore(%run_scoped3A : memref<!tpu.dma_semaphore, #tpu.memory_space<semaphore_mem>>) src(%arg8 : memref<128x128xf32, #tpu.memory_space<vmem>>) dst(%dma_wait3A_46 : memref<10240x128xf32, #tpu.memory_space<vmem_shared>>)
        tpu.yield
      }) : () -> ()
    }
    %scan3A_19 = arith.constant 79 : i32
    %barrier3A_20 = arith.constant 0 : index
    tpu.barrier barrier_id(%barrier3A_20)
    %scan3A_21 = arith.constant 0 : i32
    %scan3A_22 = arith.constant 5 : i32
    %scan3A_23 = arith.addi %scan3A_21, %scan3A_22 : i32
    %scan3A_24 = arith.constant 1 : i32
    scf.for %scan3A_26 = %scan3A_21 to %scan3A_23 step %scan3A_24  : i32 {
      %mul3A_27 = arith.constant 128 : i32
      %mul3A_28 = arith.muli %scan3A_26, %mul3A_27 : i32
      %add3A_29 = arith.constant 0 : i32
      %add3A_30 = arith.addi %add3A_29, %mul3A_28 : i32
      %mul3A_31 = arith.constant 640 : i32
      %mul3A_32 = arith.muli %arg1, %mul3A_31 : i32
      %add3A_33 = arith.addi %mul3A_32, %add3A_30 : i32
      %multiple_of3A_34 = tpu.assume_multiple %add3A_33, 8 : i32
      "tpu.region"() ({
        %run_scoped3A = tpu.sem_alloc : memref<!tpu.dma_semaphore, #tpu.memory_space<semaphore_mem>>
        %dma_start3A = arith.constant 0 : i32
        %dma_start3A_35 = tpu.memref_slice %arg10[%multiple_of3A_34, %dma_start3A] : memref<10240x128xf32, #tpu.memory_space<vmem_shared>> -> memref<128x128xf32, #tpu.memory_space<vmem_shared>>
        %dma_start3A_36 = arith.constant 0 : i32
        %dma_start3A_37 = tpu.memref_slice %arg10[%multiple_of3A_34, %dma_start3A_36] : memref<10240x128xf32, #tpu.memory_space<vmem_shared>> -> memref<128x128xf32, #tpu.memory_space<vmem_shared>>
        tpu.enqueue_dma source(%dma_start3A_37 : memref<128x128xf32, #tpu.memory_space<vmem_shared>>) target(%arg9 : memref<128x128xf32, #tpu.memory_space<vmem>>) target_semaphore(%run_scoped3A : memref<!tpu.dma_semaphore, #tpu.memory_space<semaphore_mem>>)
        %dma_wait3A = arith.constant 0 : i32
        %dma_wait3A_38 = tpu.memref_slice %arg10[%multiple_of3A_34, %dma_wait3A] : memref<10240x128xf32, #tpu.memory_space<vmem_shared>> -> memref<128x128xf32, #tpu.memory_space<vmem_shared>>
        %dma_wait3A_39 = arith.constant 0 : i32
        %dma_wait3A_40 = tpu.memref_slice %arg10[%multiple_of3A_34, %dma_wait3A_39] : memref<10240x128xf32, #tpu.memory_space<vmem_shared>> -> memref<128x128xf32, #tpu.memory_space<vmem_shared>>
        tpu.wait_dma2 semaphore(%run_scoped3A : memref<!tpu.dma_semaphore, #tpu.memory_space<semaphore_mem>>) src(%dma_wait3A_40 : memref<128x128xf32, #tpu.memory_space<vmem_shared>>) dst(%arg9 : memref<128x128xf32, #tpu.memory_space<vmem>>)
        tpu.yield
      }) : () -> ()
      "tpu.region"() ({
        %run_scoped3A = tpu.sem_alloc : memref<!tpu.dma_semaphore, #tpu.memory_space<semaphore_mem>>
        %dma_start3A = arith.constant 0 : i32
        %dma_start3A_35 = tpu.memref_slice %arg5[%arg0, %multiple_of3A_34, %dma_start3A] : memref<2x10240x128xf32, #tpu.memory_space<hbm>> -> memref<1x128x128xf32, #tpu.memory_space<hbm>>
        %dma_start3A_36 = tpu.memref_squeeze %dma_start3A_35 : memref<1x128x128xf32, #tpu.memory_space<hbm>> -> memref<128x128xf32, #tpu.memory_space<hbm>>
        %dma_start3A_37 = arith.constant 0 : i32
        %dma_start3A_38 = tpu.memref_slice %arg5[%arg0, %multiple_of3A_34, %dma_start3A_37] : memref<2x10240x128xf32, #tpu.memory_space<hbm>> -> memref<1x128x128xf32, #tpu.memory_space<hbm>>
        %dma_start3A_39 = tpu.memref_squeeze %dma_start3A_38 : memref<1x128x128xf32, #tpu.memory_space<hbm>> -> memref<128x128xf32, #tpu.memory_space<hbm>>
        tpu.enqueue_dma source(%arg9 : memref<128x128xf32, #tpu.memory_space<vmem>>) target(%dma_start3A_39 : memref<128x128xf32, #tpu.memory_space<hbm>>) target_semaphore(%run_scoped3A : memref<!tpu.dma_semaphore, #tpu.memory_space<semaphore_mem>>)
        %dma_wait3A = arith.constant 0 : i32
        %dma_wait3A_40 = tpu.memref_slice %arg5[%arg0, %multiple_of3A_34, %dma_wait3A] : memref<2x10240x128xf32, #tpu.memory_space<hbm>> -> memref<1x128x128xf32, #tpu.memory_space<hbm>>
        %dma_wait3A_41 = tpu.memref_squeeze %dma_wait3A_40 : memref<1x128x128xf32, #tpu.memory_space<hbm>> -> memref<128x128xf32, #tpu.memory_space<hbm>>
        %dma_wait3A_42 = arith.constant 0 : i32
        %dma_wait3A_43 = tpu.memref_slice %arg5[%arg0, %multiple_of3A_34, %dma_wait3A_42] : memref<2x10240x128xf32, #tpu.memory_space<hbm>> -> memref<1x128x128xf32, #tpu.memory_space<hbm>>
        %dma_wait3A_44 = tpu.memref_squeeze %dma_wait3A_43 : memref<1x128x128xf32, #tpu.memory_space<hbm>> -> memref<128x128xf32, #tpu.memory_space<hbm>>
        tpu.wait_dma2 semaphore(%run_scoped3A : memref<!tpu.dma_semaphore, #tpu.memory_space<semaphore_mem>>) src(%arg9 : memref<128x128xf32, #tpu.memory_space<vmem>>) dst(%dma_wait3A_44 : memref<128x128xf32, #tpu.memory_space<hbm>>)
        tpu.yield
      }) : () -> ()
    }
    %scan3A_25 = arith.constant 5 : i32
    return
  }
}

#map = affine_map<(d0, d1) -> (0, 0)>
#map1 = affine_map<(d0, d1) -> (0)>
#map2 = affine_map<(d0, d1) -> (0, 0, 0)>
module attributes {stable_mosaic.version = 14 : i64} {
  func.func @agg(%arg0: i32, %arg1: i32, %arg2: memref<10240x128xf32, #tpu.memory_space<hbm>>, %arg3: memref<323584xi32, #tpu.memory_space<hbm>>, %arg4: memref<2528x128xi32, #tpu.memory_space<hbm>>, %arg5: memref<2x10240x128xf32, #tpu.memory_space<hbm>>, %arg6: memref<10112xi32, #tpu.memory_space<vmem>>, %arg7: memref<128xi32, #tpu.memory_space<vmem>>, %arg8: memref<128x128xf32, #tpu.memory_space<vmem>>, %arg9: memref<128x128xf32, #tpu.memory_space<vmem>>, %arg10: memref<10240x128xf32, #tpu.memory_space<vmem_shared>>, %arg11: memref<!tpu.dma_semaphore, #tpu.memory_space<semaphore_mem>>) attributes {dimension_semantics = [#tpu.dimension_semantics<core_parallel>, #tpu.dimension_semantics<subcore_parallel>], iteration_bounds = array<i64: 2, 16>, scalar_prefetch = 0 : i64, scratch_operands = 6 : i64, tpu.core_type = #tpu.core_type<sc_vector_subcore>, window_params = [{transform_indices = #map}, {transform_indices = #map1}, {transform_indices = #map}, {transform_indices = #map2}]} {
    %mul3A = arith.constant 16 : i32
    %mul3A_0 = arith.muli %arg0, %mul3A : i32
    %add3A = arith.addi %mul3A_0, %arg1 : i32
    %mul3A_1 = arith.constant 79 : i32
    %mul3A_2 = arith.muli %add3A, %mul3A_1 : i32
    %broadcast_in_dim3A = arith.constant 0.000000e+00 : f32
    %broadcast_in_dim3A_3 = vector.broadcast %broadcast_in_dim3A : f32 to vector<1x16xf32>
    %mul3A_4 = arith.constant 10112 : i32
    %mul3A_5 = arith.muli %add3A, %mul3A_4 : i32
    %multiple_of3A = tpu.assume_multiple %mul3A_5, 128 : i32
    "tpu.region"() ({
      %run_scoped3A = tpu.sem_alloc : memref<!tpu.dma_semaphore, #tpu.memory_space<semaphore_mem>>
      %dma_start3A = tpu.memref_slice %arg3[%multiple_of3A] : memref<323584xi32, #tpu.memory_space<hbm>> -> memref<10112xi32, #tpu.memory_space<hbm>>
      %dma_start3A_26 = tpu.memref_slice %arg3[%multiple_of3A] : memref<323584xi32, #tpu.memory_space<hbm>> -> memref<10112xi32, #tpu.memory_space<hbm>>
      tpu.enqueue_dma source(%dma_start3A_26 : memref<10112xi32, #tpu.memory_space<hbm>>) target(%arg6 : memref<10112xi32, #tpu.memory_space<vmem>>) target_semaphore(%run_scoped3A : memref<!tpu.dma_semaphore, #tpu.memory_space<semaphore_mem>>)
      %dma_wait3A = tpu.memref_slice %arg3[%multiple_of3A] : memref<323584xi32, #tpu.memory_space<hbm>> -> memref<10112xi32, #tpu.memory_space<hbm>>
      %dma_wait3A_27 = tpu.memref_slice %arg3[%multiple_of3A] : memref<323584xi32, #tpu.memory_space<hbm>> -> memref<10112xi32, #tpu.memory_space<hbm>>
      tpu.wait_dma2 semaphore(%run_scoped3A : memref<!tpu.dma_semaphore, #tpu.memory_space<semaphore_mem>>) src(%dma_wait3A_27 : memref<10112xi32, #tpu.memory_space<hbm>>) dst(%arg6 : memref<10112xi32, #tpu.memory_space<vmem>>)
      tpu.yield
    }) : () -> ()
    %scan3A = arith.constant 0 : i32
    %scan3A_6 = arith.constant 128 : i32
    %scan3A_7 = arith.addi %scan3A, %scan3A_6 : i32
    %scan3A_8 = arith.constant 1 : i32
    scf.for %scan3A_26 = %scan3A to %scan3A_7 step %scan3A_8  : i32 {
      %mul3A_27 = arith.constant 1 : i32
      %mul3A_28 = arith.muli %scan3A_26, %mul3A_27 : i32
      %add3A_29 = arith.constant 0 : i32
      %add3A_30 = arith.addi %add3A_29, %mul3A_28 : i32
      %scan3A_31 = arith.constant 0 : i32
      %scan3A_32 = arith.constant 8 : i32
      %scan3A_33 = arith.addi %scan3A_31, %scan3A_32 : i32
      %scan3A_34 = arith.constant 1 : i32
      scf.for %scan3A_36 = %scan3A_31 to %scan3A_33 step %scan3A_34  : i32 {
        %mul3A_37 = arith.constant 16 : i32
        %mul3A_38 = arith.muli %scan3A_36, %mul3A_37 : i32
        %add3A_39 = arith.constant 0 : i32
        %add3A_40 = arith.addi %add3A_39, %mul3A_38 : i32
        %swap3A = arith.index_cast %add3A_30 : i32 to index
        %swap3A_41 = arith.index_cast %add3A_40 : i32 to index
        %swap3A_42 = tpu.vector_load %arg9[%swap3A, %swap3A_41] {strides = array<i32>} : memref<128x128xf32, #tpu.memory_space<vmem>>, vector<1x16xf32>,
        %swap3A_43 = vector.shape_cast %swap3A_42 : vector<1x16xf32> to vector<1x16xf32>
        %swap3A_44 = vector.shape_cast %broadcast_in_dim3A_3 : vector<1x16xf32> to vector<1x16xf32>
        tpu.vector_store %arg9[%swap3A, %swap3A_41], %swap3A_44 {strides = array<i32>} : memref<128x128xf32, #tpu.memory_space<vmem>>, vector<1x16xf32>,
      }
      %scan3A_35 = arith.constant 8 : i32
    }
    %scan3A_9 = arith.constant 128 : i32
    %scan3A_10 = arith.constant 0 : i32
    %scan3A_11 = arith.constant 5 : i32
    %scan3A_12 = arith.addi %scan3A_10, %scan3A_11 : i32
    %scan3A_13 = arith.constant 1 : i32
    scf.for %scan3A_26 = %scan3A_10 to %scan3A_12 step %scan3A_13  : i32 {
      %mul3A_27 = arith.constant 128 : i32
      %mul3A_28 = arith.muli %scan3A_26, %mul3A_27 : i32
      %add3A_29 = arith.constant 0 : i32
      %add3A_30 = arith.addi %add3A_29, %mul3A_28 : i32
      %mul3A_31 = arith.constant 640 : i32
      %mul3A_32 = arith.muli %arg1, %mul3A_31 : i32
      %add3A_33 = arith.addi %mul3A_32, %add3A_30 : i32
      %multiple_of3A_34 = tpu.assume_multiple %add3A_33, 8 : i32
      "tpu.region"() ({
        %run_scoped3A = tpu.sem_alloc : memref<!tpu.dma_semaphore, #tpu.memory_space<semaphore_mem>>
        %dma_start3A = arith.constant 0 : i32
        %dma_start3A_35 = tpu.memref_slice %arg10[%multiple_of3A_34, %dma_start3A] : memref<10240x128xf32, #tpu.memory_space<vmem_shared>> -> memref<128x128xf32, #tpu.memory_space<vmem_shared>>
        %dma_start3A_36 = arith.constant 0 : i32
        %dma_start3A_37 = tpu.memref_slice %arg10[%multiple_of3A_34, %dma_start3A_36] : memref<10240x128xf32, #tpu.memory_space<vmem_shared>> -> memref<128x128xf32, #tpu.memory_space<vmem_shared>>
        tpu.enqueue_dma source(%arg9 : memref<128x128xf32, #tpu.memory_space<vmem>>) target(%dma_start3A_37 : memref<128x128xf32, #tpu.memory_space<vmem_shared>>) target_semaphore(%run_scoped3A : memref<!tpu.dma_semaphore, #tpu.memory_space<semaphore_mem>>)
        %dma_wait3A = arith.constant 0 : i32
        %dma_wait3A_38 = tpu.memref_slice %arg10[%multiple_of3A_34, %dma_wait3A] : memref<10240x128xf32, #tpu.memory_space<vmem_shared>> -> memref<128x128xf32, #tpu.memory_space<vmem_shared>>
        %dma_wait3A_39 = arith.constant 0 : i32
        %dma_wait3A_40 = tpu.memref_slice %arg10[%multiple_of3A_34, %dma_wait3A_39] : memref<10240x128xf32, #tpu.memory_space<vmem_shared>> -> memref<128x128xf32, #tpu.memory_space<vmem_shared>>
        tpu.wait_dma2 semaphore(%run_scoped3A : memref<!tpu.dma_semaphore, #tpu.memory_space<semaphore_mem>>) src(%arg9 : memref<128x128xf32, #tpu.memory_space<vmem>>) dst(%dma_wait3A_40 : memref<128x128xf32, #tpu.memory_space<vmem_shared>>)
        tpu.yield
      }) : () -> ()
    }
    %scan3A_14 = arith.constant 5 : i32
    %barrier3A = arith.constant 0 : index
    tpu.barrier barrier_id(%barrier3A)
    %scan3A_15 = arith.constant 0 : i32
    %scan3A_16 = arith.constant 79 : i32
    %scan3A_17 = arith.addi %scan3A_15, %scan3A_16 : i32
    %scan3A_18 = arith.constant 1 : i32
    scf.for %scan3A_26 = %scan3A_15 to %scan3A_17 step %scan3A_18  : i32 {
      %mul3A_27 = arith.constant 1 : i32
      %mul3A_28 = arith.muli %scan3A_26, %mul3A_27 : i32
      %add3A_29 = arith.constant 0 : i32
      %add3A_30 = arith.addi %add3A_29, %mul3A_28 : i32
      %add3A_31 = arith.addi %mul3A_2, %add3A_30 : i32
      "tpu.region"() ({
        %run_scoped3A = tpu.sem_alloc : memref<!tpu.dma_semaphore, #tpu.memory_space<semaphore_mem>>
        %dma_start3A_41 = arith.constant 0 : i32
        %dma_start3A_42 = tpu.memref_slice %arg4[%add3A_31, %dma_start3A_41] : memref<2528x128xi32, #tpu.memory_space<hbm>> -> memref<1x128xi32, #tpu.memory_space<hbm>>
        %dma_start3A_43 = tpu.memref_squeeze %dma_start3A_42 : memref<1x128xi32, #tpu.memory_space<hbm>> -> memref<128xi32, #tpu.memory_space<hbm>>
        %dma_start3A_44 = arith.constant 0 : i32
        %dma_start3A_45 = tpu.memref_slice %arg4[%add3A_31, %dma_start3A_44] : memref<2528x128xi32, #tpu.memory_space<hbm>> -> memref<1x128xi32, #tpu.memory_space<hbm>>
        %dma_start3A_46 = tpu.memref_squeeze %dma_start3A_45 : memref<1x128xi32, #tpu.memory_space<hbm>> -> memref<128xi32, #tpu.memory_space<hbm>>
        tpu.enqueue_dma source(%dma_start3A_46 : memref<128xi32, #tpu.memory_space<hbm>>) target(%arg7 : memref<128xi32, #tpu.memory_space<vmem>>) target_semaphore(%run_scoped3A : memref<!tpu.dma_semaphore, #tpu.memory_space<semaphore_mem>>)
        %dma_wait3A_47 = arith.constant 0 : i32
        %dma_wait3A_48 = tpu.memref_slice %arg4[%add3A_31, %dma_wait3A_47] : memref<2528x128xi32, #tpu.memory_space<hbm>> -> memref<1x128xi32, #tpu.memory_space<hbm>>
        %dma_wait3A_49 = tpu.memref_squeeze %dma_wait3A_48 : memref<1x128xi32, #tpu.memory_space<hbm>> -> memref<128xi32, #tpu.memory_space<hbm>>
        %dma_wait3A_50 = arith.constant 0 : i32
        %dma_wait3A_51 = tpu.memref_slice %arg4[%add3A_31, %dma_wait3A_50] : memref<2528x128xi32, #tpu.memory_space<hbm>> -> memref<1x128xi32, #tpu.memory_space<hbm>>
        %dma_wait3A_52 = tpu.memref_squeeze %dma_wait3A_51 : memref<1x128xi32, #tpu.memory_space<hbm>> -> memref<128xi32, #tpu.memory_space<hbm>>
        tpu.wait_dma2 semaphore(%run_scoped3A : memref<!tpu.dma_semaphore, #tpu.memory_space<semaphore_mem>>) src(%dma_wait3A_52 : memref<128xi32, #tpu.memory_space<hbm>>) dst(%arg7 : memref<128xi32, #tpu.memory_space<vmem>>)
        tpu.yield
      }) : () -> ()
      %mul3A_32 = arith.constant 128 : i32
      %mul3A_33 = arith.muli %add3A_30, %mul3A_32 : i32
      %multiple_of3A_34 = tpu.assume_multiple %mul3A_33, 128 : i32
      %dma_start3A = tpu.memref_slice %arg6[%multiple_of3A_34] : memref<10112xi32, #tpu.memory_space<vmem>> -> memref<128xi32, #tpu.memory_space<vmem>>
      %dma_start3A_35 = arith.constant 0 : i32
      %dma_start3A_36 = arith.constant 0 : i32
      %dma_start3A_37 = tpu.memref_slice %arg2[%dma_start3A_35, %dma_start3A_36] : memref<10240x128xf32, #tpu.memory_space<hbm>> -> memref<10240x128xf32, #tpu.memory_space<hbm>>
      tpu.enqueue_indirect_dma source(%dma_start3A_37 : memref<10240x128xf32, #tpu.memory_space<hbm>>) target(%arg8 : memref<128x128xf32, #tpu.memory_space<vmem>>) offsets(%dma_start3A : memref<128xi32, #tpu.memory_space<vmem>>) semaphore(%arg11 : memref<!tpu.dma_semaphore, #tpu.memory_space<semaphore_mem>>)
      %dma_wait3A = tpu.memref_slice %arg6[%multiple_of3A_34] : memref<10112xi32, #tpu.memory_space<vmem>> -> memref<128xi32, #tpu.memory_space<vmem>>
      %dma_wait3A_38 = arith.constant 0 : i32
      %dma_wait3A_39 = arith.constant 0 : i32
      %dma_wait3A_40 = tpu.memref_slice %arg2[%dma_wait3A_38, %dma_wait3A_39] : memref<10240x128xf32, #tpu.memory_space<hbm>> -> memref<10240x128xf32, #tpu.memory_space<hbm>>
      tpu.wait_indirect_dma semaphore(%arg11 : memref<!tpu.dma_semaphore, #tpu.memory_space<semaphore_mem>>) src(%dma_wait3A_40 : memref<10240x128xf32, #tpu.memory_space<hbm>>) dst(%arg8 : memref<128x128xf32, #tpu.memory_space<vmem>>)
      "tpu.region"() ({
        %run_scoped3A = tpu.sem_alloc : memref<!tpu.dma_semaphore, #tpu.memory_space<semaphore_mem>>
        %dma_start3A_41 = arith.constant 0 : i32
        %dma_start3A_42 = arith.constant 0 : i32
        %dma_start3A_43 = tpu.memref_slice %arg10[%dma_start3A_41, %dma_start3A_42] : memref<10240x128xf32, #tpu.memory_space<vmem_shared>> -> memref<10240x128xf32, #tpu.memory_space<vmem_shared>>
        tpu.enqueue_indirect_dma source(%arg8 : memref<128x128xf32, #tpu.memory_space<vmem>>) target(%dma_start3A_43 : memref<10240x128xf32, #tpu.memory_space<vmem_shared>>) offsets(%arg7 : memref<128xi32, #tpu.memory_space<vmem>>) semaphore(%run_scoped3A : memref<!tpu.dma_semaphore, #tpu.memory_space<semaphore_mem>>) {add = true}
        %dma_wait3A_44 = arith.constant 0 : i32
        %dma_wait3A_45 = arith.constant 0 : i32
        %dma_wait3A_46 = tpu.memref_slice %arg10[%dma_wait3A_44, %dma_wait3A_45] : memref<10240x128xf32, #tpu.memory_space<vmem_shared>> -> memref<10240x128xf32, #tpu.memory_space<vmem_shared>>
        tpu.wait_indirect_dma semaphore(%run_scoped3A : memref<!tpu.dma_semaphore, #tpu.memory_space<semaphore_mem>>) src(%arg8 : memref<128x128xf32, #tpu.memory_space<vmem>>) dst(%dma_wait3A_46 : memref<10240x128xf32, #tpu.memory_space<vmem_shared>>)
        tpu.yield
      }) : () -> ()
    }
    %scan3A_19 = arith.constant 79 : i32
    %barrier3A_20 = arith.constant 0 : index
    tpu.barrier barrier_id(%barrier3A_20)
    %scan3A_21 = arith.constant 0 : i32
    %scan3A_22 = arith.constant 5 : i32
    %scan3A_23 = arith.addi %scan3A_21, %scan3A_22 : i32
    %scan3A_24 = arith.constant 1 : i32
    scf.for %scan3A_26 = %scan3A_21 to %scan3A_23 step %scan3A_24  : i32 {
      %mul3A_27 = arith.constant 128 : i32
      %mul3A_28 = arith.muli %scan3A_26, %mul3A_27 : i32
      %add3A_29 = arith.constant 0 : i32
      %add3A_30 = arith.addi %add3A_29, %mul3A_28 : i32
      %mul3A_31 = arith.constant 640 : i32
      %mul3A_32 = arith.muli %arg1, %mul3A_31 : i32
      %add3A_33 = arith.addi %mul3A_32, %add3A_30 : i32
      %multiple_of3A_34 = tpu.assume_multiple %add3A_33, 8 : i32
      "tpu.region"() ({
        %run_scoped3A = tpu.sem_alloc : memref<!tpu.dma_semaphore, #tpu.memory_space<semaphore_mem>>
        %dma_start3A = arith.constant 0 : i32
        %dma_start3A_35 = tpu.memref_slice %arg10[%multiple_of3A_34, %dma_start3A] : memref<10240x128xf32, #tpu.memory_space<vmem_shared>> -> memref<128x128xf32, #tpu.memory_space<vmem_shared>>
        %dma_start3A_36 = arith.constant 0 : i32
        %dma_start3A_37 = tpu.memref_slice %arg10[%multiple_of3A_34, %dma_start3A_36] : memref<10240x128xf32, #tpu.memory_space<vmem_shared>> -> memref<128x128xf32, #tpu.memory_space<vmem_shared>>
        tpu.enqueue_dma source(%dma_start3A_37 : memref<128x128xf32, #tpu.memory_space<vmem_shared>>) target(%arg9 : memref<128x128xf32, #tpu.memory_space<vmem>>) target_semaphore(%run_scoped3A : memref<!tpu.dma_semaphore, #tpu.memory_space<semaphore_mem>>)
        %dma_wait3A = arith.constant 0 : i32
        %dma_wait3A_38 = tpu.memref_slice %arg10[%multiple_of3A_34, %dma_wait3A] : memref<10240x128xf32, #tpu.memory_space<vmem_shared>> -> memref<128x128xf32, #tpu.memory_space<vmem_shared>>
        %dma_wait3A_39 = arith.constant 0 : i32
        %dma_wait3A_40 = tpu.memref_slice %arg10[%multiple_of3A_34, %dma_wait3A_39] : memref<10240x128xf32, #tpu.memory_space<vmem_shared>> -> memref<128x128xf32, #tpu.memory_space<vmem_shared>>
        tpu.wait_dma2 semaphore(%run_scoped3A : memref<!tpu.dma_semaphore, #tpu.memory_space<semaphore_mem>>) src(%dma_wait3A_40 : memref<128x128xf32, #tpu.memory_space<vmem_shared>>) dst(%arg9 : memref<128x128xf32, #tpu.memory_space<vmem>>)
        tpu.yield
      }) : () -> ()
      "tpu.region"() ({
        %run_scoped3A = tpu.sem_alloc : memref<!tpu.dma_semaphore, #tpu.memory_space<semaphore_mem>>
        %dma_start3A = arith.constant 0 : i32
        %dma_start3A_35 = tpu.memref_slice %arg5[%arg0, %multiple_of3A_34, %dma_start3A] : memref<2x10240x128xf32, #tpu.memory_space<hbm>> -> memref<1x128x128xf32, #tpu.memory_space<hbm>>
        %dma_start3A_36 = tpu.memref_squeeze %dma_start3A_35 : memref<1x128x128xf32, #tpu.memory_space<hbm>> -> memref<128x128xf32, #tpu.memory_space<hbm>>
        %dma_start3A_37 = arith.constant 0 : i32
        %dma_start3A_38 = tpu.memref_slice %arg5[%arg0, %multiple_of3A_34, %dma_start3A_37] : memref<2x10240x128xf32, #tpu.memory_space<hbm>> -> memref<1x128x128xf32, #tpu.memory_space<hbm>>
        %dma_start3A_39 = tpu.memref_squeeze %dma_start3A_38 : memref<1x128x128xf32, #tpu.memory_space<hbm>> -> memref<128x128xf32, #tpu.memory_space<hbm>>
        tpu.enqueue_dma source(%arg9 : memref<128x128xf32, #tpu.memory_space<vmem>>) target(%dma_start3A_39 : memref<128x128xf32, #tpu.memory_space<hbm>>) target_semaphore(%run_scoped3A : memref<!tpu.dma_semaphore, #tpu.memory_space<semaphore_mem>>)
        %dma_wait3A = arith.constant 0 : i32
        %dma_wait3A_40 = tpu.memref_slice %arg5[%arg0, %multiple_of3A_34, %dma_wait3A] : memref<2x10240x128xf32, #tpu.memory_space<hbm>> -> memref<1x128x128xf32, #tpu.memory_space<hbm>>
        %dma_wait3A_41 = tpu.memref_squeeze %dma_wait3A_40 : memref<1x128x128xf32, #tpu.memory_space<hbm>> -> memref<128x128xf32, #tpu.memory_space<hbm>>
        %dma_wait3A_42 = arith.constant 0 : i32
        %dma_wait3A_43 = tpu.memref_slice %arg5[%arg0, %multiple_of3A_34, %dma_wait3A_42] : memref<2x10240x128xf32, #tpu.memory_space<hbm>> -> memref<1x128x128xf32, #tpu.memory_space<hbm>>
        %dma_wait3A_44 = tpu.memref_squeeze %dma_wait3A_43 : memref<1x128x128xf32, #tpu.memory_space<hbm>> -> memref<128x128xf32, #tpu.memory_space<hbm>>
        tpu.wait_dma2 semaphore(%run_scoped3A : memref<!tpu.dma_semaphore, #tpu.memory_space<semaphore_mem>>) src(%arg9 : memref<128x128xf32, #tpu.memory_space<vmem>>) dst(%dma_wait3A_44 : memref<128x128xf32, #tpu.memory_space<hbm>>)
        tpu.yield
      }) : () -> ()
    }
    %scan3A_25 = arith.constant 5 : i32
    return
  }
}

#map = affine_map<(d0, d1) -> (0, 0)>
#map1 = affine_map<(d0, d1) -> (0)>
#map2 = affine_map<(d0, d1) -> (0, 0, 0)>
module attributes {stable_mosaic.version = 14 : i64} {
  func.func @agg(%arg0: i32, %arg1: i32, %arg2: memref<10240x128xf32, #tpu.memory_space<hbm>>, %arg3: memref<323584xi32, #tpu.memory_space<hbm>>, %arg4: memref<2528x128xi32, #tpu.memory_space<hbm>>, %arg5: memref<2x10240x128xf32, #tpu.memory_space<hbm>>, %arg6: memref<10112xi32, #tpu.memory_space<vmem>>, %arg7: memref<128xi32, #tpu.memory_space<vmem>>, %arg8: memref<128x128xf32, #tpu.memory_space<vmem>>, %arg9: memref<128x128xf32, #tpu.memory_space<vmem>>, %arg10: memref<10240x128xf32, #tpu.memory_space<vmem_shared>>, %arg11: memref<!tpu.dma_semaphore, #tpu.memory_space<semaphore_mem>>) attributes {dimension_semantics = [#tpu.dimension_semantics<core_parallel>, #tpu.dimension_semantics<subcore_parallel>], iteration_bounds = array<i64: 2, 16>, scalar_prefetch = 0 : i64, scratch_operands = 6 : i64, tpu.core_type = #tpu.core_type<sc_vector_subcore>, window_params = [{transform_indices = #map}, {transform_indices = #map1}, {transform_indices = #map}, {transform_indices = #map2}]} {
    %mul3A = arith.constant 16 : i32
    %mul3A_0 = arith.muli %arg0, %mul3A : i32
    %add3A = arith.addi %mul3A_0, %arg1 : i32
    %mul3A_1 = arith.constant 79 : i32
    %mul3A_2 = arith.muli %add3A, %mul3A_1 : i32
    %broadcast_in_dim3A = arith.constant 0.000000e+00 : f32
    %broadcast_in_dim3A_3 = vector.broadcast %broadcast_in_dim3A : f32 to vector<1x16xf32>
    %mul3A_4 = arith.constant 10112 : i32
    %mul3A_5 = arith.muli %add3A, %mul3A_4 : i32
    %multiple_of3A = tpu.assume_multiple %mul3A_5, 128 : i32
    "tpu.region"() ({
      %run_scoped3A = tpu.sem_alloc : memref<!tpu.dma_semaphore, #tpu.memory_space<semaphore_mem>>
      %dma_start3A = tpu.memref_slice %arg3[%multiple_of3A] : memref<323584xi32, #tpu.memory_space<hbm>> -> memref<10112xi32, #tpu.memory_space<hbm>>
      %dma_start3A_26 = tpu.memref_slice %arg3[%multiple_of3A] : memref<323584xi32, #tpu.memory_space<hbm>> -> memref<10112xi32, #tpu.memory_space<hbm>>
      tpu.enqueue_dma source(%dma_start3A_26 : memref<10112xi32, #tpu.memory_space<hbm>>) target(%arg6 : memref<10112xi32, #tpu.memory_space<vmem>>) target_semaphore(%run_scoped3A : memref<!tpu.dma_semaphore, #tpu.memory_space<semaphore_mem>>)
      %dma_wait3A = tpu.memref_slice %arg3[%multiple_of3A] : memref<323584xi32, #tpu.memory_space<hbm>> -> memref<10112xi32, #tpu.memory_space<hbm>>
      %dma_wait3A_27 = tpu.memref_slice %arg3[%multiple_of3A] : memref<323584xi32, #tpu.memory_space<hbm>> -> memref<10112xi32, #tpu.memory_space<hbm>>
      tpu.wait_dma2 semaphore(%run_scoped3A : memref<!tpu.dma_semaphore, #tpu.memory_space<semaphore_mem>>) src(%dma_wait3A_27 : memref<10112xi32, #tpu.memory_space<hbm>>) dst(%arg6 : memref<10112xi32, #tpu.memory_space<vmem>>)
      tpu.yield
    }) : () -> ()
    %scan3A = arith.constant 0 : i32
    %scan3A_6 = arith.constant 128 : i32
    %scan3A_7 = arith.addi %scan3A, %scan3A_6 : i32
    %scan3A_8 = arith.constant 1 : i32
    scf.for %scan3A_26 = %scan3A to %scan3A_7 step %scan3A_8  : i32 {
      %mul3A_27 = arith.constant 1 : i32
      %mul3A_28 = arith.muli %scan3A_26, %mul3A_27 : i32
      %add3A_29 = arith.constant 0 : i32
      %add3A_30 = arith.addi %add3A_29, %mul3A_28 : i32
      %scan3A_31 = arith.constant 0 : i32
      %scan3A_32 = arith.constant 8 : i32
      %scan3A_33 = arith.addi %scan3A_31, %scan3A_32 : i32
      %scan3A_34 = arith.constant 1 : i32
      scf.for %scan3A_36 = %scan3A_31 to %scan3A_33 step %scan3A_34  : i32 {
        %mul3A_37 = arith.constant 16 : i32
        %mul3A_38 = arith.muli %scan3A_36, %mul3A_37 : i32
        %add3A_39 = arith.constant 0 : i32
        %add3A_40 = arith.addi %add3A_39, %mul3A_38 : i32
        %swap3A = arith.index_cast %add3A_30 : i32 to index
        %swap3A_41 = arith.index_cast %add3A_40 : i32 to index
        %swap3A_42 = tpu.vector_load %arg9[%swap3A, %swap3A_41] {strides = array<i32>} : memref<128x128xf32, #tpu.memory_space<vmem>>, vector<1x16xf32>,
        %swap3A_43 = vector.shape_cast %swap3A_42 : vector<1x16xf32> to vector<1x16xf32>
        %swap3A_44 = vector.shape_cast %broadcast_in_dim3A_3 : vector<1x16xf32> to vector<1x16xf32>
        tpu.vector_store %arg9[%swap3A, %swap3A_41], %swap3A_44 {strides = array<i32>} : memref<128x128xf32, #tpu.memory_space<vmem>>, vector<1x16xf32>,
      }
      %scan3A_35 = arith.constant 8 : i32
    }
    %scan3A_9 = arith.constant 128 : i32
    %scan3A_10 = arith.constant 0 : i32
    %scan3A_11 = arith.constant 5 : i32
    %scan3A_12 = arith.addi %scan3A_10, %scan3A_11 : i32
    %scan3A_13 = arith.constant 1 : i32
    scf.for %scan3A_26 = %scan3A_10 to %scan3A_12 step %scan3A_13  : i32 {
      %mul3A_27 = arith.constant 128 : i32
      %mul3A_28 = arith.muli %scan3A_26, %mul3A_27 : i32
      %add3A_29 = arith.constant 0 : i32
      %add3A_30 = arith.addi %add3A_29, %mul3A_28 : i32
      %mul3A_31 = arith.constant 640 : i32
      %mul3A_32 = arith.muli %arg1, %mul3A_31 : i32
      %add3A_33 = arith.addi %mul3A_32, %add3A_30 : i32
      %multiple_of3A_34 = tpu.assume_multiple %add3A_33, 8 : i32
      "tpu.region"() ({
        %run_scoped3A = tpu.sem_alloc : memref<!tpu.dma_semaphore, #tpu.memory_space<semaphore_mem>>
        %dma_start3A = arith.constant 0 : i32
        %dma_start3A_35 = tpu.memref_slice %arg10[%multiple_of3A_34, %dma_start3A] : memref<10240x128xf32, #tpu.memory_space<vmem_shared>> -> memref<128x128xf32, #tpu.memory_space<vmem_shared>>
        %dma_start3A_36 = arith.constant 0 : i32
        %dma_start3A_37 = tpu.memref_slice %arg10[%multiple_of3A_34, %dma_start3A_36] : memref<10240x128xf32, #tpu.memory_space<vmem_shared>> -> memref<128x128xf32, #tpu.memory_space<vmem_shared>>
        tpu.enqueue_dma source(%arg9 : memref<128x128xf32, #tpu.memory_space<vmem>>) target(%dma_start3A_37 : memref<128x128xf32, #tpu.memory_space<vmem_shared>>) target_semaphore(%run_scoped3A : memref<!tpu.dma_semaphore, #tpu.memory_space<semaphore_mem>>)
        %dma_wait3A = arith.constant 0 : i32
        %dma_wait3A_38 = tpu.memref_slice %arg10[%multiple_of3A_34, %dma_wait3A] : memref<10240x128xf32, #tpu.memory_space<vmem_shared>> -> memref<128x128xf32, #tpu.memory_space<vmem_shared>>
        %dma_wait3A_39 = arith.constant 0 : i32
        %dma_wait3A_40 = tpu.memref_slice %arg10[%multiple_of3A_34, %dma_wait3A_39] : memref<10240x128xf32, #tpu.memory_space<vmem_shared>> -> memref<128x128xf32, #tpu.memory_space<vmem_shared>>
        tpu.wait_dma2 semaphore(%run_scoped3A : memref<!tpu.dma_semaphore, #tpu.memory_space<semaphore_mem>>) src(%arg9 : memref<128x128xf32, #tpu.memory_space<vmem>>) dst(%dma_wait3A_40 : memref<128x128xf32, #tpu.memory_space<vmem_shared>>)
        tpu.yield
      }) : () -> ()
    }
    %scan3A_14 = arith.constant 5 : i32
    %barrier3A = arith.constant 0 : index
    tpu.barrier barrier_id(%barrier3A)
    %scan3A_15 = arith.constant 0 : i32
    %scan3A_16 = arith.constant 79 : i32
    %scan3A_17 = arith.addi %scan3A_15, %scan3A_16 : i32
    %scan3A_18 = arith.constant 1 : i32
    scf.for %scan3A_26 = %scan3A_15 to %scan3A_17 step %scan3A_18  : i32 {
      %mul3A_27 = arith.constant 1 : i32
      %mul3A_28 = arith.muli %scan3A_26, %mul3A_27 : i32
      %add3A_29 = arith.constant 0 : i32
      %add3A_30 = arith.addi %add3A_29, %mul3A_28 : i32
      %add3A_31 = arith.addi %mul3A_2, %add3A_30 : i32
      "tpu.region"() ({
        %run_scoped3A = tpu.sem_alloc : memref<!tpu.dma_semaphore, #tpu.memory_space<semaphore_mem>>
        %dma_start3A_41 = arith.constant 0 : i32
        %dma_start3A_42 = tpu.memref_slice %arg4[%add3A_31, %dma_start3A_41] : memref<2528x128xi32, #tpu.memory_space<hbm>> -> memref<1x128xi32, #tpu.memory_space<hbm>>
        %dma_start3A_43 = tpu.memref_squeeze %dma_start3A_42 : memref<1x128xi32, #tpu.memory_space<hbm>> -> memref<128xi32, #tpu.memory_space<hbm>>
        %dma_start3A_44 = arith.constant 0 : i32
        %dma_start3A_45 = tpu.memref_slice %arg4[%add3A_31, %dma_start3A_44] : memref<2528x128xi32, #tpu.memory_space<hbm>> -> memref<1x128xi32, #tpu.memory_space<hbm>>
        %dma_start3A_46 = tpu.memref_squeeze %dma_start3A_45 : memref<1x128xi32, #tpu.memory_space<hbm>> -> memref<128xi32, #tpu.memory_space<hbm>>
        tpu.enqueue_dma source(%dma_start3A_46 : memref<128xi32, #tpu.memory_space<hbm>>) target(%arg7 : memref<128xi32, #tpu.memory_space<vmem>>) target_semaphore(%run_scoped3A : memref<!tpu.dma_semaphore, #tpu.memory_space<semaphore_mem>>)
        %dma_wait3A_47 = arith.constant 0 : i32
        %dma_wait3A_48 = tpu.memref_slice %arg4[%add3A_31, %dma_wait3A_47] : memref<2528x128xi32, #tpu.memory_space<hbm>> -> memref<1x128xi32, #tpu.memory_space<hbm>>
        %dma_wait3A_49 = tpu.memref_squeeze %dma_wait3A_48 : memref<1x128xi32, #tpu.memory_space<hbm>> -> memref<128xi32, #tpu.memory_space<hbm>>
        %dma_wait3A_50 = arith.constant 0 : i32
        %dma_wait3A_51 = tpu.memref_slice %arg4[%add3A_31, %dma_wait3A_50] : memref<2528x128xi32, #tpu.memory_space<hbm>> -> memref<1x128xi32, #tpu.memory_space<hbm>>
        %dma_wait3A_52 = tpu.memref_squeeze %dma_wait3A_51 : memref<1x128xi32, #tpu.memory_space<hbm>> -> memref<128xi32, #tpu.memory_space<hbm>>
        tpu.wait_dma2 semaphore(%run_scoped3A : memref<!tpu.dma_semaphore, #tpu.memory_space<semaphore_mem>>) src(%dma_wait3A_52 : memref<128xi32, #tpu.memory_space<hbm>>) dst(%arg7 : memref<128xi32, #tpu.memory_space<vmem>>)
        tpu.yield
      }) : () -> ()
      %mul3A_32 = arith.constant 128 : i32
      %mul3A_33 = arith.muli %add3A_30, %mul3A_32 : i32
      %multiple_of3A_34 = tpu.assume_multiple %mul3A_33, 128 : i32
      %dma_start3A = tpu.memref_slice %arg6[%multiple_of3A_34] : memref<10112xi32, #tpu.memory_space<vmem>> -> memref<128xi32, #tpu.memory_space<vmem>>
      %dma_start3A_35 = arith.constant 0 : i32
      %dma_start3A_36 = arith.constant 0 : i32
      %dma_start3A_37 = tpu.memref_slice %arg2[%dma_start3A_35, %dma_start3A_36] : memref<10240x128xf32, #tpu.memory_space<hbm>> -> memref<10240x128xf32, #tpu.memory_space<hbm>>
      tpu.enqueue_indirect_dma source(%dma_start3A_37 : memref<10240x128xf32, #tpu.memory_space<hbm>>) target(%arg8 : memref<128x128xf32, #tpu.memory_space<vmem>>) offsets(%dma_start3A : memref<128xi32, #tpu.memory_space<vmem>>) semaphore(%arg11 : memref<!tpu.dma_semaphore, #tpu.memory_space<semaphore_mem>>)
      %dma_wait3A = tpu.memref_slice %arg6[%multiple_of3A_34] : memref<10112xi32, #tpu.memory_space<vmem>> -> memref<128xi32, #tpu.memory_space<vmem>>
      %dma_wait3A_38 = arith.constant 0 : i32
      %dma_wait3A_39 = arith.constant 0 : i32
      %dma_wait3A_40 = tpu.memref_slice %arg2[%dma_wait3A_38, %dma_wait3A_39] : memref<10240x128xf32, #tpu.memory_space<hbm>> -> memref<10240x128xf32, #tpu.memory_space<hbm>>
      tpu.wait_indirect_dma semaphore(%arg11 : memref<!tpu.dma_semaphore, #tpu.memory_space<semaphore_mem>>) src(%dma_wait3A_40 : memref<10240x128xf32, #tpu.memory_space<hbm>>) dst(%arg8 : memref<128x128xf32, #tpu.memory_space<vmem>>)
      "tpu.region"() ({
        %run_scoped3A = tpu.sem_alloc : memref<!tpu.dma_semaphore, #tpu.memory_space<semaphore_mem>>
        %dma_start3A_41 = arith.constant 0 : i32
        %dma_start3A_42 = arith.constant 0 : i32
        %dma_start3A_43 = tpu.memref_slice %arg10[%dma_start3A_41, %dma_start3A_42] : memref<10240x128xf32, #tpu.memory_space<vmem_shared>> -> memref<10240x128xf32, #tpu.memory_space<vmem_shared>>
        tpu.enqueue_indirect_dma source(%arg8 : memref<128x128xf32, #tpu.memory_space<vmem>>) target(%dma_start3A_43 : memref<10240x128xf32, #tpu.memory_space<vmem_shared>>) offsets(%arg7 : memref<128xi32, #tpu.memory_space<vmem>>) semaphore(%run_scoped3A : memref<!tpu.dma_semaphore, #tpu.memory_space<semaphore_mem>>) {add = true}
        %dma_wait3A_44 = arith.constant 0 : i32
        %dma_wait3A_45 = arith.constant 0 : i32
        %dma_wait3A_46 = tpu.memref_slice %arg10[%dma_wait3A_44, %dma_wait3A_45] : memref<10240x128xf32, #tpu.memory_space<vmem_shared>> -> memref<10240x128xf32, #tpu.memory_space<vmem_shared>>
        tpu.wait_indirect_dma semaphore(%run_scoped3A : memref<!tpu.dma_semaphore, #tpu.memory_space<semaphore_mem>>) src(%arg8 : memref<128x128xf32, #tpu.memory_space<vmem>>) dst(%dma_wait3A_46 : memref<10240x128xf32, #tpu.memory_space<vmem_shared>>)
        tpu.yield
      }) : () -> ()
    }
    %scan3A_19 = arith.constant 79 : i32
    %barrier3A_20 = arith.constant 0 : index
    tpu.barrier barrier_id(%barrier3A_20)
    %scan3A_21 = arith.constant 0 : i32
    %scan3A_22 = arith.constant 5 : i32
    %scan3A_23 = arith.addi %scan3A_21, %scan3A_22 : i32
    %scan3A_24 = arith.constant 1 : i32
    scf.for %scan3A_26 = %scan3A_21 to %scan3A_23 step %scan3A_24  : i32 {
      %mul3A_27 = arith.constant 128 : i32
      %mul3A_28 = arith.muli %scan3A_26, %mul3A_27 : i32
      %add3A_29 = arith.constant 0 : i32
      %add3A_30 = arith.addi %add3A_29, %mul3A_28 : i32
      %mul3A_31 = arith.constant 640 : i32
      %mul3A_32 = arith.muli %arg1, %mul3A_31 : i32
      %add3A_33 = arith.addi %mul3A_32, %add3A_30 : i32
      %multiple_of3A_34 = tpu.assume_multiple %add3A_33, 8 : i32
      "tpu.region"() ({
        %run_scoped3A = tpu.sem_alloc : memref<!tpu.dma_semaphore, #tpu.memory_space<semaphore_mem>>
        %dma_start3A = arith.constant 0 : i32
        %dma_start3A_35 = tpu.memref_slice %arg10[%multiple_of3A_34, %dma_start3A] : memref<10240x128xf32, #tpu.memory_space<vmem_shared>> -> memref<128x128xf32, #tpu.memory_space<vmem_shared>>
        %dma_start3A_36 = arith.constant 0 : i32
        %dma_start3A_37 = tpu.memref_slice %arg10[%multiple_of3A_34, %dma_start3A_36] : memref<10240x128xf32, #tpu.memory_space<vmem_shared>> -> memref<128x128xf32, #tpu.memory_space<vmem_shared>>
        tpu.enqueue_dma source(%dma_start3A_37 : memref<128x128xf32, #tpu.memory_space<vmem_shared>>) target(%arg9 : memref<128x128xf32, #tpu.memory_space<vmem>>) target_semaphore(%run_scoped3A : memref<!tpu.dma_semaphore, #tpu.memory_space<semaphore_mem>>)
        %dma_wait3A = arith.constant 0 : i32
        %dma_wait3A_38 = tpu.memref_slice %arg10[%multiple_of3A_34, %dma_wait3A] : memref<10240x128xf32, #tpu.memory_space<vmem_shared>> -> memref<128x128xf32, #tpu.memory_space<vmem_shared>>
        %dma_wait3A_39 = arith.constant 0 : i32
        %dma_wait3A_40 = tpu.memref_slice %arg10[%multiple_of3A_34, %dma_wait3A_39] : memref<10240x128xf32, #tpu.memory_space<vmem_shared>> -> memref<128x128xf32, #tpu.memory_space<vmem_shared>>
        tpu.wait_dma2 semaphore(%run_scoped3A : memref<!tpu.dma_semaphore, #tpu.memory_space<semaphore_mem>>) src(%dma_wait3A_40 : memref<128x128xf32, #tpu.memory_space<vmem_shared>>) dst(%arg9 : memref<128x128xf32, #tpu.memory_space<vmem>>)
        tpu.yield
      }) : () -> ()
      "tpu.region"() ({
        %run_scoped3A = tpu.sem_alloc : memref<!tpu.dma_semaphore, #tpu.memory_space<semaphore_mem>>
        %dma_start3A = arith.constant 0 : i32
        %dma_start3A_35 = tpu.memref_slice %arg5[%arg0, %multiple_of3A_34, %dma_start3A] : memref<2x10240x128xf32, #tpu.memory_space<hbm>> -> memref<1x128x128xf32, #tpu.memory_space<hbm>>
        %dma_start3A_36 = tpu.memref_squeeze %dma_start3A_35 : memref<1x128x128xf32, #tpu.memory_space<hbm>> -> memref<128x128xf32, #tpu.memory_space<hbm>>
        %dma_start3A_37 = arith.constant 0 : i32
        %dma_start3A_38 = tpu.memref_slice %arg5[%arg0, %multiple_of3A_34, %dma_start3A_37] : memref<2x10240x128xf32, #tpu.memory_space<hbm>> -> memref<1x128x128xf32, #tpu.memory_space<hbm>>
        %dma_start3A_39 = tpu.memref_squeeze %dma_start3A_38 : memref<1x128x128xf32, #tpu.memory_space<hbm>> -> memref<128x128xf32, #tpu.memory_space<hbm>>
        tpu.enqueue_dma source(%arg9 : memref<128x128xf32, #tpu.memory_space<vmem>>) target(%dma_start3A_39 : memref<128x128xf32, #tpu.memory_space<hbm>>) target_semaphore(%run_scoped3A : memref<!tpu.dma_semaphore, #tpu.memory_space<semaphore_mem>>)
        %dma_wait3A = arith.constant 0 : i32
        %dma_wait3A_40 = tpu.memref_slice %arg5[%arg0, %multiple_of3A_34, %dma_wait3A] : memref<2x10240x128xf32, #tpu.memory_space<hbm>> -> memref<1x128x128xf32, #tpu.memory_space<hbm>>
        %dma_wait3A_41 = tpu.memref_squeeze %dma_wait3A_40 : memref<1x128x128xf32, #tpu.memory_space<hbm>> -> memref<128x128xf32, #tpu.memory_space<hbm>>
        %dma_wait3A_42 = arith.constant 0 : i32
        %dma_wait3A_43 = tpu.memref_slice %arg5[%arg0, %multiple_of3A_34, %dma_wait3A_42] : memref<2x10240x128xf32, #tpu.memory_space<hbm>> -> memref<1x128x128xf32, #tpu.memory_space<hbm>>
        %dma_wait3A_44 = tpu.memref_squeeze %dma_wait3A_43 : memref<1x128x128xf32, #tpu.memory_space<hbm>> -> memref<128x128xf32, #tpu.memory_space<hbm>>
        tpu.wait_dma2 semaphore(%run_scoped3A : memref<!tpu.dma_semaphore, #tpu.memory_space<semaphore_mem>>) src(%arg9 : memref<128x128xf32, #tpu.memory_space<vmem>>) dst(%dma_wait3A_44 : memref<128x128xf32, #tpu.memory_space<hbm>>)
        tpu.yield
      }) : () -> ()
    }
    %scan3A_25 = arith.constant 5 : i32
    return
  }
}

#map = affine_map<(d0, d1) -> (0, 0)>
#map1 = affine_map<(d0, d1) -> (0)>
#map2 = affine_map<(d0, d1) -> (0, 0, 0)>
module attributes {stable_mosaic.version = 14 : i64} {
  func.func @agg(%arg0: i32, %arg1: i32, %arg2: memref<10240x128xf32, #tpu.memory_space<hbm>>, %arg3: memref<323584xi32, #tpu.memory_space<hbm>>, %arg4: memref<2528x128xi32, #tpu.memory_space<hbm>>, %arg5: memref<2x10240x128xf32, #tpu.memory_space<hbm>>, %arg6: memref<10112xi32, #tpu.memory_space<vmem>>, %arg7: memref<128xi32, #tpu.memory_space<vmem>>, %arg8: memref<128x128xf32, #tpu.memory_space<vmem>>, %arg9: memref<128x128xf32, #tpu.memory_space<vmem>>, %arg10: memref<10240x128xf32, #tpu.memory_space<vmem_shared>>, %arg11: memref<!tpu.dma_semaphore, #tpu.memory_space<semaphore_mem>>) attributes {dimension_semantics = [#tpu.dimension_semantics<core_parallel>, #tpu.dimension_semantics<subcore_parallel>], iteration_bounds = array<i64: 2, 16>, scalar_prefetch = 0 : i64, scratch_operands = 6 : i64, tpu.core_type = #tpu.core_type<sc_vector_subcore>, window_params = [{transform_indices = #map}, {transform_indices = #map1}, {transform_indices = #map}, {transform_indices = #map2}]} {
    %mul3A = arith.constant 16 : i32
    %mul3A_0 = arith.muli %arg0, %mul3A : i32
    %add3A = arith.addi %mul3A_0, %arg1 : i32
    %mul3A_1 = arith.constant 79 : i32
    %mul3A_2 = arith.muli %add3A, %mul3A_1 : i32
    %broadcast_in_dim3A = arith.constant 0.000000e+00 : f32
    %broadcast_in_dim3A_3 = vector.broadcast %broadcast_in_dim3A : f32 to vector<1x16xf32>
    %mul3A_4 = arith.constant 10112 : i32
    %mul3A_5 = arith.muli %add3A, %mul3A_4 : i32
    %multiple_of3A = tpu.assume_multiple %mul3A_5, 128 : i32
    "tpu.region"() ({
      %run_scoped3A = tpu.sem_alloc : memref<!tpu.dma_semaphore, #tpu.memory_space<semaphore_mem>>
      %dma_start3A = tpu.memref_slice %arg3[%multiple_of3A] : memref<323584xi32, #tpu.memory_space<hbm>> -> memref<10112xi32, #tpu.memory_space<hbm>>
      %dma_start3A_26 = tpu.memref_slice %arg3[%multiple_of3A] : memref<323584xi32, #tpu.memory_space<hbm>> -> memref<10112xi32, #tpu.memory_space<hbm>>
      tpu.enqueue_dma source(%dma_start3A_26 : memref<10112xi32, #tpu.memory_space<hbm>>) target(%arg6 : memref<10112xi32, #tpu.memory_space<vmem>>) target_semaphore(%run_scoped3A : memref<!tpu.dma_semaphore, #tpu.memory_space<semaphore_mem>>)
      %dma_wait3A = tpu.memref_slice %arg3[%multiple_of3A] : memref<323584xi32, #tpu.memory_space<hbm>> -> memref<10112xi32, #tpu.memory_space<hbm>>
      %dma_wait3A_27 = tpu.memref_slice %arg3[%multiple_of3A] : memref<323584xi32, #tpu.memory_space<hbm>> -> memref<10112xi32, #tpu.memory_space<hbm>>
      tpu.wait_dma2 semaphore(%run_scoped3A : memref<!tpu.dma_semaphore, #tpu.memory_space<semaphore_mem>>) src(%dma_wait3A_27 : memref<10112xi32, #tpu.memory_space<hbm>>) dst(%arg6 : memref<10112xi32, #tpu.memory_space<vmem>>)
      tpu.yield
    }) : () -> ()
    %scan3A = arith.constant 0 : i32
    %scan3A_6 = arith.constant 128 : i32
    %scan3A_7 = arith.addi %scan3A, %scan3A_6 : i32
    %scan3A_8 = arith.constant 1 : i32
    scf.for %scan3A_26 = %scan3A to %scan3A_7 step %scan3A_8  : i32 {
      %mul3A_27 = arith.constant 1 : i32
      %mul3A_28 = arith.muli %scan3A_26, %mul3A_27 : i32
      %add3A_29 = arith.constant 0 : i32
      %add3A_30 = arith.addi %add3A_29, %mul3A_28 : i32
      %scan3A_31 = arith.constant 0 : i32
      %scan3A_32 = arith.constant 8 : i32
      %scan3A_33 = arith.addi %scan3A_31, %scan3A_32 : i32
      %scan3A_34 = arith.constant 1 : i32
      scf.for %scan3A_36 = %scan3A_31 to %scan3A_33 step %scan3A_34  : i32 {
        %mul3A_37 = arith.constant 16 : i32
        %mul3A_38 = arith.muli %scan3A_36, %mul3A_37 : i32
        %add3A_39 = arith.constant 0 : i32
        %add3A_40 = arith.addi %add3A_39, %mul3A_38 : i32
        %swap3A = arith.index_cast %add3A_30 : i32 to index
        %swap3A_41 = arith.index_cast %add3A_40 : i32 to index
        %swap3A_42 = tpu.vector_load %arg9[%swap3A, %swap3A_41] {strides = array<i32>} : memref<128x128xf32, #tpu.memory_space<vmem>>, vector<1x16xf32>,
        %swap3A_43 = vector.shape_cast %swap3A_42 : vector<1x16xf32> to vector<1x16xf32>
        %swap3A_44 = vector.shape_cast %broadcast_in_dim3A_3 : vector<1x16xf32> to vector<1x16xf32>
        tpu.vector_store %arg9[%swap3A, %swap3A_41], %swap3A_44 {strides = array<i32>} : memref<128x128xf32, #tpu.memory_space<vmem>>, vector<1x16xf32>,
      }
      %scan3A_35 = arith.constant 8 : i32
    }
    %scan3A_9 = arith.constant 128 : i32
    %scan3A_10 = arith.constant 0 : i32
    %scan3A_11 = arith.constant 5 : i32
    %scan3A_12 = arith.addi %scan3A_10, %scan3A_11 : i32
    %scan3A_13 = arith.constant 1 : i32
    scf.for %scan3A_26 = %scan3A_10 to %scan3A_12 step %scan3A_13  : i32 {
      %mul3A_27 = arith.constant 128 : i32
      %mul3A_28 = arith.muli %scan3A_26, %mul3A_27 : i32
      %add3A_29 = arith.constant 0 : i32
      %add3A_30 = arith.addi %add3A_29, %mul3A_28 : i32
      %mul3A_31 = arith.constant 640 : i32
      %mul3A_32 = arith.muli %arg1, %mul3A_31 : i32
      %add3A_33 = arith.addi %mul3A_32, %add3A_30 : i32
      %multiple_of3A_34 = tpu.assume_multiple %add3A_33, 8 : i32
      "tpu.region"() ({
        %run_scoped3A = tpu.sem_alloc : memref<!tpu.dma_semaphore, #tpu.memory_space<semaphore_mem>>
        %dma_start3A = arith.constant 0 : i32
        %dma_start3A_35 = tpu.memref_slice %arg10[%multiple_of3A_34, %dma_start3A] : memref<10240x128xf32, #tpu.memory_space<vmem_shared>> -> memref<128x128xf32, #tpu.memory_space<vmem_shared>>
        %dma_start3A_36 = arith.constant 0 : i32
        %dma_start3A_37 = tpu.memref_slice %arg10[%multiple_of3A_34, %dma_start3A_36] : memref<10240x128xf32, #tpu.memory_space<vmem_shared>> -> memref<128x128xf32, #tpu.memory_space<vmem_shared>>
        tpu.enqueue_dma source(%arg9 : memref<128x128xf32, #tpu.memory_space<vmem>>) target(%dma_start3A_37 : memref<128x128xf32, #tpu.memory_space<vmem_shared>>) target_semaphore(%run_scoped3A : memref<!tpu.dma_semaphore, #tpu.memory_space<semaphore_mem>>)
        %dma_wait3A = arith.constant 0 : i32
        %dma_wait3A_38 = tpu.memref_slice %arg10[%multiple_of3A_34, %dma_wait3A] : memref<10240x128xf32, #tpu.memory_space<vmem_shared>> -> memref<128x128xf32, #tpu.memory_space<vmem_shared>>
        %dma_wait3A_39 = arith.constant 0 : i32
        %dma_wait3A_40 = tpu.memref_slice %arg10[%multiple_of3A_34, %dma_wait3A_39] : memref<10240x128xf32, #tpu.memory_space<vmem_shared>> -> memref<128x128xf32, #tpu.memory_space<vmem_shared>>
        tpu.wait_dma2 semaphore(%run_scoped3A : memref<!tpu.dma_semaphore, #tpu.memory_space<semaphore_mem>>) src(%arg9 : memref<128x128xf32, #tpu.memory_space<vmem>>) dst(%dma_wait3A_40 : memref<128x128xf32, #tpu.memory_space<vmem_shared>>)
        tpu.yield
      }) : () -> ()
    }
    %scan3A_14 = arith.constant 5 : i32
    %barrier3A = arith.constant 0 : index
    tpu.barrier barrier_id(%barrier3A)
    %scan3A_15 = arith.constant 0 : i32
    %scan3A_16 = arith.constant 79 : i32
    %scan3A_17 = arith.addi %scan3A_15, %scan3A_16 : i32
    %scan3A_18 = arith.constant 1 : i32
    scf.for %scan3A_26 = %scan3A_15 to %scan3A_17 step %scan3A_18  : i32 {
      %mul3A_27 = arith.constant 1 : i32
      %mul3A_28 = arith.muli %scan3A_26, %mul3A_27 : i32
      %add3A_29 = arith.constant 0 : i32
      %add3A_30 = arith.addi %add3A_29, %mul3A_28 : i32
      %add3A_31 = arith.addi %mul3A_2, %add3A_30 : i32
      "tpu.region"() ({
        %run_scoped3A = tpu.sem_alloc : memref<!tpu.dma_semaphore, #tpu.memory_space<semaphore_mem>>
        %dma_start3A_41 = arith.constant 0 : i32
        %dma_start3A_42 = tpu.memref_slice %arg4[%add3A_31, %dma_start3A_41] : memref<2528x128xi32, #tpu.memory_space<hbm>> -> memref<1x128xi32, #tpu.memory_space<hbm>>
        %dma_start3A_43 = tpu.memref_squeeze %dma_start3A_42 : memref<1x128xi32, #tpu.memory_space<hbm>> -> memref<128xi32, #tpu.memory_space<hbm>>
        %dma_start3A_44 = arith.constant 0 : i32
        %dma_start3A_45 = tpu.memref_slice %arg4[%add3A_31, %dma_start3A_44] : memref<2528x128xi32, #tpu.memory_space<hbm>> -> memref<1x128xi32, #tpu.memory_space<hbm>>
        %dma_start3A_46 = tpu.memref_squeeze %dma_start3A_45 : memref<1x128xi32, #tpu.memory_space<hbm>> -> memref<128xi32, #tpu.memory_space<hbm>>
        tpu.enqueue_dma source(%dma_start3A_46 : memref<128xi32, #tpu.memory_space<hbm>>) target(%arg7 : memref<128xi32, #tpu.memory_space<vmem>>) target_semaphore(%run_scoped3A : memref<!tpu.dma_semaphore, #tpu.memory_space<semaphore_mem>>)
        %dma_wait3A_47 = arith.constant 0 : i32
        %dma_wait3A_48 = tpu.memref_slice %arg4[%add3A_31, %dma_wait3A_47] : memref<2528x128xi32, #tpu.memory_space<hbm>> -> memref<1x128xi32, #tpu.memory_space<hbm>>
        %dma_wait3A_49 = tpu.memref_squeeze %dma_wait3A_48 : memref<1x128xi32, #tpu.memory_space<hbm>> -> memref<128xi32, #tpu.memory_space<hbm>>
        %dma_wait3A_50 = arith.constant 0 : i32
        %dma_wait3A_51 = tpu.memref_slice %arg4[%add3A_31, %dma_wait3A_50] : memref<2528x128xi32, #tpu.memory_space<hbm>> -> memref<1x128xi32, #tpu.memory_space<hbm>>
        %dma_wait3A_52 = tpu.memref_squeeze %dma_wait3A_51 : memref<1x128xi32, #tpu.memory_space<hbm>> -> memref<128xi32, #tpu.memory_space<hbm>>
        tpu.wait_dma2 semaphore(%run_scoped3A : memref<!tpu.dma_semaphore, #tpu.memory_space<semaphore_mem>>) src(%dma_wait3A_52 : memref<128xi32, #tpu.memory_space<hbm>>) dst(%arg7 : memref<128xi32, #tpu.memory_space<vmem>>)
        tpu.yield
      }) : () -> ()
      %mul3A_32 = arith.constant 128 : i32
      %mul3A_33 = arith.muli %add3A_30, %mul3A_32 : i32
      %multiple_of3A_34 = tpu.assume_multiple %mul3A_33, 128 : i32
      %dma_start3A = tpu.memref_slice %arg6[%multiple_of3A_34] : memref<10112xi32, #tpu.memory_space<vmem>> -> memref<128xi32, #tpu.memory_space<vmem>>
      %dma_start3A_35 = arith.constant 0 : i32
      %dma_start3A_36 = arith.constant 0 : i32
      %dma_start3A_37 = tpu.memref_slice %arg2[%dma_start3A_35, %dma_start3A_36] : memref<10240x128xf32, #tpu.memory_space<hbm>> -> memref<10240x128xf32, #tpu.memory_space<hbm>>
      tpu.enqueue_indirect_dma source(%dma_start3A_37 : memref<10240x128xf32, #tpu.memory_space<hbm>>) target(%arg8 : memref<128x128xf32, #tpu.memory_space<vmem>>) offsets(%dma_start3A : memref<128xi32, #tpu.memory_space<vmem>>) semaphore(%arg11 : memref<!tpu.dma_semaphore, #tpu.memory_space<semaphore_mem>>)
      %dma_wait3A = tpu.memref_slice %arg6[%multiple_of3A_34] : memref<10112xi32, #tpu.memory_space<vmem>> -> memref<128xi32, #tpu.memory_space<vmem>>
      %dma_wait3A_38 = arith.constant 0 : i32
      %dma_wait3A_39 = arith.constant 0 : i32
      %dma_wait3A_40 = tpu.memref_slice %arg2[%dma_wait3A_38, %dma_wait3A_39] : memref<10240x128xf32, #tpu.memory_space<hbm>> -> memref<10240x128xf32, #tpu.memory_space<hbm>>
      tpu.wait_indirect_dma semaphore(%arg11 : memref<!tpu.dma_semaphore, #tpu.memory_space<semaphore_mem>>) src(%dma_wait3A_40 : memref<10240x128xf32, #tpu.memory_space<hbm>>) dst(%arg8 : memref<128x128xf32, #tpu.memory_space<vmem>>)
      "tpu.region"() ({
        %run_scoped3A = tpu.sem_alloc : memref<!tpu.dma_semaphore, #tpu.memory_space<semaphore_mem>>
        %dma_start3A_41 = arith.constant 0 : i32
        %dma_start3A_42 = arith.constant 0 : i32
        %dma_start3A_43 = tpu.memref_slice %arg10[%dma_start3A_41, %dma_start3A_42] : memref<10240x128xf32, #tpu.memory_space<vmem_shared>> -> memref<10240x128xf32, #tpu.memory_space<vmem_shared>>
        tpu.enqueue_indirect_dma source(%arg8 : memref<128x128xf32, #tpu.memory_space<vmem>>) target(%dma_start3A_43 : memref<10240x128xf32, #tpu.memory_space<vmem_shared>>) offsets(%arg7 : memref<128xi32, #tpu.memory_space<vmem>>) semaphore(%run_scoped3A : memref<!tpu.dma_semaphore, #tpu.memory_space<semaphore_mem>>) {add = true}
        %dma_wait3A_44 = arith.constant 0 : i32
        %dma_wait3A_45 = arith.constant 0 : i32
        %dma_wait3A_46 = tpu.memref_slice %arg10[%dma_wait3A_44, %dma_wait3A_45] : memref<10240x128xf32, #tpu.memory_space<vmem_shared>> -> memref<10240x128xf32, #tpu.memory_space<vmem_shared>>
        tpu.wait_indirect_dma semaphore(%run_scoped3A : memref<!tpu.dma_semaphore, #tpu.memory_space<semaphore_mem>>) src(%arg8 : memref<128x128xf32, #tpu.memory_space<vmem>>) dst(%dma_wait3A_46 : memref<10240x128xf32, #tpu.memory_space<vmem_shared>>)
        tpu.yield
      }) : () -> ()
    }
    %scan3A_19 = arith.constant 79 : i32
    %barrier3A_20 = arith.constant 0 : index
    tpu.barrier barrier_id(%barrier3A_20)
    %scan3A_21 = arith.constant 0 : i32
    %scan3A_22 = arith.constant 5 : i32
    %scan3A_23 = arith.addi %scan3A_21, %scan3A_22 : i32
    %scan3A_24 = arith.constant 1 : i32
    scf.for %scan3A_26 = %scan3A_21 to %scan3A_23 step %scan3A_24  : i32 {
      %mul3A_27 = arith.constant 128 : i32
      %mul3A_28 = arith.muli %scan3A_26, %mul3A_27 : i32
      %add3A_29 = arith.constant 0 : i32
      %add3A_30 = arith.addi %add3A_29, %mul3A_28 : i32
      %mul3A_31 = arith.constant 640 : i32
      %mul3A_32 = arith.muli %arg1, %mul3A_31 : i32
      %add3A_33 = arith.addi %mul3A_32, %add3A_30 : i32
      %multiple_of3A_34 = tpu.assume_multiple %add3A_33, 8 : i32
      "tpu.region"() ({
        %run_scoped3A = tpu.sem_alloc : memref<!tpu.dma_semaphore, #tpu.memory_space<semaphore_mem>>
        %dma_start3A = arith.constant 0 : i32
        %dma_start3A_35 = tpu.memref_slice %arg10[%multiple_of3A_34, %dma_start3A] : memref<10240x128xf32, #tpu.memory_space<vmem_shared>> -> memref<128x128xf32, #tpu.memory_space<vmem_shared>>
        %dma_start3A_36 = arith.constant 0 : i32
        %dma_start3A_37 = tpu.memref_slice %arg10[%multiple_of3A_34, %dma_start3A_36] : memref<10240x128xf32, #tpu.memory_space<vmem_shared>> -> memref<128x128xf32, #tpu.memory_space<vmem_shared>>
        tpu.enqueue_dma source(%dma_start3A_37 : memref<128x128xf32, #tpu.memory_space<vmem_shared>>) target(%arg9 : memref<128x128xf32, #tpu.memory_space<vmem>>) target_semaphore(%run_scoped3A : memref<!tpu.dma_semaphore, #tpu.memory_space<semaphore_mem>>)
        %dma_wait3A = arith.constant 0 : i32
        %dma_wait3A_38 = tpu.memref_slice %arg10[%multiple_of3A_34, %dma_wait3A] : memref<10240x128xf32, #tpu.memory_space<vmem_shared>> -> memref<128x128xf32, #tpu.memory_space<vmem_shared>>
        %dma_wait3A_39 = arith.constant 0 : i32
        %dma_wait3A_40 = tpu.memref_slice %arg10[%multiple_of3A_34, %dma_wait3A_39] : memref<10240x128xf32, #tpu.memory_space<vmem_shared>> -> memref<128x128xf32, #tpu.memory_space<vmem_shared>>
        tpu.wait_dma2 semaphore(%run_scoped3A : memref<!tpu.dma_semaphore, #tpu.memory_space<semaphore_mem>>) src(%dma_wait3A_40 : memref<128x128xf32, #tpu.memory_space<vmem_shared>>) dst(%arg9 : memref<128x128xf32, #tpu.memory_space<vmem>>)
        tpu.yield
      }) : () -> ()
      "tpu.region"() ({
        %run_scoped3A = tpu.sem_alloc : memref<!tpu.dma_semaphore, #tpu.memory_space<semaphore_mem>>
        %dma_start3A = arith.constant 0 : i32
        %dma_start3A_35 = tpu.memref_slice %arg5[%arg0, %multiple_of3A_34, %dma_start3A] : memref<2x10240x128xf32, #tpu.memory_space<hbm>> -> memref<1x128x128xf32, #tpu.memory_space<hbm>>
        %dma_start3A_36 = tpu.memref_squeeze %dma_start3A_35 : memref<1x128x128xf32, #tpu.memory_space<hbm>> -> memref<128x128xf32, #tpu.memory_space<hbm>>
        %dma_start3A_37 = arith.constant 0 : i32
        %dma_start3A_38 = tpu.memref_slice %arg5[%arg0, %multiple_of3A_34, %dma_start3A_37] : memref<2x10240x128xf32, #tpu.memory_space<hbm>> -> memref<1x128x128xf32, #tpu.memory_space<hbm>>
        %dma_start3A_39 = tpu.memref_squeeze %dma_start3A_38 : memref<1x128x128xf32, #tpu.memory_space<hbm>> -> memref<128x128xf32, #tpu.memory_space<hbm>>
        tpu.enqueue_dma source(%arg9 : memref<128x128xf32, #tpu.memory_space<vmem>>) target(%dma_start3A_39 : memref<128x128xf32, #tpu.memory_space<hbm>>) target_semaphore(%run_scoped3A : memref<!tpu.dma_semaphore, #tpu.memory_space<semaphore_mem>>)
        %dma_wait3A = arith.constant 0 : i32
        %dma_wait3A_40 = tpu.memref_slice %arg5[%arg0, %multiple_of3A_34, %dma_wait3A] : memref<2x10240x128xf32, #tpu.memory_space<hbm>> -> memref<1x128x128xf32, #tpu.memory_space<hbm>>
        %dma_wait3A_41 = tpu.memref_squeeze %dma_wait3A_40 : memref<1x128x128xf32, #tpu.memory_space<hbm>> -> memref<128x128xf32, #tpu.memory_space<hbm>>
        %dma_wait3A_42 = arith.constant 0 : i32
        %dma_wait3A_43 = tpu.memref_slice %arg5[%arg0, %multiple_of3A_34, %dma_wait3A_42] : memref<2x10240x128xf32, #tpu.memory_space<hbm>> -> memref<1x128x128xf32, #tpu.memory_space<hbm>>
        %dma_wait3A_44 = tpu.memref_squeeze %dma_wait3A_43 : memref<1x128x128xf32, #tpu.memory_space<hbm>> -> memref<128x128xf32, #tpu.memory_space<hbm>>
        tpu.wait_dma2 semaphore(%run_scoped3A : memref<!tpu.dma_semaphore, #tpu.memory_space<semaphore_mem>>) src(%arg9 : memref<128x128xf32, #tpu.memory_space<vmem>>) dst(%dma_wait3A_44 : memref<128x128xf32, #tpu.memory_space<hbm>>)
        tpu.yield
      }) : () -> ()
    }
    %scan3A_25 = arith.constant 5 : i32
    return
  }
}

module attributes {stable_mosaic.version = 14 : i64} {
  func.func @body(%arg0: memref<10000x128xf32, #tpu.memory_space<vmem>>, %arg1: memref<2x2x10240x1xf32, #tpu.memory_space<vmem>>, %arg2: memref<10240x128xf32, #tpu.memory_space<vmem>>, %arg3: memref<10000x1xf32, #tpu.memory_space<vmem>>, %arg4: memref<10000x1xf32, #tpu.memory_space<vmem>>) attributes {dimension_semantics = [], scalar_prefetch = 0 : i64, scratch_operands = 0 : i64, tpu.core_type = #tpu.core_type<tc>} {
    %get3A = arith.constant 0 : index
    %get3A_0 = arith.constant 0 : index
    %get3A_1 = arith.constant 0 : index
    %get3A_2 = arith.constant 0 : index
    %get3A_3 = vector.load %arg1[%get3A, %get3A_0, %get3A_1, %get3A_2] : memref<2x2x10240x1xf32, #tpu.memory_space<vmem>>, vector<1x1x10240x1xf32>
    %get3A_4 = vector.shape_cast %get3A_3 : vector<1x1x10240x1xf32> to vector<10240x1xf32>
    %get3A_5 = arith.constant 1 : index
    %get3A_6 = arith.constant 0 : index
    %get3A_7 = arith.constant 0 : index
    %get3A_8 = arith.constant 0 : index
    %get3A_9 = vector.load %arg1[%get3A_5, %get3A_6, %get3A_7, %get3A_8] : memref<2x2x10240x1xf32, #tpu.memory_space<vmem>>, vector<1x1x10240x1xf32>
    %get3A_10 = vector.shape_cast %get3A_9 : vector<1x1x10240x1xf32> to vector<10240x1xf32>
    %add3A = arith.addf %get3A_4, %get3A_10 : vector<10240x1xf32>
    %get3A_11 = arith.constant 0 : index
    %get3A_12 = arith.constant 1 : index
    %get3A_13 = arith.constant 0 : index
    %get3A_14 = arith.constant 0 : index
    %get3A_15 = vector.load %arg1[%get3A_11, %get3A_12, %get3A_13, %get3A_14] : memref<2x2x10240x1xf32, #tpu.memory_space<vmem>>, vector<1x1x10240x1xf32>
    %get3A_16 = vector.shape_cast %get3A_15 : vector<1x1x10240x1xf32> to vector<10240x1xf32>
    %get3A_17 = arith.constant 1 : index
    %get3A_18 = arith.constant 1 : index
    %get3A_19 = arith.constant 0 : index
    %get3A_20 = arith.constant 0 : index
    %get3A_21 = vector.load %arg1[%get3A_17, %get3A_18, %get3A_19, %get3A_20] : memref<2x2x10240x1xf32, #tpu.memory_space<vmem>>, vector<1x1x10240x1xf32>
    %get3A_22 = vector.shape_cast %get3A_21 : vector<1x1x10240x1xf32> to vector<10240x1xf32>
    %add3A_23 = arith.addf %get3A_16, %get3A_22 : vector<10240x1xf32>
    %max3A = arith.constant 1.000000e+00 : f32
    %max3A_24 = vector.broadcast %max3A : f32 to vector<10240x1xf32>
    %max3A_25 = arith.maximumf %add3A, %max3A_24 : vector<10240x1xf32>
    %rsqrt3A = math.rsqrt %max3A_25 : vector<10240x1xf32>
    %slice3A = vector.extract_strided_slice %rsqrt3A {offsets = [0, 0], sizes = [10000, 1], strides = [1, 1]} : vector<10240x1xf32> to vector<10000x1xf32>
    %max3A_26 = arith.constant 1.000000e+00 : f32
    %max3A_27 = vector.broadcast %max3A_26 : f32 to vector<10240x1xf32>
    %max3A_28 = arith.maximumf %add3A_23, %max3A_27 : vector<10240x1xf32>
    %rsqrt3A_29 = math.rsqrt %max3A_28 : vector<10240x1xf32>
    %slice3A_30 = vector.extract_strided_slice %rsqrt3A_29 {offsets = [0, 0], sizes = [10000, 1], strides = [1, 1]} : vector<10240x1xf32> to vector<10000x1xf32>
    %swap3A = arith.constant 0 : index
    %swap3A_31 = arith.constant 0 : index
    %swap3A_32 = vector.load %arg3[%swap3A, %swap3A_31] : memref<10000x1xf32, #tpu.memory_space<vmem>>, vector<10000x1xf32>
    tpu.vector_store %arg3[%swap3A, %swap3A_31], %slice3A {strides = array<i32>} : memref<10000x1xf32, #tpu.memory_space<vmem>>, vector<10000x1xf32>,
    %swap3A_33 = arith.constant 0 : index
    %swap3A_34 = arith.constant 0 : index
    %swap3A_35 = vector.load %arg4[%swap3A_33, %swap3A_34] : memref<10000x1xf32, #tpu.memory_space<vmem>>, vector<10000x1xf32>
    tpu.vector_store %arg4[%swap3A_33, %swap3A_34], %slice3A_30 {strides = array<i32>} : memref<10000x1xf32, #tpu.memory_space<vmem>>, vector<10000x1xf32>,
    %get3A_36 = arith.constant 0 : index
    %get3A_37 = arith.constant 0 : index
    %get3A_38 = vector.load %arg0[%get3A_36, %get3A_37] : memref<10000x128xf32, #tpu.memory_space<vmem>>, vector<10000x128xf32>
    %mul3A = vector.broadcast %slice3A : vector<10000x1xf32> to vector<10000x128xf32>
    %mul3A_39 = arith.mulf %get3A_38, %mul3A : vector<10000x128xf32>
    %swap3A_40 = arith.constant 0 : index
    %swap3A_41 = arith.constant 0 : index
    %swap3A_42 = vector.load %arg2[%swap3A_40, %swap3A_41] : memref<10240x128xf32, #tpu.memory_space<vmem>>, vector<10000x128xf32>
    tpu.vector_store %arg2[%swap3A_40, %swap3A_41], %mul3A_39 {strides = array<i32>} : memref<10240x128xf32, #tpu.memory_space<vmem>>, vector<10000x128xf32>,
    return
  }
}

module attributes {stable_mosaic.version = 14 : i64} {
  func.func @body(%arg0: i32, %arg1: memref<2x1000x128xf32, #tpu.memory_space<vmem>>, %arg2: memref<1000x1xf32, #tpu.memory_space<vmem>>, %arg3: memref<128x1024xf32, #tpu.memory_space<vmem>>, %arg4: memref<1x1024xf32, #tpu.memory_space<vmem>>, %arg5: memref<1000x1xf32, #tpu.memory_space<vmem>>, %arg6: memref<4x1024x128xf32, #tpu.memory_space<vmem>>, %arg7: memref<1000x128xf32, #tpu.memory_space<vmem>>, %arg8: memref<1000x128xf32, #tpu.memory_space<vmem>>, %arg9: memref<1000x128xf32, #tpu.memory_space<vmem>>, %arg10: memref<1000x128xf32, #tpu.memory_space<vmem>>) attributes {dimension_semantics = [#tpu.dimension_semantics<arbitrary>], iteration_bounds = array<i64: 10>, scalar_prefetch = 0 : i64, scratch_operands = 0 : i64, tpu.core_type = #tpu.core_type<tc>, window_params = [{transform_indices = @transform_0, window_bounds = array<i64: 2, 1000, 128>}, {transform_indices = @transform_1, window_bounds = array<i64: 1000, 1>}, {pipeline_mode = #tpu.pipeline_mode<synchronous>, transform_indices = @transform_2, window_bounds = array<i64: 128, 1024>}, {pipeline_mode = #tpu.pipeline_mode<synchronous>, transform_indices = @transform_3, window_bounds = array<i64: 1, 1024>}, {transform_indices = @transform_4, window_bounds = array<i64: 1000, 1>}, {pipeline_mode = #tpu.pipeline_mode<synchronous>, transform_indices = @transform_5, window_bounds = array<i64: 4, 1024, 128>}, {transform_indices = @transform_6, window_bounds = array<i64: 1000, 128>}, {transform_indices = @transform_7, window_bounds = array<i64: 1000, 128>}, {transform_indices = @transform_8, window_bounds = array<i64: 1000, 128>}, {transform_indices = @transform_9, window_bounds = array<i64: 1000, 128>}]} {
    %get3A = arith.constant 0 : index
    %get3A_0 = arith.constant 0 : index
    %get3A_1 = arith.constant 0 : index
    %get3A_2 = vector.load %arg1[%get3A, %get3A_0, %get3A_1] : memref<2x1000x128xf32, #tpu.memory_space<vmem>>, vector<1x1000x128xf32>
    %get3A_3 = vector.shape_cast %get3A_2 : vector<1x1000x128xf32> to vector<1000x128xf32>
    %get3A_4 = arith.constant 1 : index
    %get3A_5 = arith.constant 0 : index
    %get3A_6 = arith.constant 0 : index
    %get3A_7 = vector.load %arg1[%get3A_4, %get3A_5, %get3A_6] : memref<2x1000x128xf32, #tpu.memory_space<vmem>>, vector<1x1000x128xf32>
    %get3A_8 = vector.shape_cast %get3A_7 : vector<1x1000x128xf32> to vector<1000x128xf32>
    %add3A = arith.addf %get3A_3, %get3A_8 : vector<1000x128xf32>
    %get3A_9 = arith.constant 0 : index
    %get3A_10 = arith.constant 0 : index
    %get3A_11 = vector.load %arg2[%get3A_9, %get3A_10] : memref<1000x1xf32, #tpu.memory_space<vmem>>, vector<1000x1xf32>
    %mul3A = vector.broadcast %get3A_11 : vector<1000x1xf32> to vector<1000x128xf32>
    %mul3A_12 = arith.mulf %add3A, %mul3A : vector<1000x128xf32>
    %get3A_13 = arith.constant 0 : index
    %get3A_14 = arith.constant 0 : index
    %get3A_15 = vector.load %arg3[%get3A_13, %get3A_14] : memref<128x1024xf32, #tpu.memory_space<vmem>>, vector<128x1024xf32>
    %dot_general3A = arith.constant dense<0.000000e+00> : vector<1000x1024xf32>
    %dot_general3A_16 = tpu.matmul %mul3A_12, %get3A_15, %dot_general3A {dimension_numbers = #tpu.dot_dimension_numbers<[1], [0], [0], [1], [0, 0, 1, 1], [], []>, precision = #tpu.contract_precision<fp32>, transpose_lhs_hint = false} : vector<1000x128xf32>, vector<128x1024xf32>, vector<1000x1024xf32> -> vector<1000x1024xf32>
    %get3A_17 = arith.constant 0 : index
    %get3A_18 = arith.constant 0 : index
    %get3A_19 = vector.load %arg4[%get3A_17, %get3A_18] : memref<1x1024xf32, #tpu.memory_space<vmem>>, vector<1x1024xf32>
    %add3A_20 = vector.broadcast %get3A_19 : vector<1x1024xf32> to vector<1000x1024xf32>
    %add3A_21 = arith.addf %dot_general3A_16, %add3A_20 : vector<1000x1024xf32>
    %max3A = arith.constant 0.000000e+00 : f32
    %max3A_22 = vector.broadcast %max3A : f32 to vector<1000x1024xf32>
    %max3A_23 = arith.maximumf %add3A_21, %max3A_22 : vector<1000x1024xf32>
    %get3A_24 = arith.constant 0 : index
    %get3A_25 = arith.constant 0 : index
    %get3A_26 = vector.load %arg5[%get3A_24, %get3A_25] : memref<1000x1xf32, #tpu.memory_space<vmem>>, vector<1000x1xf32>
    %mul3A_27 = vector.broadcast %get3A_26 : vector<1000x1xf32> to vector<1000x1024xf32>
    %mul3A_28 = arith.mulf %max3A_23, %mul3A_27 : vector<1000x1024xf32>
    %get3A_29 = arith.constant 0 : index
    %get3A_30 = arith.constant 0 : index
    %get3A_31 = arith.constant 0 : index
    %get3A_32 = vector.load %arg6[%get3A_29, %get3A_30, %get3A_31] : memref<4x1024x128xf32, #tpu.memory_space<vmem>>, vector<1x1024x128xf32>
    %get3A_33 = vector.shape_cast %get3A_32 : vector<1x1024x128xf32> to vector<1024x128xf32>
    %dot_general3A_34 = arith.constant dense<0.000000e+00> : vector<1000x128xf32>
    %dot_general3A_35 = tpu.matmul %mul3A_28, %get3A_33, %dot_general3A_34 {dimension_numbers = #tpu.dot_dimension_numbers<[1], [0], [0], [1], [0, 0, 1, 1], [], []>, precision = #tpu.contract_precision<fp32>, transpose_lhs_hint = false} : vector<1000x1024xf32>, vector<1024x128xf32>, vector<1000x128xf32> -> vector<1000x128xf32>
    %swap3A = arith.constant 0 : index
    %swap3A_36 = arith.constant 0 : index
    %swap3A_37 = vector.load %arg7[%swap3A, %swap3A_36] : memref<1000x128xf32, #tpu.memory_space<vmem>>, vector<1000x128xf32>
    tpu.vector_store %arg7[%swap3A, %swap3A_36], %dot_general3A_35 {strides = array<i32>} : memref<1000x128xf32, #tpu.memory_space<vmem>>, vector<1000x128xf32>,
    %get3A_38 = arith.constant 1 : index
    %get3A_39 = arith.constant 0 : index
    %get3A_40 = arith.constant 0 : index
    %get3A_41 = vector.load %arg6[%get3A_38, %get3A_39, %get3A_40] : memref<4x1024x128xf32, #tpu.memory_space<vmem>>, vector<1x1024x128xf32>
    %get3A_42 = vector.shape_cast %get3A_41 : vector<1x1024x128xf32> to vector<1024x128xf32>
    %dot_general3A_43 = arith.constant dense<0.000000e+00> : vector<1000x128xf32>
    %dot_general3A_44 = tpu.matmul %mul3A_28, %get3A_42, %dot_general3A_43 {dimension_numbers = #tpu.dot_dimension_numbers<[1], [0], [0], [1], [0, 0, 1, 1], [], []>, precision = #tpu.contract_precision<fp32>, transpose_lhs_hint = false} : vector<1000x1024xf32>, vector<1024x128xf32>, vector<1000x128xf32> -> vector<1000x128xf32>
    %swap3A_45 = arith.constant 0 : index
    %swap3A_46 = arith.constant 0 : index
    %swap3A_47 = vector.load %arg8[%swap3A_45, %swap3A_46] : memref<1000x128xf32, #tpu.memory_space<vmem>>, vector<1000x128xf32>
    tpu.vector_store %arg8[%swap3A_45, %swap3A_46], %dot_general3A_44 {strides = array<i32>} : memref<1000x128xf32, #tpu.memory_space<vmem>>, vector<1000x128xf32>,
    %get3A_48 = arith.constant 2 : index
    %get3A_49 = arith.constant 0 : index
    %get3A_50 = arith.constant 0 : index
    %get3A_51 = vector.load %arg6[%get3A_48, %get3A_49, %get3A_50] : memref<4x1024x128xf32, #tpu.memory_space<vmem>>, vector<1x1024x128xf32>
    %get3A_52 = vector.shape_cast %get3A_51 : vector<1x1024x128xf32> to vector<1024x128xf32>
    %dot_general3A_53 = arith.constant dense<0.000000e+00> : vector<1000x128xf32>
    %dot_general3A_54 = tpu.matmul %mul3A_28, %get3A_52, %dot_general3A_53 {dimension_numbers = #tpu.dot_dimension_numbers<[1], [0], [0], [1], [0, 0, 1, 1], [], []>, precision = #tpu.contract_precision<fp32>, transpose_lhs_hint = false} : vector<1000x1024xf32>, vector<1024x128xf32>, vector<1000x128xf32> -> vector<1000x128xf32>
    %swap3A_55 = arith.constant 0 : index
    %swap3A_56 = arith.constant 0 : index
    %swap3A_57 = vector.load %arg9[%swap3A_55, %swap3A_56] : memref<1000x128xf32, #tpu.memory_space<vmem>>, vector<1000x128xf32>
    tpu.vector_store %arg9[%swap3A_55, %swap3A_56], %dot_general3A_54 {strides = array<i32>} : memref<1000x128xf32, #tpu.memory_space<vmem>>, vector<1000x128xf32>,
    %get3A_58 = arith.constant 3 : index
    %get3A_59 = arith.constant 0 : index
    %get3A_60 = arith.constant 0 : index
    %get3A_61 = vector.load %arg6[%get3A_58, %get3A_59, %get3A_60] : memref<4x1024x128xf32, #tpu.memory_space<vmem>>, vector<1x1024x128xf32>
    %get3A_62 = vector.shape_cast %get3A_61 : vector<1x1024x128xf32> to vector<1024x128xf32>
    %dot_general3A_63 = arith.constant dense<0.000000e+00> : vector<1000x128xf32>
    %dot_general3A_64 = tpu.matmul %mul3A_28, %get3A_62, %dot_general3A_63 {dimension_numbers = #tpu.dot_dimension_numbers<[1], [0], [0], [1], [0, 0, 1, 1], [], []>, precision = #tpu.contract_precision<fp32>, transpose_lhs_hint = false} : vector<1000x1024xf32>, vector<1024x128xf32>, vector<1000x128xf32> -> vector<1000x128xf32>
    %swap3A_65 = arith.constant 0 : index
    %swap3A_66 = arith.constant 0 : index
    %swap3A_67 = vector.load %arg10[%swap3A_65, %swap3A_66] : memref<1000x128xf32, #tpu.memory_space<vmem>>, vector<1000x128xf32>
    tpu.vector_store %arg10[%swap3A_65, %swap3A_66], %dot_general3A_64 {strides = array<i32>} : memref<1000x128xf32, #tpu.memory_space<vmem>>, vector<1000x128xf32>,
    return
  }
  func.func @transform_0(%arg0: i32) -> (i32, i32, i32) {
    %c0_i32 = arith.constant 0 : i32
    %c0_i32_0 = arith.constant 0 : i32
    %c0_i32_1 = arith.constant 0 : i32
    return %c0_i32, %arg0, %c0_i32_0 : i32, i32, i32
  }
  func.func @transform_1(%arg0: i32) -> (i32, i32) {
    %c0_i32 = arith.constant 0 : i32
    %c0_i32_0 = arith.constant 0 : i32
    return %arg0, %c0_i32 : i32, i32
  }
  func.func @transform_2(%arg0: i32) -> (i32, i32) {
    %c0_i32 = arith.constant 0 : i32
    %c0_i32_0 = arith.constant 0 : i32
    %c0_i32_1 = arith.constant 0 : i32
    return %c0_i32, %c0_i32_0 : i32, i32
  }
  func.func @transform_3(%arg0: i32) -> (i32, i32) {
    %c0_i32 = arith.constant 0 : i32
    %c0_i32_0 = arith.constant 0 : i32
    %c0_i32_1 = arith.constant 0 : i32
    return %c0_i32, %c0_i32_0 : i32, i32
  }
  func.func @transform_4(%arg0: i32) -> (i32, i32) {
    %c0_i32 = arith.constant 0 : i32
    %c0_i32_0 = arith.constant 0 : i32
    return %arg0, %c0_i32 : i32, i32
  }
  func.func @transform_5(%arg0: i32) -> (i32, i32, i32) {
    %c0_i32 = arith.constant 0 : i32
    %c0_i32_0 = arith.constant 0 : i32
    %c0_i32_1 = arith.constant 0 : i32
    %c0_i32_2 = arith.constant 0 : i32
    return %c0_i32, %c0_i32_0, %c0_i32_1 : i32, i32, i32
  }
  func.func @transform_6(%arg0: i32) -> (i32, i32) {
    %c0_i32 = arith.constant 0 : i32
    %c0_i32_0 = arith.constant 0 : i32
    return %arg0, %c0_i32 : i32, i32
  }
  func.func @transform_7(%arg0: i32) -> (i32, i32) {
    %c0_i32 = arith.constant 0 : i32
    %c0_i32_0 = arith.constant 0 : i32
    return %arg0, %c0_i32 : i32, i32
  }
  func.func @transform_8(%arg0: i32) -> (i32, i32) {
    %c0_i32 = arith.constant 0 : i32
    %c0_i32_0 = arith.constant 0 : i32
    return %arg0, %c0_i32 : i32, i32
  }
  func.func @transform_9(%arg0: i32) -> (i32, i32) {
    %c0_i32 = arith.constant 0 : i32
    %c0_i32_0 = arith.constant 0 : i32
    return %arg0, %c0_i32 : i32, i32
  }
}

module attributes {stable_mosaic.version = 14 : i64} {
  func.func @body(%arg0: i32, %arg1: memref<2x1000x128xf32, #tpu.memory_space<vmem>>, %arg2: memref<2x1000x128xf32, #tpu.memory_space<vmem>>, %arg3: memref<2x1000x128xf32, #tpu.memory_space<vmem>>, %arg4: memref<2x1000x128xf32, #tpu.memory_space<vmem>>, %arg5: memref<1000x1xf32, #tpu.memory_space<vmem>>, %arg6: memref<1x512xf32, #tpu.memory_space<vmem>>, %arg7: memref<1000x1xf32, #tpu.memory_space<vmem>>, %arg8: memref<4x512x128xf32, #tpu.memory_space<vmem>>, %arg9: memref<1000x128xf32, #tpu.memory_space<vmem>>, %arg10: memref<1000x128xf32, #tpu.memory_space<vmem>>, %arg11: memref<1000x128xf32, #tpu.memory_space<vmem>>, %arg12: memref<1000x128xf32, #tpu.memory_space<vmem>>) attributes {dimension_semantics = [#tpu.dimension_semantics<arbitrary>], iteration_bounds = array<i64: 10>, scalar_prefetch = 0 : i64, scratch_operands = 0 : i64, tpu.core_type = #tpu.core_type<tc>, window_params = [{transform_indices = @transform_0, window_bounds = array<i64: 2, 1000, 128>}, {transform_indices = @transform_1, window_bounds = array<i64: 2, 1000, 128>}, {transform_indices = @transform_2, window_bounds = array<i64: 2, 1000, 128>}, {transform_indices = @transform_3, window_bounds = array<i64: 2, 1000, 128>}, {transform_indices = @transform_4, window_bounds = array<i64: 1000, 1>}, {pipeline_mode = #tpu.pipeline_mode<synchronous>, transform_indices = @transform_5, window_bounds = array<i64: 1, 512>}, {transform_indices = @transform_6, window_bounds = array<i64: 1000, 1>}, {pipeline_mode = #tpu.pipeline_mode<synchronous>, transform_indices = @transform_7, window_bounds = array<i64: 4, 512, 128>}, {transform_indices = @transform_8, window_bounds = array<i64: 1000, 128>}, {transform_indices = @transform_9, window_bounds = array<i64: 1000, 128>}, {transform_indices = @transform_10, window_bounds = array<i64: 1000, 128>}, {transform_indices = @transform_11, window_bounds = array<i64: 1000, 128>}]} {
    %get3A = arith.constant 0 : index
    %get3A_0 = arith.constant 0 : index
    %get3A_1 = arith.constant 0 : index
    %get3A_2 = vector.load %arg1[%get3A, %get3A_0, %get3A_1] : memref<2x1000x128xf32, #tpu.memory_space<vmem>>, vector<1x1000x128xf32>
    %get3A_3 = vector.shape_cast %get3A_2 : vector<1x1000x128xf32> to vector<1000x128xf32>
    %get3A_4 = arith.constant 1 : index
    %get3A_5 = arith.constant 0 : index
    %get3A_6 = arith.constant 0 : index
    %get3A_7 = vector.load %arg1[%get3A_4, %get3A_5, %get3A_6] : memref<2x1000x128xf32, #tpu.memory_space<vmem>>, vector<1x1000x128xf32>
    %get3A_8 = vector.shape_cast %get3A_7 : vector<1x1000x128xf32> to vector<1000x128xf32>
    %add3A = arith.addf %get3A_3, %get3A_8 : vector<1000x128xf32>
    %get3A_9 = arith.constant 0 : index
    %get3A_10 = arith.constant 0 : index
    %get3A_11 = arith.constant 0 : index
    %get3A_12 = vector.load %arg2[%get3A_9, %get3A_10, %get3A_11] : memref<2x1000x128xf32, #tpu.memory_space<vmem>>, vector<1x1000x128xf32>
    %get3A_13 = vector.shape_cast %get3A_12 : vector<1x1000x128xf32> to vector<1000x128xf32>
    %get3A_14 = arith.constant 1 : index
    %get3A_15 = arith.constant 0 : index
    %get3A_16 = arith.constant 0 : index
    %get3A_17 = vector.load %arg2[%get3A_14, %get3A_15, %get3A_16] : memref<2x1000x128xf32, #tpu.memory_space<vmem>>, vector<1x1000x128xf32>
    %get3A_18 = vector.shape_cast %get3A_17 : vector<1x1000x128xf32> to vector<1000x128xf32>
    %add3A_19 = arith.addf %get3A_13, %get3A_18 : vector<1000x128xf32>
    %get3A_20 = arith.constant 0 : index
    %get3A_21 = arith.constant 0 : index
    %get3A_22 = arith.constant 0 : index
    %get3A_23 = vector.load %arg3[%get3A_20, %get3A_21, %get3A_22] : memref<2x1000x128xf32, #tpu.memory_space<vmem>>, vector<1x1000x128xf32>
    %get3A_24 = vector.shape_cast %get3A_23 : vector<1x1000x128xf32> to vector<1000x128xf32>
    %get3A_25 = arith.constant 1 : index
    %get3A_26 = arith.constant 0 : index
    %get3A_27 = arith.constant 0 : index
    %get3A_28 = vector.load %arg3[%get3A_25, %get3A_26, %get3A_27] : memref<2x1000x128xf32, #tpu.memory_space<vmem>>, vector<1x1000x128xf32>
    %get3A_29 = vector.shape_cast %get3A_28 : vector<1x1000x128xf32> to vector<1000x128xf32>
    %add3A_30 = arith.addf %get3A_24, %get3A_29 : vector<1000x128xf32>
    %get3A_31 = arith.constant 0 : index
    %get3A_32 = arith.constant 0 : index
    %get3A_33 = arith.constant 0 : index
    %get3A_34 = vector.load %arg4[%get3A_31, %get3A_32, %get3A_33] : memref<2x1000x128xf32, #tpu.memory_space<vmem>>, vector<1x1000x128xf32>
    %get3A_35 = vector.shape_cast %get3A_34 : vector<1x1000x128xf32> to vector<1000x128xf32>
    %get3A_36 = arith.constant 1 : index
    %get3A_37 = arith.constant 0 : index
    %get3A_38 = arith.constant 0 : index
    %get3A_39 = vector.load %arg4[%get3A_36, %get3A_37, %get3A_38] : memref<2x1000x128xf32, #tpu.memory_space<vmem>>, vector<1x1000x128xf32>
    %get3A_40 = vector.shape_cast %get3A_39 : vector<1x1000x128xf32> to vector<1000x128xf32>
    %add3A_41 = arith.addf %get3A_35, %get3A_40 : vector<1000x128xf32>
    %concatenate3A = tpu.concatenate %add3A, %add3A_19, %add3A_30, %add3A_41 in 1 : vector<1000x128xf32>, vector<1000x128xf32>, vector<1000x128xf32>, vector<1000x128xf32> -> vector<1000x512xf32>
    %get3A_42 = arith.constant 0 : index
    %get3A_43 = arith.constant 0 : index
    %get3A_44 = vector.load %arg5[%get3A_42, %get3A_43] : memref<1000x1xf32, #tpu.memory_space<vmem>>, vector<1000x1xf32>
    %mul3A = vector.broadcast %get3A_44 : vector<1000x1xf32> to vector<1000x512xf32>
    %mul3A_45 = arith.mulf %concatenate3A, %mul3A : vector<1000x512xf32>
    %get3A_46 = arith.constant 0 : index
    %get3A_47 = arith.constant 0 : index
    %get3A_48 = vector.load %arg6[%get3A_46, %get3A_47] : memref<1x512xf32, #tpu.memory_space<vmem>>, vector<1x512xf32>
    %add3A_49 = vector.broadcast %get3A_48 : vector<1x512xf32> to vector<1000x512xf32>
    %add3A_50 = arith.addf %mul3A_45, %add3A_49 : vector<1000x512xf32>
    %max3A = arith.constant 0.000000e+00 : f32
    %max3A_51 = vector.broadcast %max3A : f32 to vector<1000x512xf32>
    %max3A_52 = arith.maximumf %add3A_50, %max3A_51 : vector<1000x512xf32>
    %get3A_53 = arith.constant 0 : index
    %get3A_54 = arith.constant 0 : index
    %get3A_55 = vector.load %arg7[%get3A_53, %get3A_54] : memref<1000x1xf32, #tpu.memory_space<vmem>>, vector<1000x1xf32>
    %mul3A_56 = vector.broadcast %get3A_55 : vector<1000x1xf32> to vector<1000x512xf32>
    %mul3A_57 = arith.mulf %max3A_52, %mul3A_56 : vector<1000x512xf32>
    %get3A_58 = arith.constant 0 : index
    %get3A_59 = arith.constant 0 : index
    %get3A_60 = arith.constant 0 : index
    %get3A_61 = vector.load %arg8[%get3A_58, %get3A_59, %get3A_60] : memref<4x512x128xf32, #tpu.memory_space<vmem>>, vector<1x512x128xf32>
    %get3A_62 = vector.shape_cast %get3A_61 : vector<1x512x128xf32> to vector<512x128xf32>
    %dot_general3A = arith.constant dense<0.000000e+00> : vector<1000x128xf32>
    %dot_general3A_63 = tpu.matmul %mul3A_57, %get3A_62, %dot_general3A {dimension_numbers = #tpu.dot_dimension_numbers<[1], [0], [0], [1], [0, 0, 1, 1], [], []>, precision = #tpu.contract_precision<fp32>, transpose_lhs_hint = false} : vector<1000x512xf32>, vector<512x128xf32>, vector<1000x128xf32> -> vector<1000x128xf32>
    %swap3A = arith.constant 0 : index
    %swap3A_64 = arith.constant 0 : index
    %swap3A_65 = vector.load %arg9[%swap3A, %swap3A_64] : memref<1000x128xf32, #tpu.memory_space<vmem>>, vector<1000x128xf32>
    tpu.vector_store %arg9[%swap3A, %swap3A_64], %dot_general3A_63 {strides = array<i32>} : memref<1000x128xf32, #tpu.memory_space<vmem>>, vector<1000x128xf32>,
    %get3A_66 = arith.constant 1 : index
    %get3A_67 = arith.constant 0 : index
    %get3A_68 = arith.constant 0 : index
    %get3A_69 = vector.load %arg8[%get3A_66, %get3A_67, %get3A_68] : memref<4x512x128xf32, #tpu.memory_space<vmem>>, vector<1x512x128xf32>
    %get3A_70 = vector.shape_cast %get3A_69 : vector<1x512x128xf32> to vector<512x128xf32>
    %dot_general3A_71 = arith.constant dense<0.000000e+00> : vector<1000x128xf32>
    %dot_general3A_72 = tpu.matmul %mul3A_57, %get3A_70, %dot_general3A_71 {dimension_numbers = #tpu.dot_dimension_numbers<[1], [0], [0], [1], [0, 0, 1, 1], [], []>, precision = #tpu.contract_precision<fp32>, transpose_lhs_hint = false} : vector<1000x512xf32>, vector<512x128xf32>, vector<1000x128xf32> -> vector<1000x128xf32>
    %swap3A_73 = arith.constant 0 : index
    %swap3A_74 = arith.constant 0 : index
    %swap3A_75 = vector.load %arg10[%swap3A_73, %swap3A_74] : memref<1000x128xf32, #tpu.memory_space<vmem>>, vector<1000x128xf32>
    tpu.vector_store %arg10[%swap3A_73, %swap3A_74], %dot_general3A_72 {strides = array<i32>} : memref<1000x128xf32, #tpu.memory_space<vmem>>, vector<1000x128xf32>,
    %get3A_76 = arith.constant 2 : index
    %get3A_77 = arith.constant 0 : index
    %get3A_78 = arith.constant 0 : index
    %get3A_79 = vector.load %arg8[%get3A_76, %get3A_77, %get3A_78] : memref<4x512x128xf32, #tpu.memory_space<vmem>>, vector<1x512x128xf32>
    %get3A_80 = vector.shape_cast %get3A_79 : vector<1x512x128xf32> to vector<512x128xf32>
    %dot_general3A_81 = arith.constant dense<0.000000e+00> : vector<1000x128xf32>
    %dot_general3A_82 = tpu.matmul %mul3A_57, %get3A_80, %dot_general3A_81 {dimension_numbers = #tpu.dot_dimension_numbers<[1], [0], [0], [1], [0, 0, 1, 1], [], []>, precision = #tpu.contract_precision<fp32>, transpose_lhs_hint = false} : vector<1000x512xf32>, vector<512x128xf32>, vector<1000x128xf32> -> vector<1000x128xf32>
    %swap3A_83 = arith.constant 0 : index
    %swap3A_84 = arith.constant 0 : index
    %swap3A_85 = vector.load %arg11[%swap3A_83, %swap3A_84] : memref<1000x128xf32, #tpu.memory_space<vmem>>, vector<1000x128xf32>
    tpu.vector_store %arg11[%swap3A_83, %swap3A_84], %dot_general3A_82 {strides = array<i32>} : memref<1000x128xf32, #tpu.memory_space<vmem>>, vector<1000x128xf32>,
    %get3A_86 = arith.constant 3 : index
    %get3A_87 = arith.constant 0 : index
    %get3A_88 = arith.constant 0 : index
    %get3A_89 = vector.load %arg8[%get3A_86, %get3A_87, %get3A_88] : memref<4x512x128xf32, #tpu.memory_space<vmem>>, vector<1x512x128xf32>
    %get3A_90 = vector.shape_cast %get3A_89 : vector<1x512x128xf32> to vector<512x128xf32>
    %dot_general3A_91 = arith.constant dense<0.000000e+00> : vector<1000x128xf32>
    %dot_general3A_92 = tpu.matmul %mul3A_57, %get3A_90, %dot_general3A_91 {dimension_numbers = #tpu.dot_dimension_numbers<[1], [0], [0], [1], [0, 0, 1, 1], [], []>, precision = #tpu.contract_precision<fp32>, transpose_lhs_hint = false} : vector<1000x512xf32>, vector<512x128xf32>, vector<1000x128xf32> -> vector<1000x128xf32>
    %swap3A_93 = arith.constant 0 : index
    %swap3A_94 = arith.constant 0 : index
    %swap3A_95 = vector.load %arg12[%swap3A_93, %swap3A_94] : memref<1000x128xf32, #tpu.memory_space<vmem>>, vector<1000x128xf32>
    tpu.vector_store %arg12[%swap3A_93, %swap3A_94], %dot_general3A_92 {strides = array<i32>} : memref<1000x128xf32, #tpu.memory_space<vmem>>, vector<1000x128xf32>,
    return
  }
  func.func @transform_0(%arg0: i32) -> (i32, i32, i32) {
    %c0_i32 = arith.constant 0 : i32
    %c0_i32_0 = arith.constant 0 : i32
    %c0_i32_1 = arith.constant 0 : i32
    return %c0_i32, %arg0, %c0_i32_0 : i32, i32, i32
  }
  func.func @transform_1(%arg0: i32) -> (i32, i32, i32) {
    %c0_i32 = arith.constant 0 : i32
    %c0_i32_0 = arith.constant 0 : i32
    %c0_i32_1 = arith.constant 0 : i32
    return %c0_i32, %arg0, %c0_i32_0 : i32, i32, i32
  }
  func.func @transform_2(%arg0: i32) -> (i32, i32, i32) {
    %c0_i32 = arith.constant 0 : i32
    %c0_i32_0 = arith.constant 0 : i32
    %c0_i32_1 = arith.constant 0 : i32
    return %c0_i32, %arg0, %c0_i32_0 : i32, i32, i32
  }
  func.func @transform_3(%arg0: i32) -> (i32, i32, i32) {
    %c0_i32 = arith.constant 0 : i32
    %c0_i32_0 = arith.constant 0 : i32
    %c0_i32_1 = arith.constant 0 : i32
    return %c0_i32, %arg0, %c0_i32_0 : i32, i32, i32
  }
  func.func @transform_4(%arg0: i32) -> (i32, i32) {
    %c0_i32 = arith.constant 0 : i32
    %c0_i32_0 = arith.constant 0 : i32
    return %arg0, %c0_i32 : i32, i32
  }
  func.func @transform_5(%arg0: i32) -> (i32, i32) {
    %c0_i32 = arith.constant 0 : i32
    %c0_i32_0 = arith.constant 0 : i32
    %c0_i32_1 = arith.constant 0 : i32
    return %c0_i32, %c0_i32_0 : i32, i32
  }
  func.func @transform_6(%arg0: i32) -> (i32, i32) {
    %c0_i32 = arith.constant 0 : i32
    %c0_i32_0 = arith.constant 0 : i32
    return %arg0, %c0_i32 : i32, i32
  }
  func.func @transform_7(%arg0: i32) -> (i32, i32, i32) {
    %c0_i32 = arith.constant 0 : i32
    %c0_i32_0 = arith.constant 0 : i32
    %c0_i32_1 = arith.constant 0 : i32
    %c0_i32_2 = arith.constant 0 : i32
    return %c0_i32, %c0_i32_0, %c0_i32_1 : i32, i32, i32
  }
  func.func @transform_8(%arg0: i32) -> (i32, i32) {
    %c0_i32 = arith.constant 0 : i32
    %c0_i32_0 = arith.constant 0 : i32
    return %arg0, %c0_i32 : i32, i32
  }
  func.func @transform_9(%arg0: i32) -> (i32, i32) {
    %c0_i32 = arith.constant 0 : i32
    %c0_i32_0 = arith.constant 0 : i32
    return %arg0, %c0_i32 : i32, i32
  }
  func.func @transform_10(%arg0: i32) -> (i32, i32) {
    %c0_i32 = arith.constant 0 : i32
    %c0_i32_0 = arith.constant 0 : i32
    return %arg0, %c0_i32 : i32, i32
  }
  func.func @transform_11(%arg0: i32) -> (i32, i32) {
    %c0_i32 = arith.constant 0 : i32
    %c0_i32_0 = arith.constant 0 : i32
    return %arg0, %c0_i32 : i32, i32
  }
}

module attributes {stable_mosaic.version = 14 : i64} {
  func.func @body(%arg0: i32, %arg1: memref<2x1000x128xf32, #tpu.memory_space<vmem>>, %arg2: memref<2x1000x128xf32, #tpu.memory_space<vmem>>, %arg3: memref<2x1000x128xf32, #tpu.memory_space<vmem>>, %arg4: memref<2x1000x128xf32, #tpu.memory_space<vmem>>, %arg5: memref<1000x1xf32, #tpu.memory_space<vmem>>, %arg6: memref<1x512xf32, #tpu.memory_space<vmem>>, %arg7: memref<1000x512xf32, #tpu.memory_space<vmem>>) attributes {dimension_semantics = [#tpu.dimension_semantics<arbitrary>], iteration_bounds = array<i64: 10>, scalar_prefetch = 0 : i64, scratch_operands = 0 : i64, tpu.core_type = #tpu.core_type<tc>, window_params = [{transform_indices = @transform_0, window_bounds = array<i64: 2, 1000, 128>}, {transform_indices = @transform_1, window_bounds = array<i64: 2, 1000, 128>}, {transform_indices = @transform_2, window_bounds = array<i64: 2, 1000, 128>}, {transform_indices = @transform_3, window_bounds = array<i64: 2, 1000, 128>}, {transform_indices = @transform_4, window_bounds = array<i64: 1000, 1>}, {pipeline_mode = #tpu.pipeline_mode<synchronous>, transform_indices = @transform_5, window_bounds = array<i64: 1, 512>}, {transform_indices = @transform_6, window_bounds = array<i64: 1000, 512>}]} {
    %get3A = arith.constant 0 : index
    %get3A_0 = arith.constant 0 : index
    %get3A_1 = arith.constant 0 : index
    %get3A_2 = vector.load %arg1[%get3A, %get3A_0, %get3A_1] : memref<2x1000x128xf32, #tpu.memory_space<vmem>>, vector<1x1000x128xf32>
    %get3A_3 = vector.shape_cast %get3A_2 : vector<1x1000x128xf32> to vector<1000x128xf32>
    %get3A_4 = arith.constant 1 : index
    %get3A_5 = arith.constant 0 : index
    %get3A_6 = arith.constant 0 : index
    %get3A_7 = vector.load %arg1[%get3A_4, %get3A_5, %get3A_6] : memref<2x1000x128xf32, #tpu.memory_space<vmem>>, vector<1x1000x128xf32>
    %get3A_8 = vector.shape_cast %get3A_7 : vector<1x1000x128xf32> to vector<1000x128xf32>
    %add3A = arith.addf %get3A_3, %get3A_8 : vector<1000x128xf32>
    %get3A_9 = arith.constant 0 : index
    %get3A_10 = arith.constant 0 : index
    %get3A_11 = arith.constant 0 : index
    %get3A_12 = vector.load %arg2[%get3A_9, %get3A_10, %get3A_11] : memref<2x1000x128xf32, #tpu.memory_space<vmem>>, vector<1x1000x128xf32>
    %get3A_13 = vector.shape_cast %get3A_12 : vector<1x1000x128xf32> to vector<1000x128xf32>
    %get3A_14 = arith.constant 1 : index
    %get3A_15 = arith.constant 0 : index
    %get3A_16 = arith.constant 0 : index
    %get3A_17 = vector.load %arg2[%get3A_14, %get3A_15, %get3A_16] : memref<2x1000x128xf32, #tpu.memory_space<vmem>>, vector<1x1000x128xf32>
    %get3A_18 = vector.shape_cast %get3A_17 : vector<1x1000x128xf32> to vector<1000x128xf32>
    %add3A_19 = arith.addf %get3A_13, %get3A_18 : vector<1000x128xf32>
    %get3A_20 = arith.constant 0 : index
    %get3A_21 = arith.constant 0 : index
    %get3A_22 = arith.constant 0 : index
    %get3A_23 = vector.load %arg3[%get3A_20, %get3A_21, %get3A_22] : memref<2x1000x128xf32, #tpu.memory_space<vmem>>, vector<1x1000x128xf32>
    %get3A_24 = vector.shape_cast %get3A_23 : vector<1x1000x128xf32> to vector<1000x128xf32>
    %get3A_25 = arith.constant 1 : index
    %get3A_26 = arith.constant 0 : index
    %get3A_27 = arith.constant 0 : index
    %get3A_28 = vector.load %arg3[%get3A_25, %get3A_26, %get3A_27] : memref<2x1000x128xf32, #tpu.memory_space<vmem>>, vector<1x1000x128xf32>
    %get3A_29 = vector.shape_cast %get3A_28 : vector<1x1000x128xf32> to vector<1000x128xf32>
    %add3A_30 = arith.addf %get3A_24, %get3A_29 : vector<1000x128xf32>
    %get3A_31 = arith.constant 0 : index
    %get3A_32 = arith.constant 0 : index
    %get3A_33 = arith.constant 0 : index
    %get3A_34 = vector.load %arg4[%get3A_31, %get3A_32, %get3A_33] : memref<2x1000x128xf32, #tpu.memory_space<vmem>>, vector<1x1000x128xf32>
    %get3A_35 = vector.shape_cast %get3A_34 : vector<1x1000x128xf32> to vector<1000x128xf32>
    %get3A_36 = arith.constant 1 : index
    %get3A_37 = arith.constant 0 : index
    %get3A_38 = arith.constant 0 : index
    %get3A_39 = vector.load %arg4[%get3A_36, %get3A_37, %get3A_38] : memref<2x1000x128xf32, #tpu.memory_space<vmem>>, vector<1x1000x128xf32>
    %get3A_40 = vector.shape_cast %get3A_39 : vector<1x1000x128xf32> to vector<1000x128xf32>
    %add3A_41 = arith.addf %get3A_35, %get3A_40 : vector<1000x128xf32>
    %concatenate3A = tpu.concatenate %add3A, %add3A_19, %add3A_30, %add3A_41 in 1 : vector<1000x128xf32>, vector<1000x128xf32>, vector<1000x128xf32>, vector<1000x128xf32> -> vector<1000x512xf32>
    %get3A_42 = arith.constant 0 : index
    %get3A_43 = arith.constant 0 : index
    %get3A_44 = vector.load %arg5[%get3A_42, %get3A_43] : memref<1000x1xf32, #tpu.memory_space<vmem>>, vector<1000x1xf32>
    %mul3A = vector.broadcast %get3A_44 : vector<1000x1xf32> to vector<1000x512xf32>
    %mul3A_45 = arith.mulf %concatenate3A, %mul3A : vector<1000x512xf32>
    %get3A_46 = arith.constant 0 : index
    %get3A_47 = arith.constant 0 : index
    %get3A_48 = vector.load %arg6[%get3A_46, %get3A_47] : memref<1x512xf32, #tpu.memory_space<vmem>>, vector<1x512xf32>
    %add3A_49 = vector.broadcast %get3A_48 : vector<1x512xf32> to vector<1000x512xf32>
    %add3A_50 = arith.addf %mul3A_45, %add3A_49 : vector<1000x512xf32>
    %max3A = arith.constant 0.000000e+00 : f32
    %max3A_51 = vector.broadcast %max3A : f32 to vector<1000x512xf32>
    %max3A_52 = arith.maximumf %add3A_50, %max3A_51 : vector<1000x512xf32>
    %swap3A = arith.constant 0 : index
    %swap3A_53 = arith.constant 0 : index
    %swap3A_54 = vector.load %arg7[%swap3A, %swap3A_53] : memref<1000x512xf32, #tpu.memory_space<vmem>>, vector<1000x512xf32>
    tpu.vector_store %arg7[%swap3A, %swap3A_53], %max3A_52 {strides = array<i32>} : memref<1000x512xf32, #tpu.memory_space<vmem>>, vector<1000x512xf32>,
    return
  }
  func.func @transform_0(%arg0: i32) -> (i32, i32, i32) {
    %c0_i32 = arith.constant 0 : i32
    %c0_i32_0 = arith.constant 0 : i32
    %c0_i32_1 = arith.constant 0 : i32
    return %c0_i32, %arg0, %c0_i32_0 : i32, i32, i32
  }
  func.func @transform_1(%arg0: i32) -> (i32, i32, i32) {
    %c0_i32 = arith.constant 0 : i32
    %c0_i32_0 = arith.constant 0 : i32
    %c0_i32_1 = arith.constant 0 : i32
    return %c0_i32, %arg0, %c0_i32_0 : i32, i32, i32
  }
  func.func @transform_2(%arg0: i32) -> (i32, i32, i32) {
    %c0_i32 = arith.constant 0 : i32
    %c0_i32_0 = arith.constant 0 : i32
    %c0_i32_1 = arith.constant 0 : i32
    return %c0_i32, %arg0, %c0_i32_0 : i32, i32, i32
  }
  func.func @transform_3(%arg0: i32) -> (i32, i32, i32) {
    %c0_i32 = arith.constant 0 : i32
    %c0_i32_0 = arith.constant 0 : i32
    %c0_i32_1 = arith.constant 0 : i32
    return %c0_i32, %arg0, %c0_i32_0 : i32, i32, i32
  }
  func.func @transform_4(%arg0: i32) -> (i32, i32) {
    %c0_i32 = arith.constant 0 : i32
    %c0_i32_0 = arith.constant 0 : i32
    return %arg0, %c0_i32 : i32, i32
  }
  func.func @transform_5(%arg0: i32) -> (i32, i32) {
    %c0_i32 = arith.constant 0 : i32
    %c0_i32_0 = arith.constant 0 : i32
    %c0_i32_1 = arith.constant 0 : i32
    return %c0_i32, %c0_i32_0 : i32, i32
  }
  func.func @transform_6(%arg0: i32) -> (i32, i32) {
    %c0_i32 = arith.constant 0 : i32
    %c0_i32_0 = arith.constant 0 : i32
    return %arg0, %c0_i32 : i32, i32
  }
}

</mosaic_0001>

<sc_bundles>
// kernel: gather_offload_async_start.1
scs
__scs_entry_jumppad:
0x0: {  	(pc) =	sbr.rel $0x88, $3  }
0x1: {  	(tag) =	ssettag $0x0;
	lr =	simm.s32 $0x1  }
0x2: {  	[smem:$0x3F99] =	sst lr;
	_ =	strace $0xD0000000  }
0x3: {  	_ = 	snop  }
0x4: {  	_ = 	snop  }
0x5: {  	_ = 	snop  }
0x6: {  	_ = 	snop  }
0x7: {  	_ = 	snop  }
__scs_overlays_trampoline_lowered:
0x8: {  	[smem:$0x3FA8] =	sst s0  }
0x9: {  	[smem:$0x3FA9] =	sst s1  }
0xa: {  	[smem:$0x3FAA] =	sst s2  }
0xb: {  	[smem:$0x3FAB] =	sst s3  }
0xc: {  	[smem:$0x3FAC] =	sst s4  }
0xd: {  	[smem:$0x3FAD] =	sst s5  }
0xe: {  	[smem:$0x3FAE] =	sst s6  }
0xf: {  	[smem:$0x3FAF] =	sst s7  }
0x10: {  	[smem:$0x3FB0] =	sst s8  }
0x11: {  	[smem:$0x3FB1] =	sst s9;
	s0 =	simm.s32 @!p0 $0x0  }
0x12: {  	s1 =	sld [smem:$0x3F97];
	s0 =	simm.s32 @p0 $0x1  }
0x13: {  	[smem:$0x3FB2] =	sst s0;
	s0 =	simm.s32 @!p1 $0x0  }
0x14: {  	s2 =	sld [smem:$0x3F96];
	s0 =	simm.s32 @p1 $0x1  }
0x15: {  	[smem:$0x3FB3] =	sst s0;
	s0 =	simm.s32 @!p2 $0x0  }
0x16: {  	s3 =	sld [smem:$0x3FDB];
	s0 =	simm.s32 @p2 $0x1  }
0x17: {  	s4 =	simm.s32 $0x1BF5;
	[smem:$0x3FB5] =	sst s0  }
0x18: {  	s0 =	sld [smem:$0x3F98];
	_ =	swait.ge [sflag:s4], $0x0  }
0x19: {  	s7 =	sld [smem:$0x3F99]  }
0x1a: {  	s8 =	sadd.s32 $0xFFFFE003, lr  }
0x1b: {  	s9 =	sadd.s32 $0xFFFFFEF7, lr;
	s5 =	simm.s32 $0xFFFFFFFF;
	p2 =	slt.u32 s8, $0xFFFFF086  }
0x1c: {  	p1 =	slt.u32 s9, $0xF7A;
	s5 =	simm.s32 @!p2 $0x0  }
0x1d: {  	s5 =	simm.s32 @p1 $0x1;
	p0 =	seq.s32 s7, s2  }
0x1e: {  	s7 =	smul.u32 @!p0 $0xF7A, s2;
	p2 =	seq.s32 @!p0 s5, $0x0  }
0x1f: {  	s9 =	smul.u32 $0xF7A, s1;
	s8 =	simm.s32 @!p0 $0x1BF5;
	p2 =	por !p2, p0  }
0x20: {  	[sflag:s8] =	ssyncset.s32 @!p0 $0xFFFFF086;
	s6 =	sadd.s32 @!p0 s3, s7;
	s7 =	simm.s32 @!p0 $0x108  }
0x21: {  	s3 =	sadd.s32 s3, s9;
	s6 =	sadd.s32 @!p0 $0x88, s6;
	s7 =	simm.s32 @p2 $0x1082  }
0x22: {  	[simem:s7], [sflag:s8] =	dma.local @!p0 [hbm:s6], $0xF7A  }
0x23: {  	s9 =	sor.u32 $0xD0000000, s2;
	s6 =	simm.s32 $0x108;
	_ =	swait.ge @!p0 [sflag:s8], $0x0  }
0x24: {  	s3 =	sadd.s32 $0x88, s3;
	s6 =	simm.s32 @!p1 $0x1082;
	[sflag:s4] =	ssyncset.s32 $0xFFFFF086  }
0x25: {  	[simem:s6], [sflag:s4] =	dma.local [hbm:s3], $0xF7A  }
0x26: {  	[smem:$0x3F99] =	sst s1;
	(tag) =	ssettag s2;
	_ =	strace s9  }
0x27: {  	s1 =	sld [smem:$0x3FA9]  }
0x28: {  	s2 =	sld [smem:$0x3FAA]  }
0x29: {  	s4 =	sld [smem:$0x3FAC]  }
0x2a: {  	p0 =	seq.s32 s5, $0x0;
	s5 =	sld [smem:$0x3FAD]  }
0x2b: {  	s6 =	sld [smem:$0x3FAE]  }
0x2c: {  	s7 =	sld [smem:$0x3FAF]  }
0x2d: {  	s3 =	simm.s32 $0x108;
	s8 =	sld [smem:$0x3FB0]  }
0x2e: {  	s3 =	simm.s32 @!p0 $0x1082;
	s9 =	sld [smem:$0x3FB1]  }
0x2f: {  	lr =	sadd.s32 s0, s3;
	s0 =	sld [smem:$0x3FA8]  }
0x30: {  	s3 =	sld [smem:$0x3FAB]  }
0x31: {  	[smem:$0x3FB4] =	sst s10  }
0x32: {  	s10 =	sld [smem:$0x3FB2];
	_ =	sdelay $0x3  }
0x33: {  	p0 =	seq.s32 s10, $0x1;
	s10 =	sld [smem:$0x3FB4];
	_ =	sdelay $0x3  }
0x34: {  	[smem:$0x3FB4] =	sst s10  }
0x35: {  	s10 =	sld [smem:$0x3FB3];
	_ =	sdelay $0x3  }
0x36: {  	p1 =	seq.s32 s10, $0x1;
	s10 =	sld [smem:$0x3FB4];
	_ =	sdelay $0x3  }
0x37: {  	[smem:$0x3FB4] =	sst s10  }
0x38: {  	s10 =	sld [smem:$0x3FB5]  }
0x39: {  	_ = 	snop;
	(pc) =	sbr.ind lr, $3  }
0x3a: {  	_ = 	snop  }
0x3b: {  	_ = 	snop  }
0x3c: {  	p2 =	seq.s32 s10, $0x1;
	s10 =	sld [smem:$0x3FB4]  }
0x3d: {  	_ =	shalt  }
0x3e: {  	_ =	shalt  }
0x3f: {  	_ =	shalt  }
0x40: {  	_ =	shalt  }
0x41: {  	_ =	shalt  }
0x42: {  	_ =	shalt  }
0x43: {  	_ =	shalt  }
0x44: {  	_ =	shalt  }
0x45: {  	_ =	shalt  }
0x46: {  	_ =	shalt  }
0x47: {  	_ =	shalt  }
0x48: {  	_ =	shalt  }
0x49: {  	_ =	shalt  }
0x4a: {  	_ =	shalt  }
0x4b: {  	_ =	shalt  }
0x4c: {  	_ =	shalt  }
0x4d: {  	_ =	shalt  }
0x4e: {  	_ =	shalt  }
0x4f: {  	_ =	shalt  }
0x50: {  	_ =	shalt  }
0x51: {  	_ =	shalt  }
0x52: {  	_ =	shalt  }
0x53: {  	_ =	shalt  }
0x54: {  	_ =	shalt  }
0x55: {  	_ =	shalt  }
0x56: {  	_ =	shalt  }
0x57: {  	_ =	shalt  }
0x58: {  	_ =	shalt  }
0x59: {  	_ =	shalt  }
0x5a: {  	_ =	shalt  }
0x5b: {  	_ =	shalt  }
0x5c: {  	_ =	shalt  }
0x5d: {  	_ =	shalt  }
0x5e: {  	_ =	shalt  }
0x5f: {  	_ =	shalt  }
0x60: {  	_ =	shalt  }
0x61: {  	_ =	shalt  }
0x62: {  	_ =	shalt  }
0x63: {  	_ =	shalt  }
0x64: {  	_ =	shalt  }
0x65: {  	_ =	shalt  }
0x66: {  	_ =	shalt  }
0x67: {  	_ =	shalt  }
0x68: {  	_ =	shalt  }
0x69: {  	_ =	shalt  }
0x6a: {  	_ =	shalt  }
0x6b: {  	_ =	shalt  }
0x6c: {  	_ =	shalt  }
0x6d: {  	_ =	shalt  }
0x6e: {  	_ =	shalt  }
0x6f: {  	_ =	shalt  }
0x70: {  	_ =	shalt  }
0x71: {  	_ =	shalt  }
0x72: {  	_ =	shalt  }
0x73: {  	_ =	shalt  }
0x74: {  	_ =	shalt  }
0x75: {  	_ =	shalt  }
0x76: {  	_ =	shalt  }
0x77: {  	_ =	shalt  }
0x78: {  	_ =	shalt  }
0x79: {  	_ =	shalt  }
0x7a: {  	_ =	shalt  }
0x7b: {  	_ =	shalt  }
0x7c: {  	_ =	shalt  }
0x7d: {  	_ =	shalt  }
0x7e: {  	_ =	shalt  }
0x7f: {  	_ =	shalt  }
0x80: {  	_ =	shalt  }
0x81: {  	_ =	shalt  }
0x82: {  	_ =	shalt  }
0x83: {  	_ =	shalt  }
0x84: {  	_ =	shalt  }
0x85: {  	_ =	shalt  }
0x86: {  	_ =	shalt  }
0x87: {  	_ =	shalt  }
.Lfunc_end0:
.L_simem_size_0:
called_computation.1_lowered:
.L_overlay_start_0:
0x88: {  	s2 =	sld [smem:$0x3FD9]  }
0x89: {  	s3 =	sld [smem:$0x3FFE];
	_ =	sdelay $0x1  }
0x8a: {  	s1 =	srdreg.scid  }
0x8b: {  	s0 =	sand.u32 $0x1, s1  }
0x8c: {  	s17 =	sshll.u32 s0, $0xA;
	s2 =	sadd.s32 s3, s2  }
0x8d: {  	s2 =	sadd.s32 s2, s17  }
0x8e: {  	[smem:$0x3FC0] =	sst s2  }
0x8f: {  	_ = 	snop  }
0x90: {  	s2 =	sld [smem:$0x3FD0];
	(tm) =	ssettm $0x1  }
0x91: {  	s18 =	sld [smem:$0x3FFB];
	_ =	sdelay $0x3  }
0x92: {  	_ =	strace s18  }
0x93: {  	s3 =	sld [smem:$0x3FFC];
	_ =	sdelay $0x3  }
0x94: {  	_ =	strace s3  }
0x95: {  	s3 =	sld [smem:$0x3FFD];
	_ =	sdelay $0x3  }
0x96: {  	_ =	strace s3  }
0x97: {  	_ =	strace $0x8FFFFFFF  }
0x98: {  	s19 =	sld [smem:$0x3FDB];
	_ =	sdelay $0x1  }
0x99: {  	s4 =	simm.s32 $_scs_section_size  }
0x9a: {  	s5 =	simm.s32 $_size__tile_overlayer_lowered;
	s6 =	simm.s32 $_tile_overlayer_lowered  }
0x9b: {  	s22 =	simm.s32 $0x1BFF;
	s21 =	sshll.u32 s6, $0x1;
	s3 =	sadd.s32 s4, s19  }
0x9c: {  	s7 =	simm.s32 $0x0;
	s20 =	sshll.u32 s5, $0x1;
	s5 =	sadd.s32 s21, s3  }
0x9d: {  	[timem:s7], [sflag:s22] =	dma.local [hbm:s5], s20  }
0x9e: {  	_ =	swait.ge [sflag:s22], s20  }
0x9f: {  	s4 =	ssub.s32 $0x0, s20;
	[sflag:s22] =	ssyncset.done $0x0  }
0xa0: {  	[sflag:s22] =	ssyncadd.s32 s4;
	_ =	sdelay $0x1  }
0xa1: {  	s23 =	simm.s32 $0x1B8B  }
0xa2: {  	_ =	swait.ge [sflag:s23], $0x1  }
0xa3: {  	[sflag:s23] =	ssyncset.done $0x0  }
0xa4: {  	s25 =	simm.s32 $0x1B8E;
	s24 =	sld [smem:$0x3FFE];
	[sflag:s23] =	ssyncadd.s32 $0xFFFFFFFF  }
0xa5: {  	s26 =	simm.s32 $execute0_lowered;
	[smem:$0x3FD2] =	sst s25  }
0xa6: {  	s5 =	sshll.u32 s26, $0x1;
	_ =	strace $0x80000046;
	[dreg:$0x1] =	wrdreg $0xFFFFFFFF  }
0xa7: {  	s28 =	simm.s32 $_size_execute0_lowered;
	s3 =	sadd.s32 s3, s5;
	[dreg:$0x0] =	wrdreg $0x0  }
0xa8: {  	s5 =	sshll.u32 s28, $0x1;
	[dreg:$0x2] =	wrdreg s3  }
0xa9: {  	[dreg:$0x3] =	wrdreg s5  }
0xaa: {  	[dreg:$0x4] =	wrdreg $0xC0  }
0xab: {  	_ =	task [dreg:s7], $0x5FFFF  }
0xac: {  	[dreg:$0x1] =	wrdreg $0xFFFFFFFF  }
0xad: {  	[dreg:$0x0] =	wrdreg $0x60  }
0xae: {  	[dreg:$0x2] =	wrdreg s2  }
0xaf: {  	[dreg:$0x3] =	wrdreg s24  }
0xb0: {  	[dreg:$0x4] =	wrdreg $0xA  }
0xb1: {  	_ =	task.clear_ibuf [dreg:s7], $0x5FFFF;
	_ =	strace $0x90000046  }
0xb2: {  	s29 =	simm.s32 $0xA;
	_ =	strace $0x80000048  }
0xb3: {  	_ =	swait.ge [sflag:s29], $0x1  }
0xb4: {  	[sflag:s29] =	ssyncadd.s32 $0xFFFFFFFF  }
0xb5: {  	_ =	strace $0x90000048  }
0xb6: {  	_ =	sfence  }
0xb7: {  	s30 =	sld [smem:$0x0];
	_ =	sdelay $0x2  }
0xb8: {  	s31 =	sshll.u32 s1, $0xD;
	s1 =	sshrl.u32 s1, $0x2  }
0xb9: {  	s3 =	sand.u32 $0x4000, s31;
	s1 =	sadd.s32 s1, s30  }
0xba: {  	s0 =	sor.u32 s3, s0;
	s1 =	sshll.u32 s1, $0x11  }
0xbb: {  	s0 =	sor.u32 s1, s0  }
0xbc: {  	s0 =	sadd.s32 $0x8F2B, s0  }
0xbd: {  	[sflag:s0] =	ssyncadd.remote.s32 $0x1  }
0xbe: {  	_ =	sfence.sel $0xFFFF  }
0xbf: {  	[dreg:$0x0] =	wrdreg $0xFFFFFFFF;
	(pc) =	sbr.abs _section_cstart, $3  }
0xc0: {  	[dreg:$0x1] =	wrdreg $0xFFFFFFFF  }
0xc1: {  	_ =	task.clear_ibuf [dreg:s7], $0x2FFFF;
	_ =	strace $0x9FFFFFFF  }
0xc2: {  	(tm) =	ssettm $0x7FFFFFFF  }
0xc3: {  	_ =	shalt  }
tec
execute0_lowered:
.L_overlay_start_1:
0x0: {  	(tag) =	ssettag $0x1  }
0x1: {  	s0 =	srdreg.scid  }
0x2: {  	s1 =	sshll.u32 s0, $0x4  }
0x3: {  	s0 =	stileid.u32;
	s1 =	sand.u32 $0x10, s1  }
0x4: {  	s1 =	sor.u32 s0, s1  }
0x5: {  	s7 =	rddreg [dreg:$0x1];
	s2 =	smin.u32 s1, $0x1E;
	s3 =	sshll.u32 s1, $0x6  }
0x6: {  	p0 =	slt.u32 s1, $0x1E;
	s1 =	simm.s32 $0x50;
	s4 =	sshll.u32 s2, $0x4  }
0x7: {  	s8 =	simm.s32 $0x1;
	s1 =	simm.s32 @!p0 $0x40;
	s3 =	sadd.s32 s3, s4  }
0x8: {  	s30 =	simm.s32 $0x2;
	s31 =	simm.s32 $0x3;
	s4 =	sadd.s32 s1, s3  }
0x9: {  	s12 =	simm.s32 $0x0;
	s9 =	simm.s32 $0x0;
	s4 =	smin.u32 s4, $0x9E0  }
0xa: {  	s10 =	simm.s32 $0x0;
	s2 =	rddreg [dreg:$0x0];
	s6 =	ssub.s32 s4, s3  }
0xb: {  	s1 =	rddreg [dreg:$0x2];
	_ =	strace $0x80000047;
	p0 =	sgt.s32 s6, $0x0  }
0xc: {  	s5 =	sadd.s32 $0x5000, s7;
	[sflag:s8] =	ssyncpa.u1 $0x0;
	s6 =	simm.s32 @!p0 $0x0  }
0xd: {  	s7 =	sadd.s32 $0xF000, s7;
	[sflag:s30] =	ssyncpa.u1 $0x0;
	s6 =	sshrl.u32 s6, $0x4  }
0xe: {  	s11 =	smov.u32 s3;
	[sflag:s31] =	ssyncpa.u1 $0x0;
	s8 =	sadd.s32 $0x1, s6  }
.LBB2_1:
0xf: {  	p0 =	sge.u32 s10, s6  }
0x10: {  	s31 =	sadd.s32 $0xFFFFFFFF, s10;
	s13 =	sxor.u32 @!p0 $0xFFFFFFFF, s9;
	s14 =	sshrl.u32 @!p0 s11, $0x3  }
0x11: {  	s15 =	sand.u32 @!p0 $0x7, s11;
	s13 =	sand.u32 @!p0 $0x10, s13;
	s14 =	sadd.s32 @!p0 s5, s14  }
0x12: {  	[tilespmem:s13], [sflag:$0x2] =	stream.linear.gather @!p0 [hbm4b:s14+s15], $0x10, $0x38;
	[tilespmem:$0x1020] =	vst v63  }
0x13: {  	p0 =	sge.u32 s31, s6  }
0x14: {  	s13 =	simm.s32 @!p0 $0x2  }
0x15: {  	_ =	swait.ge @!p0 [sflag:s13], $0x10  }
0x16: {  	s14 =	sand.u32 @!p0 $0x1, s10;
	[sflag:s13] =	ssyncset.done @!p0 $0x0  }
0x17: {  	[sflag:s13] =	ssyncadd.s32 @!p0 $0xFFFFFFF0;
	s13 =	sshll.u32 @!p0 s14, $0x4  }
0x18: {  	v0 =	vld.msk @!p0 [tilespmem:s13+$0x0 ss:$0x1], $0xffff;
	_ =	sdelay $0x4  }
0x19: {  	vm0 =	vgt.s32 @!p0 v0, $0x0  }
0x1a: {  	v0 =	vnsel @!p0 vm0, $0x0, v0  }
0x1b: {  	v0 =	vmin.u32 @!p0 v0, $0x9DF  }
0x1c: {  	v0 =	vshll.u32 @!p0 v0, $0x4;
	_ =	sdelay $0x2  }
0x1d: {  	s13 =	sshll.u32 @!p0 s14, $0xB  }
0x1e: {  	s14 =	sor.u32 @!p0 $0x20, s13;
	vm0 =	vmmov @!p0 $0xff  }
0x1f: {  	[tilespmem:s14], [sflag:$0x1] =	stream.indirect_vreg.gather @!p0 [hbm:s2], $0x80, v0, vm0, $0x38;
	[tilespmem:$0x1020] =	vst v63  }
0x20: {  	s15 =	simm.s32 @!p0 $0x1;
	s13 =	sor.u32 @!p0 $0x420, s13;
	vm0 =	vcmask @!p0 $0x3F20  }
0x21: {  	[tilespmem:s13], [sflag:$0x1] =	stream.indirect_vreg.gather @!p0 [hbm:s2], $0x80, v0, vm0, $0x38;
	[tilespmem:$0x1020] =	vst v63  }
0x22: {  	_ =	swait.ge @!p0 [sflag:s15], $0x800  }
0x23: {  	s12 =	sshll.u32 @!p0 s12, $0x4;
	[sflag:s15] =	ssyncset.done @!p0 $0x0  }
0x24: {  	s12 =	sadd.s32 @!p0 s7, s12;
	[sflag:s15] =	ssyncadd.s32 @!p0 $0xFFFFF800  }
0x25: {  	[hbm:s12] =	stream.linear.scatter @!p0 [tilespmem:s14], [sflag:$0x3], $0x400, $0x38;
	[tilespmem:$0x1020] =	vst v63  }
0x26: {  	s12 =	sadd.s32 @!p0 $0x80, s12  }
0x27: {  	[hbm:s12] =	stream.linear.scatter @!p0 [tilespmem:s13], [sflag:$0x3], $0x400, $0x38;
	[tilespmem:$0x1020] =	vst v63  }
0x28: {  	s12 =	sadd.s32 $0x10, s11  }
0x29: {  	s14 =	smov.u32 s3;
	p1 =	slt.s32 s12, s4  }
0x2a: {  	s14 =	smov.u32 @p1 s12;
	p1 =	sne.s32 s10, s8  }
.Ltmp0:
0x2b: {  	p0 =	slt.u32 s10, $0x2;
	(pc) =	sbr.rel @p1 .LBB2_1-.Ltmp0, $4  }
0x2c: {  	s13 =	simm.s32 @!p0 $0x3  }
0x2d: {  	_ =	swait.ge @!p0 [sflag:s13], $0x800  }
0x2e: {  	s9 =	sadd.s32 $0x10, s9;
	s12 =	smov.u32 s11;
	[sflag:s13] =	ssyncset.done @!p0 $0x0  }
0x2f: {  	s10 =	sadd.s32 $0x1, s10;
	s11 =	smov.u32 s14;
	[sflag:s13] =	ssyncadd.s32 @!p0 $0xFFFFF800  }
0x30: {  	_ =	sfence.sel $0x180000  }
0x31: {  	s2 =	simm.s32 $0x2;
	[bflag:$0x0] =	sbarrier.arrive $0xFFFF  }
0x32: {  	s30 =	simm.s32 $0x3;
	[sflag:s2] =	ssyncpa.u1 $0x1  }
0x33: {  	s31 =	simm.s32 $0x1;
	[sflag:s30] =	ssyncpa.u1 $0x1  }
0x34: {  	[sflag:s31] =	ssyncpa.u1 $0x1  }
0x35: {  	p0 =	sne.s32 s0, $0x0;
	_ =	strace $0x90000047  }
0x36: {  	s0 =	sadd.s32 @!p0 $0x100000, s1;
	[bflag:$0x2] =	sbarrier.arrive $0xFFFF  }
0x37: {  	[sflag:s0] =	ssyncadd.tile.s32 @!p0 $0x1;
	_ =	shalt  }
.Lfunc_end2:
_tile_overlayer_lowered:
.L_overlay_start_2:
0x38: {  	(tag) =	ssettag $0x2  }
0x39: {  	s0 =	rddreg [dreg:$0x0];
	s2 =	stileid.u32  }
0x3a: {  	s1 =	rddreg [dreg:$0x1];
	p0 =	sne.s32 s2, $0x0  }
0x3b: {  	s3 =	rddreg [dreg:$0x2];
	[bflag:$0x3] =	sbarrier.arrive $0xFFFF;
	s2 =	simm.s32 @!p0 $0x1C01  }
0x3c: {  	[timem:s3], [sflag:s2] =	dma.local @!p0 [hbm:s0], s1  }
0x3d: {  	s0 =	simm.s32 @!p0 $0x1  }
0x3e: {  	_ =	swait.ge @!p0 [sflag:s0], s1  }
0x3f: {  	s1 =	ssub.s32 @!p0 $0x0, s1;
	[sflag:s0] =	ssyncset.done @!p0 $0x0  }
0x40: {  	[sflag:s0] =	ssyncadd.s32 @!p0 s1  }
0x41: {  	[bflag:$0x3] =	sbarrier.arrive $0xFFFF  }
0x42: {  	_ =	shalt  }

// kernel: gather_offload_async_start
scs
__scs_entry_jumppad:
0x0: {  	(pc) =	sbr.rel $0x88, $3  }
0x1: {  	(tag) =	ssettag $0x0;
	lr =	simm.s32 $0x1  }
0x2: {  	[smem:$0x3F99] =	sst lr;
	_ =	strace $0xD0000000  }
0x3: {  	_ = 	snop  }
0x4: {  	_ = 	snop  }
0x5: {  	_ = 	snop  }
0x6: {  	_ = 	snop  }
0x7: {  	_ = 	snop  }
__scs_overlays_trampoline_lowered:
0x8: {  	[smem:$0x3FA8] =	sst s0  }
0x9: {  	[smem:$0x3FA9] =	sst s1  }
0xa: {  	[smem:$0x3FAA] =	sst s2  }
0xb: {  	[smem:$0x3FAB] =	sst s3  }
0xc: {  	[smem:$0x3FAC] =	sst s4  }
0xd: {  	[smem:$0x3FAD] =	sst s5  }
0xe: {  	[smem:$0x3FAE] =	sst s6  }
0xf: {  	[smem:$0x3FAF] =	sst s7  }
0x10: {  	[smem:$0x3FB0] =	sst s8  }
0x11: {  	[smem:$0x3FB1] =	sst s9;
	s0 =	simm.s32 @!p0 $0x0  }
0x12: {  	s1 =	sld [smem:$0x3F97];
	s0 =	simm.s32 @p0 $0x1  }
0x13: {  	[smem:$0x3FB2] =	sst s0;
	s0 =	simm.s32 @!p1 $0x0  }
0x14: {  	s2 =	sld [smem:$0x3F96];
	s0 =	simm.s32 @p1 $0x1  }
0x15: {  	[smem:$0x3FB3] =	sst s0;
	s0 =	simm.s32 @!p2 $0x0  }
0x16: {  	s3 =	sld [smem:$0x3FDB];
	s0 =	simm.s32 @p2 $0x1  }
0x17: {  	s4 =	simm.s32 $0x1BF5;
	[smem:$0x3FB5] =	sst s0  }
0x18: {  	s0 =	sld [smem:$0x3F98];
	_ =	swait.ge [sflag:s4], $0x0  }
0x19: {  	s7 =	sld [smem:$0x3F99]  }
0x1a: {  	s8 =	sadd.s32 $0xFFFFE003, lr  }
0x1b: {  	s9 =	sadd.s32 $0xFFFFFEF7, lr;
	s5 =	simm.s32 $0xFFFFFFFF;
	p2 =	slt.u32 s8, $0xFFFFF086  }
0x1c: {  	p1 =	slt.u32 s9, $0xF7A;
	s5 =	simm.s32 @!p2 $0x0  }
0x1d: {  	s5 =	simm.s32 @p1 $0x1;
	p0 =	seq.s32 s7, s2  }
0x1e: {  	s7 =	smul.u32 @!p0 $0xF7A, s2;
	p2 =	seq.s32 @!p0 s5, $0x0  }
0x1f: {  	s9 =	smul.u32 $0xF7A, s1;
	s8 =	simm.s32 @!p0 $0x1BF5;
	p2 =	por !p2, p0  }
0x20: {  	[sflag:s8] =	ssyncset.s32 @!p0 $0xFFFFF086;
	s6 =	sadd.s32 @!p0 s3, s7;
	s7 =	simm.s32 @!p0 $0x108  }
0x21: {  	s3 =	sadd.s32 s3, s9;
	s6 =	sadd.s32 @!p0 $0x88, s6;
	s7 =	simm.s32 @p2 $0x1082  }
0x22: {  	[simem:s7], [sflag:s8] =	dma.local @!p0 [hbm:s6], $0xF7A  }
0x23: {  	s9 =	sor.u32 $0xD0000000, s2;
	s6 =	simm.s32 $0x108;
	_ =	swait.ge @!p0 [sflag:s8], $0x0  }
0x24: {  	s3 =	sadd.s32 $0x88, s3;
	s6 =	simm.s32 @!p1 $0x1082;
	[sflag:s4] =	ssyncset.s32 $0xFFFFF086  }
0x25: {  	[simem:s6], [sflag:s4] =	dma.local [hbm:s3], $0xF7A  }
0x26: {  	[smem:$0x3F99] =	sst s1;
	(tag) =	ssettag s2;
	_ =	strace s9  }
0x27: {  	s1 =	sld [smem:$0x3FA9]  }
0x28: {  	s2 =	sld [smem:$0x3FAA]  }
0x29: {  	s4 =	sld [smem:$0x3FAC]  }
0x2a: {  	p0 =	seq.s32 s5, $0x0;
	s5 =	sld [smem:$0x3FAD]  }
0x2b: {  	s6 =	sld [smem:$0x3FAE]  }
0x2c: {  	s7 =	sld [smem:$0x3FAF]  }
0x2d: {  	s3 =	simm.s32 $0x108;
	s8 =	sld [smem:$0x3FB0]  }
0x2e: {  	s3 =	simm.s32 @!p0 $0x1082;
	s9 =	sld [smem:$0x3FB1]  }
0x2f: {  	lr =	sadd.s32 s0, s3;
	s0 =	sld [smem:$0x3FA8]  }
0x30: {  	s3 =	sld [smem:$0x3FAB]  }
0x31: {  	[smem:$0x3FB4] =	sst s10  }
0x32: {  	s10 =	sld [smem:$0x3FB2];
	_ =	sdelay $0x3  }
0x33: {  	p0 =	seq.s32 s10, $0x1;
	s10 =	sld [smem:$0x3FB4];
	_ =	sdelay $0x3  }
0x34: {  	[smem:$0x3FB4] =	sst s10  }
0x35: {  	s10 =	sld [smem:$0x3FB3];
	_ =	sdelay $0x3  }
0x36: {  	p1 =	seq.s32 s10, $0x1;
	s10 =	sld [smem:$0x3FB4];
	_ =	sdelay $0x3  }
0x37: {  	[smem:$0x3FB4] =	sst s10  }
0x38: {  	s10 =	sld [smem:$0x3FB5]  }
0x39: {  	_ = 	snop;
	(pc) =	sbr.ind lr, $3  }
0x3a: {  	_ = 	snop  }
0x3b: {  	_ = 	snop  }
0x3c: {  	p2 =	seq.s32 s10, $0x1;
	s10 =	sld [smem:$0x3FB4]  }
0x3d: {  	_ =	shalt  }
0x3e: {  	_ =	shalt  }
0x3f: {  	_ =	shalt  }
0x40: {  	_ =	shalt  }
0x41: {  	_ =	shalt  }
0x42: {  	_ =	shalt  }
0x43: {  	_ =	shalt  }
0x44: {  	_ =	shalt  }
0x45: {  	_ =	shalt  }
0x46: {  	_ =	shalt  }
0x47: {  	_ =	shalt  }
0x48: {  	_ =	shalt  }
0x49: {  	_ =	shalt  }
0x4a: {  	_ =	shalt  }
0x4b: {  	_ =	shalt  }
0x4c: {  	_ =	shalt  }
0x4d: {  	_ =	shalt  }
0x4e: {  	_ =	shalt  }
0x4f: {  	_ =	shalt  }
0x50: {  	_ =	shalt  }
0x51: {  	_ =	shalt  }
0x52: {  	_ =	shalt  }
0x53: {  	_ =	shalt  }
0x54: {  	_ =	shalt  }
0x55: {  	_ =	shalt  }
0x56: {  	_ =	shalt  }
0x57: {  	_ =	shalt  }
0x58: {  	_ =	shalt  }
0x59: {  	_ =	shalt  }
0x5a: {  	_ =	shalt  }
0x5b: {  	_ =	shalt  }
0x5c: {  	_ =	shalt  }
0x5d: {  	_ =	shalt  }
0x5e: {  	_ =	shalt  }
0x5f: {  	_ =	shalt  }
0x60: {  	_ =	shalt  }
0x61: {  	_ =	shalt  }
0x62: {  	_ =	shalt  }
0x63: {  	_ =	shalt  }
0x64: {  	_ =	shalt  }
0x65: {  	_ =	shalt  }
0x66: {  	_ =	shalt  }
0x67: {  	_ =	shalt  }
0x68: {  	_ =	shalt  }
0x69: {  	_ =	shalt  }
0x6a: {  	_ =	shalt  }
0x6b: {  	_ =	shalt  }
0x6c: {  	_ =	shalt  }
0x6d: {  	_ =	shalt  }
0x6e: {  	_ =	shalt  }
0x6f: {  	_ =	shalt  }
0x70: {  	_ =	shalt  }
0x71: {  	_ =	shalt  }
0x72: {  	_ =	shalt  }
0x73: {  	_ =	shalt  }
0x74: {  	_ =	shalt  }
0x75: {  	_ =	shalt  }
0x76: {  	_ =	shalt  }
0x77: {  	_ =	shalt  }
0x78: {  	_ =	shalt  }
0x79: {  	_ =	shalt  }
0x7a: {  	_ =	shalt  }
0x7b: {  	_ =	shalt  }
0x7c: {  	_ =	shalt  }
0x7d: {  	_ =	shalt  }
0x7e: {  	_ =	shalt  }
0x7f: {  	_ =	shalt  }
0x80: {  	_ =	shalt  }
0x81: {  	_ =	shalt  }
0x82: {  	_ =	shalt  }
0x83: {  	_ =	shalt  }
0x84: {  	_ =	shalt  }
0x85: {  	_ =	shalt  }
0x86: {  	_ =	shalt  }
0x87: {  	_ =	shalt  }
.Lfunc_end0:
.L_simem_size_0:
called_computation_lowered:
.L_overlay_start_0:
0x88: {  	s2 =	sld [smem:$0x3FD9]  }
0x89: {  	s3 =	sld [smem:$0x3FFE];
	_ =	sdelay $0x1  }
0x8a: {  	s1 =	srdreg.scid  }
0x8b: {  	s0 =	sand.u32 $0x1, s1  }
0x8c: {  	s17 =	sshll.u32 s0, $0xA;
	s2 =	sadd.s32 s3, s2  }
0x8d: {  	s2 =	sadd.s32 s2, s17  }
0x8e: {  	[smem:$0x3FC0] =	sst s2  }
0x8f: {  	_ = 	snop  }
0x90: {  	(tm) =	ssettm $0x1  }
0x91: {  	s18 =	sld [smem:$0x3FFB];
	_ =	sdelay $0x3  }
0x92: {  	_ =	strace s18  }
0x93: {  	s2 =	sld [smem:$0x3FFC];
	_ =	sdelay $0x3  }
0x94: {  	_ =	strace s2  }
0x95: {  	s2 =	sld [smem:$0x3FFD];
	_ =	sdelay $0x3  }
0x96: {  	_ =	strace s2  }
0x97: {  	_ =	strace $0x8FFFFFFF  }
0x98: {  	s19 =	sld [smem:$0x3FDB];
	_ =	sdelay $0x1  }
0x99: {  	s20 =	simm.s32 $_scs_section_size  }
0x9a: {  	s4 =	simm.s32 $_size__tile_overlayer_lowered;
	s5 =	simm.s32 $_tile_overlayer_lowered  }
0x9b: {  	s6 =	simm.s32 $0x1BFF;
	s21 =	sshll.u32 s5, $0x1;
	s3 =	sadd.s32 s20, s19  }
0x9c: {  	s22 =	simm.s32 $0x0;
	s4 =	sshll.u32 s4, $0x1;
	s5 =	sadd.s32 s21, s3  }
0x9d: {  	[timem:s22], [sflag:s6] =	dma.local [hbm:s5], s4  }
0x9e: {  	_ =	swait.ge [sflag:s6], s4  }
0x9f: {  	s4 =	ssub.s32 $0x0, s4;
	[sflag:s6] =	ssyncset.done $0x0  }
0xa0: {  	[sflag:s6] =	ssyncadd.s32 s4;
	_ =	sdelay $0x1  }
0xa1: {  	s23 =	simm.s32 $0x1B8B  }
0xa2: {  	_ =	swait.ge [sflag:s23], $0x1  }
0xa3: {  	[sflag:s23] =	ssyncset.done $0x0  }
0xa4: {  	[sflag:s23] =	ssyncadd.s32 $0xFFFFFFFF  }
0xa5: {  	s4 =	sld [smem:$0x0]  }
0xa6: {  	s5 =	sand.u32 $0xFFFFFFFE, s1  }
0xa7: {  	p0 =	sne.s32 s1, s5  }
0xa8: {  	s5 =	sshll.u32 @p0 s5, $0xE  }
0xa9: {  	s5 =	sadd.s32 @p0 $0x11B8D, s5;
	s6 =	sshll.u32 @p0 s4, $0x11  }
0xaa: {  	s5 =	sor.u32 @p0 s6, s5  }
0xab: {  	[sflag:s5] =	ssyncadd.remote.s32 @p0 $0x1;
	_ =	sdelay $0x1  }
0xac: {  	s5 =	simm.s32 @p0 $0x1B8D  }
0xad: {  	_ =	swait.eq @p0 [sflag:s5], $0x1  }
0xae: {  	[sflag:s5] =	ssyncadd.s32 @p0 $0xFFFFFFFF  }
0xaf: {  	s6 =	sshll.u32 @!p0 s1, $0xE  }
0xb0: {  	s6 =	sor.u32 @!p0 $0x4000, s6;
	s5 =	simm.s32 @!p0 $0x1B8D  }
0xb1: {  	s4 =	sshll.u32 @!p0 s4, $0x11;
	s6 =	sadd.s32 @!p0 $0x11B8D, s6;
	_ =	swait.eq @!p0 [sflag:s5], $0x1  }
0xb2: {  	s4 =	sor.u32 @!p0 s4, s6;
	[sflag:s5] =	ssyncadd.s32 @!p0 $0xFFFFFFFF  }
0xb3: {  	s25 =	simm.s32 $0x1B8E;
	s24 =	sld [smem:$0x3FFE];
	[sflag:s4] =	ssyncadd.remote.s32 @!p0 $0x1  }
0xb4: {  	s26 =	simm.s32 $execute0_lowered;
	[smem:$0x3FD2] =	sst s25  }
0xb5: {  	s5 =	sshll.u32 s26, $0x1;
	_ =	strace $0x80000049;
	[dreg:$0x1] =	wrdreg $0xFFFFFFFF  }
0xb6: {  	s28 =	simm.s32 $_size_execute0_lowered;
	s3 =	sadd.s32 s3, s5;
	[dreg:$0x0] =	wrdreg $0x0  }
0xb7: {  	s5 =	sshll.u32 s28, $0x1;
	[dreg:$0x2] =	wrdreg s3  }
0xb8: {  	[dreg:$0x3] =	wrdreg s5  }
0xb9: {  	[dreg:$0x4] =	wrdreg $0xC0  }
0xba: {  	_ =	task [dreg:s22], $0x5FFFF  }
0xbb: {  	[dreg:$0x1] =	wrdreg $0xFFFFFFFF  }
0xbc: {  	[dreg:$0x0] =	wrdreg $0x60  }
0xbd: {  	[dreg:$0x2] =	wrdreg s24  }
0xbe: {  	[dreg:$0x3] =	wrdreg $0x9  }
0xbf: {  	_ =	task.clear_ibuf [dreg:s22], $0x4FFFF;
	_ =	strace $0x90000049  }
0xc0: {  	s29 =	simm.s32 $0x9;
	_ =	strace $0x8000004B  }
0xc1: {  	_ =	swait.ge [sflag:s29], $0x1  }
0xc2: {  	[sflag:s29] =	ssyncadd.s32 $0xFFFFFFFF  }
0xc3: {  	_ =	strace $0x9000004B  }
0xc4: {  	_ =	sfence  }
0xc5: {  	s30 =	sld [smem:$0x0];
	_ =	sdelay $0x2  }
0xc6: {  	s31 =	sshll.u32 s1, $0xD;
	s1 =	sshrl.u32 s1, $0x2  }
0xc7: {  	s4 =	sand.u32 $0x4000, s31;
	s1 =	sadd.s32 s1, s30  }
0xc8: {  	s0 =	sor.u32 s4, s0;
	s1 =	sshll.u32 s1, $0x11  }
0xc9: {  	s0 =	sor.u32 s1, s0  }
0xca: {  	s0 =	sadd.s32 $0x8F2B, s0  }
0xcb: {  	[sflag:s0] =	ssyncadd.remote.s32 $0x1  }
0xcc: {  	_ =	sfence.sel $0xFFFF  }
0xcd: {  	[dreg:$0x0] =	wrdreg $0xFFFFFFFF;
	(pc) =	sbr.abs _section_cstart, $3  }
0xce: {  	[dreg:$0x1] =	wrdreg $0xFFFFFFFF  }
0xcf: {  	_ =	task.clear_ibuf [dreg:s22], $0x2FFFF;
	_ =	strace $0x9FFFFFFF  }
0xd0: {  	(tm) =	ssettm $0x7FFFFFFF  }
0xd1: {  	_ =	shalt  }
tec
execute0_lowered:
.L_overlay_start_1:
0x0: {  	(tag) =	ssettag $0x1  }
0x1: {  	s0 =	srdreg.scid  }
0x2: {  	s1 =	sshll.u32 s0, $0x4  }
0x3: {  	s0 =	stileid.u32;
	s1 =	sand.u32 $0x10, s1  }
0x4: {  	s1 =	sor.u32 s0, s1  }
0x5: {  	s7 =	rddreg [dreg:$0x0];
	s2 =	smin.u32 s1, $0x1E;
	s3 =	sshll.u32 s1, $0x6  }
0x6: {  	p0 =	slt.u32 s1, $0x1E;
	s1 =	simm.s32 $0x50;
	s2 =	sshll.u32 s2, $0x4  }
0x7: {  	s8 =	simm.s32 $0x1;
	s1 =	simm.s32 @!p0 $0x40;
	s2 =	sadd.s32 s3, s2  }
0x8: {  	s30 =	simm.s32 $0x2;
	s31 =	simm.s32 $0x3;
	s3 =	sadd.s32 s1, s2  }
0x9: {  	s12 =	simm.s32 $0x0;
	s9 =	simm.s32 $0x0;
	s3 =	smin.u32 s3, $0x9E0  }
0xa: {  	s10 =	simm.s32 $0x0;
	s4 =	sadd.s32 $0x5200, s7;
	s6 =	ssub.s32 s3, s2  }
0xb: {  	s1 =	rddreg [dreg:$0x1];
	_ =	strace $0x8000004A;
	p0 =	sgt.s32 s6, $0x0  }
0xc: {  	s5 =	sadd.s32 $0x5000, s7;
	[sflag:s8] =	ssyncpa.u1 $0x0;
	s6 =	simm.s32 @!p0 $0x0  }
0xd: {  	s7 =	sadd.s32 $0x18E00, s7;
	[sflag:s30] =	ssyncpa.u1 $0x0;
	s6 =	sshrl.u32 s6, $0x4  }
0xe: {  	s11 =	smov.u32 s2;
	[sflag:s31] =	ssyncpa.u1 $0x0;
	s8 =	sadd.s32 $0x1, s6  }
.LBB2_1:
0xf: {  	p0 =	sge.u32 s10, s6  }
0x10: {  	s31 =	sadd.s32 $0xFFFFFFFF, s10;
	s13 =	sxor.u32 @!p0 $0xFFFFFFFF, s9;
	s14 =	sshrl.u32 @!p0 s11, $0x3  }
0x11: {  	s15 =	sand.u32 @!p0 $0x7, s11;
	s13 =	sand.u32 @!p0 $0x10, s13;
	s14 =	sadd.s32 @!p0 s5, s14  }
0x12: {  	[tilespmem:s13], [sflag:$0x2] =	stream.linear.gather @!p0 [hbm4b:s14+s15], $0x10, $0x38;
	[tilespmem:$0x1020] =	vst v63  }
0x13: {  	p0 =	sge.u32 s31, s6  }
0x14: {  	s13 =	simm.s32 @!p0 $0x2  }
0x15: {  	_ =	swait.ge @!p0 [sflag:s13], $0x10  }
0x16: {  	s14 =	sand.u32 @!p0 $0x1, s10;
	[sflag:s13] =	ssyncset.done @!p0 $0x0  }
0x17: {  	[sflag:s13] =	ssyncadd.s32 @!p0 $0xFFFFFFF0;
	s13 =	sshll.u32 @!p0 s14, $0x4  }
0x18: {  	v0 =	vld.msk @!p0 [tilespmem:s13+$0x0 ss:$0x1], $0xffff;
	_ =	sdelay $0x4  }
0x19: {  	vm0 =	vgt.s32 @!p0 v0, $0x0  }
0x1a: {  	v0 =	vnsel @!p0 vm0, $0x0, v0  }
0x1b: {  	v0 =	vmin.u32 @!p0 v0, $0x9DF  }
0x1c: {  	v0 =	vshll.u32 @!p0 v0, $0x4;
	_ =	sdelay $0x2  }
0x1d: {  	s13 =	sshll.u32 @!p0 s14, $0xB  }
0x1e: {  	s14 =	sor.u32 @!p0 $0x20, s13;
	vm0 =	vmmov @!p0 $0xff  }
0x1f: {  	[tilespmem:s14], [sflag:$0x1] =	stream.indirect_vreg.gather @!p0 [hbm:s4], $0x80, v0, vm0, $0x38;
	[tilespmem:$0x1020] =	vst v63  }
0x20: {  	s15 =	simm.s32 @!p0 $0x1;
	s13 =	sor.u32 @!p0 $0x420, s13;
	vm0 =	vcmask @!p0 $0x3F20  }
0x21: {  	[tilespmem:s13], [sflag:$0x1] =	stream.indirect_vreg.gather @!p0 [hbm:s4], $0x80, v0, vm0, $0x38;
	[tilespmem:$0x1020] =	vst v63  }
0x22: {  	_ =	swait.ge @!p0 [sflag:s15], $0x800  }
0x23: {  	s12 =	sshll.u32 @!p0 s12, $0x4;
	[sflag:s15] =	ssyncset.done @!p0 $0x0  }
0x24: {  	s12 =	sadd.s32 @!p0 s7, s12;
	[sflag:s15] =	ssyncadd.s32 @!p0 $0xFFFFF800  }
0x25: {  	[hbm:s12] =	stream.linear.scatter @!p0 [tilespmem:s14], [sflag:$0x3], $0x400, $0x38;
	[tilespmem:$0x1020] =	vst v63  }
0x26: {  	s12 =	sadd.s32 @!p0 $0x80, s12  }
0x27: {  	[hbm:s12] =	stream.linear.scatter @!p0 [tilespmem:s13], [sflag:$0x3], $0x400, $0x38;
	[tilespmem:$0x1020] =	vst v63  }
0x28: {  	s12 =	sadd.s32 $0x10, s11  }
0x29: {  	s14 =	smov.u32 s2;
	p1 =	slt.s32 s12, s3  }
0x2a: {  	s14 =	smov.u32 @p1 s12;
	p1 =	sne.s32 s10, s8  }
.Ltmp0:
0x2b: {  	p0 =	slt.u32 s10, $0x2;
	(pc) =	sbr.rel @p1 .LBB2_1-.Ltmp0, $4  }
0x2c: {  	s13 =	simm.s32 @!p0 $0x3  }
0x2d: {  	_ =	swait.ge @!p0 [sflag:s13], $0x800  }
0x2e: {  	s9 =	sadd.s32 $0x10, s9;
	s12 =	smov.u32 s11;
	[sflag:s13] =	ssyncset.done @!p0 $0x0  }
0x2f: {  	s10 =	sadd.s32 $0x1, s10;
	s11 =	smov.u32 s14;
	[sflag:s13] =	ssyncadd.s32 @!p0 $0xFFFFF800  }
0x30: {  	_ =	sfence.sel $0x180000  }
0x31: {  	s2 =	simm.s32 $0x2;
	[bflag:$0x0] =	sbarrier.arrive $0xFFFF  }
0x32: {  	s30 =	simm.s32 $0x3;
	[sflag:s2] =	ssyncpa.u1 $0x1  }
0x33: {  	s31 =	simm.s32 $0x1;
	[sflag:s30] =	ssyncpa.u1 $0x1  }
0x34: {  	[sflag:s31] =	ssyncpa.u1 $0x1  }
0x35: {  	p0 =	sne.s32 s0, $0x0;
	_ =	strace $0x9000004A  }
0x36: {  	s0 =	sadd.s32 @!p0 $0x100000, s1;
	[bflag:$0x2] =	sbarrier.arrive $0xFFFF  }
0x37: {  	[sflag:s0] =	ssyncadd.tile.s32 @!p0 $0x1;
	_ =	shalt  }
.Lfunc_end2:
_tile_overlayer_lowered:
.L_overlay_start_2:
0x38: {  	(tag) =	ssettag $0x2  }
0x39: {  	s0 =	rddreg [dreg:$0x0];
	s2 =	stileid.u32  }
0x3a: {  	s1 =	rddreg [dreg:$0x1];
	p0 =	sne.s32 s2, $0x0  }
0x3b: {  	s3 =	rddreg [dreg:$0x2];
	[bflag:$0x3] =	sbarrier.arrive $0xFFFF;
	s2 =	simm.s32 @!p0 $0x1C01  }
0x3c: {  	[timem:s3], [sflag:s2] =	dma.local @!p0 [hbm:s0], s1  }
0x3d: {  	s0 =	simm.s32 @!p0 $0x1  }
0x3e: {  	_ =	swait.ge @!p0 [sflag:s0], s1  }
0x3f: {  	s1 =	ssub.s32 @!p0 $0x0, s1;
	[sflag:s0] =	ssyncset.done @!p0 $0x0  }
0x40: {  	[sflag:s0] =	ssyncadd.s32 @!p0 s1  }
0x41: {  	[bflag:$0x3] =	sbarrier.arrive $0xFFFF  }
0x42: {  	_ =	shalt  }

// kernel: kernel.16.cloned.1.call-start
scs
__scs_entry_jumppad:
0x0: {  	(pc) =	sbr.rel $0x88, $3  }
0x1: {  	(tag) =	ssettag $0x0;
	lr =	simm.s32 $0x1  }
0x2: {  	[smem:$0x3F99] =	sst lr;
	_ =	strace $0xD0000000  }
0x3: {  	_ = 	snop  }
0x4: {  	_ = 	snop  }
0x5: {  	_ = 	snop  }
0x6: {  	_ = 	snop  }
0x7: {  	_ = 	snop  }
__scs_overlays_trampoline_lowered:
0x8: {  	[smem:$0x3FA8] =	sst s0  }
0x9: {  	[smem:$0x3FA9] =	sst s1  }
0xa: {  	[smem:$0x3FAA] =	sst s2  }
0xb: {  	[smem:$0x3FAB] =	sst s3  }
0xc: {  	[smem:$0x3FAC] =	sst s4  }
0xd: {  	[smem:$0x3FAD] =	sst s5  }
0xe: {  	[smem:$0x3FAE] =	sst s6  }
0xf: {  	[smem:$0x3FAF] =	sst s7  }
0x10: {  	[smem:$0x3FB0] =	sst s8  }
0x11: {  	[smem:$0x3FB1] =	sst s9;
	s0 =	simm.s32 @!p0 $0x0  }
0x12: {  	s1 =	sld [smem:$0x3F97];
	s0 =	simm.s32 @p0 $0x1  }
0x13: {  	[smem:$0x3FB2] =	sst s0;
	s0 =	simm.s32 @!p1 $0x0  }
0x14: {  	s2 =	sld [smem:$0x3F96];
	s0 =	simm.s32 @p1 $0x1  }
0x15: {  	[smem:$0x3FB3] =	sst s0;
	s0 =	simm.s32 @!p2 $0x0  }
0x16: {  	s3 =	sld [smem:$0x3FDB];
	s0 =	simm.s32 @p2 $0x1  }
0x17: {  	s4 =	simm.s32 $0x1BF5;
	[smem:$0x3FB5] =	sst s0  }
0x18: {  	s0 =	sld [smem:$0x3F98];
	_ =	swait.ge [sflag:s4], $0x0  }
0x19: {  	s7 =	sld [smem:$0x3F99]  }
0x1a: {  	s8 =	sadd.s32 $0xFFFFE003, lr  }
0x1b: {  	s9 =	sadd.s32 $0xFFFFFEF7, lr;
	s5 =	simm.s32 $0xFFFFFFFF;
	p2 =	slt.u32 s8, $0xFFFFF086  }
0x1c: {  	p1 =	slt.u32 s9, $0xF7A;
	s5 =	simm.s32 @!p2 $0x0  }
0x1d: {  	s5 =	simm.s32 @p1 $0x1;
	p0 =	seq.s32 s7, s2  }
0x1e: {  	s7 =	smul.u32 @!p0 $0xF7A, s2;
	p2 =	seq.s32 @!p0 s5, $0x0  }
0x1f: {  	s9 =	smul.u32 $0xF7A, s1;
	s8 =	simm.s32 @!p0 $0x1BF5;
	p2 =	por !p2, p0  }
0x20: {  	[sflag:s8] =	ssyncset.s32 @!p0 $0xFFFFF086;
	s6 =	sadd.s32 @!p0 s3, s7;
	s7 =	simm.s32 @!p0 $0x108  }
0x21: {  	s3 =	sadd.s32 s3, s9;
	s6 =	sadd.s32 @!p0 $0x88, s6;
	s7 =	simm.s32 @p2 $0x1082  }
0x22: {  	[simem:s7], [sflag:s8] =	dma.local @!p0 [hbm:s6], $0xF7A  }
0x23: {  	s9 =	sor.u32 $0xD0000000, s2;
	s6 =	simm.s32 $0x108;
	_ =	swait.ge @!p0 [sflag:s8], $0x0  }
0x24: {  	s3 =	sadd.s32 $0x88, s3;
	s6 =	simm.s32 @!p1 $0x1082;
	[sflag:s4] =	ssyncset.s32 $0xFFFFF086  }
0x25: {  	[simem:s6], [sflag:s4] =	dma.local [hbm:s3], $0xF7A  }
0x26: {  	[smem:$0x3F99] =	sst s1;
	(tag) =	ssettag s2;
	_ =	strace s9  }
0x27: {  	s1 =	sld [smem:$0x3FA9]  }
0x28: {  	s2 =	sld [smem:$0x3FAA]  }
0x29: {  	s4 =	sld [smem:$0x3FAC]  }
0x2a: {  	p0 =	seq.s32 s5, $0x0;
	s5 =	sld [smem:$0x3FAD]  }
0x2b: {  	s6 =	sld [smem:$0x3FAE]  }
0x2c: {  	s7 =	sld [smem:$0x3FAF]  }
0x2d: {  	s3 =	simm.s32 $0x108;
	s8 =	sld [smem:$0x3FB0]  }
0x2e: {  	s3 =	simm.s32 @!p0 $0x1082;
	s9 =	sld [smem:$0x3FB1]  }
0x2f: {  	lr =	sadd.s32 s0, s3;
	s0 =	sld [smem:$0x3FA8]  }
0x30: {  	s3 =	sld [smem:$0x3FAB]  }
0x31: {  	[smem:$0x3FB4] =	sst s10  }
0x32: {  	s10 =	sld [smem:$0x3FB2];
	_ =	sdelay $0x3  }
0x33: {  	p0 =	seq.s32 s10, $0x1;
	s10 =	sld [smem:$0x3FB4];
	_ =	sdelay $0x3  }
0x34: {  	[smem:$0x3FB4] =	sst s10  }
0x35: {  	s10 =	sld [smem:$0x3FB3];
	_ =	sdelay $0x3  }
0x36: {  	p1 =	seq.s32 s10, $0x1;
	s10 =	sld [smem:$0x3FB4];
	_ =	sdelay $0x3  }
0x37: {  	[smem:$0x3FB4] =	sst s10  }
0x38: {  	s10 =	sld [smem:$0x3FB5]  }
0x39: {  	_ = 	snop;
	(pc) =	sbr.ind lr, $3  }
0x3a: {  	_ = 	snop  }
0x3b: {  	_ = 	snop  }
0x3c: {  	p2 =	seq.s32 s10, $0x1;
	s10 =	sld [smem:$0x3FB4]  }
0x3d: {  	_ =	shalt  }
0x3e: {  	_ =	shalt  }
0x3f: {  	_ =	shalt  }
0x40: {  	_ =	shalt  }
0x41: {  	_ =	shalt  }
0x42: {  	_ =	shalt  }
0x43: {  	_ =	shalt  }
0x44: {  	_ =	shalt  }
0x45: {  	_ =	shalt  }
0x46: {  	_ =	shalt  }
0x47: {  	_ =	shalt  }
0x48: {  	_ =	shalt  }
0x49: {  	_ =	shalt  }
0x4a: {  	_ =	shalt  }
0x4b: {  	_ =	shalt  }
0x4c: {  	_ =	shalt  }
0x4d: {  	_ =	shalt  }
0x4e: {  	_ =	shalt  }
0x4f: {  	_ =	shalt  }
0x50: {  	_ =	shalt  }
0x51: {  	_ =	shalt  }
0x52: {  	_ =	shalt  }
0x53: {  	_ =	shalt  }
0x54: {  	_ =	shalt  }
0x55: {  	_ =	shalt  }
0x56: {  	_ =	shalt  }
0x57: {  	_ =	shalt  }
0x58: {  	_ =	shalt  }
0x59: {  	_ =	shalt  }
0x5a: {  	_ =	shalt  }
0x5b: {  	_ =	shalt  }
0x5c: {  	_ =	shalt  }
0x5d: {  	_ =	shalt  }
0x5e: {  	_ =	shalt  }
0x5f: {  	_ =	shalt  }
0x60: {  	_ =	shalt  }
0x61: {  	_ =	shalt  }
0x62: {  	_ =	shalt  }
0x63: {  	_ =	shalt  }
0x64: {  	_ =	shalt  }
0x65: {  	_ =	shalt  }
0x66: {  	_ =	shalt  }
0x67: {  	_ =	shalt  }
0x68: {  	_ =	shalt  }
0x69: {  	_ =	shalt  }
0x6a: {  	_ =	shalt  }
0x6b: {  	_ =	shalt  }
0x6c: {  	_ =	shalt  }
0x6d: {  	_ =	shalt  }
0x6e: {  	_ =	shalt  }
0x6f: {  	_ =	shalt  }
0x70: {  	_ =	shalt  }
0x71: {  	_ =	shalt  }
0x72: {  	_ =	shalt  }
0x73: {  	_ =	shalt  }
0x74: {  	_ =	shalt  }
0x75: {  	_ =	shalt  }
0x76: {  	_ =	shalt  }
0x77: {  	_ =	shalt  }
0x78: {  	_ =	shalt  }
0x79: {  	_ =	shalt  }
0x7a: {  	_ =	shalt  }
0x7b: {  	_ =	shalt  }
0x7c: {  	_ =	shalt  }
0x7d: {  	_ =	shalt  }
0x7e: {  	_ =	shalt  }
0x7f: {  	_ =	shalt  }
0x80: {  	_ =	shalt  }
0x81: {  	_ =	shalt  }
0x82: {  	_ =	shalt  }
0x83: {  	_ =	shalt  }
0x84: {  	_ =	shalt  }
0x85: {  	_ =	shalt  }
0x86: {  	_ =	shalt  }
0x87: {  	_ =	shalt  }
.Lfunc_end0:
.L_simem_size_0:
called_computation.2_lowered:
.L_overlay_start_0:
0x88: {  	s2 =	sld [smem:$0x3FD9]  }
0x89: {  	s3 =	sld [smem:$0x3FFE];
	_ =	sdelay $0x1  }
0x8a: {  	s1 =	srdreg.scid  }
0x8b: {  	s0 =	sand.u32 $0x1, s1  }
0x8c: {  	s17 =	sshll.u32 s0, $0xA;
	s2 =	sadd.s32 s3, s2  }
0x8d: {  	s2 =	sadd.s32 s2, s17  }
0x8e: {  	[smem:$0x3FC0] =	sst s2  }
0x8f: {  	_ = 	snop  }
0x90: {  	s2 =	sld [smem:$0x3FD0];
	(tm) =	ssettm $0x1  }
0x91: {  	s18 =	sld [smem:$0x3FFB];
	_ =	sdelay $0x3  }
0x92: {  	_ =	strace s18  }
0x93: {  	s3 =	sld [smem:$0x3FFC];
	_ =	sdelay $0x3  }
0x94: {  	_ =	strace s3  }
0x95: {  	s3 =	sld [smem:$0x3FFD];
	_ =	sdelay $0x3  }
0x96: {  	_ =	strace s3  }
0x97: {  	_ =	strace $0x8FFFFFFF  }
0x98: {  	s19 =	sld [smem:$0x3FDB];
	_ =	sdelay $0x1  }
0x99: {  	s4 =	simm.s32 $_scs_section_size  }
0x9a: {  	s5 =	simm.s32 $_size__tile_overlayer_lowered;
	s6 =	simm.s32 $_tile_overlayer_lowered  }
0x9b: {  	s22 =	simm.s32 $0x1BFF;
	s21 =	sshll.u32 s6, $0x1;
	s3 =	sadd.s32 s4, s19  }
0x9c: {  	s7 =	simm.s32 $0x0;
	s20 =	sshll.u32 s5, $0x1;
	s5 =	sadd.s32 s21, s3  }
0x9d: {  	[timem:s7], [sflag:s22] =	dma.local [hbm:s5], s20  }
0x9e: {  	_ =	swait.ge [sflag:s22], s20  }
0x9f: {  	s4 =	ssub.s32 $0x0, s20;
	[sflag:s22] =	ssyncset.done $0x0  }
0xa0: {  	[sflag:s22] =	ssyncadd.s32 s4;
	_ =	sdelay $0x1  }
0xa1: {  	s23 =	simm.s32 $0x1B8B  }
0xa2: {  	_ =	swait.ge [sflag:s23], $0x1  }
0xa3: {  	[sflag:s23] =	ssyncset.done $0x0  }
0xa4: {  	s25 =	simm.s32 $0x1B8E;
	s24 =	sld [smem:$0x3FFE];
	[sflag:s23] =	ssyncadd.s32 $0xFFFFFFFF  }
0xa5: {  	s26 =	simm.s32 $execute0_lowered;
	[smem:$0x3FD2] =	sst s25  }
0xa6: {  	s5 =	sshll.u32 s26, $0x1;
	_ =	strace $0x8000004C;
	[dreg:$0x1] =	wrdreg $0xFFFFFFFF  }
0xa7: {  	s28 =	simm.s32 $_size_execute0_lowered;
	s3 =	sadd.s32 s3, s5;
	[dreg:$0x0] =	wrdreg $0x0  }
0xa8: {  	s5 =	sshll.u32 s28, $0x1;
	[dreg:$0x2] =	wrdreg s3  }
0xa9: {  	[dreg:$0x3] =	wrdreg s5  }
0xaa: {  	[dreg:$0x4] =	wrdreg $0xC0  }
0xab: {  	_ =	task [dreg:s7], $0x5FFFF  }
0xac: {  	[dreg:$0x1] =	wrdreg $0xFFFFFFFF  }
0xad: {  	[dreg:$0x0] =	wrdreg $0x60  }
0xae: {  	[dreg:$0x2] =	wrdreg s24  }
0xaf: {  	[dreg:$0x3] =	wrdreg s2  }
0xb0: {  	[dreg:$0x4] =	wrdreg $0xA4000  }
0xb1: {  	[dreg:$0x5] =	wrdreg $0x9  }
0xb2: {  	_ =	task.clear_ibuf [dreg:s7], $0x6FFFF;
	_ =	strace $0x9000004C  }
0xb3: {  	s29 =	simm.s32 $0x9;
	_ =	strace $0x8000004E  }
0xb4: {  	_ =	swait.ge [sflag:s29], $0x1  }
0xb5: {  	[sflag:s29] =	ssyncadd.s32 $0xFFFFFFFF  }
0xb6: {  	_ =	strace $0x9000004E  }
0xb7: {  	_ =	sfence  }
0xb8: {  	s30 =	sld [smem:$0x0];
	_ =	sdelay $0x2  }
0xb9: {  	s31 =	sshll.u32 s1, $0xD;
	s1 =	sshrl.u32 s1, $0x2  }
0xba: {  	s3 =	sand.u32 $0x4000, s31;
	s1 =	sadd.s32 s1, s30  }
0xbb: {  	s0 =	sor.u32 s3, s0;
	s1 =	sshll.u32 s1, $0x11  }
0xbc: {  	s0 =	sor.u32 s1, s0  }
0xbd: {  	s0 =	sadd.s32 $0x8F2B, s0  }
0xbe: {  	[sflag:s0] =	ssyncadd.remote.s32 $0x1  }
0xbf: {  	_ =	sfence.sel $0xFFFF  }
0xc0: {  	[dreg:$0x0] =	wrdreg $0xFFFFFFFF;
	(pc) =	sbr.abs _section_cstart, $3  }
0xc1: {  	[dreg:$0x1] =	wrdreg $0xFFFFFFFF  }
0xc2: {  	_ =	task.clear_ibuf [dreg:s7], $0x2FFFF;
	_ =	strace $0x9FFFFFFF  }
0xc3: {  	(tm) =	ssettm $0x7FFFFFFF  }
tec
execute0_lowered:
.L_overlay_start_1:
0x0: {  	(tag) =	ssettag $0x1  }
0x1: {  	s3 =	rddreg [dreg:$0x0]  }
0x2: {  	s8 =	rddreg [dreg:$0x1]  }
0x3: {  	s0 =	srdreg.scid;
	s7 =	rddreg [dreg:$0x2]  }
0x4: {  	s2 =	simm.s32 $0x0;
	s12 =	simm.s32 $0x1;
	s13 =	simm.s32 $0x2780  }
0x5: {  	s14 =	simm.s32 $0x4F00;
	s15 =	simm.s32 $0x7700;
	s16 =	simm.s32 $0x80  }
0x6: {  	s17 =	simm.s32 $0x100;
	s4 =	sand.u32 $0x1, s0;
	s0 =	stileid.u32  }
0x7: {  	s18 =	simm.s32 $0x9F00;
	s19 =	simm.s32 $0xA180;
	s6 =	smul.u32 $0x14000, s0  }
0x8: {  	s20 =	simm.s32 $0x0;
	[smem:$0x7FF] =	sst s2;
	s10 =	smul.u32 $0x5000, s4  }
0x9: {  	s1 =	sshll.u32 s4, $0x4;
	s9 =	ssub.s32 $0x2, s4;
	s31 =	smul.u32 $0x500, s0  }
0xa: {  	s11 =	smul.u32 $0x1400, s0;
	s5 =	sor.u32 s0, s1;
	s1 =	rddreg [dreg:$0x3]  }
0xb: {  	_ =	strace $0x8000004D;
	s30 =	sshrl.u32 s9, $0x1;
	s5 =	smul.u32 $0x4F0, s5  }
0xc: {  	s9 =	ssub.s32 s9, s30;
	s6 =	sshrl.u32 s6, $0x2;
	s10 =	sadd.s32 s31, s10  }
0xd: {  	s11 =	sshrl.u32 s11, $0x2;
	s10 =	sshrl.u32 s10, $0x3;
	s9 =	smax.u32 s9, $0x1  }
0xe: {  	s29 =	sadd.s32 s5, s3;
	s5 =	sadd.s32 s6, s7;
	s7 =	sadd.s32 s11, s7  }
0xf: {  	s8 =	sadd.s32 s8, s10;
	s3 =	sadd.s32 $0x18E00, s29;
	s4 =	sadd.s32 $0xF000, s29  }
0x10: {  	v0 =	vimm.f32 $0.0e+00;
	v1 =	vimm.f32 $1.000000000e+00;
	s6 =	sadd.s32 $0x80, s5;
	s10 =	sadd.s32 $0x10, s8;
	s11 =	sadd.s32 $0x80, s7  }
.LBB2_1:
0x11: {  	[tilespmem:s2], [sflag:$0x1] =	stream.linear.gather [hbm4b:s3+s2], $0x2780, $0x38;
	[tilespmem:$0xF400] =	vst v63  }
0x12: {  	_ =	swait.ge [sflag:s12], $0x2780  }
0x13: {  	[sflag:s12] =	ssyncset.done $0x0  }
0x14: {  	[sflag:s12] =	ssyncadd.s32 $0xFFFFD880  }
0x15: {  	[tilespmem:s13], [sflag:$0x1] =	stream.linear.gather [hbm4b:s4+s2], $0x2780, $0x38;
	[tilespmem:$0xF400] =	vst v63  }
0x16: {  	_ =	swait.ge [sflag:s12], $0x2780  }
0x17: {  	[sflag:s12] =	ssyncset.done $0x0  }
0x18: {  	s21 =	simm.s32 $0x0;
	[sflag:s12] =	ssyncadd.s32 $0xFFFFD880  }
.LBB2_2:
0x19: {  	p0 =	sne.s32 s21, $0x9FC0  }
.Ltmp0:
0x1a: {  	_ = 	snop;
	(pc) =	sbr.rel @p0 .LBB2_2-.Ltmp0, $4  }
0x1b: {  	_ = 	snop  }
0x1c: {  	s22 =	sshra.s32 s21, $0x2  }
0x1d: {  	[tilespmem:s22+$0x4F00] =	vst v0  }
0x1e: {  	s21 =	sadd.s32 $0x40, s21;
	[tilespmem:s22+$0x7700] =	vst v0  }
0x1f: {  	s22 =	simm.s32 $0x0;
	s21 =	simm.s32 $0x40  }
.LBB2_4:
0x20: {  	p0 =	sne.s32 s21, $0x9DC0;
	v2 =	vld [tilespmem:s22+$0x0];
	_ =	sdelay $0x7  }
0x21: {  	[tilespmem:v2+s14+$0x0] =	vst.idx.add.f32.msk $0xffff, v1  }
0x22: {  	v2 =	vld [tilespmem:s22+$0x2780];
	_ =	sdelay $0x3  }
.Ltmp1:
0x23: {  	(pc) =	sbr.rel @p0 .LBB2_4-.Ltmp1, $2  }
0x24: {  	_ =	sdelay $0x2  }
0x25: {  	s22 =	sshra.s32 s21, $0x2;
	s21 =	sadd.s32 $0x40, s21;
	[tilespmem:v2+s15+$0x0] =	vst.idx.add.f32.msk $0xffff, v1  }
0x26: {  	v2 =	vld [tilespmem:s22+$0x0];
	_ =	sdelay $0x7  }
0x27: {  	[tilespmem:v2+s14+$0x0] =	vst.idx.add.f32.msk $0xffff, v1  }
0x28: {  	v2 =	vld [tilespmem:s22+$0x2780];
	_ =	sdelay $0x7  }
0x29: {  	[tilespmem:v2+s15+$0x0] =	vst.idx.add.f32.msk $0xffff, v1  }
0x2a: {  	[spmem:s5] =	stream.strided.scatter [tilespmem:s14], [sflag:$0x1], $0x2800, s17, s16, $0x38;
	[tilespmem:$0xF400] =	vst v63  }
0x2b: {  	_ =	swait.ge [sflag:s12], $0x2800  }
0x2c: {  	[sflag:s12] =	ssyncset.done $0x0  }
0x2d: {  	[sflag:s12] =	ssyncadd.s32 $0xFFFFD800  }
0x2e: {  	[spmem:s6] =	stream.strided.scatter [tilespmem:s15], [sflag:$0x1], $0x2800, s17, s16, $0x38;
	[tilespmem:$0xF400] =	vst v63  }
0x2f: {  	_ =	swait.ge [sflag:s12], $0x2800  }
0x30: {  	[sflag:s12] =	ssyncset.done $0x0  }
0x31: {  	[sflag:s12] =	ssyncadd.s32 $0xFFFFD800  }
0x32: {  	[bflag:$0x0] =	sbarrier.arrive $0xFFFF  }
0x33: {  	[tilespmem:$0xA180] =	vst v0  }
0x34: {  	[tilespmem:$0xA190] =	vst v0  }
0x35: {  	[tilespmem:$0xA1A0] =	vst v0  }
0x36: {  	[tilespmem:$0xA1B0] =	vst v0  }
0x37: {  	[tilespmem:$0xA1C0] =	vst v0  }
0x38: {  	[tilespmem:$0xA1D0] =	vst v0  }
0x39: {  	[tilespmem:$0xA1E0] =	vst v0  }
0x3a: {  	[tilespmem:$0xA1F0] =	vst v0  }
0x3b: {  	[tilespmem:$0xA200] =	vst v0  }
0x3c: {  	[tilespmem:$0xA210] =	vst v0  }
0x3d: {  	[tilespmem:$0xA220] =	vst v0  }
0x3e: {  	[tilespmem:$0xA230] =	vst v0  }
0x3f: {  	[tilespmem:$0xA240] =	vst v0  }
0x40: {  	[tilespmem:$0xA250] =	vst v0  }
0x41: {  	[tilespmem:$0xA260] =	vst v0  }
0x42: {  	[tilespmem:$0xA270] =	vst v0  }
0x43: {  	[tilespmem:$0xA280] =	vst v0  }
0x44: {  	[tilespmem:$0xA290] =	vst v0  }
0x45: {  	[tilespmem:$0xA2A0] =	vst v0  }
0x46: {  	[tilespmem:$0xA2B0] =	vst v0  }
0x47: {  	[tilespmem:$0xA2C0] =	vst v0  }
0x48: {  	[tilespmem:$0xA2D0] =	vst v0  }
0x49: {  	[tilespmem:$0xA2E0] =	vst v0  }
0x4a: {  	[tilespmem:$0xA2F0] =	vst v0  }
0x4b: {  	[tilespmem:$0xA300] =	vst v0  }
0x4c: {  	[tilespmem:$0xA310] =	vst v0  }
0x4d: {  	[tilespmem:$0xA320] =	vst v0  }
0x4e: {  	[tilespmem:$0xA330] =	vst v0  }
0x4f: {  	[tilespmem:$0xA340] =	vst v0  }
0x50: {  	[tilespmem:$0xA350] =	vst v0  }
0x51: {  	[tilespmem:$0xA360] =	vst v0  }
0x52: {  	[tilespmem:$0xA370] =	vst v0  }
0x53: {  	[tilespmem:$0xA380] =	vst v0  }
0x54: {  	[tilespmem:$0xA390] =	vst v0  }
0x55: {  	[tilespmem:$0xA3A0] =	vst v0  }
0x56: {  	[tilespmem:$0xA3B0] =	vst v0  }
0x57: {  	[tilespmem:$0xA3C0] =	vst v0  }
0x58: {  	[tilespmem:$0xA3D0] =	vst v0  }
0x59: {  	[tilespmem:$0xA3E0] =	vst v0  }
0x5a: {  	s21 =	simm.s32 $0x0;
	[tilespmem:$0xA3F0] =	vst v0  }
.LBB2_6:
0x5b: {  	s22 =	smul.u32 $0x14000, s21;
	_ =	sdelay $0x1  }
0x5c: {  	s22 =	sshra.s32 s22, $0x2  }
0x5d: {  	s22 =	sadd.s32 s22, s7  }
0x5e: {  	[tilespmem:s18], [sflag:$0x1] =	stream.strided.gather [spmem:s22], $0x280, s17, s16, $0x38;
	[tilespmem:$0xF400] =	vst v63  }
0x5f: {  	_ =	swait.ge [sflag:s12], $0x280  }
0x60: {  	[sflag:s12] =	ssyncset.done $0x0  }
0x61: {  	s22 =	simm.s32 $0x0;
	[sflag:s12] =	ssyncadd.s32 $0xFFFFFD80  }
0x62: {  	s23 =	simm.s32 $0x40;
	v2 =	vld [tilespmem:s22+$0x9F00]  }
.LBB2_7:
0x63: {  	p0 =	sne.s32 s23, $0x9C0;
	v3 =	vld [tilespmem:s22+$0xA180];
	_ =	sdelay $0x2  }
.Ltmp2:
0x64: {  	(pc) =	sbr.rel @p0 .LBB2_7-.Ltmp2, $4  }
0x65: {  	_ = 	snop  }
0x66: {  	v3 =	vadd.f32 v2, v3  }
0x67: {  	s24 =	sshra.s32 s23, $0x2  }
0x68: {  	s23 =	sadd.s32 $0x40, s23;
	v2 =	vld [tilespmem:s24+$0x9F00];
	[tilespmem:s22+$0xA180] =	vst v3;
	s22 =	smov.u32 s24  }
0x69: {  	v3 =	vld [tilespmem:s22+$0xA180]  }
0x6a: {  	s21 =	sadd.s32 $0x1, s21  }
0x6b: {  	p0 =	sne.s32 s21, $0x10  }
.Ltmp3:
0x6c: {  	_ = 	snop;
	(pc) =	sbr.rel @p0 .LBB2_6-.Ltmp3, $3  }
0x6d: {  	_ = 	snop  }
0x6e: {  	v2 =	vadd.f32 v2, v3;
	_ =	sdelay $0x1  }
0x6f: {  	[tilespmem:s22+$0xA180] =	vst v2  }
0x70: {  	[hbm4b:s8+s16] =	stream.strided.scatter [tilespmem:s19], [sflag:$0x1], $0x280, s17, s16, $0x38;
	[tilespmem:$0xF400] =	vst v63  }
0x71: {  	_ =	swait.ge [sflag:s12], $0x280  }
0x72: {  	[sflag:s12] =	ssyncset.done $0x0  }
0x73: {  	[sflag:s12] =	ssyncadd.s32 $0xFFFFFD80  }
0x74: {  	[tilespmem:$0xA180] =	vst v0  }
0x75: {  	[tilespmem:$0xA190] =	vst v0  }
0x76: {  	[tilespmem:$0xA1A0] =	vst v0  }
0x77: {  	[tilespmem:$0xA1B0] =	vst v0  }
0x78: {  	[tilespmem:$0xA1C0] =	vst v0  }
0x79: {  	[tilespmem:$0xA1D0] =	vst v0  }
0x7a: {  	[tilespmem:$0xA1E0] =	vst v0  }
0x7b: {  	[tilespmem:$0xA1F0] =	vst v0  }
0x7c: {  	[tilespmem:$0xA200] =	vst v0  }
0x7d: {  	[tilespmem:$0xA210] =	vst v0  }
0x7e: {  	[tilespmem:$0xA220] =	vst v0  }
0x7f: {  	[tilespmem:$0xA230] =	vst v0  }
0x80: {  	[tilespmem:$0xA240] =	vst v0  }
0x81: {  	[tilespmem:$0xA250] =	vst v0  }
0x82: {  	[tilespmem:$0xA260] =	vst v0  }
0x83: {  	[tilespmem:$0xA270] =	vst v0  }
0x84: {  	[tilespmem:$0xA280] =	vst v0  }
0x85: {  	[tilespmem:$0xA290] =	vst v0  }
0x86: {  	[tilespmem:$0xA2A0] =	vst v0  }
0x87: {  	[tilespmem:$0xA2B0] =	vst v0  }
0x88: {  	[tilespmem:$0xA2C0] =	vst v0  }
0x89: {  	[tilespmem:$0xA2D0] =	vst v0  }
0x8a: {  	[tilespmem:$0xA2E0] =	vst v0  }
0x8b: {  	[tilespmem:$0xA2F0] =	vst v0  }
0x8c: {  	[tilespmem:$0xA300] =	vst v0  }
0x8d: {  	[tilespmem:$0xA310] =	vst v0  }
0x8e: {  	[tilespmem:$0xA320] =	vst v0  }
0x8f: {  	[tilespmem:$0xA330] =	vst v0  }
0x90: {  	[tilespmem:$0xA340] =	vst v0  }
0x91: {  	[tilespmem:$0xA350] =	vst v0  }
0x92: {  	[tilespmem:$0xA360] =	vst v0  }
0x93: {  	[tilespmem:$0xA370] =	vst v0  }
0x94: {  	[tilespmem:$0xA380] =	vst v0  }
0x95: {  	[tilespmem:$0xA390] =	vst v0  }
0x96: {  	[tilespmem:$0xA3A0] =	vst v0  }
0x97: {  	[tilespmem:$0xA3B0] =	vst v0  }
0x98: {  	[tilespmem:$0xA3C0] =	vst v0  }
0x99: {  	[tilespmem:$0xA3D0] =	vst v0  }
0x9a: {  	[tilespmem:$0xA3E0] =	vst v0  }
0x9b: {  	s21 =	simm.s32 $0x0;
	[tilespmem:$0xA3F0] =	vst v0  }
.LBB2_10:
0x9c: {  	s22 =	smul.u32 $0x14000, s21;
	_ =	sdelay $0x1  }
0x9d: {  	s22 =	sshra.s32 s22, $0x2  }
0x9e: {  	s22 =	sadd.s32 s22, s11  }
0x9f: {  	[tilespmem:s18], [sflag:$0x1] =	stream.strided.gather [spmem:s22], $0x280, s17, s16, $0x38;
	[tilespmem:$0xF400] =	vst v63  }
0xa0: {  	_ =	swait.ge [sflag:s12], $0x280  }
0xa1: {  	[sflag:s12] =	ssyncset.done $0x0  }
0xa2: {  	s22 =	simm.s32 $0x0;
	[sflag:s12] =	ssyncadd.s32 $0xFFFFFD80  }
0xa3: {  	s23 =	simm.s32 $0x40;
	v2 =	vld [tilespmem:s22+$0x9F00]  }
.LBB2_11:
0xa4: {  	p0 =	sne.s32 s23, $0x9C0;
	v3 =	vld [tilespmem:s22+$0xA180];
	_ =	sdelay $0x2  }
.Ltmp4:
0xa5: {  	(pc) =	sbr.rel @p0 .LBB2_11-.Ltmp4, $4  }
0xa6: {  	_ = 	snop  }
0xa7: {  	v3 =	vadd.f32 v2, v3  }
0xa8: {  	s24 =	sshra.s32 s23, $0x2  }
0xa9: {  	s23 =	sadd.s32 $0x40, s23;
	v2 =	vld [tilespmem:s24+$0x9F00];
	[tilespmem:s22+$0xA180] =	vst v3;
	s22 =	smov.u32 s24  }
0xaa: {  	v3 =	vld [tilespmem:s22+$0xA180]  }
0xab: {  	s21 =	sadd.s32 $0x1, s21  }
0xac: {  	p0 =	sne.s32 s21, $0x10  }
.Ltmp5:
0xad: {  	_ = 	snop;
	(pc) =	sbr.rel @p0 .LBB2_10-.Ltmp5, $3  }
0xae: {  	_ = 	snop  }
0xaf: {  	v2 =	vadd.f32 v2, v3;
	_ =	sdelay $0x1  }
0xb0: {  	[tilespmem:s22+$0xA180] =	vst v2  }
0xb1: {  	s20 =	sadd.s32 $0x1, s20  }
0xb2: {  	p0 =	sne.s32 s20, s9  }
.Ltmp6:
0xb3: {  	_ = 	snop;
	(pc) =	sbr.rel @p0 .LBB2_1-.Ltmp6, $4  }
0xb4: {  	[hbm4b:s10+s16] =	stream.strided.scatter [tilespmem:s19], [sflag:$0x1], $0x280, s17, s16, $0x38;
	[tilespmem:$0xF400] =	vst v63  }
0xb5: {  	_ =	swait.ge [sflag:s12], $0x280  }
0xb6: {  	[sflag:s12] =	ssyncset.done $0x0  }
0xb7: {  	[sflag:s12] =	ssyncadd.s32 $0xFFFFFD80  }
0xb8: {  	_ =	sfence.sel $0x180000  }
0xb9: {  	[bflag:$0x0] =	sbarrier.arrive $0xFFFF  }
0xba: {  	p0 =	sne.s32 s0, $0x0;
	_ =	strace $0x9000004D  }
0xbb: {  	s0 =	sadd.s32 @!p0 $0x100000, s1;
	[bflag:$0x2] =	sbarrier.arrive $0xFFFF  }
0xbc: {  	[sflag:s0] =	ssyncadd.tile.s32 @!p0 $0x1;
	_ =	shalt  }
.Lfunc_end2:
_tile_overlayer_lowered:
.L_overlay_start_2:
0xbd: {  	(tag) =	ssettag $0x2  }
0xbe: {  	s0 =	rddreg [dreg:$0x0];
	s2 =	stileid.u32  }
0xbf: {  	s1 =	rddreg [dreg:$0x1];
	p0 =	sne.s32 s2, $0x0  }
0xc0: {  	s3 =	rddreg [dreg:$0x2];
	[bflag:$0x3] =	sbarrier.arrive $0xFFFF;
	s2 =	simm.s32 @!p0 $0x1C01  }
0xc1: {  	[timem:s3], [sflag:s2] =	dma.local @!p0 [hbm:s0], s1  }
0xc2: {  	s0 =	simm.s32 @!p0 $0x1  }
0xc3: {  	_ =	swait.ge @!p0 [sflag:s0], s1  }
0xc4: {  	s1 =	ssub.s32 @!p0 $0x0, s1;
	[sflag:s0] =	ssyncset.done @!p0 $0x0  }
0xc5: {  	[sflag:s0] =	ssyncadd.s32 @!p0 s1  }
0xc6: {  	[bflag:$0x3] =	sbarrier.arrive $0xFFFF  }
0xc7: {  	_ =	shalt  }

// kernel: kernel.19.cloned.1.call-start
scs
__scs_entry_jumppad:
0x0: {  	(pc) =	sbr.rel $0x88, $3  }
0x1: {  	(tag) =	ssettag $0x0;
	lr =	simm.s32 $0x1  }
0x2: {  	[smem:$0x3F99] =	sst lr;
	_ =	strace $0xD0000000  }
0x3: {  	_ = 	snop  }
0x4: {  	_ = 	snop  }
0x5: {  	_ = 	snop  }
0x6: {  	_ = 	snop  }
0x7: {  	_ = 	snop  }
__scs_overlays_trampoline_lowered:
0x8: {  	[smem:$0x3FA8] =	sst s0  }
0x9: {  	[smem:$0x3FA9] =	sst s1  }
0xa: {  	[smem:$0x3FAA] =	sst s2  }
0xb: {  	[smem:$0x3FAB] =	sst s3  }
0xc: {  	[smem:$0x3FAC] =	sst s4  }
0xd: {  	[smem:$0x3FAD] =	sst s5  }
0xe: {  	[smem:$0x3FAE] =	sst s6  }
0xf: {  	[smem:$0x3FAF] =	sst s7  }
0x10: {  	[smem:$0x3FB0] =	sst s8  }
0x11: {  	[smem:$0x3FB1] =	sst s9;
	s0 =	simm.s32 @!p0 $0x0  }
0x12: {  	s1 =	sld [smem:$0x3F97];
	s0 =	simm.s32 @p0 $0x1  }
0x13: {  	[smem:$0x3FB2] =	sst s0;
	s0 =	simm.s32 @!p1 $0x0  }
0x14: {  	s2 =	sld [smem:$0x3F96];
	s0 =	simm.s32 @p1 $0x1  }
0x15: {  	[smem:$0x3FB3] =	sst s0;
	s0 =	simm.s32 @!p2 $0x0  }
0x16: {  	s3 =	sld [smem:$0x3FDB];
	s0 =	simm.s32 @p2 $0x1  }
0x17: {  	s4 =	simm.s32 $0x1BF5;
	[smem:$0x3FB5] =	sst s0  }
0x18: {  	s0 =	sld [smem:$0x3F98];
	_ =	swait.ge [sflag:s4], $0x0  }
0x19: {  	s7 =	sld [smem:$0x3F99]  }
0x1a: {  	s8 =	sadd.s32 $0xFFFFE003, lr  }
0x1b: {  	s9 =	sadd.s32 $0xFFFFFEF7, lr;
	s5 =	simm.s32 $0xFFFFFFFF;
	p2 =	slt.u32 s8, $0xFFFFF086  }
0x1c: {  	p1 =	slt.u32 s9, $0xF7A;
	s5 =	simm.s32 @!p2 $0x0  }
0x1d: {  	s5 =	simm.s32 @p1 $0x1;
	p0 =	seq.s32 s7, s2  }
0x1e: {  	s7 =	smul.u32 @!p0 $0xF7A, s2;
	p2 =	seq.s32 @!p0 s5, $0x0  }
0x1f: {  	s9 =	smul.u32 $0xF7A, s1;
	s8 =	simm.s32 @!p0 $0x1BF5;
	p2 =	por !p2, p0  }
0x20: {  	[sflag:s8] =	ssyncset.s32 @!p0 $0xFFFFF086;
	s6 =	sadd.s32 @!p0 s3, s7;
	s7 =	simm.s32 @!p0 $0x108  }
0x21: {  	s3 =	sadd.s32 s3, s9;
	s6 =	sadd.s32 @!p0 $0x88, s6;
	s7 =	simm.s32 @p2 $0x1082  }
0x22: {  	[simem:s7], [sflag:s8] =	dma.local @!p0 [hbm:s6], $0xF7A  }
0x23: {  	s9 =	sor.u32 $0xD0000000, s2;
	s6 =	simm.s32 $0x108;
	_ =	swait.ge @!p0 [sflag:s8], $0x0  }
0x24: {  	s3 =	sadd.s32 $0x88, s3;
	s6 =	simm.s32 @!p1 $0x1082;
	[sflag:s4] =	ssyncset.s32 $0xFFFFF086  }
0x25: {  	[simem:s6], [sflag:s4] =	dma.local [hbm:s3], $0xF7A  }
0x26: {  	[smem:$0x3F99] =	sst s1;
	(tag) =	ssettag s2;
	_ =	strace s9  }
0x27: {  	s1 =	sld [smem:$0x3FA9]  }
0x28: {  	s2 =	sld [smem:$0x3FAA]  }
0x29: {  	s4 =	sld [smem:$0x3FAC]  }
0x2a: {  	p0 =	seq.s32 s5, $0x0;
	s5 =	sld [smem:$0x3FAD]  }
0x2b: {  	s6 =	sld [smem:$0x3FAE]  }
0x2c: {  	s7 =	sld [smem:$0x3FAF]  }
0x2d: {  	s3 =	simm.s32 $0x108;
	s8 =	sld [smem:$0x3FB0]  }
0x2e: {  	s3 =	simm.s32 @!p0 $0x1082;
	s9 =	sld [smem:$0x3FB1]  }
0x2f: {  	lr =	sadd.s32 s0, s3;
	s0 =	sld [smem:$0x3FA8]  }
0x30: {  	s3 =	sld [smem:$0x3FAB]  }
0x31: {  	[smem:$0x3FB4] =	sst s10  }
0x32: {  	s10 =	sld [smem:$0x3FB2];
	_ =	sdelay $0x3  }
0x33: {  	p0 =	seq.s32 s10, $0x1;
	s10 =	sld [smem:$0x3FB4];
	_ =	sdelay $0x3  }
0x34: {  	[smem:$0x3FB4] =	sst s10  }
0x35: {  	s10 =	sld [smem:$0x3FB3];
	_ =	sdelay $0x3  }
0x36: {  	p1 =	seq.s32 s10, $0x1;
	s10 =	sld [smem:$0x3FB4];
	_ =	sdelay $0x3  }
0x37: {  	[smem:$0x3FB4] =	sst s10  }
0x38: {  	s10 =	sld [smem:$0x3FB5]  }
0x39: {  	_ = 	snop;
	(pc) =	sbr.ind lr, $3  }
0x3a: {  	_ = 	snop  }
0x3b: {  	_ = 	snop  }
0x3c: {  	p2 =	seq.s32 s10, $0x1;
	s10 =	sld [smem:$0x3FB4]  }
0x3d: {  	_ =	shalt  }
0x3e: {  	_ =	shalt  }
0x3f: {  	_ =	shalt  }
0x40: {  	_ =	shalt  }
0x41: {  	_ =	shalt  }
0x42: {  	_ =	shalt  }
0x43: {  	_ =	shalt  }
0x44: {  	_ =	shalt  }
0x45: {  	_ =	shalt  }
0x46: {  	_ =	shalt  }
0x47: {  	_ =	shalt  }
0x48: {  	_ =	shalt  }
0x49: {  	_ =	shalt  }
0x4a: {  	_ =	shalt  }
0x4b: {  	_ =	shalt  }
0x4c: {  	_ =	shalt  }
0x4d: {  	_ =	shalt  }
0x4e: {  	_ =	shalt  }
0x4f: {  	_ =	shalt  }
0x50: {  	_ =	shalt  }
0x51: {  	_ =	shalt  }
0x52: {  	_ =	shalt  }
0x53: {  	_ =	shalt  }
0x54: {  	_ =	shalt  }
0x55: {  	_ =	shalt  }
0x56: {  	_ =	shalt  }
0x57: {  	_ =	shalt  }
0x58: {  	_ =	shalt  }
0x59: {  	_ =	shalt  }
0x5a: {  	_ =	shalt  }
0x5b: {  	_ =	shalt  }
0x5c: {  	_ =	shalt  }
0x5d: {  	_ =	shalt  }
0x5e: {  	_ =	shalt  }
0x5f: {  	_ =	shalt  }
0x60: {  	_ =	shalt  }
0x61: {  	_ =	shalt  }
0x62: {  	_ =	shalt  }
0x63: {  	_ =	shalt  }
0x64: {  	_ =	shalt  }
0x65: {  	_ =	shalt  }
0x66: {  	_ =	shalt  }
0x67: {  	_ =	shalt  }
0x68: {  	_ =	shalt  }
0x69: {  	_ =	shalt  }
0x6a: {  	_ =	shalt  }
0x6b: {  	_ =	shalt  }
0x6c: {  	_ =	shalt  }
0x6d: {  	_ =	shalt  }
0x6e: {  	_ =	shalt  }
0x6f: {  	_ =	shalt  }
0x70: {  	_ =	shalt  }
0x71: {  	_ =	shalt  }
0x72: {  	_ =	shalt  }
0x73: {  	_ =	shalt  }
0x74: {  	_ =	shalt  }
0x75: {  	_ =	shalt  }
0x76: {  	_ =	shalt  }
0x77: {  	_ =	shalt  }
0x78: {  	_ =	shalt  }
0x79: {  	_ =	shalt  }
0x7a: {  	_ =	shalt  }
0x7b: {  	_ =	shalt  }
0x7c: {  	_ =	shalt  }
0x7d: {  	_ =	shalt  }
0x7e: {  	_ =	shalt  }
0x7f: {  	_ =	shalt  }
0x80: {  	_ =	shalt  }
0x81: {  	_ =	shalt  }
0x82: {  	_ =	shalt  }
0x83: {  	_ =	shalt  }
0x84: {  	_ =	shalt  }
0x85: {  	_ =	shalt  }
0x86: {  	_ =	shalt  }
0x87: {  	_ =	shalt  }
.Lfunc_end0:
.L_simem_size_0:
called_computation.3_lowered:
.L_overlay_start_0:
0x88: {  	s2 =	sld [smem:$0x3FD9]  }
0x89: {  	s3 =	sld [smem:$0x3FFE];
	_ =	sdelay $0x1  }
0x8a: {  	s1 =	srdreg.scid  }
0x8b: {  	s0 =	sand.u32 $0x1, s1  }
0x8c: {  	s17 =	sshll.u32 s0, $0xA;
	s2 =	sadd.s32 s3, s2  }
0x8d: {  	s2 =	sadd.s32 s2, s17  }
0x8e: {  	[smem:$0x3FC0] =	sst s2  }
0x8f: {  	_ = 	snop  }
0x90: {  	s2 =	sld [smem:$0x3FD0];
	(tm) =	ssettm $0x1  }
0x91: {  	s18 =	sld [smem:$0x3FFB];
	_ =	sdelay $0x3  }
0x92: {  	_ =	strace s18  }
0x93: {  	s3 =	sld [smem:$0x3FFC];
	_ =	sdelay $0x3  }
0x94: {  	_ =	strace s3  }
0x95: {  	s3 =	sld [smem:$0x3FFD];
	_ =	sdelay $0x3  }
0x96: {  	_ =	strace s3  }
0x97: {  	_ =	strace $0x8FFFFFFF  }
0x98: {  	s19 =	sld [smem:$0x3FDB];
	_ =	sdelay $0x1  }
0x99: {  	s4 =	simm.s32 $_scs_section_size  }
0x9a: {  	s5 =	simm.s32 $_size__tile_overlayer_lowered;
	s6 =	simm.s32 $_tile_overlayer_lowered  }
0x9b: {  	s22 =	simm.s32 $0x1BFF;
	s21 =	sshll.u32 s6, $0x1;
	s3 =	sadd.s32 s4, s19  }
0x9c: {  	s7 =	simm.s32 $0x0;
	s20 =	sshll.u32 s5, $0x1;
	s5 =	sadd.s32 s21, s3  }
0x9d: {  	[timem:s7], [sflag:s22] =	dma.local [hbm:s5], s20  }
0x9e: {  	_ =	swait.ge [sflag:s22], s20  }
0x9f: {  	s4 =	ssub.s32 $0x0, s20;
	[sflag:s22] =	ssyncset.done $0x0  }
0xa0: {  	[sflag:s22] =	ssyncadd.s32 s4;
	_ =	sdelay $0x1  }
0xa1: {  	s23 =	simm.s32 $0x1B8B  }
0xa2: {  	_ =	swait.ge [sflag:s23], $0x1  }
0xa3: {  	[sflag:s23] =	ssyncset.done $0x0  }
0xa4: {  	s25 =	simm.s32 $0x1B8E;
	s24 =	sld [smem:$0x3FFE];
	[sflag:s23] =	ssyncadd.s32 $0xFFFFFFFF  }
0xa5: {  	s26 =	simm.s32 $execute0_lowered;
	[smem:$0x3FD2] =	sst s25  }
0xa6: {  	s5 =	sshll.u32 s26, $0x1;
	_ =	strace $0x8000004F;
	[dreg:$0x1] =	wrdreg $0xFFFFFFFF  }
0xa7: {  	s28 =	simm.s32 $_size_execute0_lowered;
	s3 =	sadd.s32 s3, s5;
	[dreg:$0x0] =	wrdreg $0x0  }
0xa8: {  	s5 =	sshll.u32 s28, $0x1;
	[dreg:$0x2] =	wrdreg s3  }
0xa9: {  	[dreg:$0x3] =	wrdreg s5  }
0xaa: {  	[dreg:$0x4] =	wrdreg $0xC0  }
0xab: {  	_ =	task [dreg:s7], $0x5FFFF  }
0xac: {  	[dreg:$0x1] =	wrdreg $0xFFFFFFFF  }
0xad: {  	[dreg:$0x0] =	wrdreg $0x60  }
0xae: {  	[dreg:$0x2] =	wrdreg s24  }
0xaf: {  	[dreg:$0x3] =	wrdreg s2  }
0xb0: {  	[dreg:$0x4] =	wrdreg $0xA8000  }
0xb1: {  	[dreg:$0x5] =	wrdreg $0x9  }
0xb2: {  	_ =	task.clear_ibuf [dreg:s7], $0x6FFFF;
	_ =	strace $0x9000004F  }
0xb3: {  	s29 =	simm.s32 $0x9;
	_ =	strace $0x80000051  }
0xb4: {  	_ =	swait.ge [sflag:s29], $0x1  }
0xb5: {  	[sflag:s29] =	ssyncadd.s32 $0xFFFFFFFF  }
0xb6: {  	_ =	strace $0x90000051  }
0xb7: {  	_ =	sfence  }
0xb8: {  	s30 =	sld [smem:$0x0];
	_ =	sdelay $0x2  }
0xb9: {  	s31 =	sshll.u32 s1, $0xD;
	s1 =	sshrl.u32 s1, $0x2  }
0xba: {  	s3 =	sand.u32 $0x4000, s31;
	s1 =	sadd.s32 s1, s30  }
0xbb: {  	s0 =	sor.u32 s3, s0;
	s1 =	sshll.u32 s1, $0x11  }
0xbc: {  	s0 =	sor.u32 s1, s0  }
0xbd: {  	s0 =	sadd.s32 $0x8F2B, s0  }
0xbe: {  	[sflag:s0] =	ssyncadd.remote.s32 $0x1  }
0xbf: {  	_ =	sfence.sel $0xFFFF  }
0xc0: {  	[dreg:$0x0] =	wrdreg $0xFFFFFFFF;
	(pc) =	sbr.abs _section_cstart, $3  }
0xc1: {  	[dreg:$0x1] =	wrdreg $0xFFFFFFFF  }
0xc2: {  	_ =	task.clear_ibuf [dreg:s7], $0x2FFFF;
	_ =	strace $0x9FFFFFFF  }
0xc3: {  	(tm) =	ssettm $0x7FFFFFFF  }
tec
execute0_lowered:
.L_overlay_start_1:
0x0: {  	(tag) =	ssettag $0x1  }
0x1: {  	s0 =	srdreg.scid;
	s1 =	rddreg [dreg:$0x0]  }
0x2: {  	s20 =	rddreg [dreg:$0x1];
	s26 =	stileid.u32  }
0x3: {  	s2 =	rddreg [dreg:$0x2];
	s24 =	simm.s32 $0x2780;
	s8 =	smul.u32 $0x50000, s26  }
0x4: {  	s25 =	simm.s32 $0x80;
	s28 =	simm.s32 $0x1;
	s17 =	smul.u32 $0x14000, s26  }
0x5: {  	s29 =	simm.s32 $0x0;
	s5 =	sand.u32 $0x1, s0;
	s23 =	smul.u32 $0x4F0, s26  }
0x6: {  	s3 =	sshll.u32 s5, $0x4;
	s7 =	smul.u32 $0x4F00, s5;
	s30 =	ssub.s32 $0x2, s5  }
0x7: {  	s19 =	smul.u32 $0x140000, s5;
	s4 =	sor.u32 s26, s3;
	s3 =	simm.s32 $0x0  }
0x8: {  	s9 =	sshrl.u32 s30, $0x1;
	s8 =	sshrl.u32 s8, $0x2;
	s13 =	sadd.s32 $0x4000, s17  }
0x9: {  	s15 =	sadd.s32 $0x8000, s17;
	s18 =	sadd.s32 $0xC000, s17;
	s22 =	sadd.s32 $0x10000, s17  }
0xa: {  	s26 =	simm.s32 $0x2800;
	s6 =	smul.u32 $0x4F0, s4;
	[smem:$0x7FF] =	sst s3  }
0xb: {  	s4 =	sadd.s32 $0x22C00, s1;
	s5 =	sadd.s32 s8, s2;
	s12 =	sadd.s32 s19, s17  }
0xc: {  	s14 =	sadd.s32 s19, s13;
	s13 =	sadd.s32 s13, s2;
	s16 =	sadd.s32 s19, s15  }
0xd: {  	s15 =	sadd.s32 s15, s2;
	s21 =	sadd.s32 s19, s18;
	s17 =	sadd.s32 s18, s2  }
0xe: {  	s31 =	sadd.s32 s19, s22;
	s19 =	sadd.s32 s22, s2;
	s22 =	simm.s32 $0x2  }
0xf: {  	_ =	strace $0x80000050;
	s8 =	sadd.s32 $0x4000, s5;
	s10 =	sadd.s32 $0xC000, s5  }
0x10: {  	s11 =	sadd.s32 $0x10000, s5;
	s12 =	sshrl.u32 s12, $0x3;
	s14 =	sshrl.u32 s14, $0x3  }
0x11: {  	s16 =	sshrl.u32 s16, $0x3;
	s21 =	sshrl.u32 s21, $0x3;
	s6 =	sadd.s32 s6, s1  }
0x12: {  	s1 =	sadd.s32 s7, s1;
	s7 =	ssub.s32 s30, s9;
	s9 =	sadd.s32 $0x8000, s5  }
0x13: {  	s12 =	sadd.s32 s20, s12;
	s14 =	sadd.s32 s20, s14;
	s16 =	sadd.s32 s20, s16  }
0x14: {  	s18 =	sadd.s32 s20, s21;
	s21 =	sshrl.u32 s31, $0x3;
	s6 =	sadd.s32 $0x18E00, s6  }
0x15: {  	s7 =	smax.u32 s7, $0x1;
	s1 =	sadd.s32 s23, s1;
	s20 =	sadd.s32 s20, s21  }
0x16: {  	v0 =	vimm.f32 $0.0e+00;
	s23 =	simm.s32 $0x6800;
	[dreg:$0x4] =	wrdreg s6;
	s21 =	sadd.s32 $0xF000, s1  }
.LBB2_1:
0x17: {  	s0 =	rddreg [dreg:$0x4]  }
0x18: {  	[tilespmem:s3], [sflag:$0x2] =	stream.linear.gather [hbm4b:s0+s3], $0x2780, $0x38;
	[tilespmem:$0x1E800] =	vst v63  }
0x19: {  	_ =	swait.ge [sflag:s22], $0x2780  }
0x1a: {  	[sflag:s22] =	ssyncset.done $0x0  }
0x1b: {  	s30 =	simm.s32 $0x0;
	s31 =	simm.s32 $0x200;
	[sflag:s22] =	ssyncadd.s32 $0xFFFFD880  }
.LBB2_2:
0x1c: {  	p0 =	sne.s32 s31, $0xFE00;
	[tilespmem:s30+$0x6870] =	vst v0  }
0x1d: {  	[tilespmem:s30+$0x6800] =	vst v0  }
0x1e: {  	[tilespmem:s30+$0x6810] =	vst v0  }
.Ltmp0:
0x1f: {  	[tilespmem:s30+$0x6820] =	vst v0;
	(pc) =	sbr.rel @p0 .LBB2_2-.Ltmp0, $4  }
0x20: {  	[tilespmem:s30+$0x6830] =	vst v0  }
0x21: {  	[tilespmem:s30+$0x6840] =	vst v0  }
0x22: {  	[tilespmem:s30+$0x6850] =	vst v0  }
0x23: {  	[tilespmem:s30+$0x6860] =	vst v0;
	s30 =	sshra.s32 s31, $0x2;
	s31 =	sadd.s32 $0x200, s31  }
0x24: {  	[tilespmem:s30+$0x6870] =	vst v0  }
0x25: {  	[tilespmem:s30+$0x6800] =	vst v0  }
0x26: {  	[tilespmem:s30+$0x6810] =	vst v0  }
0x27: {  	[tilespmem:s30+$0x6820] =	vst v0  }
0x28: {  	[tilespmem:s30+$0x6830] =	vst v0  }
0x29: {  	[tilespmem:s30+$0x6840] =	vst v0  }
0x2a: {  	[tilespmem:s30+$0x6850] =	vst v0  }
0x2b: {  	[tilespmem:s30+$0x6860] =	vst v0  }
0x2c: {  	[spmem:s5] =	stream.linear.scatter [tilespmem:s23], [sflag:$0x2], $0x4000, $0x38;
	[tilespmem:$0x1E800] =	vst v63  }
0x2d: {  	_ =	swait.ge [sflag:s22], $0x4000  }
0x2e: {  	[sflag:s22] =	ssyncset.done $0x0  }
0x2f: {  	[sflag:s22] =	ssyncadd.s32 $0xFFFFC000  }
0x30: {  	[spmem:s8] =	stream.linear.scatter [tilespmem:s23], [sflag:$0x2], $0x4000, $0x38;
	[tilespmem:$0x1E800] =	vst v63  }
0x31: {  	_ =	swait.ge [sflag:s22], $0x4000  }
0x32: {  	[sflag:s22] =	ssyncset.done $0x0  }
0x33: {  	[sflag:s22] =	ssyncadd.s32 $0xFFFFC000  }
0x34: {  	[spmem:s9] =	stream.linear.scatter [tilespmem:s23], [sflag:$0x2], $0x4000, $0x38;
	[tilespmem:$0x1E800] =	vst v63  }
0x35: {  	_ =	swait.ge [sflag:s22], $0x4000  }
0x36: {  	[sflag:s22] =	ssyncset.done $0x0  }
0x37: {  	[sflag:s22] =	ssyncadd.s32 $0xFFFFC000  }
0x38: {  	[spmem:s10] =	stream.linear.scatter [tilespmem:s23], [sflag:$0x2], $0x4000, $0x38;
	[tilespmem:$0x1E800] =	vst v63  }
0x39: {  	_ =	swait.ge [sflag:s22], $0x4000  }
0x3a: {  	[sflag:s22] =	ssyncset.done $0x0  }
0x3b: {  	[sflag:s22] =	ssyncadd.s32 $0xFFFFC000  }
0x3c: {  	[spmem:s11] =	stream.linear.scatter [tilespmem:s23], [sflag:$0x2], $0x4000, $0x38;
	[tilespmem:$0x1E800] =	vst v63  }
0x3d: {  	_ =	swait.ge [sflag:s22], $0x4000  }
0x3e: {  	[sflag:s22] =	ssyncset.done $0x0  }
0x3f: {  	[sflag:s22] =	ssyncadd.s32 $0xFFFFC000  }
0x40: {  	s1 =	sadd.s32 $0x0, s21;
	[bflag:$0x0] =	sbarrier.arrive $0xFFFF  }
0x41: {  	[tilespmem:s24], [sflag:$0x2] =	stream.linear.gather [hbm4b:s1+s3], $0x80, $0x38;
	[tilespmem:$0x1E800] =	vst v63  }
0x42: {  	_ =	swait.ge [sflag:s22], $0x80  }
0x43: {  	[sflag:s22] =	ssyncset.done $0x0  }
0x44: {  	s6 =	simm.s32 $0x0;
	[sflag:s22] =	ssyncadd.s32 $0xFFFFFF80  }
0x45: {  	[tilespmem:s26], [sflag:$0x1] =	stream.indirect.gather [hbm4b:s4+s25], $0x80, s6, s25, $0xb8;
	[tilespmem:$0x1E800] =	vst v63  }
0x46: {  	_ =	swait.ge [sflag:s28], $0x4000  }
0x47: {  	[sflag:s28] =	ssyncset.done $0x0  }
0x48: {  	[sflag:s28] =	ssyncadd.s32 $0xFFFFC000  }
0x49: {  	[spmem:s2] =	stream.indirect.scatter.add.f32 [tilespmem:s26], [sflag:$0x2], $0x80, s24, s25, $0xb8;
	[tilespmem:$0x1E800] =	vst v63  }
0x4a: {  	s31 =	simm.s32 $0x10;
	_ =	swait.ge [sflag:s22], $0x4000  }
0x4b: {  	s30 =	simm.s32 $0x80;
	s1 =	simm.s32 $0x20;
	[sflag:s22] =	ssyncset.done $0x0  }
.LBB2_4:
0x4c: {  	s0 =	sadd.s32 s31, s21  }
0x4d: {  	[sflag:s22] =	ssyncadd.s32 $0xFFFFC000;
	s31 =	smov.u32 s1;
	s6 =	sadd.s32 $0x10, s1  }
0x4e: {  	[tilespmem:s24], [sflag:$0x2] =	stream.linear.gather [hbm4b:s0+s3], $0x80, $0x38;
	[tilespmem:$0x1E800] =	vst v63  }
0x4f: {  	p0 =	sne.s32 s1, $0x4E0;
	_ =	swait.ge [sflag:s22], $0x80  }
0x50: {  	[sflag:s22] =	ssyncset.done $0x0  }
0x51: {  	[sflag:s22] =	ssyncadd.s32 $0xFFFFFF80  }
0x52: {  	[tilespmem:s26], [sflag:$0x1] =	stream.indirect.gather [hbm4b:s4+s25], $0x80, s30, s25, $0xb8;
	[tilespmem:$0x1E800] =	vst v63  }
0x53: {  	_ =	swait.ge [sflag:s28], $0x4000  }
.Ltmp1:
0x54: {  	[sflag:s28] =	ssyncset.done $0x0;
	(pc) =	sbr.rel @p0 .LBB2_4-.Ltmp1, $4  }
0x55: {  	[sflag:s28] =	ssyncadd.s32 $0xFFFFC000  }
0x56: {  	[spmem:s2] =	stream.indirect.scatter.add.f32 [tilespmem:s26], [sflag:$0x2], $0x80, s24, s25, $0xb8;
	[tilespmem:$0x1E800] =	vst v63  }
0x57: {  	_ =	swait.ge [sflag:s22], $0x4000  }
0x58: {  	s1 =	smov.u32 s6;
	s30 =	sadd.s32 $0x80, s30;
	[sflag:s22] =	ssyncset.done $0x0  }
0x59: {  	s0 =	sadd.s32 s31, s21;
	[sflag:s22] =	ssyncadd.s32 $0xFFFFC000  }
0x5a: {  	[tilespmem:s24], [sflag:$0x2] =	stream.linear.gather [hbm4b:s0+s3], $0x80, $0x38;
	[tilespmem:$0x1E800] =	vst v63  }
0x5b: {  	_ =	swait.ge [sflag:s22], $0x80  }
0x5c: {  	[sflag:s22] =	ssyncset.done $0x0  }
0x5d: {  	[sflag:s22] =	ssyncadd.s32 $0xFFFFFF80  }
0x5e: {  	[tilespmem:s26], [sflag:$0x1] =	stream.indirect.gather [hbm4b:s4+s25], $0x80, s30, s25, $0xb8;
	[tilespmem:$0x1E800] =	vst v63  }
0x5f: {  	_ =	swait.ge [sflag:s28], $0x4000  }
0x60: {  	[sflag:s28] =	ssyncset.done $0x0  }
0x61: {  	[sflag:s28] =	ssyncadd.s32 $0xFFFFC000  }
0x62: {  	[spmem:s2] =	stream.indirect.scatter.add.f32 [tilespmem:s26], [sflag:$0x2], $0x80, s24, s25, $0xb8;
	[tilespmem:$0x1E800] =	vst v63  }
0x63: {  	_ =	swait.ge [sflag:s22], $0x4000  }
0x64: {  	[sflag:s22] =	ssyncset.done $0x0  }
0x65: {  	[sflag:s22] =	ssyncadd.s32 $0xFFFFC000  }
0x66: {  	[bflag:$0x0] =	sbarrier.arrive $0xFFFF  }
0x67: {  	[tilespmem:s23], [sflag:$0x2] =	stream.linear.gather [spmem:s5], $0x4000, $0x38;
	[tilespmem:$0x1E800] =	vst v63  }
0x68: {  	_ =	swait.ge [sflag:s22], $0x4000  }
0x69: {  	[sflag:s22] =	ssyncset.done $0x0  }
0x6a: {  	[sflag:s22] =	ssyncadd.s32 $0xFFFFC000  }
0x6b: {  	[hbm4b:s12+s3] =	stream.linear.scatter [tilespmem:s23], [sflag:$0x2], $0x4000, $0x38;
	[tilespmem:$0x1E800] =	vst v63  }
0x6c: {  	_ =	swait.ge [sflag:s22], $0x4000  }
0x6d: {  	[sflag:s22] =	ssyncset.done $0x0  }
0x6e: {  	[sflag:s22] =	ssyncadd.s32 $0xFFFFC000  }
0x6f: {  	[tilespmem:s23], [sflag:$0x2] =	stream.linear.gather [spmem:s13], $0x4000, $0x38;
	[tilespmem:$0x1E800] =	vst v63  }
0x70: {  	_ =	swait.ge [sflag:s22], $0x4000  }
0x71: {  	[sflag:s22] =	ssyncset.done $0x0  }
0x72: {  	[sflag:s22] =	ssyncadd.s32 $0xFFFFC000  }
0x73: {  	[hbm4b:s14+s3] =	stream.linear.scatter [tilespmem:s23], [sflag:$0x2], $0x4000, $0x38;
	[tilespmem:$0x1E800] =	vst v63  }
0x74: {  	_ =	swait.ge [sflag:s22], $0x4000  }
0x75: {  	[sflag:s22] =	ssyncset.done $0x0  }
0x76: {  	[sflag:s22] =	ssyncadd.s32 $0xFFFFC000  }
0x77: {  	[tilespmem:s23], [sflag:$0x2] =	stream.linear.gather [spmem:s15], $0x4000, $0x38;
	[tilespmem:$0x1E800] =	vst v63  }
0x78: {  	_ =	swait.ge [sflag:s22], $0x4000  }
0x79: {  	[sflag:s22] =	ssyncset.done $0x0  }
0x7a: {  	[sflag:s22] =	ssyncadd.s32 $0xFFFFC000  }
0x7b: {  	[hbm4b:s16+s3] =	stream.linear.scatter [tilespmem:s23], [sflag:$0x2], $0x4000, $0x38;
	[tilespmem:$0x1E800] =	vst v63  }
0x7c: {  	_ =	swait.ge [sflag:s22], $0x4000  }
0x7d: {  	[sflag:s22] =	ssyncset.done $0x0  }
0x7e: {  	[sflag:s22] =	ssyncadd.s32 $0xFFFFC000  }
0x7f: {  	[tilespmem:s23], [sflag:$0x2] =	stream.linear.gather [spmem:s17], $0x4000, $0x38;
	[tilespmem:$0x1E800] =	vst v63  }
0x80: {  	_ =	swait.ge [sflag:s22], $0x4000  }
0x81: {  	[sflag:s22] =	ssyncset.done $0x0  }
0x82: {  	[sflag:s22] =	ssyncadd.s32 $0xFFFFC000  }
0x83: {  	[hbm4b:s18+s3] =	stream.linear.scatter [tilespmem:s23], [sflag:$0x2], $0x4000, $0x38;
	[tilespmem:$0x1E800] =	vst v63  }
0x84: {  	_ =	swait.ge [sflag:s22], $0x4000  }
0x85: {  	[sflag:s22] =	ssyncset.done $0x0  }
0x86: {  	[sflag:s22] =	ssyncadd.s32 $0xFFFFC000  }
0x87: {  	[tilespmem:s23], [sflag:$0x2] =	stream.linear.gather [spmem:s19], $0x4000, $0x38;
	[tilespmem:$0x1E800] =	vst v63  }
0x88: {  	s29 =	sadd.s32 $0x1, s29;
	_ =	swait.ge [sflag:s22], $0x4000  }
0x89: {  	p0 =	sne.s32 s29, s7;
	[sflag:s22] =	ssyncset.done $0x0  }
.Ltmp2:
0x8a: {  	[sflag:s22] =	ssyncadd.s32 $0xFFFFC000;
	(pc) =	sbr.rel @p0 .LBB2_1-.Ltmp2, $4  }
0x8b: {  	[hbm4b:s20+s3] =	stream.linear.scatter [tilespmem:s23], [sflag:$0x2], $0x4000, $0x38;
	[tilespmem:$0x1E800] =	vst v63  }
0x8c: {  	_ =	swait.ge [sflag:s22], $0x4000  }
0x8d: {  	[sflag:s22] =	ssyncset.done $0x0  }
0x8e: {  	[sflag:s22] =	ssyncadd.s32 $0xFFFFC000  }
0x8f: {  	_ =	sfence.sel $0x180000  }
0x90: {  	[bflag:$0x0] =	sbarrier.arrive $0xFFFF  }
0x91: {  	_ =	strace $0x90000050  }
0x92: {  	s0 =	stileid.u32;
	[bflag:$0x2] =	sbarrier.arrive $0xFFFF  }
0x93: {  	p0 =	sne.s32 s0, $0x0;
	s0 =	rddreg [dreg:$0x3]  }
0x94: {  	s0 =	sadd.s32 @!p0 $0x100000, s0  }
0x95: {  	[sflag:s0] =	ssyncadd.tile.s32 @!p0 $0x1;
	_ =	shalt  }
.Lfunc_end2:
_tile_overlayer_lowered:
.L_overlay_start_2:
0x96: {  	(tag) =	ssettag $0x2  }
0x97: {  	s0 =	rddreg [dreg:$0x0];
	s2 =	stileid.u32  }
0x98: {  	s1 =	rddreg [dreg:$0x1];
	p0 =	sne.s32 s2, $0x0  }
0x99: {  	s3 =	rddreg [dreg:$0x2];
	[bflag:$0x3] =	sbarrier.arrive $0xFFFF;
	s2 =	simm.s32 @!p0 $0x1C02  }
0x9a: {  	[timem:s3], [sflag:s2] =	dma.local @!p0 [hbm:s0], s1  }
0x9b: {  	s0 =	simm.s32 @!p0 $0x2  }
0x9c: {  	_ =	swait.ge @!p0 [sflag:s0], s1  }
0x9d: {  	s1 =	ssub.s32 @!p0 $0x0, s1;
	[sflag:s0] =	ssyncset.done @!p0 $0x0  }
0x9e: {  	[sflag:s0] =	ssyncadd.s32 @!p0 s1  }
0x9f: {  	[bflag:$0x3] =	sbarrier.arrive $0xFFFF  }
0xa0: {  	_ =	shalt  }

// kernel: kernel.22.cloned.1.call-start
scs
__scs_entry_jumppad:
0x0: {  	(pc) =	sbr.rel $0x88, $3  }
0x1: {  	(tag) =	ssettag $0x0;
	lr =	simm.s32 $0x1  }
0x2: {  	[smem:$0x3F99] =	sst lr;
	_ =	strace $0xD0000000  }
0x3: {  	_ = 	snop  }
0x4: {  	_ = 	snop  }
0x5: {  	_ = 	snop  }
0x6: {  	_ = 	snop  }
0x7: {  	_ = 	snop  }
__scs_overlays_trampoline_lowered:
0x8: {  	[smem:$0x3FA8] =	sst s0  }
0x9: {  	[smem:$0x3FA9] =	sst s1  }
0xa: {  	[smem:$0x3FAA] =	sst s2  }
0xb: {  	[smem:$0x3FAB] =	sst s3  }
0xc: {  	[smem:$0x3FAC] =	sst s4  }
0xd: {  	[smem:$0x3FAD] =	sst s5  }
0xe: {  	[smem:$0x3FAE] =	sst s6  }
0xf: {  	[smem:$0x3FAF] =	sst s7  }
0x10: {  	[smem:$0x3FB0] =	sst s8  }
0x11: {  	[smem:$0x3FB1] =	sst s9;
	s0 =	simm.s32 @!p0 $0x0  }
0x12: {  	s1 =	sld [smem:$0x3F97];
	s0 =	simm.s32 @p0 $0x1  }
0x13: {  	[smem:$0x3FB2] =	sst s0;
	s0 =	simm.s32 @!p1 $0x0  }
0x14: {  	s2 =	sld [smem:$0x3F96];
	s0 =	simm.s32 @p1 $0x1  }
0x15: {  	[smem:$0x3FB3] =	sst s0;
	s0 =	simm.s32 @!p2 $0x0  }
0x16: {  	s3 =	sld [smem:$0x3FDB];
	s0 =	simm.s32 @p2 $0x1  }
0x17: {  	s4 =	simm.s32 $0x1BF5;
	[smem:$0x3FB5] =	sst s0  }
0x18: {  	s0 =	sld [smem:$0x3F98];
	_ =	swait.ge [sflag:s4], $0x0  }
0x19: {  	s7 =	sld [smem:$0x3F99]  }
0x1a: {  	s8 =	sadd.s32 $0xFFFFE003, lr  }
0x1b: {  	s9 =	sadd.s32 $0xFFFFFEF7, lr;
	s5 =	simm.s32 $0xFFFFFFFF;
	p2 =	slt.u32 s8, $0xFFFFF086  }
0x1c: {  	p1 =	slt.u32 s9, $0xF7A;
	s5 =	simm.s32 @!p2 $0x0  }
0x1d: {  	s5 =	simm.s32 @p1 $0x1;
	p0 =	seq.s32 s7, s2  }
0x1e: {  	s7 =	smul.u32 @!p0 $0xF7A, s2;
	p2 =	seq.s32 @!p0 s5, $0x0  }
0x1f: {  	s9 =	smul.u32 $0xF7A, s1;
	s8 =	simm.s32 @!p0 $0x1BF5;
	p2 =	por !p2, p0  }
0x20: {  	[sflag:s8] =	ssyncset.s32 @!p0 $0xFFFFF086;
	s6 =	sadd.s32 @!p0 s3, s7;
	s7 =	simm.s32 @!p0 $0x108  }
0x21: {  	s3 =	sadd.s32 s3, s9;
	s6 =	sadd.s32 @!p0 $0x88, s6;
	s7 =	simm.s32 @p2 $0x1082  }
0x22: {  	[simem:s7], [sflag:s8] =	dma.local @!p0 [hbm:s6], $0xF7A  }
0x23: {  	s9 =	sor.u32 $0xD0000000, s2;
	s6 =	simm.s32 $0x108;
	_ =	swait.ge @!p0 [sflag:s8], $0x0  }
0x24: {  	s3 =	sadd.s32 $0x88, s3;
	s6 =	simm.s32 @!p1 $0x1082;
	[sflag:s4] =	ssyncset.s32 $0xFFFFF086  }
0x25: {  	[simem:s6], [sflag:s4] =	dma.local [hbm:s3], $0xF7A  }
0x26: {  	[smem:$0x3F99] =	sst s1;
	(tag) =	ssettag s2;
	_ =	strace s9  }
0x27: {  	s1 =	sld [smem:$0x3FA9]  }
0x28: {  	s2 =	sld [smem:$0x3FAA]  }
0x29: {  	s4 =	sld [smem:$0x3FAC]  }
0x2a: {  	p0 =	seq.s32 s5, $0x0;
	s5 =	sld [smem:$0x3FAD]  }
0x2b: {  	s6 =	sld [smem:$0x3FAE]  }
0x2c: {  	s7 =	sld [smem:$0x3FAF]  }
0x2d: {  	s3 =	simm.s32 $0x108;
	s8 =	sld [smem:$0x3FB0]  }
0x2e: {  	s3 =	simm.s32 @!p0 $0x1082;
	s9 =	sld [smem:$0x3FB1]  }
0x2f: {  	lr =	sadd.s32 s0, s3;
	s0 =	sld [smem:$0x3FA8]  }
0x30: {  	s3 =	sld [smem:$0x3FAB]  }
0x31: {  	[smem:$0x3FB4] =	sst s10  }
0x32: {  	s10 =	sld [smem:$0x3FB2];
	_ =	sdelay $0x3  }
0x33: {  	p0 =	seq.s32 s10, $0x1;
	s10 =	sld [smem:$0x3FB4];
	_ =	sdelay $0x3  }
0x34: {  	[smem:$0x3FB4] =	sst s10  }
0x35: {  	s10 =	sld [smem:$0x3FB3];
	_ =	sdelay $0x3  }
0x36: {  	p1 =	seq.s32 s10, $0x1;
	s10 =	sld [smem:$0x3FB4];
	_ =	sdelay $0x3  }
0x37: {  	[smem:$0x3FB4] =	sst s10  }
0x38: {  	s10 =	sld [smem:$0x3FB5]  }
0x39: {  	_ = 	snop;
	(pc) =	sbr.ind lr, $3  }
0x3a: {  	_ = 	snop  }
0x3b: {  	_ = 	snop  }
0x3c: {  	p2 =	seq.s32 s10, $0x1;
	s10 =	sld [smem:$0x3FB4]  }
0x3d: {  	_ =	shalt  }
0x3e: {  	_ =	shalt  }
0x3f: {  	_ =	shalt  }
0x40: {  	_ =	shalt  }
0x41: {  	_ =	shalt  }
0x42: {  	_ =	shalt  }
0x43: {  	_ =	shalt  }
0x44: {  	_ =	shalt  }
0x45: {  	_ =	shalt  }
0x46: {  	_ =	shalt  }
0x47: {  	_ =	shalt  }
0x48: {  	_ =	shalt  }
0x49: {  	_ =	shalt  }
0x4a: {  	_ =	shalt  }
0x4b: {  	_ =	shalt  }
0x4c: {  	_ =	shalt  }
0x4d: {  	_ =	shalt  }
0x4e: {  	_ =	shalt  }
0x4f: {  	_ =	shalt  }
0x50: {  	_ =	shalt  }
0x51: {  	_ =	shalt  }
0x52: {  	_ =	shalt  }
0x53: {  	_ =	shalt  }
0x54: {  	_ =	shalt  }
0x55: {  	_ =	shalt  }
0x56: {  	_ =	shalt  }
0x57: {  	_ =	shalt  }
0x58: {  	_ =	shalt  }
0x59: {  	_ =	shalt  }
0x5a: {  	_ =	shalt  }
0x5b: {  	_ =	shalt  }
0x5c: {  	_ =	shalt  }
0x5d: {  	_ =	shalt  }
0x5e: {  	_ =	shalt  }
0x5f: {  	_ =	shalt  }
0x60: {  	_ =	shalt  }
0x61: {  	_ =	shalt  }
0x62: {  	_ =	shalt  }
0x63: {  	_ =	shalt  }
0x64: {  	_ =	shalt  }
0x65: {  	_ =	shalt  }
0x66: {  	_ =	shalt  }
0x67: {  	_ =	shalt  }
0x68: {  	_ =	shalt  }
0x69: {  	_ =	shalt  }
0x6a: {  	_ =	shalt  }
0x6b: {  	_ =	shalt  }
0x6c: {  	_ =	shalt  }
0x6d: {  	_ =	shalt  }
0x6e: {  	_ =	shalt  }
0x6f: {  	_ =	shalt  }
0x70: {  	_ =	shalt  }
0x71: {  	_ =	shalt  }
0x72: {  	_ =	shalt  }
0x73: {  	_ =	shalt  }
0x74: {  	_ =	shalt  }
0x75: {  	_ =	shalt  }
0x76: {  	_ =	shalt  }
0x77: {  	_ =	shalt  }
0x78: {  	_ =	shalt  }
0x79: {  	_ =	shalt  }
0x7a: {  	_ =	shalt  }
0x7b: {  	_ =	shalt  }
0x7c: {  	_ =	shalt  }
0x7d: {  	_ =	shalt  }
0x7e: {  	_ =	shalt  }
0x7f: {  	_ =	shalt  }
0x80: {  	_ =	shalt  }
0x81: {  	_ =	shalt  }
0x82: {  	_ =	shalt  }
0x83: {  	_ =	shalt  }
0x84: {  	_ =	shalt  }
0x85: {  	_ =	shalt  }
0x86: {  	_ =	shalt  }
0x87: {  	_ =	shalt  }
.Lfunc_end0:
.L_simem_size_0:
called_computation.4_lowered:
.L_overlay_start_0:
0x88: {  	s2 =	sld [smem:$0x3FD9]  }
0x89: {  	s3 =	sld [smem:$0x3FFE];
	_ =	sdelay $0x1  }
0x8a: {  	s1 =	srdreg.scid  }
0x8b: {  	s0 =	sand.u32 $0x1, s1  }
0x8c: {  	s16 =	sshll.u32 s0, $0xA;
	s2 =	sadd.s32 s3, s2  }
0x8d: {  	s2 =	sadd.s32 s2, s16  }
0x8e: {  	[smem:$0x3FC0] =	sst s2  }
0x8f: {  	_ = 	snop  }
0x90: {  	(tm) =	ssettm $0x1  }
0x91: {  	s17 =	sld [smem:$0x3FFB];
	_ =	sdelay $0x3  }
0x92: {  	_ =	strace s17  }
0x93: {  	s2 =	sld [smem:$0x3FFC];
	_ =	sdelay $0x3  }
0x94: {  	_ =	strace s2  }
0x95: {  	s2 =	sld [smem:$0x3FFD];
	_ =	sdelay $0x3  }
0x96: {  	_ =	strace s2  }
0x97: {  	_ =	strace $0x8FFFFFFF  }
0x98: {  	s18 =	sld [smem:$0x3FDB];
	_ =	sdelay $0x1  }
0x99: {  	s19 =	simm.s32 $_scs_section_size  }
0x9a: {  	s4 =	simm.s32 $_size__tile_overlayer_lowered;
	s5 =	simm.s32 $_tile_overlayer_lowered  }
0x9b: {  	s22 =	simm.s32 $0x1BFF;
	s21 =	sshll.u32 s5, $0x1;
	s2 =	sadd.s32 s19, s18  }
0x9c: {  	s6 =	simm.s32 $0x0;
	s20 =	sshll.u32 s4, $0x1;
	s4 =	sadd.s32 s21, s2  }
0x9d: {  	[timem:s6], [sflag:s22] =	dma.local [hbm:s4], s20  }
0x9e: {  	_ =	swait.ge [sflag:s22], s20  }
0x9f: {  	s3 =	ssub.s32 $0x0, s20;
	[sflag:s22] =	ssyncset.done $0x0  }
0xa0: {  	[sflag:s22] =	ssyncadd.s32 s3;
	_ =	sdelay $0x1  }
0xa1: {  	s23 =	simm.s32 $0x1B8B  }
0xa2: {  	_ =	swait.ge [sflag:s23], $0x1  }
0xa3: {  	[sflag:s23] =	ssyncset.done $0x0  }
0xa4: {  	s25 =	simm.s32 $0x1B8E;
	s24 =	sld [smem:$0x3FFE];
	[sflag:s23] =	ssyncadd.s32 $0xFFFFFFFF  }
0xa5: {  	s26 =	simm.s32 $execute0_lowered;
	[smem:$0x3FD2] =	sst s25  }
0xa6: {  	s4 =	sshll.u32 s26, $0x1;
	_ =	strace $0x80000052;
	[dreg:$0x1] =	wrdreg $0xFFFFFFFF  }
0xa7: {  	s28 =	simm.s32 $_size_execute0_lowered;
	s2 =	sadd.s32 s2, s4;
	[dreg:$0x0] =	wrdreg $0x0  }
0xa8: {  	s4 =	sshll.u32 s28, $0x1;
	[dreg:$0x2] =	wrdreg s2  }
0xa9: {  	[dreg:$0x3] =	wrdreg s4  }
0xaa: {  	[dreg:$0x4] =	wrdreg $0xC0  }
0xab: {  	_ =	task [dreg:s6], $0x5FFFF  }
0xac: {  	[dreg:$0x1] =	wrdreg $0xFFFFFFFF  }
0xad: {  	[dreg:$0x0] =	wrdreg $0x60  }
0xae: {  	[dreg:$0x2] =	wrdreg s24  }
0xaf: {  	[dreg:$0x3] =	wrdreg $0xA8000  }
0xb0: {  	[dreg:$0x4] =	wrdreg $0x9  }
0xb1: {  	_ =	task.clear_ibuf [dreg:s6], $0x5FFFF;
	_ =	strace $0x90000052  }
0xb2: {  	s29 =	simm.s32 $0x9;
	_ =	strace $0x80000054  }
0xb3: {  	_ =	swait.ge [sflag:s29], $0x1  }
0xb4: {  	[sflag:s29] =	ssyncadd.s32 $0xFFFFFFFF  }
0xb5: {  	_ =	strace $0x90000054  }
0xb6: {  	_ =	sfence  }
0xb7: {  	s30 =	sld [smem:$0x0];
	_ =	sdelay $0x2  }
0xb8: {  	s31 =	sshll.u32 s1, $0xD;
	s1 =	sshrl.u32 s1, $0x2  }
0xb9: {  	s3 =	sand.u32 $0x4000, s31;
	s1 =	sadd.s32 s1, s30  }
0xba: {  	s0 =	sor.u32 s3, s0;
	s1 =	sshll.u32 s1, $0x11  }
0xbb: {  	s0 =	sor.u32 s1, s0  }
0xbc: {  	s0 =	sadd.s32 $0x8F2B, s0  }
0xbd: {  	[sflag:s0] =	ssyncadd.remote.s32 $0x1  }
0xbe: {  	_ =	sfence.sel $0xFFFF  }
0xbf: {  	[dreg:$0x0] =	wrdreg $0xFFFFFFFF;
	(pc) =	sbr.abs _section_cstart, $3  }
0xc0: {  	[dreg:$0x1] =	wrdreg $0xFFFFFFFF  }
0xc1: {  	_ =	task.clear_ibuf [dreg:s6], $0x2FFFF;
	_ =	strace $0x9FFFFFFF  }
0xc2: {  	(tm) =	ssettm $0x7FFFFFFF  }
0xc3: {  	_ =	shalt  }
tec
execute0_lowered:
.L_overlay_start_1:
0x0: {  	(tag) =	ssettag $0x1  }
0x1: {  	s0 =	srdreg.scid;
	s5 =	rddreg [dreg:$0x0]  }
0x2: {  	s2 =	rddreg [dreg:$0x1];
	s1 =	stileid.u32  }
0x3: {  	s3 =	simm.s32 $0x0;
	s24 =	simm.s32 $0x2780;
	s25 =	simm.s32 $0x80  }
0x4: {  	s28 =	simm.s32 $0x1;
	s29 =	simm.s32 $0x0;
	s8 =	smul.u32 $0x50000, s1  }
0x5: {  	s0 =	sand.u32 $0x1, s0;
	[smem:$0x7FF] =	sst s3;
	s17 =	smul.u32 $0x14000, s1  }
0x6: {  	s21 =	sadd.s32 $0xC2C00, s5;
	s23 =	smul.u32 $0x4F0, s1;
	s4 =	sshll.u32 s0, $0x4  }
0x7: {  	_ =	strace $0x80000053;
	s7 =	smul.u32 $0x4F00, s0;
	s26 =	ssub.s32 $0x2, s0  }
0x8: {  	s0 =	smul.u32 $0x140000, s0;
	s4 =	sor.u32 s1, s4;
	s30 =	sshrl.u32 s26, $0x1  }
0x9: {  	s8 =	sshrl.u32 s8, $0x2;
	s13 =	sadd.s32 $0x4000, s17;
	s15 =	sadd.s32 $0x8000, s17  }
0xa: {  	s18 =	sadd.s32 $0xC000, s17;
	s22 =	sadd.s32 $0x10000, s17;
	s6 =	smul.u32 $0x4F0, s4  }
0xb: {  	s4 =	sadd.s32 $0x9AC00, s5;
	s20 =	sadd.s32 s7, s5;
	s7 =	ssub.s32 s26, s30  }
0xc: {  	s12 =	sadd.s32 s0, s17;
	s14 =	sadd.s32 s0, s13;
	s13 =	sadd.s32 s13, s2  }
0xd: {  	s16 =	sadd.s32 s0, s15;
	s15 =	sadd.s32 s15, s2;
	s19 =	sadd.s32 s0, s18  }
0xe: {  	s17 =	sadd.s32 s18, s2;
	s0 =	sadd.s32 s0, s22;
	s26 =	simm.s32 $0x2800  }
0xf: {  	s7 =	smax.u32 s7, $0x1;
	s12 =	sshrl.u32 s12, $0x3;
	s14 =	sshrl.u32 s14, $0x3  }
0x10: {  	s16 =	sshrl.u32 s16, $0x3;
	s19 =	sshrl.u32 s19, $0x3;
	s0 =	sshrl.u32 s0, $0x3  }
0x11: {  	s31 =	sadd.s32 s23, s20;
	s23 =	simm.s32 $0x6800;
	s6 =	sadd.s32 s6, s5  }
0x12: {  	s5 =	sadd.s32 s8, s2;
	s12 =	sadd.s32 s21, s12;
	s14 =	sadd.s32 s21, s14  }
0x13: {  	s16 =	sadd.s32 s21, s16;
	s18 =	sadd.s32 s21, s19;
	s19 =	sadd.s32 s22, s2  }
0x14: {  	s20 =	sadd.s32 s21, s0;
	s21 =	sadd.s32 $0xF000, s31;
	s22 =	simm.s32 $0x2  }
0x15: {  	s6 =	sadd.s32 $0x18E00, s6;
	s8 =	sadd.s32 $0x4000, s5;
	s9 =	sadd.s32 $0x8000, s5  }
0x16: {  	v0 =	vimm.f32 $0.0e+00;
	s10 =	sadd.s32 $0xC000, s5;
	s11 =	sadd.s32 $0x10000, s5;
	[dreg:$0x3] =	wrdreg s6  }
.LBB2_1:
0x17: {  	s0 =	rddreg [dreg:$0x3]  }
0x18: {  	[tilespmem:s3], [sflag:$0x2] =	stream.linear.gather [hbm4b:s0+s3], $0x2780, $0x38;
	[tilespmem:$0x1E800] =	vst v63  }
0x19: {  	_ =	swait.ge [sflag:s22], $0x2780  }
0x1a: {  	[sflag:s22] =	ssyncset.done $0x0  }
0x1b: {  	s30 =	simm.s32 $0x0;
	s31 =	simm.s32 $0x200;
	[sflag:s22] =	ssyncadd.s32 $0xFFFFD880  }
.LBB2_2:
0x1c: {  	p0 =	sne.s32 s31, $0xFE00;
	[tilespmem:s30+$0x6870] =	vst v0  }
0x1d: {  	[tilespmem:s30+$0x6800] =	vst v0  }
0x1e: {  	[tilespmem:s30+$0x6810] =	vst v0  }
.Ltmp0:
0x1f: {  	[tilespmem:s30+$0x6820] =	vst v0;
	(pc) =	sbr.rel @p0 .LBB2_2-.Ltmp0, $4  }
0x20: {  	[tilespmem:s30+$0x6830] =	vst v0  }
0x21: {  	[tilespmem:s30+$0x6840] =	vst v0  }
0x22: {  	[tilespmem:s30+$0x6850] =	vst v0  }
0x23: {  	[tilespmem:s30+$0x6860] =	vst v0;
	s30 =	sshra.s32 s31, $0x2;
	s31 =	sadd.s32 $0x200, s31  }
0x24: {  	[tilespmem:s30+$0x6870] =	vst v0  }
0x25: {  	[tilespmem:s30+$0x6800] =	vst v0  }
0x26: {  	[tilespmem:s30+$0x6810] =	vst v0  }
0x27: {  	[tilespmem:s30+$0x6820] =	vst v0  }
0x28: {  	[tilespmem:s30+$0x6830] =	vst v0  }
0x29: {  	[tilespmem:s30+$0x6840] =	vst v0  }
0x2a: {  	[tilespmem:s30+$0x6850] =	vst v0  }
0x2b: {  	[tilespmem:s30+$0x6860] =	vst v0  }
0x2c: {  	[spmem:s5] =	stream.linear.scatter [tilespmem:s23], [sflag:$0x2], $0x4000, $0x38;
	[tilespmem:$0x1E800] =	vst v63  }
0x2d: {  	_ =	swait.ge [sflag:s22], $0x4000  }
0x2e: {  	[sflag:s22] =	ssyncset.done $0x0  }
0x2f: {  	[sflag:s22] =	ssyncadd.s32 $0xFFFFC000  }
0x30: {  	[spmem:s8] =	stream.linear.scatter [tilespmem:s23], [sflag:$0x2], $0x4000, $0x38;
	[tilespmem:$0x1E800] =	vst v63  }
0x31: {  	_ =	swait.ge [sflag:s22], $0x4000  }
0x32: {  	[sflag:s22] =	ssyncset.done $0x0  }
0x33: {  	[sflag:s22] =	ssyncadd.s32 $0xFFFFC000  }
0x34: {  	[spmem:s9] =	stream.linear.scatter [tilespmem:s23], [sflag:$0x2], $0x4000, $0x38;
	[tilespmem:$0x1E800] =	vst v63  }
0x35: {  	_ =	swait.ge [sflag:s22], $0x4000  }
0x36: {  	[sflag:s22] =	ssyncset.done $0x0  }
0x37: {  	[sflag:s22] =	ssyncadd.s32 $0xFFFFC000  }
0x38: {  	[spmem:s10] =	stream.linear.scatter [tilespmem:s23], [sflag:$0x2], $0x4000, $0x38;
	[tilespmem:$0x1E800] =	vst v63  }
0x39: {  	_ =	swait.ge [sflag:s22], $0x4000  }
0x3a: {  	[sflag:s22] =	ssyncset.done $0x0  }
0x3b: {  	[sflag:s22] =	ssyncadd.s32 $0xFFFFC000  }
0x3c: {  	[spmem:s11] =	stream.linear.scatter [tilespmem:s23], [sflag:$0x2], $0x4000, $0x38;
	[tilespmem:$0x1E800] =	vst v63  }
0x3d: {  	_ =	swait.ge [sflag:s22], $0x4000  }
0x3e: {  	[sflag:s22] =	ssyncset.done $0x0  }
0x3f: {  	[sflag:s22] =	ssyncadd.s32 $0xFFFFC000  }
0x40: {  	s0 =	sadd.s32 $0x0, s21;
	[bflag:$0x0] =	sbarrier.arrive $0xFFFF  }
0x41: {  	[tilespmem:s24], [sflag:$0x2] =	stream.linear.gather [hbm4b:s0+s3], $0x80, $0x38;
	[tilespmem:$0x1E800] =	vst v63  }
0x42: {  	_ =	swait.ge [sflag:s22], $0x80  }
0x43: {  	[sflag:s22] =	ssyncset.done $0x0  }
0x44: {  	s6 =	simm.s32 $0x0;
	[sflag:s22] =	ssyncadd.s32 $0xFFFFFF80  }
0x45: {  	[tilespmem:s26], [sflag:$0x1] =	stream.indirect.gather [hbm4b:s4+s25], $0x80, s6, s25, $0xb8;
	[tilespmem:$0x1E800] =	vst v63  }
0x46: {  	_ =	swait.ge [sflag:s28], $0x4000  }
0x47: {  	[sflag:s28] =	ssyncset.done $0x0  }
0x48: {  	[sflag:s28] =	ssyncadd.s32 $0xFFFFC000  }
0x49: {  	[spmem:s2] =	stream.indirect.scatter.add.f32 [tilespmem:s26], [sflag:$0x2], $0x80, s24, s25, $0xb8;
	[tilespmem:$0x1E800] =	vst v63  }
0x4a: {  	s31 =	simm.s32 $0x10;
	_ =	swait.ge [sflag:s22], $0x4000  }
0x4b: {  	s30 =	simm.s32 $0x80;
	s0 =	simm.s32 $0x20;
	[sflag:s22] =	ssyncset.done $0x0  }
.LBB2_4:
0x4c: {  	s1 =	sadd.s32 s31, s21  }
0x4d: {  	[sflag:s22] =	ssyncadd.s32 $0xFFFFC000;
	s31 =	smov.u32 s0;
	s6 =	sadd.s32 $0x10, s0  }
0x4e: {  	[tilespmem:s24], [sflag:$0x2] =	stream.linear.gather [hbm4b:s1+s3], $0x80, $0x38;
	[tilespmem:$0x1E800] =	vst v63  }
0x4f: {  	p0 =	sne.s32 s0, $0x4E0;
	_ =	swait.ge [sflag:s22], $0x80  }
0x50: {  	[sflag:s22] =	ssyncset.done $0x0  }
0x51: {  	[sflag:s22] =	ssyncadd.s32 $0xFFFFFF80  }
0x52: {  	[tilespmem:s26], [sflag:$0x1] =	stream.indirect.gather [hbm4b:s4+s25], $0x80, s30, s25, $0xb8;
	[tilespmem:$0x1E800] =	vst v63  }
0x53: {  	_ =	swait.ge [sflag:s28], $0x4000  }
.Ltmp1:
0x54: {  	[sflag:s28] =	ssyncset.done $0x0;
	(pc) =	sbr.rel @p0 .LBB2_4-.Ltmp1, $4  }
0x55: {  	[sflag:s28] =	ssyncadd.s32 $0xFFFFC000  }
0x56: {  	[spmem:s2] =	stream.indirect.scatter.add.f32 [tilespmem:s26], [sflag:$0x2], $0x80, s24, s25, $0xb8;
	[tilespmem:$0x1E800] =	vst v63  }
0x57: {  	_ =	swait.ge [sflag:s22], $0x4000  }
0x58: {  	s0 =	smov.u32 s6;
	s30 =	sadd.s32 $0x80, s30;
	[sflag:s22] =	ssyncset.done $0x0  }
0x59: {  	s0 =	sadd.s32 s31, s21;
	[sflag:s22] =	ssyncadd.s32 $0xFFFFC000  }
0x5a: {  	[tilespmem:s24], [sflag:$0x2] =	stream.linear.gather [hbm4b:s0+s3], $0x80, $0x38;
	[tilespmem:$0x1E800] =	vst v63  }
0x5b: {  	_ =	swait.ge [sflag:s22], $0x80  }
0x5c: {  	[sflag:s22] =	ssyncset.done $0x0  }
0x5d: {  	[sflag:s22] =	ssyncadd.s32 $0xFFFFFF80  }
0x5e: {  	[tilespmem:s26], [sflag:$0x1] =	stream.indirect.gather [hbm4b:s4+s25], $0x80, s30, s25, $0xb8;
	[tilespmem:$0x1E800] =	vst v63  }
0x5f: {  	_ =	swait.ge [sflag:s28], $0x4000  }
0x60: {  	[sflag:s28] =	ssyncset.done $0x0  }
0x61: {  	[sflag:s28] =	ssyncadd.s32 $0xFFFFC000  }
0x62: {  	[spmem:s2] =	stream.indirect.scatter.add.f32 [tilespmem:s26], [sflag:$0x2], $0x80, s24, s25, $0xb8;
	[tilespmem:$0x1E800] =	vst v63  }
0x63: {  	_ =	swait.ge [sflag:s22], $0x4000  }
0x64: {  	[sflag:s22] =	ssyncset.done $0x0  }
0x65: {  	[sflag:s22] =	ssyncadd.s32 $0xFFFFC000  }
0x66: {  	[bflag:$0x0] =	sbarrier.arrive $0xFFFF  }
0x67: {  	[tilespmem:s23], [sflag:$0x2] =	stream.linear.gather [spmem:s5], $0x4000, $0x38;
	[tilespmem:$0x1E800] =	vst v63  }
0x68: {  	_ =	swait.ge [sflag:s22], $0x4000  }
0x69: {  	[sflag:s22] =	ssyncset.done $0x0  }
0x6a: {  	[sflag:s22] =	ssyncadd.s32 $0xFFFFC000  }
0x6b: {  	[hbm4b:s12+s3] =	stream.linear.scatter [tilespmem:s23], [sflag:$0x2], $0x4000, $0x38;
	[tilespmem:$0x1E800] =	vst v63  }
0x6c: {  	_ =	swait.ge [sflag:s22], $0x4000  }
0x6d: {  	[sflag:s22] =	ssyncset.done $0x0  }
0x6e: {  	[sflag:s22] =	ssyncadd.s32 $0xFFFFC000  }
0x6f: {  	[tilespmem:s23], [sflag:$0x2] =	stream.linear.gather [spmem:s13], $0x4000, $0x38;
	[tilespmem:$0x1E800] =	vst v63  }
0x70: {  	_ =	swait.ge [sflag:s22], $0x4000  }
0x71: {  	[sflag:s22] =	ssyncset.done $0x0  }
0x72: {  	[sflag:s22] =	ssyncadd.s32 $0xFFFFC000  }
0x73: {  	[hbm4b:s14+s3] =	stream.linear.scatter [tilespmem:s23], [sflag:$0x2], $0x4000, $0x38;
	[tilespmem:$0x1E800] =	vst v63  }
0x74: {  	_ =	swait.ge [sflag:s22], $0x4000  }
0x75: {  	[sflag:s22] =	ssyncset.done $0x0  }
0x76: {  	[sflag:s22] =	ssyncadd.s32 $0xFFFFC000  }
0x77: {  	[tilespmem:s23], [sflag:$0x2] =	stream.linear.gather [spmem:s15], $0x4000, $0x38;
	[tilespmem:$0x1E800] =	vst v63  }
0x78: {  	_ =	swait.ge [sflag:s22], $0x4000  }
0x79: {  	[sflag:s22] =	ssyncset.done $0x0  }
0x7a: {  	[sflag:s22] =	ssyncadd.s32 $0xFFFFC000  }
0x7b: {  	[hbm4b:s16+s3] =	stream.linear.scatter [tilespmem:s23], [sflag:$0x2], $0x4000, $0x38;
	[tilespmem:$0x1E800] =	vst v63  }
0x7c: {  	_ =	swait.ge [sflag:s22], $0x4000  }
0x7d: {  	[sflag:s22] =	ssyncset.done $0x0  }
0x7e: {  	[sflag:s22] =	ssyncadd.s32 $0xFFFFC000  }
0x7f: {  	[tilespmem:s23], [sflag:$0x2] =	stream.linear.gather [spmem:s17], $0x4000, $0x38;
	[tilespmem:$0x1E800] =	vst v63  }
0x80: {  	_ =	swait.ge [sflag:s22], $0x4000  }
0x81: {  	[sflag:s22] =	ssyncset.done $0x0  }
0x82: {  	[sflag:s22] =	ssyncadd.s32 $0xFFFFC000  }
0x83: {  	[hbm4b:s18+s3] =	stream.linear.scatter [tilespmem:s23], [sflag:$0x2], $0x4000, $0x38;
	[tilespmem:$0x1E800] =	vst v63  }
0x84: {  	_ =	swait.ge [sflag:s22], $0x4000  }
0x85: {  	[sflag:s22] =	ssyncset.done $0x0  }
0x86: {  	[sflag:s22] =	ssyncadd.s32 $0xFFFFC000  }
0x87: {  	[tilespmem:s23], [sflag:$0x2] =	stream.linear.gather [spmem:s19], $0x4000, $0x38;
	[tilespmem:$0x1E800] =	vst v63  }
0x88: {  	s29 =	sadd.s32 $0x1, s29;
	_ =	swait.ge [sflag:s22], $0x4000  }
0x89: {  	p0 =	sne.s32 s29, s7;
	[sflag:s22] =	ssyncset.done $0x0  }
.Ltmp2:
0x8a: {  	[sflag:s22] =	ssyncadd.s32 $0xFFFFC000;
	(pc) =	sbr.rel @p0 .LBB2_1-.Ltmp2, $4  }
0x8b: {  	[hbm4b:s20+s3] =	stream.linear.scatter [tilespmem:s23], [sflag:$0x2], $0x4000, $0x38;
	[tilespmem:$0x1E800] =	vst v63  }
0x8c: {  	_ =	swait.ge [sflag:s22], $0x4000  }
0x8d: {  	[sflag:s22] =	ssyncset.done $0x0  }
0x8e: {  	[sflag:s22] =	ssyncadd.s32 $0xFFFFC000  }
0x8f: {  	_ =	sfence.sel $0x180000  }
0x90: {  	[bflag:$0x0] =	sbarrier.arrive $0xFFFF  }
0x91: {  	_ =	strace $0x90000053  }
0x92: {  	s0 =	stileid.u32;
	[bflag:$0x2] =	sbarrier.arrive $0xFFFF  }
0x93: {  	p0 =	sne.s32 s0, $0x0;
	s0 =	rddreg [dreg:$0x2]  }
0x94: {  	s0 =	sadd.s32 @!p0 $0x100000, s0  }
0x95: {  	[sflag:s0] =	ssyncadd.tile.s32 @!p0 $0x1;
	_ =	shalt  }
.Lfunc_end2:
_tile_overlayer_lowered:
.L_overlay_start_2:
0x96: {  	(tag) =	ssettag $0x2  }
0x97: {  	s0 =	rddreg [dreg:$0x0];
	s2 =	stileid.u32  }
0x98: {  	s1 =	rddreg [dreg:$0x1];
	p0 =	sne.s32 s2, $0x0  }
0x99: {  	s3 =	rddreg [dreg:$0x2];
	[bflag:$0x3] =	sbarrier.arrive $0xFFFF;
	s2 =	simm.s32 @!p0 $0x1C02  }
0x9a: {  	[timem:s3], [sflag:s2] =	dma.local @!p0 [hbm:s0], s1  }
0x9b: {  	s0 =	simm.s32 @!p0 $0x2  }
0x9c: {  	_ =	swait.ge @!p0 [sflag:s0], s1  }
0x9d: {  	s1 =	ssub.s32 @!p0 $0x0, s1;
	[sflag:s0] =	ssyncset.done @!p0 $0x0  }
0x9e: {  	[sflag:s0] =	ssyncadd.s32 @!p0 s1  }
0x9f: {  	[bflag:$0x3] =	sbarrier.arrive $0xFFFF  }
0xa0: {  	_ =	shalt  }

// kernel: kernel.25.cloned.1.call-start
scs
__scs_entry_jumppad:
0x0: {  	(pc) =	sbr.rel $0x88, $3  }
0x1: {  	(tag) =	ssettag $0x0;
	lr =	simm.s32 $0x1  }
0x2: {  	[smem:$0x3F99] =	sst lr;
	_ =	strace $0xD0000000  }
0x3: {  	_ = 	snop  }
0x4: {  	_ = 	snop  }
0x5: {  	_ = 	snop  }
0x6: {  	_ = 	snop  }
0x7: {  	_ = 	snop  }
__scs_overlays_trampoline_lowered:
0x8: {  	[smem:$0x3FA8] =	sst s0  }
0x9: {  	[smem:$0x3FA9] =	sst s1  }
0xa: {  	[smem:$0x3FAA] =	sst s2  }
0xb: {  	[smem:$0x3FAB] =	sst s3  }
0xc: {  	[smem:$0x3FAC] =	sst s4  }
0xd: {  	[smem:$0x3FAD] =	sst s5  }
0xe: {  	[smem:$0x3FAE] =	sst s6  }
0xf: {  	[smem:$0x3FAF] =	sst s7  }
0x10: {  	[smem:$0x3FB0] =	sst s8  }
0x11: {  	[smem:$0x3FB1] =	sst s9;
	s0 =	simm.s32 @!p0 $0x0  }
0x12: {  	s1 =	sld [smem:$0x3F97];
	s0 =	simm.s32 @p0 $0x1  }
0x13: {  	[smem:$0x3FB2] =	sst s0;
	s0 =	simm.s32 @!p1 $0x0  }
0x14: {  	s2 =	sld [smem:$0x3F96];
	s0 =	simm.s32 @p1 $0x1  }
0x15: {  	[smem:$0x3FB3] =	sst s0;
	s0 =	simm.s32 @!p2 $0x0  }
0x16: {  	s3 =	sld [smem:$0x3FDB];
	s0 =	simm.s32 @p2 $0x1  }
0x17: {  	s4 =	simm.s32 $0x1BF5;
	[smem:$0x3FB5] =	sst s0  }
0x18: {  	s0 =	sld [smem:$0x3F98];
	_ =	swait.ge [sflag:s4], $0x0  }
0x19: {  	s7 =	sld [smem:$0x3F99]  }
0x1a: {  	s8 =	sadd.s32 $0xFFFFE003, lr  }
0x1b: {  	s9 =	sadd.s32 $0xFFFFFEF7, lr;
	s5 =	simm.s32 $0xFFFFFFFF;
	p2 =	slt.u32 s8, $0xFFFFF086  }
0x1c: {  	p1 =	slt.u32 s9, $0xF7A;
	s5 =	simm.s32 @!p2 $0x0  }
0x1d: {  	s5 =	simm.s32 @p1 $0x1;
	p0 =	seq.s32 s7, s2  }
0x1e: {  	s7 =	smul.u32 @!p0 $0xF7A, s2;
	p2 =	seq.s32 @!p0 s5, $0x0  }
0x1f: {  	s9 =	smul.u32 $0xF7A, s1;
	s8 =	simm.s32 @!p0 $0x1BF5;
	p2 =	por !p2, p0  }
0x20: {  	[sflag:s8] =	ssyncset.s32 @!p0 $0xFFFFF086;
	s6 =	sadd.s32 @!p0 s3, s7;
	s7 =	simm.s32 @!p0 $0x108  }
0x21: {  	s3 =	sadd.s32 s3, s9;
	s6 =	sadd.s32 @!p0 $0x88, s6;
	s7 =	simm.s32 @p2 $0x1082  }
0x22: {  	[simem:s7], [sflag:s8] =	dma.local @!p0 [hbm:s6], $0xF7A  }
0x23: {  	s9 =	sor.u32 $0xD0000000, s2;
	s6 =	simm.s32 $0x108;
	_ =	swait.ge @!p0 [sflag:s8], $0x0  }
0x24: {  	s3 =	sadd.s32 $0x88, s3;
	s6 =	simm.s32 @!p1 $0x1082;
	[sflag:s4] =	ssyncset.s32 $0xFFFFF086  }
0x25: {  	[simem:s6], [sflag:s4] =	dma.local [hbm:s3], $0xF7A  }
0x26: {  	[smem:$0x3F99] =	sst s1;
	(tag) =	ssettag s2;
	_ =	strace s9  }
0x27: {  	s1 =	sld [smem:$0x3FA9]  }
0x28: {  	s2 =	sld [smem:$0x3FAA]  }
0x29: {  	s4 =	sld [smem:$0x3FAC]  }
0x2a: {  	p0 =	seq.s32 s5, $0x0;
	s5 =	sld [smem:$0x3FAD]  }
0x2b: {  	s6 =	sld [smem:$0x3FAE]  }
0x2c: {  	s7 =	sld [smem:$0x3FAF]  }
0x2d: {  	s3 =	simm.s32 $0x108;
	s8 =	sld [smem:$0x3FB0]  }
0x2e: {  	s3 =	simm.s32 @!p0 $0x1082;
	s9 =	sld [smem:$0x3FB1]  }
0x2f: {  	lr =	sadd.s32 s0, s3;
	s0 =	sld [smem:$0x3FA8]  }
0x30: {  	s3 =	sld [smem:$0x3FAB]  }
0x31: {  	[smem:$0x3FB4] =	sst s10  }
0x32: {  	s10 =	sld [smem:$0x3FB2];
	_ =	sdelay $0x3  }
0x33: {  	p0 =	seq.s32 s10, $0x1;
	s10 =	sld [smem:$0x3FB4];
	_ =	sdelay $0x3  }
0x34: {  	[smem:$0x3FB4] =	sst s10  }
0x35: {  	s10 =	sld [smem:$0x3FB3];
	_ =	sdelay $0x3  }
0x36: {  	p1 =	seq.s32 s10, $0x1;
	s10 =	sld [smem:$0x3FB4];
	_ =	sdelay $0x3  }
0x37: {  	[smem:$0x3FB4] =	sst s10  }
0x38: {  	s10 =	sld [smem:$0x3FB5]  }
0x39: {  	_ = 	snop;
	(pc) =	sbr.ind lr, $3  }
0x3a: {  	_ = 	snop  }
0x3b: {  	_ = 	snop  }
0x3c: {  	p2 =	seq.s32 s10, $0x1;
	s10 =	sld [smem:$0x3FB4]  }
0x3d: {  	_ =	shalt  }
0x3e: {  	_ =	shalt  }
0x3f: {  	_ =	shalt  }
0x40: {  	_ =	shalt  }
0x41: {  	_ =	shalt  }
0x42: {  	_ =	shalt  }
0x43: {  	_ =	shalt  }
0x44: {  	_ =	shalt  }
0x45: {  	_ =	shalt  }
0x46: {  	_ =	shalt  }
0x47: {  	_ =	shalt  }
0x48: {  	_ =	shalt  }
0x49: {  	_ =	shalt  }
0x4a: {  	_ =	shalt  }
0x4b: {  	_ =	shalt  }
0x4c: {  	_ =	shalt  }
0x4d: {  	_ =	shalt  }
0x4e: {  	_ =	shalt  }
0x4f: {  	_ =	shalt  }
0x50: {  	_ =	shalt  }
0x51: {  	_ =	shalt  }
0x52: {  	_ =	shalt  }
0x53: {  	_ =	shalt  }
0x54: {  	_ =	shalt  }
0x55: {  	_ =	shalt  }
0x56: {  	_ =	shalt  }
0x57: {  	_ =	shalt  }
0x58: {  	_ =	shalt  }
0x59: {  	_ =	shalt  }
0x5a: {  	_ =	shalt  }
0x5b: {  	_ =	shalt  }
0x5c: {  	_ =	shalt  }
0x5d: {  	_ =	shalt  }
0x5e: {  	_ =	shalt  }
0x5f: {  	_ =	shalt  }
0x60: {  	_ =	shalt  }
0x61: {  	_ =	shalt  }
0x62: {  	_ =	shalt  }
0x63: {  	_ =	shalt  }
0x64: {  	_ =	shalt  }
0x65: {  	_ =	shalt  }
0x66: {  	_ =	shalt  }
0x67: {  	_ =	shalt  }
0x68: {  	_ =	shalt  }
0x69: {  	_ =	shalt  }
0x6a: {  	_ =	shalt  }
0x6b: {  	_ =	shalt  }
0x6c: {  	_ =	shalt  }
0x6d: {  	_ =	shalt  }
0x6e: {  	_ =	shalt  }
0x6f: {  	_ =	shalt  }
0x70: {  	_ =	shalt  }
0x71: {  	_ =	shalt  }
0x72: {  	_ =	shalt  }
0x73: {  	_ =	shalt  }
0x74: {  	_ =	shalt  }
0x75: {  	_ =	shalt  }
0x76: {  	_ =	shalt  }
0x77: {  	_ =	shalt  }
0x78: {  	_ =	shalt  }
0x79: {  	_ =	shalt  }
0x7a: {  	_ =	shalt  }
0x7b: {  	_ =	shalt  }
0x7c: {  	_ =	shalt  }
0x7d: {  	_ =	shalt  }
0x7e: {  	_ =	shalt  }
0x7f: {  	_ =	shalt  }
0x80: {  	_ =	shalt  }
0x81: {  	_ =	shalt  }
0x82: {  	_ =	shalt  }
0x83: {  	_ =	shalt  }
0x84: {  	_ =	shalt  }
0x85: {  	_ =	shalt  }
0x86: {  	_ =	shalt  }
0x87: {  	_ =	shalt  }
.Lfunc_end0:
.L_simem_size_0:
called_computation.5_lowered:
.L_overlay_start_0:
0x88: {  	s2 =	sld [smem:$0x3FD9]  }
0x89: {  	s3 =	sld [smem:$0x3FFE];
	_ =	sdelay $0x1  }
0x8a: {  	s1 =	srdreg.scid  }
0x8b: {  	s0 =	sand.u32 $0x1, s1  }
0x8c: {  	s17 =	sshll.u32 s0, $0xA;
	s2 =	sadd.s32 s3, s2  }
0x8d: {  	s2 =	sadd.s32 s2, s17  }
0x8e: {  	[smem:$0x3FC0] =	sst s2  }
0x8f: {  	_ = 	snop  }
0x90: {  	(tm) =	ssettm $0x1  }
0x91: {  	s18 =	sld [smem:$0x3FFB];
	_ =	sdelay $0x3  }
0x92: {  	_ =	strace s18  }
0x93: {  	s2 =	sld [smem:$0x3FFC];
	_ =	sdelay $0x3  }
0x94: {  	_ =	strace s2  }
0x95: {  	s2 =	sld [smem:$0x3FFD];
	_ =	sdelay $0x3  }
0x96: {  	_ =	strace s2  }
0x97: {  	_ =	strace $0x8FFFFFFF  }
0x98: {  	s19 =	sld [smem:$0x3FDB];
	_ =	sdelay $0x1  }
0x99: {  	s20 =	simm.s32 $_scs_section_size  }
0x9a: {  	s4 =	simm.s32 $_size__tile_overlayer_lowered;
	s5 =	simm.s32 $_tile_overlayer_lowered  }
0x9b: {  	s6 =	simm.s32 $0x1BFF;
	s21 =	sshll.u32 s5, $0x1;
	s3 =	sadd.s32 s20, s19  }
0x9c: {  	s22 =	simm.s32 $0x0;
	s4 =	sshll.u32 s4, $0x1;
	s5 =	sadd.s32 s21, s3  }
0x9d: {  	[timem:s22], [sflag:s6] =	dma.local [hbm:s5], s4  }
0x9e: {  	_ =	swait.ge [sflag:s6], s4  }
0x9f: {  	s4 =	ssub.s32 $0x0, s4;
	[sflag:s6] =	ssyncset.done $0x0  }
0xa0: {  	[sflag:s6] =	ssyncadd.s32 s4;
	_ =	sdelay $0x1  }
0xa1: {  	s23 =	simm.s32 $0x1B8B  }
0xa2: {  	_ =	swait.ge [sflag:s23], $0x1  }
0xa3: {  	[sflag:s23] =	ssyncset.done $0x0  }
0xa4: {  	[sflag:s23] =	ssyncadd.s32 $0xFFFFFFFF  }
0xa5: {  	s4 =	sld [smem:$0x0]  }
0xa6: {  	s5 =	sand.u32 $0xFFFFFFFE, s1  }
0xa7: {  	p0 =	sne.s32 s1, s5  }
0xa8: {  	s5 =	sshll.u32 @p0 s5, $0xE  }
0xa9: {  	s5 =	sadd.s32 @p0 $0x11B8D, s5;
	s6 =	sshll.u32 @p0 s4, $0x11  }
0xaa: {  	s5 =	sor.u32 @p0 s6, s5  }
0xab: {  	[sflag:s5] =	ssyncadd.remote.s32 @p0 $0x1;
	_ =	sdelay $0x1  }
0xac: {  	s5 =	simm.s32 @p0 $0x1B8D  }
0xad: {  	_ =	swait.eq @p0 [sflag:s5], $0x1  }
0xae: {  	[sflag:s5] =	ssyncadd.s32 @p0 $0xFFFFFFFF  }
0xaf: {  	s6 =	sshll.u32 @!p0 s1, $0xE  }
0xb0: {  	s6 =	sor.u32 @!p0 $0x4000, s6;
	s5 =	simm.s32 @!p0 $0x1B8D  }
0xb1: {  	s4 =	sshll.u32 @!p0 s4, $0x11;
	s6 =	sadd.s32 @!p0 $0x11B8D, s6;
	_ =	swait.eq @!p0 [sflag:s5], $0x1  }
0xb2: {  	s4 =	sor.u32 @!p0 s4, s6;
	[sflag:s5] =	ssyncadd.s32 @!p0 $0xFFFFFFFF  }
0xb3: {  	s25 =	simm.s32 $0x1B8E;
	s24 =	sld [smem:$0x3FFE];
	[sflag:s4] =	ssyncadd.remote.s32 @!p0 $0x1  }
0xb4: {  	s26 =	simm.s32 $execute0_lowered;
	[smem:$0x3FD2] =	sst s25  }
0xb5: {  	s5 =	sshll.u32 s26, $0x1;
	_ =	strace $0x80000055;
	[dreg:$0x1] =	wrdreg $0xFFFFFFFF  }
0xb6: {  	s28 =	simm.s32 $_size_execute0_lowered;
	s3 =	sadd.s32 s3, s5;
	[dreg:$0x0] =	wrdreg $0x0  }
0xb7: {  	s5 =	sshll.u32 s28, $0x1;
	[dreg:$0x2] =	wrdreg s3  }
0xb8: {  	[dreg:$0x3] =	wrdreg s5  }
0xb9: {  	[dreg:$0x4] =	wrdreg $0xC0  }
0xba: {  	_ =	task [dreg:s22], $0x5FFFF  }
0xbb: {  	[dreg:$0x1] =	wrdreg $0xFFFFFFFF  }
0xbc: {  	[dreg:$0x0] =	wrdreg $0x60  }
0xbd: {  	[dreg:$0x2] =	wrdreg s24  }
0xbe: {  	[dreg:$0x3] =	wrdreg $0xA8000  }
0xbf: {  	[dreg:$0x4] =	wrdreg $0xA  }
0xc0: {  	_ =	task.clear_ibuf [dreg:s22], $0x5FFFF;
	_ =	strace $0x90000055  }
0xc1: {  	s29 =	simm.s32 $0xA;
	_ =	strace $0x80000057  }
0xc2: {  	_ =	swait.ge [sflag:s29], $0x1  }
0xc3: {  	[sflag:s29] =	ssyncadd.s32 $0xFFFFFFFF  }
0xc4: {  	_ =	strace $0x90000057  }
0xc5: {  	_ =	sfence  }
0xc6: {  	s30 =	sld [smem:$0x0];
	_ =	sdelay $0x2  }
0xc7: {  	s31 =	sshll.u32 s1, $0xD;
	s1 =	sshrl.u32 s1, $0x2  }
0xc8: {  	s4 =	sand.u32 $0x4000, s31;
	s1 =	sadd.s32 s1, s30  }
0xc9: {  	s0 =	sor.u32 s4, s0;
	s1 =	sshll.u32 s1, $0x11  }
0xca: {  	s0 =	sor.u32 s1, s0  }
0xcb: {  	s0 =	sadd.s32 $0x8F2B, s0  }
0xcc: {  	[sflag:s0] =	ssyncadd.remote.s32 $0x1  }
0xcd: {  	_ =	sfence.sel $0xFFFF  }
0xce: {  	[dreg:$0x0] =	wrdreg $0xFFFFFFFF;
	(pc) =	sbr.abs _section_cstart, $3  }
0xcf: {  	[dreg:$0x1] =	wrdreg $0xFFFFFFFF  }
0xd0: {  	_ =	task.clear_ibuf [dreg:s22], $0x2FFFF;
	_ =	strace $0x9FFFFFFF  }
0xd1: {  	(tm) =	ssettm $0x7FFFFFFF  }
tec
execute0_lowered:
.L_overlay_start_1:
0x0: {  	(tag) =	ssettag $0x1  }
0x1: {  	s0 =	srdreg.scid;
	s5 =	rddreg [dreg:$0x0]  }
0x2: {  	s2 =	rddreg [dreg:$0x1];
	s1 =	stileid.u32  }
0x3: {  	s3 =	simm.s32 $0x0;
	s24 =	simm.s32 $0x2780;
	s25 =	simm.s32 $0x80  }
0x4: {  	s28 =	simm.s32 $0x1;
	s29 =	simm.s32 $0x0;
	s8 =	smul.u32 $0x50000, s1  }
0x5: {  	s0 =	sand.u32 $0x1, s0;
	[smem:$0x7FF] =	sst s3;
	s17 =	smul.u32 $0x14000, s1  }
0x6: {  	s21 =	sadd.s32 $0x112C00, s5;
	s23 =	smul.u32 $0x4F0, s1;
	s4 =	sshll.u32 s0, $0x4  }
0x7: {  	_ =	strace $0x80000056;
	s7 =	smul.u32 $0x4F00, s0;
	s26 =	ssub.s32 $0x2, s0  }
0x8: {  	s0 =	smul.u32 $0x140000, s0;
	s4 =	sor.u32 s1, s4;
	s30 =	sshrl.u32 s26, $0x1  }
0x9: {  	s8 =	sshrl.u32 s8, $0x2;
	s13 =	sadd.s32 $0x4000, s17;
	s15 =	sadd.s32 $0x8000, s17  }
0xa: {  	s18 =	sadd.s32 $0xC000, s17;
	s22 =	sadd.s32 $0x10000, s17;
	s6 =	smul.u32 $0x4F0, s4  }
0xb: {  	s4 =	sadd.s32 $0x22C00, s5;
	s20 =	sadd.s32 s7, s5;
	s7 =	ssub.s32 s26, s30  }
0xc: {  	s12 =	sadd.s32 s0, s17;
	s14 =	sadd.s32 s0, s13;
	s13 =	sadd.s32 s13, s2  }
0xd: {  	s16 =	sadd.s32 s0, s15;
	s15 =	sadd.s32 s15, s2;
	s19 =	sadd.s32 s0, s18  }
0xe: {  	s17 =	sadd.s32 s18, s2;
	s0 =	sadd.s32 s0, s22;
	s26 =	simm.s32 $0x2800  }
0xf: {  	s7 =	smax.u32 s7, $0x1;
	s12 =	sshrl.u32 s12, $0x3;
	s14 =	sshrl.u32 s14, $0x3  }
0x10: {  	s16 =	sshrl.u32 s16, $0x3;
	s19 =	sshrl.u32 s19, $0x3;
	s0 =	sshrl.u32 s0, $0x3  }
0x11: {  	s31 =	sadd.s32 s23, s20;
	s23 =	simm.s32 $0x6800;
	s6 =	sadd.s32 s6, s5  }
0x12: {  	s5 =	sadd.s32 s8, s2;
	s12 =	sadd.s32 s21, s12;
	s14 =	sadd.s32 s21, s14  }
0x13: {  	s16 =	sadd.s32 s21, s16;
	s18 =	sadd.s32 s21, s19;
	s19 =	sadd.s32 s22, s2  }
0x14: {  	s20 =	sadd.s32 s21, s0;
	s21 =	sadd.s32 $0xF000, s31;
	s22 =	simm.s32 $0x2  }
0x15: {  	s6 =	sadd.s32 $0x18E00, s6;
	s8 =	sadd.s32 $0x4000, s5;
	s9 =	sadd.s32 $0x8000, s5  }
0x16: {  	v0 =	vimm.f32 $0.0e+00;
	s10 =	sadd.s32 $0xC000, s5;
	s11 =	sadd.s32 $0x10000, s5;
	[dreg:$0x3] =	wrdreg s6  }
.LBB2_1:
0x17: {  	s0 =	rddreg [dreg:$0x3]  }
0x18: {  	[tilespmem:s3], [sflag:$0x2] =	stream.linear.gather [hbm4b:s0+s3], $0x2780, $0x38;
	[tilespmem:$0x1E800] =	vst v63  }
0x19: {  	_ =	swait.ge [sflag:s22], $0x2780  }
0x1a: {  	[sflag:s22] =	ssyncset.done $0x0  }
0x1b: {  	s30 =	simm.s32 $0x0;
	s31 =	simm.s32 $0x200;
	[sflag:s22] =	ssyncadd.s32 $0xFFFFD880  }
.LBB2_2:
0x1c: {  	p0 =	sne.s32 s31, $0xFE00;
	[tilespmem:s30+$0x6870] =	vst v0  }
0x1d: {  	[tilespmem:s30+$0x6800] =	vst v0  }
0x1e: {  	[tilespmem:s30+$0x6810] =	vst v0  }
.Ltmp0:
0x1f: {  	[tilespmem:s30+$0x6820] =	vst v0;
	(pc) =	sbr.rel @p0 .LBB2_2-.Ltmp0, $4  }
0x20: {  	[tilespmem:s30+$0x6830] =	vst v0  }
0x21: {  	[tilespmem:s30+$0x6840] =	vst v0  }
0x22: {  	[tilespmem:s30+$0x6850] =	vst v0  }
0x23: {  	[tilespmem:s30+$0x6860] =	vst v0;
	s30 =	sshra.s32 s31, $0x2;
	s31 =	sadd.s32 $0x200, s31  }
0x24: {  	[tilespmem:s30+$0x6870] =	vst v0  }
0x25: {  	[tilespmem:s30+$0x6800] =	vst v0  }
0x26: {  	[tilespmem:s30+$0x6810] =	vst v0  }
0x27: {  	[tilespmem:s30+$0x6820] =	vst v0  }
0x28: {  	[tilespmem:s30+$0x6830] =	vst v0  }
0x29: {  	[tilespmem:s30+$0x6840] =	vst v0  }
0x2a: {  	[tilespmem:s30+$0x6850] =	vst v0  }
0x2b: {  	[tilespmem:s30+$0x6860] =	vst v0  }
0x2c: {  	[spmem:s5] =	stream.linear.scatter [tilespmem:s23], [sflag:$0x2], $0x4000, $0x38;
	[tilespmem:$0x1E800] =	vst v63  }
0x2d: {  	_ =	swait.ge [sflag:s22], $0x4000  }
0x2e: {  	[sflag:s22] =	ssyncset.done $0x0  }
0x2f: {  	[sflag:s22] =	ssyncadd.s32 $0xFFFFC000  }
0x30: {  	[spmem:s8] =	stream.linear.scatter [tilespmem:s23], [sflag:$0x2], $0x4000, $0x38;
	[tilespmem:$0x1E800] =	vst v63  }
0x31: {  	_ =	swait.ge [sflag:s22], $0x4000  }
0x32: {  	[sflag:s22] =	ssyncset.done $0x0  }
0x33: {  	[sflag:s22] =	ssyncadd.s32 $0xFFFFC000  }
0x34: {  	[spmem:s9] =	stream.linear.scatter [tilespmem:s23], [sflag:$0x2], $0x4000, $0x38;
	[tilespmem:$0x1E800] =	vst v63  }
0x35: {  	_ =	swait.ge [sflag:s22], $0x4000  }
0x36: {  	[sflag:s22] =	ssyncset.done $0x0  }
0x37: {  	[sflag:s22] =	ssyncadd.s32 $0xFFFFC000  }
0x38: {  	[spmem:s10] =	stream.linear.scatter [tilespmem:s23], [sflag:$0x2], $0x4000, $0x38;
	[tilespmem:$0x1E800] =	vst v63  }
0x39: {  	_ =	swait.ge [sflag:s22], $0x4000  }
0x3a: {  	[sflag:s22] =	ssyncset.done $0x0  }
0x3b: {  	[sflag:s22] =	ssyncadd.s32 $0xFFFFC000  }
0x3c: {  	[spmem:s11] =	stream.linear.scatter [tilespmem:s23], [sflag:$0x2], $0x4000, $0x38;
	[tilespmem:$0x1E800] =	vst v63  }
0x3d: {  	_ =	swait.ge [sflag:s22], $0x4000  }
0x3e: {  	[sflag:s22] =	ssyncset.done $0x0  }
0x3f: {  	[sflag:s22] =	ssyncadd.s32 $0xFFFFC000  }
0x40: {  	s0 =	sadd.s32 $0x0, s21;
	[bflag:$0x0] =	sbarrier.arrive $0xFFFF  }
0x41: {  	[tilespmem:s24], [sflag:$0x2] =	stream.linear.gather [hbm4b:s0+s3], $0x80, $0x38;
	[tilespmem:$0x1E800] =	vst v63  }
0x42: {  	_ =	swait.ge [sflag:s22], $0x80  }
0x43: {  	[sflag:s22] =	ssyncset.done $0x0  }
0x44: {  	s6 =	simm.s32 $0x0;
	[sflag:s22] =	ssyncadd.s32 $0xFFFFFF80  }
0x45: {  	[tilespmem:s26], [sflag:$0x1] =	stream.indirect.gather [hbm4b:s4+s25], $0x80, s6, s25, $0xb8;
	[tilespmem:$0x1E800] =	vst v63  }
0x46: {  	_ =	swait.ge [sflag:s28], $0x4000  }
0x47: {  	[sflag:s28] =	ssyncset.done $0x0  }
0x48: {  	[sflag:s28] =	ssyncadd.s32 $0xFFFFC000  }
0x49: {  	[spmem:s2] =	stream.indirect.scatter.add.f32 [tilespmem:s26], [sflag:$0x2], $0x80, s24, s25, $0xb8;
	[tilespmem:$0x1E800] =	vst v63  }
0x4a: {  	s31 =	simm.s32 $0x10;
	_ =	swait.ge [sflag:s22], $0x4000  }
0x4b: {  	s30 =	simm.s32 $0x80;
	s0 =	simm.s32 $0x20;
	[sflag:s22] =	ssyncset.done $0x0  }
.LBB2_4:
0x4c: {  	s1 =	sadd.s32 s31, s21  }
0x4d: {  	[sflag:s22] =	ssyncadd.s32 $0xFFFFC000;
	s31 =	smov.u32 s0;
	s6 =	sadd.s32 $0x10, s0  }
0x4e: {  	[tilespmem:s24], [sflag:$0x2] =	stream.linear.gather [hbm4b:s1+s3], $0x80, $0x38;
	[tilespmem:$0x1E800] =	vst v63  }
0x4f: {  	p0 =	sne.s32 s0, $0x4E0;
	_ =	swait.ge [sflag:s22], $0x80  }
0x50: {  	[sflag:s22] =	ssyncset.done $0x0  }
0x51: {  	[sflag:s22] =	ssyncadd.s32 $0xFFFFFF80  }
0x52: {  	[tilespmem:s26], [sflag:$0x1] =	stream.indirect.gather [hbm4b:s4+s25], $0x80, s30, s25, $0xb8;
	[tilespmem:$0x1E800] =	vst v63  }
0x53: {  	_ =	swait.ge [sflag:s28], $0x4000  }
.Ltmp1:
0x54: {  	[sflag:s28] =	ssyncset.done $0x0;
	(pc) =	sbr.rel @p0 .LBB2_4-.Ltmp1, $4  }
0x55: {  	[sflag:s28] =	ssyncadd.s32 $0xFFFFC000  }
0x56: {  	[spmem:s2] =	stream.indirect.scatter.add.f32 [tilespmem:s26], [sflag:$0x2], $0x80, s24, s25, $0xb8;
	[tilespmem:$0x1E800] =	vst v63  }
0x57: {  	_ =	swait.ge [sflag:s22], $0x4000  }
0x58: {  	s0 =	smov.u32 s6;
	s30 =	sadd.s32 $0x80, s30;
	[sflag:s22] =	ssyncset.done $0x0  }
0x59: {  	s0 =	sadd.s32 s31, s21;
	[sflag:s22] =	ssyncadd.s32 $0xFFFFC000  }
0x5a: {  	[tilespmem:s24], [sflag:$0x2] =	stream.linear.gather [hbm4b:s0+s3], $0x80, $0x38;
	[tilespmem:$0x1E800] =	vst v63  }
0x5b: {  	_ =	swait.ge [sflag:s22], $0x80  }
0x5c: {  	[sflag:s22] =	ssyncset.done $0x0  }
0x5d: {  	[sflag:s22] =	ssyncadd.s32 $0xFFFFFF80  }
0x5e: {  	[tilespmem:s26], [sflag:$0x1] =	stream.indirect.gather [hbm4b:s4+s25], $0x80, s30, s25, $0xb8;
	[tilespmem:$0x1E800] =	vst v63  }
0x5f: {  	_ =	swait.ge [sflag:s28], $0x4000  }
0x60: {  	[sflag:s28] =	ssyncset.done $0x0  }
0x61: {  	[sflag:s28] =	ssyncadd.s32 $0xFFFFC000  }
0x62: {  	[spmem:s2] =	stream.indirect.scatter.add.f32 [tilespmem:s26], [sflag:$0x2], $0x80, s24, s25, $0xb8;
	[tilespmem:$0x1E800] =	vst v63  }
0x63: {  	_ =	swait.ge [sflag:s22], $0x4000  }
0x64: {  	[sflag:s22] =	ssyncset.done $0x0  }
0x65: {  	[sflag:s22] =	ssyncadd.s32 $0xFFFFC000  }
0x66: {  	[bflag:$0x0] =	sbarrier.arrive $0xFFFF  }
0x67: {  	[tilespmem:s23], [sflag:$0x2] =	stream.linear.gather [spmem:s5], $0x4000, $0x38;
	[tilespmem:$0x1E800] =	vst v63  }
0x68: {  	_ =	swait.ge [sflag:s22], $0x4000  }
0x69: {  	[sflag:s22] =	ssyncset.done $0x0  }
0x6a: {  	[sflag:s22] =	ssyncadd.s32 $0xFFFFC000  }
0x6b: {  	[hbm4b:s12+s3] =	stream.linear.scatter [tilespmem:s23], [sflag:$0x2], $0x4000, $0x38;
	[tilespmem:$0x1E800] =	vst v63  }
0x6c: {  	_ =	swait.ge [sflag:s22], $0x4000  }
0x6d: {  	[sflag:s22] =	ssyncset.done $0x0  }
0x6e: {  	[sflag:s22] =	ssyncadd.s32 $0xFFFFC000  }
0x6f: {  	[tilespmem:s23], [sflag:$0x2] =	stream.linear.gather [spmem:s13], $0x4000, $0x38;
	[tilespmem:$0x1E800] =	vst v63  }
0x70: {  	_ =	swait.ge [sflag:s22], $0x4000  }
0x71: {  	[sflag:s22] =	ssyncset.done $0x0  }
0x72: {  	[sflag:s22] =	ssyncadd.s32 $0xFFFFC000  }
0x73: {  	[hbm4b:s14+s3] =	stream.linear.scatter [tilespmem:s23], [sflag:$0x2], $0x4000, $0x38;
	[tilespmem:$0x1E800] =	vst v63  }
0x74: {  	_ =	swait.ge [sflag:s22], $0x4000  }
0x75: {  	[sflag:s22] =	ssyncset.done $0x0  }
0x76: {  	[sflag:s22] =	ssyncadd.s32 $0xFFFFC000  }
0x77: {  	[tilespmem:s23], [sflag:$0x2] =	stream.linear.gather [spmem:s15], $0x4000, $0x38;
	[tilespmem:$0x1E800] =	vst v63  }
0x78: {  	_ =	swait.ge [sflag:s22], $0x4000  }
0x79: {  	[sflag:s22] =	ssyncset.done $0x0  }
0x7a: {  	[sflag:s22] =	ssyncadd.s32 $0xFFFFC000  }
0x7b: {  	[hbm4b:s16+s3] =	stream.linear.scatter [tilespmem:s23], [sflag:$0x2], $0x4000, $0x38;
	[tilespmem:$0x1E800] =	vst v63  }
0x7c: {  	_ =	swait.ge [sflag:s22], $0x4000  }
0x7d: {  	[sflag:s22] =	ssyncset.done $0x0  }
0x7e: {  	[sflag:s22] =	ssyncadd.s32 $0xFFFFC000  }
0x7f: {  	[tilespmem:s23], [sflag:$0x2] =	stream.linear.gather [spmem:s17], $0x4000, $0x38;
	[tilespmem:$0x1E800] =	vst v63  }
0x80: {  	_ =	swait.ge [sflag:s22], $0x4000  }
0x81: {  	[sflag:s22] =	ssyncset.done $0x0  }
0x82: {  	[sflag:s22] =	ssyncadd.s32 $0xFFFFC000  }
0x83: {  	[hbm4b:s18+s3] =	stream.linear.scatter [tilespmem:s23], [sflag:$0x2], $0x4000, $0x38;
	[tilespmem:$0x1E800] =	vst v63  }
0x84: {  	_ =	swait.ge [sflag:s22], $0x4000  }
0x85: {  	[sflag:s22] =	ssyncset.done $0x0  }
0x86: {  	[sflag:s22] =	ssyncadd.s32 $0xFFFFC000  }
0x87: {  	[tilespmem:s23], [sflag:$0x2] =	stream.linear.gather [spmem:s19], $0x4000, $0x38;
	[tilespmem:$0x1E800] =	vst v63  }
0x88: {  	s29 =	sadd.s32 $0x1, s29;
	_ =	swait.ge [sflag:s22], $0x4000  }
0x89: {  	p0 =	sne.s32 s29, s7;
	[sflag:s22] =	ssyncset.done $0x0  }
.Ltmp2:
0x8a: {  	[sflag:s22] =	ssyncadd.s32 $0xFFFFC000;
	(pc) =	sbr.rel @p0 .LBB2_1-.Ltmp2, $4  }
0x8b: {  	[hbm4b:s20+s3] =	stream.linear.scatter [tilespmem:s23], [sflag:$0x2], $0x4000, $0x38;
	[tilespmem:$0x1E800] =	vst v63  }
0x8c: {  	_ =	swait.ge [sflag:s22], $0x4000  }
0x8d: {  	[sflag:s22] =	ssyncset.done $0x0  }
0x8e: {  	[sflag:s22] =	ssyncadd.s32 $0xFFFFC000  }
0x8f: {  	_ =	sfence.sel $0x180000  }
0x90: {  	[bflag:$0x0] =	sbarrier.arrive $0xFFFF  }
0x91: {  	_ =	strace $0x90000056  }
0x92: {  	s0 =	stileid.u32;
	[bflag:$0x2] =	sbarrier.arrive $0xFFFF  }
0x93: {  	p0 =	sne.s32 s0, $0x0;
	s0 =	rddreg [dreg:$0x2]  }
0x94: {  	s0 =	sadd.s32 @!p0 $0x100000, s0  }
0x95: {  	[sflag:s0] =	ssyncadd.tile.s32 @!p0 $0x1;
	_ =	shalt  }
.Lfunc_end2:
_tile_overlayer_lowered:
.L_overlay_start_2:
0x96: {  	(tag) =	ssettag $0x2  }
0x97: {  	s0 =	rddreg [dreg:$0x0];
	s2 =	stileid.u32  }
0x98: {  	s1 =	rddreg [dreg:$0x1];
	p0 =	sne.s32 s2, $0x0  }
0x99: {  	s3 =	rddreg [dreg:$0x2];
	[bflag:$0x3] =	sbarrier.arrive $0xFFFF;
	s2 =	simm.s32 @!p0 $0x1C02  }
0x9a: {  	[timem:s3], [sflag:s2] =	dma.local @!p0 [hbm:s0], s1  }
0x9b: {  	s0 =	simm.s32 @!p0 $0x2  }
0x9c: {  	_ =	swait.ge @!p0 [sflag:s0], s1  }
0x9d: {  	s1 =	ssub.s32 @!p0 $0x0, s1;
	[sflag:s0] =	ssyncset.done @!p0 $0x0  }
0x9e: {  	[sflag:s0] =	ssyncadd.s32 @!p0 s1  }
0x9f: {  	[bflag:$0x3] =	sbarrier.arrive $0xFFFF  }
0xa0: {  	_ =	shalt  }

// kernel: kernel.28.cloned.1.call-start
scs
__scs_entry_jumppad:
0x0: {  	(pc) =	sbr.rel $0x88, $3  }
0x1: {  	(tag) =	ssettag $0x0;
	lr =	simm.s32 $0x1  }
0x2: {  	[smem:$0x3F99] =	sst lr;
	_ =	strace $0xD0000000  }
0x3: {  	_ = 	snop  }
0x4: {  	_ = 	snop  }
0x5: {  	_ = 	snop  }
0x6: {  	_ = 	snop  }
0x7: {  	_ = 	snop  }
__scs_overlays_trampoline_lowered:
0x8: {  	[smem:$0x3FA8] =	sst s0  }
0x9: {  	[smem:$0x3FA9] =	sst s1  }
0xa: {  	[smem:$0x3FAA] =	sst s2  }
0xb: {  	[smem:$0x3FAB] =	sst s3  }
0xc: {  	[smem:$0x3FAC] =	sst s4  }
0xd: {  	[smem:$0x3FAD] =	sst s5  }
0xe: {  	[smem:$0x3FAE] =	sst s6  }
0xf: {  	[smem:$0x3FAF] =	sst s7  }
0x10: {  	[smem:$0x3FB0] =	sst s8  }
0x11: {  	[smem:$0x3FB1] =	sst s9;
	s0 =	simm.s32 @!p0 $0x0  }
0x12: {  	s1 =	sld [smem:$0x3F97];
	s0 =	simm.s32 @p0 $0x1  }
0x13: {  	[smem:$0x3FB2] =	sst s0;
	s0 =	simm.s32 @!p1 $0x0  }
0x14: {  	s2 =	sld [smem:$0x3F96];
	s0 =	simm.s32 @p1 $0x1  }
0x15: {  	[smem:$0x3FB3] =	sst s0;
	s0 =	simm.s32 @!p2 $0x0  }
0x16: {  	s3 =	sld [smem:$0x3FDB];
	s0 =	simm.s32 @p2 $0x1  }
0x17: {  	s4 =	simm.s32 $0x1BF5;
	[smem:$0x3FB5] =	sst s0  }
0x18: {  	s0 =	sld [smem:$0x3F98];
	_ =	swait.ge [sflag:s4], $0x0  }
0x19: {  	s7 =	sld [smem:$0x3F99]  }
0x1a: {  	s8 =	sadd.s32 $0xFFFFE003, lr  }
0x1b: {  	s9 =	sadd.s32 $0xFFFFFEF7, lr;
	s5 =	simm.s32 $0xFFFFFFFF;
	p2 =	slt.u32 s8, $0xFFFFF086  }
0x1c: {  	p1 =	slt.u32 s9, $0xF7A;
	s5 =	simm.s32 @!p2 $0x0  }
0x1d: {  	s5 =	simm.s32 @p1 $0x1;
	p0 =	seq.s32 s7, s2  }
0x1e: {  	s7 =	smul.u32 @!p0 $0xF7A, s2;
	p2 =	seq.s32 @!p0 s5, $0x0  }
0x1f: {  	s9 =	smul.u32 $0xF7A, s1;
	s8 =	simm.s32 @!p0 $0x1BF5;
	p2 =	por !p2, p0  }
0x20: {  	[sflag:s8] =	ssyncset.s32 @!p0 $0xFFFFF086;
	s6 =	sadd.s32 @!p0 s3, s7;
	s7 =	simm.s32 @!p0 $0x108  }
0x21: {  	s3 =	sadd.s32 s3, s9;
	s6 =	sadd.s32 @!p0 $0x88, s6;
	s7 =	simm.s32 @p2 $0x1082  }
0x22: {  	[simem:s7], [sflag:s8] =	dma.local @!p0 [hbm:s6], $0xF7A  }
0x23: {  	s9 =	sor.u32 $0xD0000000, s2;
	s6 =	simm.s32 $0x108;
	_ =	swait.ge @!p0 [sflag:s8], $0x0  }
0x24: {  	s3 =	sadd.s32 $0x88, s3;
	s6 =	simm.s32 @!p1 $0x1082;
	[sflag:s4] =	ssyncset.s32 $0xFFFFF086  }
0x25: {  	[simem:s6], [sflag:s4] =	dma.local [hbm:s3], $0xF7A  }
0x26: {  	[smem:$0x3F99] =	sst s1;
	(tag) =	ssettag s2;
	_ =	strace s9  }
0x27: {  	s1 =	sld [smem:$0x3FA9]  }
0x28: {  	s2 =	sld [smem:$0x3FAA]  }
0x29: {  	s4 =	sld [smem:$0x3FAC]  }
0x2a: {  	p0 =	seq.s32 s5, $0x0;
	s5 =	sld [smem:$0x3FAD]  }
0x2b: {  	s6 =	sld [smem:$0x3FAE]  }
0x2c: {  	s7 =	sld [smem:$0x3FAF]  }
0x2d: {  	s3 =	simm.s32 $0x108;
	s8 =	sld [smem:$0x3FB0]  }
0x2e: {  	s3 =	simm.s32 @!p0 $0x1082;
	s9 =	sld [smem:$0x3FB1]  }
0x2f: {  	lr =	sadd.s32 s0, s3;
	s0 =	sld [smem:$0x3FA8]  }
0x30: {  	s3 =	sld [smem:$0x3FAB]  }
0x31: {  	[smem:$0x3FB4] =	sst s10  }
0x32: {  	s10 =	sld [smem:$0x3FB2];
	_ =	sdelay $0x3  }
0x33: {  	p0 =	seq.s32 s10, $0x1;
	s10 =	sld [smem:$0x3FB4];
	_ =	sdelay $0x3  }
0x34: {  	[smem:$0x3FB4] =	sst s10  }
0x35: {  	s10 =	sld [smem:$0x3FB3];
	_ =	sdelay $0x3  }
0x36: {  	p1 =	seq.s32 s10, $0x1;
	s10 =	sld [smem:$0x3FB4];
	_ =	sdelay $0x3  }
0x37: {  	[smem:$0x3FB4] =	sst s10  }
0x38: {  	s10 =	sld [smem:$0x3FB5]  }
0x39: {  	_ = 	snop;
	(pc) =	sbr.ind lr, $3  }
0x3a: {  	_ = 	snop  }
0x3b: {  	_ = 	snop  }
0x3c: {  	p2 =	seq.s32 s10, $0x1;
	s10 =	sld [smem:$0x3FB4]  }
0x3d: {  	_ =	shalt  }
0x3e: {  	_ =	shalt  }
0x3f: {  	_ =	shalt  }
0x40: {  	_ =	shalt  }
0x41: {  	_ =	shalt  }
0x42: {  	_ =	shalt  }
0x43: {  	_ =	shalt  }
0x44: {  	_ =	shalt  }
0x45: {  	_ =	shalt  }
0x46: {  	_ =	shalt  }
0x47: {  	_ =	shalt  }
0x48: {  	_ =	shalt  }
0x49: {  	_ =	shalt  }
0x4a: {  	_ =	shalt  }
0x4b: {  	_ =	shalt  }
0x4c: {  	_ =	shalt  }
0x4d: {  	_ =	shalt  }
0x4e: {  	_ =	shalt  }
0x4f: {  	_ =	shalt  }
0x50: {  	_ =	shalt  }
0x51: {  	_ =	shalt  }
0x52: {  	_ =	shalt  }
0x53: {  	_ =	shalt  }
0x54: {  	_ =	shalt  }
0x55: {  	_ =	shalt  }
0x56: {  	_ =	shalt  }
0x57: {  	_ =	shalt  }
0x58: {  	_ =	shalt  }
0x59: {  	_ =	shalt  }
0x5a: {  	_ =	shalt  }
0x5b: {  	_ =	shalt  }
0x5c: {  	_ =	shalt  }
0x5d: {  	_ =	shalt  }
0x5e: {  	_ =	shalt  }
0x5f: {  	_ =	shalt  }
0x60: {  	_ =	shalt  }
0x61: {  	_ =	shalt  }
0x62: {  	_ =	shalt  }
0x63: {  	_ =	shalt  }
0x64: {  	_ =	shalt  }
0x65: {  	_ =	shalt  }
0x66: {  	_ =	shalt  }
0x67: {  	_ =	shalt  }
0x68: {  	_ =	shalt  }
0x69: {  	_ =	shalt  }
0x6a: {  	_ =	shalt  }
0x6b: {  	_ =	shalt  }
0x6c: {  	_ =	shalt  }
0x6d: {  	_ =	shalt  }
0x6e: {  	_ =	shalt  }
0x6f: {  	_ =	shalt  }
0x70: {  	_ =	shalt  }
0x71: {  	_ =	shalt  }
0x72: {  	_ =	shalt  }
0x73: {  	_ =	shalt  }
0x74: {  	_ =	shalt  }
0x75: {  	_ =	shalt  }
0x76: {  	_ =	shalt  }
0x77: {  	_ =	shalt  }
0x78: {  	_ =	shalt  }
0x79: {  	_ =	shalt  }
0x7a: {  	_ =	shalt  }
0x7b: {  	_ =	shalt  }
0x7c: {  	_ =	shalt  }
0x7d: {  	_ =	shalt  }
0x7e: {  	_ =	shalt  }
0x7f: {  	_ =	shalt  }
0x80: {  	_ =	shalt  }
0x81: {  	_ =	shalt  }
0x82: {  	_ =	shalt  }
0x83: {  	_ =	shalt  }
0x84: {  	_ =	shalt  }
0x85: {  	_ =	shalt  }
0x86: {  	_ =	shalt  }
0x87: {  	_ =	shalt  }
.Lfunc_end0:
.L_simem_size_0:
called_computation.6_lowered:
.L_overlay_start_0:
0x88: {  	s2 =	sld [smem:$0x3FD9]  }
0x89: {  	s3 =	sld [smem:$0x3FFE];
	_ =	sdelay $0x1  }
0x8a: {  	s1 =	srdreg.scid  }
0x8b: {  	s0 =	sand.u32 $0x1, s1  }
0x8c: {  	s17 =	sshll.u32 s0, $0xA;
	s2 =	sadd.s32 s3, s2  }
0x8d: {  	s2 =	sadd.s32 s2, s17  }
0x8e: {  	[smem:$0x3FC0] =	sst s2  }
0x8f: {  	_ = 	snop  }
0x90: {  	(tm) =	ssettm $0x1  }
0x91: {  	s18 =	sld [smem:$0x3FFB];
	_ =	sdelay $0x3  }
0x92: {  	_ =	strace s18  }
0x93: {  	s2 =	sld [smem:$0x3FFC];
	_ =	sdelay $0x3  }
0x94: {  	_ =	strace s2  }
0x95: {  	s2 =	sld [smem:$0x3FFD];
	_ =	sdelay $0x3  }
0x96: {  	_ =	strace s2  }
0x97: {  	_ =	strace $0x8FFFFFFF  }
0x98: {  	s19 =	sld [smem:$0x3FDB];
	_ =	sdelay $0x1  }
0x99: {  	s20 =	simm.s32 $_scs_section_size  }
0x9a: {  	s4 =	simm.s32 $_size__tile_overlayer_lowered;
	s5 =	simm.s32 $_tile_overlayer_lowered  }
0x9b: {  	s6 =	simm.s32 $0x1BFF;
	s21 =	sshll.u32 s5, $0x1;
	s3 =	sadd.s32 s20, s19  }
0x9c: {  	s22 =	simm.s32 $0x0;
	s4 =	sshll.u32 s4, $0x1;
	s5 =	sadd.s32 s21, s3  }
0x9d: {  	[timem:s22], [sflag:s6] =	dma.local [hbm:s5], s4  }
0x9e: {  	_ =	swait.ge [sflag:s6], s4  }
0x9f: {  	s4 =	ssub.s32 $0x0, s4;
	[sflag:s6] =	ssyncset.done $0x0  }
0xa0: {  	[sflag:s6] =	ssyncadd.s32 s4;
	_ =	sdelay $0x1  }
0xa1: {  	s23 =	simm.s32 $0x1B8B  }
0xa2: {  	_ =	swait.ge [sflag:s23], $0x1  }
0xa3: {  	[sflag:s23] =	ssyncset.done $0x0  }
0xa4: {  	[sflag:s23] =	ssyncadd.s32 $0xFFFFFFFF  }
0xa5: {  	s4 =	sld [smem:$0x0]  }
0xa6: {  	s5 =	sand.u32 $0xFFFFFFFE, s1  }
0xa7: {  	p0 =	sne.s32 s1, s5  }
0xa8: {  	s5 =	sshll.u32 @p0 s5, $0xE  }
0xa9: {  	s5 =	sadd.s32 @p0 $0x11B8D, s5;
	s6 =	sshll.u32 @p0 s4, $0x11  }
0xaa: {  	s5 =	sor.u32 @p0 s6, s5  }
0xab: {  	[sflag:s5] =	ssyncadd.remote.s32 @p0 $0x1;
	_ =	sdelay $0x1  }
0xac: {  	s5 =	simm.s32 @p0 $0x1B8D  }
0xad: {  	_ =	swait.eq @p0 [sflag:s5], $0x1  }
0xae: {  	[sflag:s5] =	ssyncadd.s32 @p0 $0xFFFFFFFF  }
0xaf: {  	s6 =	sshll.u32 @!p0 s1, $0xE  }
0xb0: {  	s6 =	sor.u32 @!p0 $0x4000, s6;
	s5 =	simm.s32 @!p0 $0x1B8D  }
0xb1: {  	s4 =	sshll.u32 @!p0 s4, $0x11;
	s6 =	sadd.s32 @!p0 $0x11B8D, s6;
	_ =	swait.eq @!p0 [sflag:s5], $0x1  }
0xb2: {  	s4 =	sor.u32 @!p0 s4, s6;
	[sflag:s5] =	ssyncadd.s32 @!p0 $0xFFFFFFFF  }
0xb3: {  	s25 =	simm.s32 $0x1B8E;
	s24 =	sld [smem:$0x3FFE];
	[sflag:s4] =	ssyncadd.remote.s32 @!p0 $0x1  }
0xb4: {  	s26 =	simm.s32 $execute0_lowered;
	[smem:$0x3FD2] =	sst s25  }
0xb5: {  	s5 =	sshll.u32 s26, $0x1;
	_ =	strace $0x80000058;
	[dreg:$0x1] =	wrdreg $0xFFFFFFFF  }
0xb6: {  	s28 =	simm.s32 $_size_execute0_lowered;
	s3 =	sadd.s32 s3, s5;
	[dreg:$0x0] =	wrdreg $0x0  }
0xb7: {  	s5 =	sshll.u32 s28, $0x1;
	[dreg:$0x2] =	wrdreg s3  }
0xb8: {  	[dreg:$0x3] =	wrdreg s5  }
0xb9: {  	[dreg:$0x4] =	wrdreg $0xC0  }
0xba: {  	_ =	task [dreg:s22], $0x5FFFF  }
0xbb: {  	[dreg:$0x1] =	wrdreg $0xFFFFFFFF  }
0xbc: {  	[dreg:$0x0] =	wrdreg $0x60  }
0xbd: {  	[dreg:$0x2] =	wrdreg s24  }
0xbe: {  	[dreg:$0x3] =	wrdreg $0xA8000  }
0xbf: {  	[dreg:$0x4] =	wrdreg $0xB  }
0xc0: {  	_ =	task.clear_ibuf [dreg:s22], $0x5FFFF;
	_ =	strace $0x90000058  }
0xc1: {  	s29 =	simm.s32 $0xB;
	_ =	strace $0x8000005A  }
0xc2: {  	_ =	swait.ge [sflag:s29], $0x1  }
0xc3: {  	[sflag:s29] =	ssyncadd.s32 $0xFFFFFFFF  }
0xc4: {  	_ =	strace $0x9000005A  }
0xc5: {  	_ =	sfence  }
0xc6: {  	s30 =	sld [smem:$0x0];
	_ =	sdelay $0x2  }
0xc7: {  	s31 =	sshll.u32 s1, $0xD;
	s1 =	sshrl.u32 s1, $0x2  }
0xc8: {  	s4 =	sand.u32 $0x4000, s31;
	s1 =	sadd.s32 s1, s30  }
0xc9: {  	s0 =	sor.u32 s4, s0;
	s1 =	sshll.u32 s1, $0x11  }
0xca: {  	s0 =	sor.u32 s1, s0  }
0xcb: {  	s0 =	sadd.s32 $0x8F2B, s0  }
0xcc: {  	[sflag:s0] =	ssyncadd.remote.s32 $0x1  }
0xcd: {  	_ =	sfence.sel $0xFFFF  }
0xce: {  	[dreg:$0x0] =	wrdreg $0xFFFFFFFF;
	(pc) =	sbr.abs _section_cstart, $3  }
0xcf: {  	[dreg:$0x1] =	wrdreg $0xFFFFFFFF  }
0xd0: {  	_ =	task.clear_ibuf [dreg:s22], $0x2FFFF;
	_ =	strace $0x9FFFFFFF  }
0xd1: {  	(tm) =	ssettm $0x7FFFFFFF  }
tec
execute0_lowered:
.L_overlay_start_1:
0x0: {  	(tag) =	ssettag $0x1  }
0x1: {  	s0 =	srdreg.scid;
	s5 =	rddreg [dreg:$0x0]  }
0x2: {  	s2 =	rddreg [dreg:$0x1];
	s1 =	stileid.u32  }
0x3: {  	s3 =	simm.s32 $0x0;
	s24 =	simm.s32 $0x2780;
	s25 =	simm.s32 $0x80  }
0x4: {  	s28 =	simm.s32 $0x1;
	s29 =	simm.s32 $0x0;
	s8 =	smul.u32 $0x50000, s1  }
0x5: {  	s0 =	sand.u32 $0x1, s0;
	[smem:$0x7FF] =	sst s3;
	s17 =	smul.u32 $0x14000, s1  }
0x6: {  	s21 =	sadd.s32 $0x162C00, s5;
	s23 =	smul.u32 $0x4F0, s1;
	s4 =	sshll.u32 s0, $0x4  }
0x7: {  	_ =	strace $0x80000059;
	s7 =	smul.u32 $0x4F00, s0;
	s26 =	ssub.s32 $0x2, s0  }
0x8: {  	s0 =	smul.u32 $0x140000, s0;
	s4 =	sor.u32 s1, s4;
	s30 =	sshrl.u32 s26, $0x1  }
0x9: {  	s8 =	sshrl.u32 s8, $0x2;
	s13 =	sadd.s32 $0x4000, s17;
	s15 =	sadd.s32 $0x8000, s17  }
0xa: {  	s18 =	sadd.s32 $0xC000, s17;
	s22 =	sadd.s32 $0x10000, s17;
	s6 =	smul.u32 $0x4F0, s4  }
0xb: {  	s4 =	sadd.s32 $0x4AC00, s5;
	s20 =	sadd.s32 s7, s5;
	s7 =	ssub.s32 s26, s30  }
0xc: {  	s12 =	sadd.s32 s0, s17;
	s14 =	sadd.s32 s0, s13;
	s13 =	sadd.s32 s13, s2  }
0xd: {  	s16 =	sadd.s32 s0, s15;
	s15 =	sadd.s32 s15, s2;
	s19 =	sadd.s32 s0, s18  }
0xe: {  	s17 =	sadd.s32 s18, s2;
	s0 =	sadd.s32 s0, s22;
	s26 =	simm.s32 $0x2800  }
0xf: {  	s7 =	smax.u32 s7, $0x1;
	s12 =	sshrl.u32 s12, $0x3;
	s14 =	sshrl.u32 s14, $0x3  }
0x10: {  	s16 =	sshrl.u32 s16, $0x3;
	s19 =	sshrl.u32 s19, $0x3;
	s0 =	sshrl.u32 s0, $0x3  }
0x11: {  	s31 =	sadd.s32 s23, s20;
	s23 =	simm.s32 $0x6800;
	s6 =	sadd.s32 s6, s5  }
0x12: {  	s5 =	sadd.s32 s8, s2;
	s12 =	sadd.s32 s21, s12;
	s14 =	sadd.s32 s21, s14  }
0x13: {  	s16 =	sadd.s32 s21, s16;
	s18 =	sadd.s32 s21, s19;
	s19 =	sadd.s32 s22, s2  }
0x14: {  	s20 =	sadd.s32 s21, s0;
	s21 =	sadd.s32 $0xF000, s31;
	s22 =	simm.s32 $0x2  }
0x15: {  	s6 =	sadd.s32 $0x18E00, s6;
	s8 =	sadd.s32 $0x4000, s5;
	s9 =	sadd.s32 $0x8000, s5  }
0x16: {  	v0 =	vimm.f32 $0.0e+00;
	s10 =	sadd.s32 $0xC000, s5;
	s11 =	sadd.s32 $0x10000, s5;
	[dreg:$0x3] =	wrdreg s6  }
.LBB2_1:
0x17: {  	s0 =	rddreg [dreg:$0x3]  }
0x18: {  	[tilespmem:s3], [sflag:$0x2] =	stream.linear.gather [hbm4b:s0+s3], $0x2780, $0x38;
	[tilespmem:$0x1E800] =	vst v63  }
0x19: {  	_ =	swait.ge [sflag:s22], $0x2780  }
0x1a: {  	[sflag:s22] =	ssyncset.done $0x0  }
0x1b: {  	s30 =	simm.s32 $0x0;
	s31 =	simm.s32 $0x200;
	[sflag:s22] =	ssyncadd.s32 $0xFFFFD880  }
.LBB2_2:
0x1c: {  	p0 =	sne.s32 s31, $0xFE00;
	[tilespmem:s30+$0x6870] =	vst v0  }
0x1d: {  	[tilespmem:s30+$0x6800] =	vst v0  }
0x1e: {  	[tilespmem:s30+$0x6810] =	vst v0  }
.Ltmp0:
0x1f: {  	[tilespmem:s30+$0x6820] =	vst v0;
	(pc) =	sbr.rel @p0 .LBB2_2-.Ltmp0, $4  }
0x20: {  	[tilespmem:s30+$0x6830] =	vst v0  }
0x21: {  	[tilespmem:s30+$0x6840] =	vst v0  }
0x22: {  	[tilespmem:s30+$0x6850] =	vst v0  }
0x23: {  	[tilespmem:s30+$0x6860] =	vst v0;
	s30 =	sshra.s32 s31, $0x2;
	s31 =	sadd.s32 $0x200, s31  }
0x24: {  	[tilespmem:s30+$0x6870] =	vst v0  }
0x25: {  	[tilespmem:s30+$0x6800] =	vst v0  }
0x26: {  	[tilespmem:s30+$0x6810] =	vst v0  }
0x27: {  	[tilespmem:s30+$0x6820] =	vst v0  }
0x28: {  	[tilespmem:s30+$0x6830] =	vst v0  }
0x29: {  	[tilespmem:s30+$0x6840] =	vst v0  }
0x2a: {  	[tilespmem:s30+$0x6850] =	vst v0  }
0x2b: {  	[tilespmem:s30+$0x6860] =	vst v0  }
0x2c: {  	[spmem:s5] =	stream.linear.scatter [tilespmem:s23], [sflag:$0x2], $0x4000, $0x38;
	[tilespmem:$0x1E800] =	vst v63  }
0x2d: {  	_ =	swait.ge [sflag:s22], $0x4000  }
0x2e: {  	[sflag:s22] =	ssyncset.done $0x0  }
0x2f: {  	[sflag:s22] =	ssyncadd.s32 $0xFFFFC000  }
0x30: {  	[spmem:s8] =	stream.linear.scatter [tilespmem:s23], [sflag:$0x2], $0x4000, $0x38;
	[tilespmem:$0x1E800] =	vst v63  }
0x31: {  	_ =	swait.ge [sflag:s22], $0x4000  }
0x32: {  	[sflag:s22] =	ssyncset.done $0x0  }
0x33: {  	[sflag:s22] =	ssyncadd.s32 $0xFFFFC000  }
0x34: {  	[spmem:s9] =	stream.linear.scatter [tilespmem:s23], [sflag:$0x2], $0x4000, $0x38;
	[tilespmem:$0x1E800] =	vst v63  }
0x35: {  	_ =	swait.ge [sflag:s22], $0x4000  }
0x36: {  	[sflag:s22] =	ssyncset.done $0x0  }
0x37: {  	[sflag:s22] =	ssyncadd.s32 $0xFFFFC000  }
0x38: {  	[spmem:s10] =	stream.linear.scatter [tilespmem:s23], [sflag:$0x2], $0x4000, $0x38;
	[tilespmem:$0x1E800] =	vst v63  }
0x39: {  	_ =	swait.ge [sflag:s22], $0x4000  }
0x3a: {  	[sflag:s22] =	ssyncset.done $0x0  }
0x3b: {  	[sflag:s22] =	ssyncadd.s32 $0xFFFFC000  }
0x3c: {  	[spmem:s11] =	stream.linear.scatter [tilespmem:s23], [sflag:$0x2], $0x4000, $0x38;
	[tilespmem:$0x1E800] =	vst v63  }
0x3d: {  	_ =	swait.ge [sflag:s22], $0x4000  }
0x3e: {  	[sflag:s22] =	ssyncset.done $0x0  }
0x3f: {  	[sflag:s22] =	ssyncadd.s32 $0xFFFFC000  }
0x40: {  	s0 =	sadd.s32 $0x0, s21;
	[bflag:$0x0] =	sbarrier.arrive $0xFFFF  }
0x41: {  	[tilespmem:s24], [sflag:$0x2] =	stream.linear.gather [hbm4b:s0+s3], $0x80, $0x38;
	[tilespmem:$0x1E800] =	vst v63  }
0x42: {  	_ =	swait.ge [sflag:s22], $0x80  }
0x43: {  	[sflag:s22] =	ssyncset.done $0x0  }
0x44: {  	s6 =	simm.s32 $0x0;
	[sflag:s22] =	ssyncadd.s32 $0xFFFFFF80  }
0x45: {  	[tilespmem:s26], [sflag:$0x1] =	stream.indirect.gather [hbm4b:s4+s25], $0x80, s6, s25, $0xb8;
	[tilespmem:$0x1E800] =	vst v63  }
0x46: {  	_ =	swait.ge [sflag:s28], $0x4000  }
0x47: {  	[sflag:s28] =	ssyncset.done $0x0  }
0x48: {  	[sflag:s28] =	ssyncadd.s32 $0xFFFFC000  }
0x49: {  	[spmem:s2] =	stream.indirect.scatter.add.f32 [tilespmem:s26], [sflag:$0x2], $0x80, s24, s25, $0xb8;
	[tilespmem:$0x1E800] =	vst v63  }
0x4a: {  	s31 =	simm.s32 $0x10;
	_ =	swait.ge [sflag:s22], $0x4000  }
0x4b: {  	s30 =	simm.s32 $0x80;
	s0 =	simm.s32 $0x20;
	[sflag:s22] =	ssyncset.done $0x0  }
.LBB2_4:
0x4c: {  	s1 =	sadd.s32 s31, s21  }
0x4d: {  	[sflag:s22] =	ssyncadd.s32 $0xFFFFC000;
	s31 =	smov.u32 s0;
	s6 =	sadd.s32 $0x10, s0  }
0x4e: {  	[tilespmem:s24], [sflag:$0x2] =	stream.linear.gather [hbm4b:s1+s3], $0x80, $0x38;
	[tilespmem:$0x1E800] =	vst v63  }
0x4f: {  	p0 =	sne.s32 s0, $0x4E0;
	_ =	swait.ge [sflag:s22], $0x80  }
0x50: {  	[sflag:s22] =	ssyncset.done $0x0  }
0x51: {  	[sflag:s22] =	ssyncadd.s32 $0xFFFFFF80  }
0x52: {  	[tilespmem:s26], [sflag:$0x1] =	stream.indirect.gather [hbm4b:s4+s25], $0x80, s30, s25, $0xb8;
	[tilespmem:$0x1E800] =	vst v63  }
0x53: {  	_ =	swait.ge [sflag:s28], $0x4000  }
.Ltmp1:
0x54: {  	[sflag:s28] =	ssyncset.done $0x0;
	(pc) =	sbr.rel @p0 .LBB2_4-.Ltmp1, $4  }
0x55: {  	[sflag:s28] =	ssyncadd.s32 $0xFFFFC000  }
0x56: {  	[spmem:s2] =	stream.indirect.scatter.add.f32 [tilespmem:s26], [sflag:$0x2], $0x80, s24, s25, $0xb8;
	[tilespmem:$0x1E800] =	vst v63  }
0x57: {  	_ =	swait.ge [sflag:s22], $0x4000  }
0x58: {  	s0 =	smov.u32 s6;
	s30 =	sadd.s32 $0x80, s30;
	[sflag:s22] =	ssyncset.done $0x0  }
0x59: {  	s0 =	sadd.s32 s31, s21;
	[sflag:s22] =	ssyncadd.s32 $0xFFFFC000  }
0x5a: {  	[tilespmem:s24], [sflag:$0x2] =	stream.linear.gather [hbm4b:s0+s3], $0x80, $0x38;
	[tilespmem:$0x1E800] =	vst v63  }
0x5b: {  	_ =	swait.ge [sflag:s22], $0x80  }
0x5c: {  	[sflag:s22] =	ssyncset.done $0x0  }
0x5d: {  	[sflag:s22] =	ssyncadd.s32 $0xFFFFFF80  }
0x5e: {  	[tilespmem:s26], [sflag:$0x1] =	stream.indirect.gather [hbm4b:s4+s25], $0x80, s30, s25, $0xb8;
	[tilespmem:$0x1E800] =	vst v63  }
0x5f: {  	_ =	swait.ge [sflag:s28], $0x4000  }
0x60: {  	[sflag:s28] =	ssyncset.done $0x0  }
0x61: {  	[sflag:s28] =	ssyncadd.s32 $0xFFFFC000  }
0x62: {  	[spmem:s2] =	stream.indirect.scatter.add.f32 [tilespmem:s26], [sflag:$0x2], $0x80, s24, s25, $0xb8;
	[tilespmem:$0x1E800] =	vst v63  }
0x63: {  	_ =	swait.ge [sflag:s22], $0x4000  }
0x64: {  	[sflag:s22] =	ssyncset.done $0x0  }
0x65: {  	[sflag:s22] =	ssyncadd.s32 $0xFFFFC000  }
0x66: {  	[bflag:$0x0] =	sbarrier.arrive $0xFFFF  }
0x67: {  	[tilespmem:s23], [sflag:$0x2] =	stream.linear.gather [spmem:s5], $0x4000, $0x38;
	[tilespmem:$0x1E800] =	vst v63  }
0x68: {  	_ =	swait.ge [sflag:s22], $0x4000  }
0x69: {  	[sflag:s22] =	ssyncset.done $0x0  }
0x6a: {  	[sflag:s22] =	ssyncadd.s32 $0xFFFFC000  }
0x6b: {  	[hbm4b:s12+s3] =	stream.linear.scatter [tilespmem:s23], [sflag:$0x2], $0x4000, $0x38;
	[tilespmem:$0x1E800] =	vst v63  }
0x6c: {  	_ =	swait.ge [sflag:s22], $0x4000  }
0x6d: {  	[sflag:s22] =	ssyncset.done $0x0  }
0x6e: {  	[sflag:s22] =	ssyncadd.s32 $0xFFFFC000  }
0x6f: {  	[tilespmem:s23], [sflag:$0x2] =	stream.linear.gather [spmem:s13], $0x4000, $0x38;
	[tilespmem:$0x1E800] =	vst v63  }
0x70: {  	_ =	swait.ge [sflag:s22], $0x4000  }
0x71: {  	[sflag:s22] =	ssyncset.done $0x0  }
0x72: {  	[sflag:s22] =	ssyncadd.s32 $0xFFFFC000  }
0x73: {  	[hbm4b:s14+s3] =	stream.linear.scatter [tilespmem:s23], [sflag:$0x2], $0x4000, $0x38;
	[tilespmem:$0x1E800] =	vst v63  }
0x74: {  	_ =	swait.ge [sflag:s22], $0x4000  }
0x75: {  	[sflag:s22] =	ssyncset.done $0x0  }
0x76: {  	[sflag:s22] =	ssyncadd.s32 $0xFFFFC000  }
0x77: {  	[tilespmem:s23], [sflag:$0x2] =	stream.linear.gather [spmem:s15], $0x4000, $0x38;
	[tilespmem:$0x1E800] =	vst v63  }
0x78: {  	_ =	swait.ge [sflag:s22], $0x4000  }
0x79: {  	[sflag:s22] =	ssyncset.done $0x0  }
0x7a: {  	[sflag:s22] =	ssyncadd.s32 $0xFFFFC000  }
0x7b: {  	[hbm4b:s16+s3] =	stream.linear.scatter [tilespmem:s23], [sflag:$0x2], $0x4000, $0x38;
	[tilespmem:$0x1E800] =	vst v63  }
0x7c: {  	_ =	swait.ge [sflag:s22], $0x4000  }
0x7d: {  	[sflag:s22] =	ssyncset.done $0x0  }
0x7e: {  	[sflag:s22] =	ssyncadd.s32 $0xFFFFC000  }
0x7f: {  	[tilespmem:s23], [sflag:$0x2] =	stream.linear.gather [spmem:s17], $0x4000, $0x38;
	[tilespmem:$0x1E800] =	vst v63  }
0x80: {  	_ =	swait.ge [sflag:s22], $0x4000  }
0x81: {  	[sflag:s22] =	ssyncset.done $0x0  }
0x82: {  	[sflag:s22] =	ssyncadd.s32 $0xFFFFC000  }
0x83: {  	[hbm4b:s18+s3] =	stream.linear.scatter [tilespmem:s23], [sflag:$0x2], $0x4000, $0x38;
	[tilespmem:$0x1E800] =	vst v63  }
0x84: {  	_ =	swait.ge [sflag:s22], $0x4000  }
0x85: {  	[sflag:s22] =	ssyncset.done $0x0  }
0x86: {  	[sflag:s22] =	ssyncadd.s32 $0xFFFFC000  }
0x87: {  	[tilespmem:s23], [sflag:$0x2] =	stream.linear.gather [spmem:s19], $0x4000, $0x38;
	[tilespmem:$0x1E800] =	vst v63  }
0x88: {  	s29 =	sadd.s32 $0x1, s29;
	_ =	swait.ge [sflag:s22], $0x4000  }
0x89: {  	p0 =	sne.s32 s29, s7;
	[sflag:s22] =	ssyncset.done $0x0  }
.Ltmp2:
0x8a: {  	[sflag:s22] =	ssyncadd.s32 $0xFFFFC000;
	(pc) =	sbr.rel @p0 .LBB2_1-.Ltmp2, $4  }
0x8b: {  	[hbm4b:s20+s3] =	stream.linear.scatter [tilespmem:s23], [sflag:$0x2], $0x4000, $0x38;
	[tilespmem:$0x1E800] =	vst v63  }
0x8c: {  	_ =	swait.ge [sflag:s22], $0x4000  }
0x8d: {  	[sflag:s22] =	ssyncset.done $0x0  }
0x8e: {  	[sflag:s22] =	ssyncadd.s32 $0xFFFFC000  }
0x8f: {  	_ =	sfence.sel $0x180000  }
0x90: {  	[bflag:$0x0] =	sbarrier.arrive $0xFFFF  }
0x91: {  	_ =	strace $0x90000059  }
0x92: {  	s0 =	stileid.u32;
	[bflag:$0x2] =	sbarrier.arrive $0xFFFF  }
0x93: {  	p0 =	sne.s32 s0, $0x0;
	s0 =	rddreg [dreg:$0x2]  }
0x94: {  	s0 =	sadd.s32 @!p0 $0x100000, s0  }
0x95: {  	[sflag:s0] =	ssyncadd.tile.s32 @!p0 $0x1;
	_ =	shalt  }
.Lfunc_end2:
_tile_overlayer_lowered:
.L_overlay_start_2:
0x96: {  	(tag) =	ssettag $0x2  }
0x97: {  	s0 =	rddreg [dreg:$0x0];
	s2 =	stileid.u32  }
0x98: {  	s1 =	rddreg [dreg:$0x1];
	p0 =	sne.s32 s2, $0x0  }
0x99: {  	s3 =	rddreg [dreg:$0x2];
	[bflag:$0x3] =	sbarrier.arrive $0xFFFF;
	s2 =	simm.s32 @!p0 $0x1C02  }
0x9a: {  	[timem:s3], [sflag:s2] =	dma.local @!p0 [hbm:s0], s1  }
0x9b: {  	s0 =	simm.s32 @!p0 $0x2  }
0x9c: {  	_ =	swait.ge @!p0 [sflag:s0], s1  }
0x9d: {  	s1 =	ssub.s32 @!p0 $0x0, s1;
	[sflag:s0] =	ssyncset.done @!p0 $0x0  }
0x9e: {  	[sflag:s0] =	ssyncadd.s32 @!p0 s1  }
0x9f: {  	[bflag:$0x3] =	sbarrier.arrive $0xFFFF  }
0xa0: {  	_ =	shalt  }

// kernel: kernel.31.cloned.1.call-start
scs
__scs_entry_jumppad:
0x0: {  	(pc) =	sbr.rel $0x88, $3  }
0x1: {  	(tag) =	ssettag $0x0;
	lr =	simm.s32 $0x1  }
0x2: {  	[smem:$0x3F99] =	sst lr;
	_ =	strace $0xD0000000  }
0x3: {  	_ = 	snop  }
0x4: {  	_ = 	snop  }
0x5: {  	_ = 	snop  }
0x6: {  	_ = 	snop  }
0x7: {  	_ = 	snop  }
__scs_overlays_trampoline_lowered:
0x8: {  	[smem:$0x3FA8] =	sst s0  }
0x9: {  	[smem:$0x3FA9] =	sst s1  }
0xa: {  	[smem:$0x3FAA] =	sst s2  }
0xb: {  	[smem:$0x3FAB] =	sst s3  }
0xc: {  	[smem:$0x3FAC] =	sst s4  }
0xd: {  	[smem:$0x3FAD] =	sst s5  }
0xe: {  	[smem:$0x3FAE] =	sst s6  }
0xf: {  	[smem:$0x3FAF] =	sst s7  }
0x10: {  	[smem:$0x3FB0] =	sst s8  }
0x11: {  	[smem:$0x3FB1] =	sst s9;
	s0 =	simm.s32 @!p0 $0x0  }
0x12: {  	s1 =	sld [smem:$0x3F97];
	s0 =	simm.s32 @p0 $0x1  }
0x13: {  	[smem:$0x3FB2] =	sst s0;
	s0 =	simm.s32 @!p1 $0x0  }
0x14: {  	s2 =	sld [smem:$0x3F96];
	s0 =	simm.s32 @p1 $0x1  }
0x15: {  	[smem:$0x3FB3] =	sst s0;
	s0 =	simm.s32 @!p2 $0x0  }
0x16: {  	s3 =	sld [smem:$0x3FDB];
	s0 =	simm.s32 @p2 $0x1  }
0x17: {  	s4 =	simm.s32 $0x1BF5;
	[smem:$0x3FB5] =	sst s0  }
0x18: {  	s0 =	sld [smem:$0x3F98];
	_ =	swait.ge [sflag:s4], $0x0  }
0x19: {  	s7 =	sld [smem:$0x3F99]  }
0x1a: {  	s8 =	sadd.s32 $0xFFFFE003, lr  }
0x1b: {  	s9 =	sadd.s32 $0xFFFFFEF7, lr;
	s5 =	simm.s32 $0xFFFFFFFF;
	p2 =	slt.u32 s8, $0xFFFFF086  }
0x1c: {  	p1 =	slt.u32 s9, $0xF7A;
	s5 =	simm.s32 @!p2 $0x0  }
0x1d: {  	s5 =	simm.s32 @p1 $0x1;
	p0 =	seq.s32 s7, s2  }
0x1e: {  	s7 =	smul.u32 @!p0 $0xF7A, s2;
	p2 =	seq.s32 @!p0 s5, $0x0  }
0x1f: {  	s9 =	smul.u32 $0xF7A, s1;
	s8 =	simm.s32 @!p0 $0x1BF5;
	p2 =	por !p2, p0  }
0x20: {  	[sflag:s8] =	ssyncset.s32 @!p0 $0xFFFFF086;
	s6 =	sadd.s32 @!p0 s3, s7;
	s7 =	simm.s32 @!p0 $0x108  }
0x21: {  	s3 =	sadd.s32 s3, s9;
	s6 =	sadd.s32 @!p0 $0x88, s6;
	s7 =	simm.s32 @p2 $0x1082  }
0x22: {  	[simem:s7], [sflag:s8] =	dma.local @!p0 [hbm:s6], $0xF7A  }
0x23: {  	s9 =	sor.u32 $0xD0000000, s2;
	s6 =	simm.s32 $0x108;
	_ =	swait.ge @!p0 [sflag:s8], $0x0  }
0x24: {  	s3 =	sadd.s32 $0x88, s3;
	s6 =	simm.s32 @!p1 $0x1082;
	[sflag:s4] =	ssyncset.s32 $0xFFFFF086  }
0x25: {  	[simem:s6], [sflag:s4] =	dma.local [hbm:s3], $0xF7A  }
0x26: {  	[smem:$0x3F99] =	sst s1;
	(tag) =	ssettag s2;
	_ =	strace s9  }
0x27: {  	s1 =	sld [smem:$0x3FA9]  }
0x28: {  	s2 =	sld [smem:$0x3FAA]  }
0x29: {  	s4 =	sld [smem:$0x3FAC]  }
0x2a: {  	p0 =	seq.s32 s5, $0x0;
	s5 =	sld [smem:$0x3FAD]  }
0x2b: {  	s6 =	sld [smem:$0x3FAE]  }
0x2c: {  	s7 =	sld [smem:$0x3FAF]  }
0x2d: {  	s3 =	simm.s32 $0x108;
	s8 =	sld [smem:$0x3FB0]  }
0x2e: {  	s3 =	simm.s32 @!p0 $0x1082;
	s9 =	sld [smem:$0x3FB1]  }
0x2f: {  	lr =	sadd.s32 s0, s3;
	s0 =	sld [smem:$0x3FA8]  }
0x30: {  	s3 =	sld [smem:$0x3FAB]  }
0x31: {  	[smem:$0x3FB4] =	sst s10  }
0x32: {  	s10 =	sld [smem:$0x3FB2];
	_ =	sdelay $0x3  }
0x33: {  	p0 =	seq.s32 s10, $0x1;
	s10 =	sld [smem:$0x3FB4];
	_ =	sdelay $0x3  }
0x34: {  	[smem:$0x3FB4] =	sst s10  }
0x35: {  	s10 =	sld [smem:$0x3FB3];
	_ =	sdelay $0x3  }
0x36: {  	p1 =	seq.s32 s10, $0x1;
	s10 =	sld [smem:$0x3FB4];
	_ =	sdelay $0x3  }
0x37: {  	[smem:$0x3FB4] =	sst s10  }
0x38: {  	s10 =	sld [smem:$0x3FB5]  }
0x39: {  	_ = 	snop;
	(pc) =	sbr.ind lr, $3  }
0x3a: {  	_ = 	snop  }
0x3b: {  	_ = 	snop  }
0x3c: {  	p2 =	seq.s32 s10, $0x1;
	s10 =	sld [smem:$0x3FB4]  }
0x3d: {  	_ =	shalt  }
0x3e: {  	_ =	shalt  }
0x3f: {  	_ =	shalt  }
0x40: {  	_ =	shalt  }
0x41: {  	_ =	shalt  }
0x42: {  	_ =	shalt  }
0x43: {  	_ =	shalt  }
0x44: {  	_ =	shalt  }
0x45: {  	_ =	shalt  }
0x46: {  	_ =	shalt  }
0x47: {  	_ =	shalt  }
0x48: {  	_ =	shalt  }
0x49: {  	_ =	shalt  }
0x4a: {  	_ =	shalt  }
0x4b: {  	_ =	shalt  }
0x4c: {  	_ =	shalt  }
0x4d: {  	_ =	shalt  }
0x4e: {  	_ =	shalt  }
0x4f: {  	_ =	shalt  }
0x50: {  	_ =	shalt  }
0x51: {  	_ =	shalt  }
0x52: {  	_ =	shalt  }
0x53: {  	_ =	shalt  }
0x54: {  	_ =	shalt  }
0x55: {  	_ =	shalt  }
0x56: {  	_ =	shalt  }
0x57: {  	_ =	shalt  }
0x58: {  	_ =	shalt  }
0x59: {  	_ =	shalt  }
0x5a: {  	_ =	shalt  }
0x5b: {  	_ =	shalt  }
0x5c: {  	_ =	shalt  }
0x5d: {  	_ =	shalt  }
0x5e: {  	_ =	shalt  }
0x5f: {  	_ =	shalt  }
0x60: {  	_ =	shalt  }
0x61: {  	_ =	shalt  }
0x62: {  	_ =	shalt  }
0x63: {  	_ =	shalt  }
0x64: {  	_ =	shalt  }
0x65: {  	_ =	shalt  }
0x66: {  	_ =	shalt  }
0x67: {  	_ =	shalt  }
0x68: {  	_ =	shalt  }
0x69: {  	_ =	shalt  }
0x6a: {  	_ =	shalt  }
0x6b: {  	_ =	shalt  }
0x6c: {  	_ =	shalt  }
0x6d: {  	_ =	shalt  }
0x6e: {  	_ =	shalt  }
0x6f: {  	_ =	shalt  }
0x70: {  	_ =	shalt  }
0x71: {  	_ =	shalt  }
0x72: {  	_ =	shalt  }
0x73: {  	_ =	shalt  }
0x74: {  	_ =	shalt  }
0x75: {  	_ =	shalt  }
0x76: {  	_ =	shalt  }
0x77: {  	_ =	shalt  }
0x78: {  	_ =	shalt  }
0x79: {  	_ =	shalt  }
0x7a: {  	_ =	shalt  }
0x7b: {  	_ =	shalt  }
0x7c: {  	_ =	shalt  }
0x7d: {  	_ =	shalt  }
0x7e: {  	_ =	shalt  }
0x7f: {  	_ =	shalt  }
0x80: {  	_ =	shalt  }
0x81: {  	_ =	shalt  }
0x82: {  	_ =	shalt  }
0x83: {  	_ =	shalt  }
0x84: {  	_ =	shalt  }
0x85: {  	_ =	shalt  }
0x86: {  	_ =	shalt  }
0x87: {  	_ =	shalt  }
.Lfunc_end0:
.L_simem_size_0:
called_computation.7_lowered:
.L_overlay_start_0:
0x88: {  	s2 =	sld [smem:$0x3FD9]  }
0x89: {  	s3 =	sld [smem:$0x3FFE];
	_ =	sdelay $0x1  }
0x8a: {  	s1 =	srdreg.scid  }
0x8b: {  	s0 =	sand.u32 $0x1, s1  }
0x8c: {  	s17 =	sshll.u32 s0, $0xA;
	s2 =	sadd.s32 s3, s2  }
0x8d: {  	s2 =	sadd.s32 s2, s17  }
0x8e: {  	[smem:$0x3FC0] =	sst s2  }
0x8f: {  	_ = 	snop  }
0x90: {  	s18 =	sld [smem:$0x3FD0];
	(tm) =	ssettm $0x1  }
0x91: {  	s19 =	sld [smem:$0x3FFB];
	_ =	sdelay $0x3  }
0x92: {  	_ =	strace s19  }
0x93: {  	s2 =	sld [smem:$0x3FFC];
	_ =	sdelay $0x3  }
0x94: {  	_ =	strace s2  }
0x95: {  	s2 =	sld [smem:$0x3FFD];
	_ =	sdelay $0x3  }
0x96: {  	_ =	strace s2  }
0x97: {  	_ =	strace $0x8FFFFFFF  }
0x98: {  	s20 =	sld [smem:$0x3FDB];
	_ =	sdelay $0x1  }
0x99: {  	s4 =	simm.s32 $_scs_section_size  }
0x9a: {  	s5 =	simm.s32 $_size__tile_overlayer_lowered;
	s6 =	simm.s32 $_tile_overlayer_lowered  }
0x9b: {  	s7 =	simm.s32 $0x1BFF;
	s21 =	sshll.u32 s6, $0x1;
	s4 =	sadd.s32 s4, s20  }
0x9c: {  	s22 =	simm.s32 $0x0;
	s5 =	sshll.u32 s5, $0x1;
	s6 =	sadd.s32 s21, s4  }
0x9d: {  	[timem:s22], [sflag:s7] =	dma.local [hbm:s6], s5  }
0x9e: {  	_ =	swait.ge [sflag:s7], s5  }
0x9f: {  	s5 =	ssub.s32 $0x0, s5;
	[sflag:s7] =	ssyncset.done $0x0  }
0xa0: {  	[sflag:s7] =	ssyncadd.s32 s5;
	_ =	sdelay $0x1  }
0xa1: {  	s23 =	simm.s32 $0x1B8B  }
0xa2: {  	_ =	swait.ge [sflag:s23], $0x1  }
0xa3: {  	[sflag:s23] =	ssyncset.done $0x0  }
0xa4: {  	[sflag:s23] =	ssyncadd.s32 $0xFFFFFFFF  }
0xa5: {  	s5 =	sld [smem:$0x0]  }
0xa6: {  	s6 =	sand.u32 $0xFFFFFFFE, s1  }
0xa7: {  	p0 =	sne.s32 s1, s6  }
0xa8: {  	s6 =	sshll.u32 @p0 s6, $0xE  }
0xa9: {  	s6 =	sadd.s32 @p0 $0x11B8D, s6;
	s7 =	sshll.u32 @p0 s5, $0x11  }
0xaa: {  	s6 =	sor.u32 @p0 s7, s6  }
0xab: {  	[sflag:s6] =	ssyncadd.remote.s32 @p0 $0x1;
	_ =	sdelay $0x1  }
0xac: {  	s6 =	simm.s32 @p0 $0x1B8D  }
0xad: {  	_ =	swait.eq @p0 [sflag:s6], $0x1  }
0xae: {  	[sflag:s6] =	ssyncadd.s32 @p0 $0xFFFFFFFF  }
0xaf: {  	s7 =	sshll.u32 @!p0 s1, $0xE  }
0xb0: {  	s7 =	sor.u32 @!p0 $0x4000, s7;
	s6 =	simm.s32 @!p0 $0x1B8D  }
0xb1: {  	s5 =	sshll.u32 @!p0 s5, $0x11;
	s7 =	sadd.s32 @!p0 $0x11B8D, s7;
	_ =	swait.eq @!p0 [sflag:s6], $0x1  }
0xb2: {  	s5 =	sor.u32 @!p0 s5, s7;
	[sflag:s6] =	ssyncadd.s32 @!p0 $0xFFFFFFFF  }
0xb3: {  	s25 =	simm.s32 $0x1B8E;
	s24 =	sld [smem:$0x3FFE];
	[sflag:s5] =	ssyncadd.remote.s32 @!p0 $0x1  }
0xb4: {  	s26 =	simm.s32 $execute0_lowered;
	[smem:$0x3FD2] =	sst s25  }
0xb5: {  	s6 =	sshll.u32 s26, $0x1;
	_ =	strace $0x8000005B;
	[dreg:$0x1] =	wrdreg $0xFFFFFFFF  }
0xb6: {  	s28 =	simm.s32 $_size_execute0_lowered;
	s4 =	sadd.s32 s4, s6;
	[dreg:$0x0] =	wrdreg $0x0  }
0xb7: {  	s6 =	sshll.u32 s28, $0x1;
	[dreg:$0x2] =	wrdreg s4  }
0xb8: {  	[dreg:$0x3] =	wrdreg s6  }
0xb9: {  	[dreg:$0x4] =	wrdreg $0xC0  }
0xba: {  	_ =	task [dreg:s22], $0x5FFFF  }
0xbb: {  	[dreg:$0x1] =	wrdreg $0xFFFFFFFF  }
0xbc: {  	[dreg:$0x0] =	wrdreg $0x60  }
0xbd: {  	[dreg:$0x2] =	wrdreg s24  }
0xbe: {  	[dreg:$0x3] =	wrdreg s18  }
0xbf: {  	[dreg:$0x4] =	wrdreg $0xA8000  }
0xc0: {  	[dreg:$0x5] =	wrdreg $0xC  }
0xc1: {  	_ =	task.clear_ibuf [dreg:s22], $0x6FFFF;
	_ =	strace $0x9000005B  }
0xc2: {  	s29 =	simm.s32 $0xC;
	_ =	strace $0x8000005D  }
0xc3: {  	_ =	swait.ge [sflag:s29], $0x1  }
0xc4: {  	[sflag:s29] =	ssyncadd.s32 $0xFFFFFFFF  }
0xc5: {  	_ =	strace $0x9000005D  }
0xc6: {  	_ =	sfence  }
0xc7: {  	s30 =	sld [smem:$0x0];
	_ =	sdelay $0x2  }
0xc8: {  	s31 =	sshll.u32 s1, $0xD;
	s1 =	sshrl.u32 s1, $0x2  }
0xc9: {  	s4 =	sand.u32 $0x4000, s31;
	s1 =	sadd.s32 s1, s30  }
0xca: {  	s0 =	sor.u32 s4, s0;
	s1 =	sshll.u32 s1, $0x11  }
0xcb: {  	s0 =	sor.u32 s1, s0  }
0xcc: {  	s0 =	sadd.s32 $0x8F2B, s0  }
0xcd: {  	[sflag:s0] =	ssyncadd.remote.s32 $0x1  }
0xce: {  	_ =	sfence.sel $0xFFFF  }
0xcf: {  	[dreg:$0x0] =	wrdreg $0xFFFFFFFF;
	(pc) =	sbr.abs _section_cstart, $3  }
0xd0: {  	[dreg:$0x1] =	wrdreg $0xFFFFFFFF  }
0xd1: {  	_ =	task.clear_ibuf [dreg:s22], $0x2FFFF;
	_ =	strace $0x9FFFFFFF  }
0xd2: {  	(tm) =	ssettm $0x7FFFFFFF  }
0xd3: {  	_ =	shalt  }
tec
execute0_lowered:
.L_overlay_start_1:
0x0: {  	(tag) =	ssettag $0x1  }
0x1: {  	s0 =	srdreg.scid;
	s1 =	rddreg [dreg:$0x0]  }
0x2: {  	s20 =	rddreg [dreg:$0x1];
	s26 =	stileid.u32  }
0x3: {  	s2 =	rddreg [dreg:$0x2];
	s24 =	simm.s32 $0x2780;
	s8 =	smul.u32 $0x50000, s26  }
0x4: {  	s25 =	simm.s32 $0x80;
	s28 =	simm.s32 $0x1;
	s17 =	smul.u32 $0x14000, s26  }
0x5: {  	s29 =	simm.s32 $0x0;
	s5 =	sand.u32 $0x1, s0;
	s23 =	smul.u32 $0x4F0, s26  }
0x6: {  	s3 =	sshll.u32 s5, $0x4;
	s7 =	smul.u32 $0x4F00, s5;
	s30 =	ssub.s32 $0x2, s5  }
0x7: {  	s19 =	smul.u32 $0x140000, s5;
	s4 =	sor.u32 s26, s3;
	s3 =	simm.s32 $0x0  }
0x8: {  	s9 =	sshrl.u32 s30, $0x1;
	s8 =	sshrl.u32 s8, $0x2;
	s13 =	sadd.s32 $0x4000, s17  }
0x9: {  	s15 =	sadd.s32 $0x8000, s17;
	s18 =	sadd.s32 $0xC000, s17;
	s22 =	sadd.s32 $0x10000, s17  }
0xa: {  	s26 =	simm.s32 $0x2800;
	s6 =	smul.u32 $0x4F0, s4;
	[smem:$0x7FF] =	sst s3  }
0xb: {  	s4 =	sadd.s32 $0x72C00, s1;
	s5 =	sadd.s32 s8, s2;
	s12 =	sadd.s32 s19, s17  }
0xc: {  	s14 =	sadd.s32 s19, s13;
	s13 =	sadd.s32 s13, s2;
	s16 =	sadd.s32 s19, s15  }
0xd: {  	s15 =	sadd.s32 s15, s2;
	s21 =	sadd.s32 s19, s18;
	s17 =	sadd.s32 s18, s2  }
0xe: {  	s31 =	sadd.s32 s19, s22;
	s19 =	sadd.s32 s22, s2;
	s22 =	simm.s32 $0x2  }
0xf: {  	_ =	strace $0x8000005C;
	s8 =	sadd.s32 $0x4000, s5;
	s10 =	sadd.s32 $0xC000, s5  }
0x10: {  	s11 =	sadd.s32 $0x10000, s5;
	s12 =	sshrl.u32 s12, $0x3;
	s14 =	sshrl.u32 s14, $0x3  }
0x11: {  	s16 =	sshrl.u32 s16, $0x3;
	s21 =	sshrl.u32 s21, $0x3;
	s6 =	sadd.s32 s6, s1  }
0x12: {  	s1 =	sadd.s32 s7, s1;
	s7 =	ssub.s32 s30, s9;
	s9 =	sadd.s32 $0x8000, s5  }
0x13: {  	s12 =	sadd.s32 s20, s12;
	s14 =	sadd.s32 s20, s14;
	s16 =	sadd.s32 s20, s16  }
0x14: {  	s18 =	sadd.s32 s20, s21;
	s21 =	sshrl.u32 s31, $0x3;
	s6 =	sadd.s32 $0x18E00, s6  }
0x15: {  	s7 =	smax.u32 s7, $0x1;
	s1 =	sadd.s32 s23, s1;
	s20 =	sadd.s32 s20, s21  }
0x16: {  	v0 =	vimm.f32 $0.0e+00;
	s23 =	simm.s32 $0x6800;
	[dreg:$0x4] =	wrdreg s6;
	s21 =	sadd.s32 $0xF000, s1  }
.LBB2_1:
0x17: {  	s0 =	rddreg [dreg:$0x4]  }
0x18: {  	[tilespmem:s3], [sflag:$0x2] =	stream.linear.gather [hbm4b:s0+s3], $0x2780, $0x38;
	[tilespmem:$0x1E800] =	vst v63  }
0x19: {  	_ =	swait.ge [sflag:s22], $0x2780  }
0x1a: {  	[sflag:s22] =	ssyncset.done $0x0  }
0x1b: {  	s30 =	simm.s32 $0x0;
	s31 =	simm.s32 $0x200;
	[sflag:s22] =	ssyncadd.s32 $0xFFFFD880  }
.LBB2_2:
0x1c: {  	p0 =	sne.s32 s31, $0xFE00;
	[tilespmem:s30+$0x6870] =	vst v0  }
0x1d: {  	[tilespmem:s30+$0x6800] =	vst v0  }
0x1e: {  	[tilespmem:s30+$0x6810] =	vst v0  }
.Ltmp0:
0x1f: {  	[tilespmem:s30+$0x6820] =	vst v0;
	(pc) =	sbr.rel @p0 .LBB2_2-.Ltmp0, $4  }
0x20: {  	[tilespmem:s30+$0x6830] =	vst v0  }
0x21: {  	[tilespmem:s30+$0x6840] =	vst v0  }
0x22: {  	[tilespmem:s30+$0x6850] =	vst v0  }
0x23: {  	[tilespmem:s30+$0x6860] =	vst v0;
	s30 =	sshra.s32 s31, $0x2;
	s31 =	sadd.s32 $0x200, s31  }
0x24: {  	[tilespmem:s30+$0x6870] =	vst v0  }
0x25: {  	[tilespmem:s30+$0x6800] =	vst v0  }
0x26: {  	[tilespmem:s30+$0x6810] =	vst v0  }
0x27: {  	[tilespmem:s30+$0x6820] =	vst v0  }
0x28: {  	[tilespmem:s30+$0x6830] =	vst v0  }
0x29: {  	[tilespmem:s30+$0x6840] =	vst v0  }
0x2a: {  	[tilespmem:s30+$0x6850] =	vst v0  }
0x2b: {  	[tilespmem:s30+$0x6860] =	vst v0  }
0x2c: {  	[spmem:s5] =	stream.linear.scatter [tilespmem:s23], [sflag:$0x2], $0x4000, $0x38;
	[tilespmem:$0x1E800] =	vst v63  }
0x2d: {  	_ =	swait.ge [sflag:s22], $0x4000  }
0x2e: {  	[sflag:s22] =	ssyncset.done $0x0  }
0x2f: {  	[sflag:s22] =	ssyncadd.s32 $0xFFFFC000  }
0x30: {  	[spmem:s8] =	stream.linear.scatter [tilespmem:s23], [sflag:$0x2], $0x4000, $0x38;
	[tilespmem:$0x1E800] =	vst v63  }
0x31: {  	_ =	swait.ge [sflag:s22], $0x4000  }
0x32: {  	[sflag:s22] =	ssyncset.done $0x0  }
0x33: {  	[sflag:s22] =	ssyncadd.s32 $0xFFFFC000  }
0x34: {  	[spmem:s9] =	stream.linear.scatter [tilespmem:s23], [sflag:$0x2], $0x4000, $0x38;
	[tilespmem:$0x1E800] =	vst v63  }
0x35: {  	_ =	swait.ge [sflag:s22], $0x4000  }
0x36: {  	[sflag:s22] =	ssyncset.done $0x0  }
0x37: {  	[sflag:s22] =	ssyncadd.s32 $0xFFFFC000  }
0x38: {  	[spmem:s10] =	stream.linear.scatter [tilespmem:s23], [sflag:$0x2], $0x4000, $0x38;
	[tilespmem:$0x1E800] =	vst v63  }
0x39: {  	_ =	swait.ge [sflag:s22], $0x4000  }
0x3a: {  	[sflag:s22] =	ssyncset.done $0x0  }
0x3b: {  	[sflag:s22] =	ssyncadd.s32 $0xFFFFC000  }
0x3c: {  	[spmem:s11] =	stream.linear.scatter [tilespmem:s23], [sflag:$0x2], $0x4000, $0x38;
	[tilespmem:$0x1E800] =	vst v63  }
0x3d: {  	_ =	swait.ge [sflag:s22], $0x4000  }
0x3e: {  	[sflag:s22] =	ssyncset.done $0x0  }
0x3f: {  	[sflag:s22] =	ssyncadd.s32 $0xFFFFC000  }
0x40: {  	s1 =	sadd.s32 $0x0, s21;
	[bflag:$0x0] =	sbarrier.arrive $0xFFFF  }
0x41: {  	[tilespmem:s24], [sflag:$0x2] =	stream.linear.gather [hbm4b:s1+s3], $0x80, $0x38;
	[tilespmem:$0x1E800] =	vst v63  }
0x42: {  	_ =	swait.ge [sflag:s22], $0x80  }
0x43: {  	[sflag:s22] =	ssyncset.done $0x0  }
0x44: {  	s6 =	simm.s32 $0x0;
	[sflag:s22] =	ssyncadd.s32 $0xFFFFFF80  }
0x45: {  	[tilespmem:s26], [sflag:$0x1] =	stream.indirect.gather [hbm4b:s4+s25], $0x80, s6, s25, $0xb8;
	[tilespmem:$0x1E800] =	vst v63  }
0x46: {  	_ =	swait.ge [sflag:s28], $0x4000  }
0x47: {  	[sflag:s28] =	ssyncset.done $0x0  }
0x48: {  	[sflag:s28] =	ssyncadd.s32 $0xFFFFC000  }
0x49: {  	[spmem:s2] =	stream.indirect.scatter.add.f32 [tilespmem:s26], [sflag:$0x2], $0x80, s24, s25, $0xb8;
	[tilespmem:$0x1E800] =	vst v63  }
0x4a: {  	s31 =	simm.s32 $0x10;
	_ =	swait.ge [sflag:s22], $0x4000  }
0x4b: {  	s30 =	simm.s32 $0x80;
	s1 =	simm.s32 $0x20;
	[sflag:s22] =	ssyncset.done $0x0  }
.LBB2_4:
0x4c: {  	s0 =	sadd.s32 s31, s21  }
0x4d: {  	[sflag:s22] =	ssyncadd.s32 $0xFFFFC000;
	s31 =	smov.u32 s1;
	s6 =	sadd.s32 $0x10, s1  }
0x4e: {  	[tilespmem:s24], [sflag:$0x2] =	stream.linear.gather [hbm4b:s0+s3], $0x80, $0x38;
	[tilespmem:$0x1E800] =	vst v63  }
0x4f: {  	p0 =	sne.s32 s1, $0x4E0;
	_ =	swait.ge [sflag:s22], $0x80  }
0x50: {  	[sflag:s22] =	ssyncset.done $0x0  }
0x51: {  	[sflag:s22] =	ssyncadd.s32 $0xFFFFFF80  }
0x52: {  	[tilespmem:s26], [sflag:$0x1] =	stream.indirect.gather [hbm4b:s4+s25], $0x80, s30, s25, $0xb8;
	[tilespmem:$0x1E800] =	vst v63  }
0x53: {  	_ =	swait.ge [sflag:s28], $0x4000  }
.Ltmp1:
0x54: {  	[sflag:s28] =	ssyncset.done $0x0;
	(pc) =	sbr.rel @p0 .LBB2_4-.Ltmp1, $4  }
0x55: {  	[sflag:s28] =	ssyncadd.s32 $0xFFFFC000  }
0x56: {  	[spmem:s2] =	stream.indirect.scatter.add.f32 [tilespmem:s26], [sflag:$0x2], $0x80, s24, s25, $0xb8;
	[tilespmem:$0x1E800] =	vst v63  }
0x57: {  	_ =	swait.ge [sflag:s22], $0x4000  }
0x58: {  	s1 =	smov.u32 s6;
	s30 =	sadd.s32 $0x80, s30;
	[sflag:s22] =	ssyncset.done $0x0  }
0x59: {  	s0 =	sadd.s32 s31, s21;
	[sflag:s22] =	ssyncadd.s32 $0xFFFFC000  }
0x5a: {  	[tilespmem:s24], [sflag:$0x2] =	stream.linear.gather [hbm4b:s0+s3], $0x80, $0x38;
	[tilespmem:$0x1E800] =	vst v63  }
0x5b: {  	_ =	swait.ge [sflag:s22], $0x80  }
0x5c: {  	[sflag:s22] =	ssyncset.done $0x0  }
0x5d: {  	[sflag:s22] =	ssyncadd.s32 $0xFFFFFF80  }
0x5e: {  	[tilespmem:s26], [sflag:$0x1] =	stream.indirect.gather [hbm4b:s4+s25], $0x80, s30, s25, $0xb8;
	[tilespmem:$0x1E800] =	vst v63  }
0x5f: {  	_ =	swait.ge [sflag:s28], $0x4000  }
0x60: {  	[sflag:s28] =	ssyncset.done $0x0  }
0x61: {  	[sflag:s28] =	ssyncadd.s32 $0xFFFFC000  }
0x62: {  	[spmem:s2] =	stream.indirect.scatter.add.f32 [tilespmem:s26], [sflag:$0x2], $0x80, s24, s25, $0xb8;
	[tilespmem:$0x1E800] =	vst v63  }
0x63: {  	_ =	swait.ge [sflag:s22], $0x4000  }
0x64: {  	[sflag:s22] =	ssyncset.done $0x0  }
0x65: {  	[sflag:s22] =	ssyncadd.s32 $0xFFFFC000  }
0x66: {  	[bflag:$0x0] =	sbarrier.arrive $0xFFFF  }
0x67: {  	[tilespmem:s23], [sflag:$0x2] =	stream.linear.gather [spmem:s5], $0x4000, $0x38;
	[tilespmem:$0x1E800] =	vst v63  }
0x68: {  	_ =	swait.ge [sflag:s22], $0x4000  }
0x69: {  	[sflag:s22] =	ssyncset.done $0x0  }
0x6a: {  	[sflag:s22] =	ssyncadd.s32 $0xFFFFC000  }
0x6b: {  	[hbm4b:s12+s3] =	stream.linear.scatter [tilespmem:s23], [sflag:$0x2], $0x4000, $0x38;
	[tilespmem:$0x1E800] =	vst v63  }
0x6c: {  	_ =	swait.ge [sflag:s22], $0x4000  }
0x6d: {  	[sflag:s22] =	ssyncset.done $0x0  }
0x6e: {  	[sflag:s22] =	ssyncadd.s32 $0xFFFFC000  }
0x6f: {  	[tilespmem:s23], [sflag:$0x2] =	stream.linear.gather [spmem:s13], $0x4000, $0x38;
	[tilespmem:$0x1E800] =	vst v63  }
0x70: {  	_ =	swait.ge [sflag:s22], $0x4000  }
0x71: {  	[sflag:s22] =	ssyncset.done $0x0  }
0x72: {  	[sflag:s22] =	ssyncadd.s32 $0xFFFFC000  }
0x73: {  	[hbm4b:s14+s3] =	stream.linear.scatter [tilespmem:s23], [sflag:$0x2], $0x4000, $0x38;
	[tilespmem:$0x1E800] =	vst v63  }
0x74: {  	_ =	swait.ge [sflag:s22], $0x4000  }
0x75: {  	[sflag:s22] =	ssyncset.done $0x0  }
0x76: {  	[sflag:s22] =	ssyncadd.s32 $0xFFFFC000  }
0x77: {  	[tilespmem:s23], [sflag:$0x2] =	stream.linear.gather [spmem:s15], $0x4000, $0x38;
	[tilespmem:$0x1E800] =	vst v63  }
0x78: {  	_ =	swait.ge [sflag:s22], $0x4000  }
0x79: {  	[sflag:s22] =	ssyncset.done $0x0  }
0x7a: {  	[sflag:s22] =	ssyncadd.s32 $0xFFFFC000  }
0x7b: {  	[hbm4b:s16+s3] =	stream.linear.scatter [tilespmem:s23], [sflag:$0x2], $0x4000, $0x38;
	[tilespmem:$0x1E800] =	vst v63  }
0x7c: {  	_ =	swait.ge [sflag:s22], $0x4000  }
0x7d: {  	[sflag:s22] =	ssyncset.done $0x0  }
0x7e: {  	[sflag:s22] =	ssyncadd.s32 $0xFFFFC000  }
0x7f: {  	[tilespmem:s23], [sflag:$0x2] =	stream.linear.gather [spmem:s17], $0x4000, $0x38;
	[tilespmem:$0x1E800] =	vst v63  }
0x80: {  	_ =	swait.ge [sflag:s22], $0x4000  }
0x81: {  	[sflag:s22] =	ssyncset.done $0x0  }
0x82: {  	[sflag:s22] =	ssyncadd.s32 $0xFFFFC000  }
0x83: {  	[hbm4b:s18+s3] =	stream.linear.scatter [tilespmem:s23], [sflag:$0x2], $0x4000, $0x38;
	[tilespmem:$0x1E800] =	vst v63  }
0x84: {  	_ =	swait.ge [sflag:s22], $0x4000  }
0x85: {  	[sflag:s22] =	ssyncset.done $0x0  }
0x86: {  	[sflag:s22] =	ssyncadd.s32 $0xFFFFC000  }
0x87: {  	[tilespmem:s23], [sflag:$0x2] =	stream.linear.gather [spmem:s19], $0x4000, $0x38;
	[tilespmem:$0x1E800] =	vst v63  }
0x88: {  	s29 =	sadd.s32 $0x1, s29;
	_ =	swait.ge [sflag:s22], $0x4000  }
0x89: {  	p0 =	sne.s32 s29, s7;
	[sflag:s22] =	ssyncset.done $0x0  }
.Ltmp2:
0x8a: {  	[sflag:s22] =	ssyncadd.s32 $0xFFFFC000;
	(pc) =	sbr.rel @p0 .LBB2_1-.Ltmp2, $4  }
0x8b: {  	[hbm4b:s20+s3] =	stream.linear.scatter [tilespmem:s23], [sflag:$0x2], $0x4000, $0x38;
	[tilespmem:$0x1E800] =	vst v63  }
0x8c: {  	_ =	swait.ge [sflag:s22], $0x4000  }
0x8d: {  	[sflag:s22] =	ssyncset.done $0x0  }
0x8e: {  	[sflag:s22] =	ssyncadd.s32 $0xFFFFC000  }
0x8f: {  	_ =	sfence.sel $0x180000  }
0x90: {  	[bflag:$0x0] =	sbarrier.arrive $0xFFFF  }
0x91: {  	_ =	strace $0x9000005C  }
0x92: {  	s0 =	stileid.u32;
	[bflag:$0x2] =	sbarrier.arrive $0xFFFF  }
0x93: {  	p0 =	sne.s32 s0, $0x0;
	s0 =	rddreg [dreg:$0x3]  }
0x94: {  	s0 =	sadd.s32 @!p0 $0x100000, s0  }
0x95: {  	[sflag:s0] =	ssyncadd.tile.s32 @!p0 $0x1;
	_ =	shalt  }
.Lfunc_end2:
_tile_overlayer_lowered:
.L_overlay_start_2:
0x96: {  	(tag) =	ssettag $0x2  }
0x97: {  	s0 =	rddreg [dreg:$0x0];
	s2 =	stileid.u32  }
0x98: {  	s1 =	rddreg [dreg:$0x1];
	p0 =	sne.s32 s2, $0x0  }
0x99: {  	s3 =	rddreg [dreg:$0x2];
	[bflag:$0x3] =	sbarrier.arrive $0xFFFF;
	s2 =	simm.s32 @!p0 $0x1C02  }
0x9a: {  	[timem:s3], [sflag:s2] =	dma.local @!p0 [hbm:s0], s1  }
0x9b: {  	s0 =	simm.s32 @!p0 $0x2  }
0x9c: {  	_ =	swait.ge @!p0 [sflag:s0], s1  }
0x9d: {  	s1 =	ssub.s32 @!p0 $0x0, s1;
	[sflag:s0] =	ssyncset.done @!p0 $0x0  }
0x9e: {  	[sflag:s0] =	ssyncadd.s32 @!p0 s1  }
0x9f: {  	[bflag:$0x3] =	sbarrier.arrive $0xFFFF  }
0xa0: {  	_ =	shalt  }

// kernel: kernel.34.cloned.1.call-start
scs
__scs_entry_jumppad:
0x0: {  	(pc) =	sbr.rel $0x88, $3  }
0x1: {  	(tag) =	ssettag $0x0;
	lr =	simm.s32 $0x1  }
0x2: {  	[smem:$0x3F99] =	sst lr;
	_ =	strace $0xD0000000  }
0x3: {  	_ = 	snop  }
0x4: {  	_ = 	snop  }
0x5: {  	_ = 	snop  }
0x6: {  	_ = 	snop  }
0x7: {  	_ = 	snop  }
__scs_overlays_trampoline_lowered:
0x8: {  	[smem:$0x3FA8] =	sst s0  }
0x9: {  	[smem:$0x3FA9] =	sst s1  }
0xa: {  	[smem:$0x3FAA] =	sst s2  }
0xb: {  	[smem:$0x3FAB] =	sst s3  }
0xc: {  	[smem:$0x3FAC] =	sst s4  }
0xd: {  	[smem:$0x3FAD] =	sst s5  }
0xe: {  	[smem:$0x3FAE] =	sst s6  }
0xf: {  	[smem:$0x3FAF] =	sst s7  }
0x10: {  	[smem:$0x3FB0] =	sst s8  }
0x11: {  	[smem:$0x3FB1] =	sst s9;
	s0 =	simm.s32 @!p0 $0x0  }
0x12: {  	s1 =	sld [smem:$0x3F97];
	s0 =	simm.s32 @p0 $0x1  }
0x13: {  	[smem:$0x3FB2] =	sst s0;
	s0 =	simm.s32 @!p1 $0x0  }
0x14: {  	s2 =	sld [smem:$0x3F96];
	s0 =	simm.s32 @p1 $0x1  }
0x15: {  	[smem:$0x3FB3] =	sst s0;
	s0 =	simm.s32 @!p2 $0x0  }
0x16: {  	s3 =	sld [smem:$0x3FDB];
	s0 =	simm.s32 @p2 $0x1  }
0x17: {  	s4 =	simm.s32 $0x1BF5;
	[smem:$0x3FB5] =	sst s0  }
0x18: {  	s0 =	sld [smem:$0x3F98];
	_ =	swait.ge [sflag:s4], $0x0  }
0x19: {  	s7 =	sld [smem:$0x3F99]  }
0x1a: {  	s8 =	sadd.s32 $0xFFFFE003, lr  }
0x1b: {  	s9 =	sadd.s32 $0xFFFFFEF7, lr;
	s5 =	simm.s32 $0xFFFFFFFF;
	p2 =	slt.u32 s8, $0xFFFFF086  }
0x1c: {  	p1 =	slt.u32 s9, $0xF7A;
	s5 =	simm.s32 @!p2 $0x0  }
0x1d: {  	s5 =	simm.s32 @p1 $0x1;
	p0 =	seq.s32 s7, s2  }
0x1e: {  	s7 =	smul.u32 @!p0 $0xF7A, s2;
	p2 =	seq.s32 @!p0 s5, $0x0  }
0x1f: {  	s9 =	smul.u32 $0xF7A, s1;
	s8 =	simm.s32 @!p0 $0x1BF5;
	p2 =	por !p2, p0  }
0x20: {  	[sflag:s8] =	ssyncset.s32 @!p0 $0xFFFFF086;
	s6 =	sadd.s32 @!p0 s3, s7;
	s7 =	simm.s32 @!p0 $0x108  }
0x21: {  	s3 =	sadd.s32 s3, s9;
	s6 =	sadd.s32 @!p0 $0x88, s6;
	s7 =	simm.s32 @p2 $0x1082  }
0x22: {  	[simem:s7], [sflag:s8] =	dma.local @!p0 [hbm:s6], $0xF7A  }
0x23: {  	s9 =	sor.u32 $0xD0000000, s2;
	s6 =	simm.s32 $0x108;
	_ =	swait.ge @!p0 [sflag:s8], $0x0  }
0x24: {  	s3 =	sadd.s32 $0x88, s3;
	s6 =	simm.s32 @!p1 $0x1082;
	[sflag:s4] =	ssyncset.s32 $0xFFFFF086  }
0x25: {  	[simem:s6], [sflag:s4] =	dma.local [hbm:s3], $0xF7A  }
0x26: {  	[smem:$0x3F99] =	sst s1;
	(tag) =	ssettag s2;
	_ =	strace s9  }
0x27: {  	s1 =	sld [smem:$0x3FA9]  }
0x28: {  	s2 =	sld [smem:$0x3FAA]  }
0x29: {  	s4 =	sld [smem:$0x3FAC]  }
0x2a: {  	p0 =	seq.s32 s5, $0x0;
	s5 =	sld [smem:$0x3FAD]  }
0x2b: {  	s6 =	sld [smem:$0x3FAE]  }
0x2c: {  	s7 =	sld [smem:$0x3FAF]  }
0x2d: {  	s3 =	simm.s32 $0x108;
	s8 =	sld [smem:$0x3FB0]  }
0x2e: {  	s3 =	simm.s32 @!p0 $0x1082;
	s9 =	sld [smem:$0x3FB1]  }
0x2f: {  	lr =	sadd.s32 s0, s3;
	s0 =	sld [smem:$0x3FA8]  }
0x30: {  	s3 =	sld [smem:$0x3FAB]  }
0x31: {  	[smem:$0x3FB4] =	sst s10  }
0x32: {  	s10 =	sld [smem:$0x3FB2];
	_ =	sdelay $0x3  }
0x33: {  	p0 =	seq.s32 s10, $0x1;
	s10 =	sld [smem:$0x3FB4];
	_ =	sdelay $0x3  }
0x34: {  	[smem:$0x3FB4] =	sst s10  }
0x35: {  	s10 =	sld [smem:$0x3FB3];
	_ =	sdelay $0x3  }
0x36: {  	p1 =	seq.s32 s10, $0x1;
	s10 =	sld [smem:$0x3FB4];
	_ =	sdelay $0x3  }
0x37: {  	[smem:$0x3FB4] =	sst s10  }
0x38: {  	s10 =	sld [smem:$0x3FB5]  }
0x39: {  	_ = 	snop;
	(pc) =	sbr.ind lr, $3  }
0x3a: {  	_ = 	snop  }
0x3b: {  	_ = 	snop  }
0x3c: {  	p2 =	seq.s32 s10, $0x1;
	s10 =	sld [smem:$0x3FB4]  }
0x3d: {  	_ =	shalt  }
0x3e: {  	_ =	shalt  }
0x3f: {  	_ =	shalt  }
0x40: {  	_ =	shalt  }
0x41: {  	_ =	shalt  }
0x42: {  	_ =	shalt  }
0x43: {  	_ =	shalt  }
0x44: {  	_ =	shalt  }
0x45: {  	_ =	shalt  }
0x46: {  	_ =	shalt  }
0x47: {  	_ =	shalt  }
0x48: {  	_ =	shalt  }
0x49: {  	_ =	shalt  }
0x4a: {  	_ =	shalt  }
0x4b: {  	_ =	shalt  }
0x4c: {  	_ =	shalt  }
0x4d: {  	_ =	shalt  }
0x4e: {  	_ =	shalt  }
0x4f: {  	_ =	shalt  }
0x50: {  	_ =	shalt  }
0x51: {  	_ =	shalt  }
0x52: {  	_ =	shalt  }
0x53: {  	_ =	shalt  }
0x54: {  	_ =	shalt  }
0x55: {  	_ =	shalt  }
0x56: {  	_ =	shalt  }
0x57: {  	_ =	shalt  }
0x58: {  	_ =	shalt  }
0x59: {  	_ =	shalt  }
0x5a: {  	_ =	shalt  }
0x5b: {  	_ =	shalt  }
0x5c: {  	_ =	shalt  }
0x5d: {  	_ =	shalt  }
0x5e: {  	_ =	shalt  }
0x5f: {  	_ =	shalt  }
0x60: {  	_ =	shalt  }
0x61: {  	_ =	shalt  }
0x62: {  	_ =	shalt  }
0x63: {  	_ =	shalt  }
0x64: {  	_ =	shalt  }
0x65: {  	_ =	shalt  }
0x66: {  	_ =	shalt  }
0x67: {  	_ =	shalt  }
0x68: {  	_ =	shalt  }
0x69: {  	_ =	shalt  }
0x6a: {  	_ =	shalt  }
0x6b: {  	_ =	shalt  }
0x6c: {  	_ =	shalt  }
0x6d: {  	_ =	shalt  }
0x6e: {  	_ =	shalt  }
0x6f: {  	_ =	shalt  }
0x70: {  	_ =	shalt  }
0x71: {  	_ =	shalt  }
0x72: {  	_ =	shalt  }
0x73: {  	_ =	shalt  }
0x74: {  	_ =	shalt  }
0x75: {  	_ =	shalt  }
0x76: {  	_ =	shalt  }
0x77: {  	_ =	shalt  }
0x78: {  	_ =	shalt  }
0x79: {  	_ =	shalt  }
0x7a: {  	_ =	shalt  }
0x7b: {  	_ =	shalt  }
0x7c: {  	_ =	shalt  }
0x7d: {  	_ =	shalt  }
0x7e: {  	_ =	shalt  }
0x7f: {  	_ =	shalt  }
0x80: {  	_ =	shalt  }
0x81: {  	_ =	shalt  }
0x82: {  	_ =	shalt  }
0x83: {  	_ =	shalt  }
0x84: {  	_ =	shalt  }
0x85: {  	_ =	shalt  }
0x86: {  	_ =	shalt  }
0x87: {  	_ =	shalt  }
.Lfunc_end0:
.L_simem_size_0:
called_computation.8_lowered:
.L_overlay_start_0:
0x88: {  	s2 =	sld [smem:$0x3FD9]  }
0x89: {  	s3 =	sld [smem:$0x3FFE];
	_ =	sdelay $0x1  }
0x8a: {  	s1 =	srdreg.scid  }
0x8b: {  	s0 =	sand.u32 $0x1, s1  }
0x8c: {  	s17 =	sshll.u32 s0, $0xA;
	s2 =	sadd.s32 s3, s2  }
0x8d: {  	s2 =	sadd.s32 s2, s17  }
0x8e: {  	[smem:$0x3FC0] =	sst s2  }
0x8f: {  	_ = 	snop  }
0x90: {  	s2 =	sld [smem:$0x3FD0];
	(tm) =	ssettm $0x1  }
0x91: {  	s18 =	sld [smem:$0x3FFB];
	_ =	sdelay $0x3  }
0x92: {  	_ =	strace s18  }
0x93: {  	s3 =	sld [smem:$0x3FFC];
	_ =	sdelay $0x3  }
0x94: {  	_ =	strace s3  }
0x95: {  	s3 =	sld [smem:$0x3FFD];
	_ =	sdelay $0x3  }
0x96: {  	_ =	strace s3  }
0x97: {  	_ =	strace $0x8FFFFFFF  }
0x98: {  	s19 =	sld [smem:$0x3FDB];
	_ =	sdelay $0x1  }
0x99: {  	s4 =	simm.s32 $_scs_section_size  }
0x9a: {  	s5 =	simm.s32 $_size__tile_overlayer_lowered;
	s6 =	simm.s32 $_tile_overlayer_lowered  }
0x9b: {  	s22 =	simm.s32 $0x1BFF;
	s21 =	sshll.u32 s6, $0x1;
	s3 =	sadd.s32 s4, s19  }
0x9c: {  	s7 =	simm.s32 $0x0;
	s20 =	sshll.u32 s5, $0x1;
	s5 =	sadd.s32 s21, s3  }
0x9d: {  	[timem:s7], [sflag:s22] =	dma.local [hbm:s5], s20  }
0x9e: {  	_ =	swait.ge [sflag:s22], s20  }
0x9f: {  	s4 =	ssub.s32 $0x0, s20;
	[sflag:s22] =	ssyncset.done $0x0  }
0xa0: {  	[sflag:s22] =	ssyncadd.s32 s4;
	_ =	sdelay $0x1  }
0xa1: {  	s23 =	simm.s32 $0x1B8B  }
0xa2: {  	_ =	swait.ge [sflag:s23], $0x1  }
0xa3: {  	[sflag:s23] =	ssyncset.done $0x0  }
0xa4: {  	s25 =	simm.s32 $0x1B8E;
	s24 =	sld [smem:$0x3FFE];
	[sflag:s23] =	ssyncadd.s32 $0xFFFFFFFF  }
0xa5: {  	s26 =	simm.s32 $execute0_lowered;
	[smem:$0x3FD2] =	sst s25  }
0xa6: {  	s5 =	sshll.u32 s26, $0x1;
	_ =	strace $0x8000005E;
	[dreg:$0x1] =	wrdreg $0xFFFFFFFF  }
0xa7: {  	s28 =	simm.s32 $_size_execute0_lowered;
	s3 =	sadd.s32 s3, s5;
	[dreg:$0x0] =	wrdreg $0x0  }
0xa8: {  	s5 =	sshll.u32 s28, $0x1;
	[dreg:$0x2] =	wrdreg s3  }
0xa9: {  	[dreg:$0x3] =	wrdreg s5  }
0xaa: {  	[dreg:$0x4] =	wrdreg $0xC0  }
0xab: {  	_ =	task [dreg:s7], $0x5FFFF  }
0xac: {  	[dreg:$0x1] =	wrdreg $0xFFFFFFFF  }
0xad: {  	[dreg:$0x0] =	wrdreg $0x60  }
0xae: {  	[dreg:$0x2] =	wrdreg s24  }
0xaf: {  	[dreg:$0x3] =	wrdreg s2  }
0xb0: {  	[dreg:$0x4] =	wrdreg $0xA8000  }
0xb1: {  	[dreg:$0x5] =	wrdreg $0x9  }
0xb2: {  	_ =	task.clear_ibuf [dreg:s7], $0x6FFFF;
	_ =	strace $0x9000005E  }
0xb3: {  	s29 =	simm.s32 $0x9;
	_ =	strace $0x80000060  }
0xb4: {  	_ =	swait.ge [sflag:s29], $0x1  }
0xb5: {  	[sflag:s29] =	ssyncadd.s32 $0xFFFFFFFF  }
0xb6: {  	_ =	strace $0x90000060  }
0xb7: {  	_ =	sfence  }
0xb8: {  	s30 =	sld [smem:$0x0];
	_ =	sdelay $0x2  }
0xb9: {  	s31 =	sshll.u32 s1, $0xD;
	s1 =	sshrl.u32 s1, $0x2  }
0xba: {  	s3 =	sand.u32 $0x4000, s31;
	s1 =	sadd.s32 s1, s30  }
0xbb: {  	s0 =	sor.u32 s3, s0;
	s1 =	sshll.u32 s1, $0x11  }
0xbc: {  	s0 =	sor.u32 s1, s0  }
0xbd: {  	s0 =	sadd.s32 $0x8F2B, s0  }
0xbe: {  	[sflag:s0] =	ssyncadd.remote.s32 $0x1  }
0xbf: {  	_ =	sfence.sel $0xFFFF  }
0xc0: {  	[dreg:$0x0] =	wrdreg $0xFFFFFFFF;
	(pc) =	sbr.abs _section_cstart, $3  }
0xc1: {  	[dreg:$0x1] =	wrdreg $0xFFFFFFFF  }
0xc2: {  	_ =	task.clear_ibuf [dreg:s7], $0x2FFFF;
	_ =	strace $0x9FFFFFFF  }
0xc3: {  	(tm) =	ssettm $0x7FFFFFFF  }
tec
execute0_lowered:
.L_overlay_start_1:
0x0: {  	(tag) =	ssettag $0x1  }
0x1: {  	s0 =	srdreg.scid;
	s1 =	rddreg [dreg:$0x0]  }
0x2: {  	s20 =	rddreg [dreg:$0x1];
	s26 =	stileid.u32  }
0x3: {  	s2 =	rddreg [dreg:$0x2];
	s24 =	simm.s32 $0x2780;
	s8 =	smul.u32 $0x50000, s26  }
0x4: {  	s25 =	simm.s32 $0x80;
	s28 =	simm.s32 $0x1;
	s17 =	smul.u32 $0x14000, s26  }
0x5: {  	s29 =	simm.s32 $0x0;
	s5 =	sand.u32 $0x1, s0;
	s23 =	smul.u32 $0x4F0, s26  }
0x6: {  	s3 =	sshll.u32 s5, $0x4;
	s7 =	smul.u32 $0x4F00, s5;
	s30 =	ssub.s32 $0x2, s5  }
0x7: {  	s19 =	smul.u32 $0x140000, s5;
	s4 =	sor.u32 s26, s3;
	s3 =	simm.s32 $0x0  }
0x8: {  	s9 =	sshrl.u32 s30, $0x1;
	s8 =	sshrl.u32 s8, $0x2;
	s13 =	sadd.s32 $0x4000, s17  }
0x9: {  	s15 =	sadd.s32 $0x8000, s17;
	s18 =	sadd.s32 $0xC000, s17;
	s22 =	sadd.s32 $0x10000, s17  }
0xa: {  	s26 =	simm.s32 $0x2800;
	s6 =	smul.u32 $0x4F0, s4;
	[smem:$0x7FF] =	sst s3  }
0xb: {  	s4 =	sadd.s32 $0x72C00, s1;
	s5 =	sadd.s32 s8, s2;
	s12 =	sadd.s32 s19, s17  }
0xc: {  	s14 =	sadd.s32 s19, s13;
	s13 =	sadd.s32 s13, s2;
	s16 =	sadd.s32 s19, s15  }
0xd: {  	s15 =	sadd.s32 s15, s2;
	s21 =	sadd.s32 s19, s18;
	s17 =	sadd.s32 s18, s2  }
0xe: {  	s31 =	sadd.s32 s19, s22;
	s19 =	sadd.s32 s22, s2;
	s22 =	simm.s32 $0x2  }
0xf: {  	_ =	strace $0x8000005F;
	s8 =	sadd.s32 $0x4000, s5;
	s10 =	sadd.s32 $0xC000, s5  }
0x10: {  	s11 =	sadd.s32 $0x10000, s5;
	s12 =	sshrl.u32 s12, $0x3;
	s14 =	sshrl.u32 s14, $0x3  }
0x11: {  	s16 =	sshrl.u32 s16, $0x3;
	s21 =	sshrl.u32 s21, $0x3;
	s6 =	sadd.s32 s6, s1  }
0x12: {  	s1 =	sadd.s32 s7, s1;
	s7 =	ssub.s32 s30, s9;
	s9 =	sadd.s32 $0x8000, s5  }
0x13: {  	s12 =	sadd.s32 s20, s12;
	s14 =	sadd.s32 s20, s14;
	s16 =	sadd.s32 s20, s16  }
0x14: {  	s18 =	sadd.s32 s20, s21;
	s21 =	sshrl.u32 s31, $0x3;
	s6 =	sadd.s32 $0x18E00, s6  }
0x15: {  	s7 =	smax.u32 s7, $0x1;
	s1 =	sadd.s32 s23, s1;
	s20 =	sadd.s32 s20, s21  }
0x16: {  	v0 =	vimm.f32 $0.0e+00;
	s23 =	simm.s32 $0x6800;
	[dreg:$0x4] =	wrdreg s6;
	s21 =	sadd.s32 $0xF000, s1  }
.LBB2_1:
0x17: {  	s0 =	rddreg [dreg:$0x4]  }
0x18: {  	[tilespmem:s3], [sflag:$0x2] =	stream.linear.gather [hbm4b:s0+s3], $0x2780, $0x38;
	[tilespmem:$0x1E800] =	vst v63  }
0x19: {  	_ =	swait.ge [sflag:s22], $0x2780  }
0x1a: {  	[sflag:s22] =	ssyncset.done $0x0  }
0x1b: {  	s30 =	simm.s32 $0x0;
	s31 =	simm.s32 $0x200;
	[sflag:s22] =	ssyncadd.s32 $0xFFFFD880  }
.LBB2_2:
0x1c: {  	p0 =	sne.s32 s31, $0xFE00;
	[tilespmem:s30+$0x6870] =	vst v0  }
0x1d: {  	[tilespmem:s30+$0x6800] =	vst v0  }
0x1e: {  	[tilespmem:s30+$0x6810] =	vst v0  }
.Ltmp0:
0x1f: {  	[tilespmem:s30+$0x6820] =	vst v0;
	(pc) =	sbr.rel @p0 .LBB2_2-.Ltmp0, $4  }
0x20: {  	[tilespmem:s30+$0x6830] =	vst v0  }
0x21: {  	[tilespmem:s30+$0x6840] =	vst v0  }
0x22: {  	[tilespmem:s30+$0x6850] =	vst v0  }
0x23: {  	[tilespmem:s30+$0x6860] =	vst v0;
	s30 =	sshra.s32 s31, $0x2;
	s31 =	sadd.s32 $0x200, s31  }
0x24: {  	[tilespmem:s30+$0x6870] =	vst v0  }
0x25: {  	[tilespmem:s30+$0x6800] =	vst v0  }
0x26: {  	[tilespmem:s30+$0x6810] =	vst v0  }
0x27: {  	[tilespmem:s30+$0x6820] =	vst v0  }
0x28: {  	[tilespmem:s30+$0x6830] =	vst v0  }
0x29: {  	[tilespmem:s30+$0x6840] =	vst v0  }
0x2a: {  	[tilespmem:s30+$0x6850] =	vst v0  }
0x2b: {  	[tilespmem:s30+$0x6860] =	vst v0  }
0x2c: {  	[spmem:s5] =	stream.linear.scatter [tilespmem:s23], [sflag:$0x2], $0x4000, $0x38;
	[tilespmem:$0x1E800] =	vst v63  }
0x2d: {  	_ =	swait.ge [sflag:s22], $0x4000  }
0x2e: {  	[sflag:s22] =	ssyncset.done $0x0  }
0x2f: {  	[sflag:s22] =	ssyncadd.s32 $0xFFFFC000  }
0x30: {  	[spmem:s8] =	stream.linear.scatter [tilespmem:s23], [sflag:$0x2], $0x4000, $0x38;
	[tilespmem:$0x1E800] =	vst v63  }
0x31: {  	_ =	swait.ge [sflag:s22], $0x4000  }
0x32: {  	[sflag:s22] =	ssyncset.done $0x0  }
0x33: {  	[sflag:s22] =	ssyncadd.s32 $0xFFFFC000  }
0x34: {  	[spmem:s9] =	stream.linear.scatter [tilespmem:s23], [sflag:$0x2], $0x4000, $0x38;
	[tilespmem:$0x1E800] =	vst v63  }
0x35: {  	_ =	swait.ge [sflag:s22], $0x4000  }
0x36: {  	[sflag:s22] =	ssyncset.done $0x0  }
0x37: {  	[sflag:s22] =	ssyncadd.s32 $0xFFFFC000  }
0x38: {  	[spmem:s10] =	stream.linear.scatter [tilespmem:s23], [sflag:$0x2], $0x4000, $0x38;
	[tilespmem:$0x1E800] =	vst v63  }
0x39: {  	_ =	swait.ge [sflag:s22], $0x4000  }
0x3a: {  	[sflag:s22] =	ssyncset.done $0x0  }
0x3b: {  	[sflag:s22] =	ssyncadd.s32 $0xFFFFC000  }
0x3c: {  	[spmem:s11] =	stream.linear.scatter [tilespmem:s23], [sflag:$0x2], $0x4000, $0x38;
	[tilespmem:$0x1E800] =	vst v63  }
0x3d: {  	_ =	swait.ge [sflag:s22], $0x4000  }
0x3e: {  	[sflag:s22] =	ssyncset.done $0x0  }
0x3f: {  	[sflag:s22] =	ssyncadd.s32 $0xFFFFC000  }
0x40: {  	s1 =	sadd.s32 $0x0, s21;
	[bflag:$0x0] =	sbarrier.arrive $0xFFFF  }
0x41: {  	[tilespmem:s24], [sflag:$0x2] =	stream.linear.gather [hbm4b:s1+s3], $0x80, $0x38;
	[tilespmem:$0x1E800] =	vst v63  }
0x42: {  	_ =	swait.ge [sflag:s22], $0x80  }
0x43: {  	[sflag:s22] =	ssyncset.done $0x0  }
0x44: {  	s6 =	simm.s32 $0x0;
	[sflag:s22] =	ssyncadd.s32 $0xFFFFFF80  }
0x45: {  	[tilespmem:s26], [sflag:$0x1] =	stream.indirect.gather [hbm4b:s4+s25], $0x80, s6, s25, $0xb8;
	[tilespmem:$0x1E800] =	vst v63  }
0x46: {  	_ =	swait.ge [sflag:s28], $0x4000  }
0x47: {  	[sflag:s28] =	ssyncset.done $0x0  }
0x48: {  	[sflag:s28] =	ssyncadd.s32 $0xFFFFC000  }
0x49: {  	[spmem:s2] =	stream.indirect.scatter.add.f32 [tilespmem:s26], [sflag:$0x2], $0x80, s24, s25, $0xb8;
	[tilespmem:$0x1E800] =	vst v63  }
0x4a: {  	s31 =	simm.s32 $0x10;
	_ =	swait.ge [sflag:s22], $0x4000  }
0x4b: {  	s30 =	simm.s32 $0x80;
	s1 =	simm.s32 $0x20;
	[sflag:s22] =	ssyncset.done $0x0  }
.LBB2_4:
0x4c: {  	s0 =	sadd.s32 s31, s21  }
0x4d: {  	[sflag:s22] =	ssyncadd.s32 $0xFFFFC000;
	s31 =	smov.u32 s1;
	s6 =	sadd.s32 $0x10, s1  }
0x4e: {  	[tilespmem:s24], [sflag:$0x2] =	stream.linear.gather [hbm4b:s0+s3], $0x80, $0x38;
	[tilespmem:$0x1E800] =	vst v63  }
0x4f: {  	p0 =	sne.s32 s1, $0x4E0;
	_ =	swait.ge [sflag:s22], $0x80  }
0x50: {  	[sflag:s22] =	ssyncset.done $0x0  }
0x51: {  	[sflag:s22] =	ssyncadd.s32 $0xFFFFFF80  }
0x52: {  	[tilespmem:s26], [sflag:$0x1] =	stream.indirect.gather [hbm4b:s4+s25], $0x80, s30, s25, $0xb8;
	[tilespmem:$0x1E800] =	vst v63  }
0x53: {  	_ =	swait.ge [sflag:s28], $0x4000  }
.Ltmp1:
0x54: {  	[sflag:s28] =	ssyncset.done $0x0;
	(pc) =	sbr.rel @p0 .LBB2_4-.Ltmp1, $4  }
0x55: {  	[sflag:s28] =	ssyncadd.s32 $0xFFFFC000  }
0x56: {  	[spmem:s2] =	stream.indirect.scatter.add.f32 [tilespmem:s26], [sflag:$0x2], $0x80, s24, s25, $0xb8;
	[tilespmem:$0x1E800] =	vst v63  }
0x57: {  	_ =	swait.ge [sflag:s22], $0x4000  }
0x58: {  	s1 =	smov.u32 s6;
	s30 =	sadd.s32 $0x80, s30;
	[sflag:s22] =	ssyncset.done $0x0  }
0x59: {  	s0 =	sadd.s32 s31, s21;
	[sflag:s22] =	ssyncadd.s32 $0xFFFFC000  }
0x5a: {  	[tilespmem:s24], [sflag:$0x2] =	stream.linear.gather [hbm4b:s0+s3], $0x80, $0x38;
	[tilespmem:$0x1E800] =	vst v63  }
0x5b: {  	_ =	swait.ge [sflag:s22], $0x80  }
0x5c: {  	[sflag:s22] =	ssyncset.done $0x0  }
0x5d: {  	[sflag:s22] =	ssyncadd.s32 $0xFFFFFF80  }
0x5e: {  	[tilespmem:s26], [sflag:$0x1] =	stream.indirect.gather [hbm4b:s4+s25], $0x80, s30, s25, $0xb8;
	[tilespmem:$0x1E800] =	vst v63  }
0x5f: {  	_ =	swait.ge [sflag:s28], $0x4000  }
0x60: {  	[sflag:s28] =	ssyncset.done $0x0  }
0x61: {  	[sflag:s28] =	ssyncadd.s32 $0xFFFFC000  }
0x62: {  	[spmem:s2] =	stream.indirect.scatter.add.f32 [tilespmem:s26], [sflag:$0x2], $0x80, s24, s25, $0xb8;
	[tilespmem:$0x1E800] =	vst v63  }
0x63: {  	_ =	swait.ge [sflag:s22], $0x4000  }
0x64: {  	[sflag:s22] =	ssyncset.done $0x0  }
0x65: {  	[sflag:s22] =	ssyncadd.s32 $0xFFFFC000  }
0x66: {  	[bflag:$0x0] =	sbarrier.arrive $0xFFFF  }
0x67: {  	[tilespmem:s23], [sflag:$0x2] =	stream.linear.gather [spmem:s5], $0x4000, $0x38;
	[tilespmem:$0x1E800] =	vst v63  }
0x68: {  	_ =	swait.ge [sflag:s22], $0x4000  }
0x69: {  	[sflag:s22] =	ssyncset.done $0x0  }
0x6a: {  	[sflag:s22] =	ssyncadd.s32 $0xFFFFC000  }
0x6b: {  	[hbm4b:s12+s3] =	stream.linear.scatter [tilespmem:s23], [sflag:$0x2], $0x4000, $0x38;
	[tilespmem:$0x1E800] =	vst v63  }
0x6c: {  	_ =	swait.ge [sflag:s22], $0x4000  }
0x6d: {  	[sflag:s22] =	ssyncset.done $0x0  }
0x6e: {  	[sflag:s22] =	ssyncadd.s32 $0xFFFFC000  }
0x6f: {  	[tilespmem:s23], [sflag:$0x2] =	stream.linear.gather [spmem:s13], $0x4000, $0x38;
	[tilespmem:$0x1E800] =	vst v63  }
0x70: {  	_ =	swait.ge [sflag:s22], $0x4000  }
0x71: {  	[sflag:s22] =	ssyncset.done $0x0  }
0x72: {  	[sflag:s22] =	ssyncadd.s32 $0xFFFFC000  }
0x73: {  	[hbm4b:s14+s3] =	stream.linear.scatter [tilespmem:s23], [sflag:$0x2], $0x4000, $0x38;
	[tilespmem:$0x1E800] =	vst v63  }
0x74: {  	_ =	swait.ge [sflag:s22], $0x4000  }
0x75: {  	[sflag:s22] =	ssyncset.done $0x0  }
0x76: {  	[sflag:s22] =	ssyncadd.s32 $0xFFFFC000  }
0x77: {  	[tilespmem:s23], [sflag:$0x2] =	stream.linear.gather [spmem:s15], $0x4000, $0x38;
	[tilespmem:$0x1E800] =	vst v63  }
0x78: {  	_ =	swait.ge [sflag:s22], $0x4000  }
0x79: {  	[sflag:s22] =	ssyncset.done $0x0  }
0x7a: {  	[sflag:s22] =	ssyncadd.s32 $0xFFFFC000  }
0x7b: {  	[hbm4b:s16+s3] =	stream.linear.scatter [tilespmem:s23], [sflag:$0x2], $0x4000, $0x38;
	[tilespmem:$0x1E800] =	vst v63  }
0x7c: {  	_ =	swait.ge [sflag:s22], $0x4000  }
0x7d: {  	[sflag:s22] =	ssyncset.done $0x0  }
0x7e: {  	[sflag:s22] =	ssyncadd.s32 $0xFFFFC000  }
0x7f: {  	[tilespmem:s23], [sflag:$0x2] =	stream.linear.gather [spmem:s17], $0x4000, $0x38;
	[tilespmem:$0x1E800] =	vst v63  }
0x80: {  	_ =	swait.ge [sflag:s22], $0x4000  }
0x81: {  	[sflag:s22] =	ssyncset.done $0x0  }
0x82: {  	[sflag:s22] =	ssyncadd.s32 $0xFFFFC000  }
0x83: {  	[hbm4b:s18+s3] =	stream.linear.scatter [tilespmem:s23], [sflag:$0x2], $0x4000, $0x38;
	[tilespmem:$0x1E800] =	vst v63  }
0x84: {  	_ =	swait.ge [sflag:s22], $0x4000  }
0x85: {  	[sflag:s22] =	ssyncset.done $0x0  }
0x86: {  	[sflag:s22] =	ssyncadd.s32 $0xFFFFC000  }
0x87: {  	[tilespmem:s23], [sflag:$0x2] =	stream.linear.gather [spmem:s19], $0x4000, $0x38;
	[tilespmem:$0x1E800] =	vst v63  }
0x88: {  	s29 =	sadd.s32 $0x1, s29;
	_ =	swait.ge [sflag:s22], $0x4000  }
0x89: {  	p0 =	sne.s32 s29, s7;
	[sflag:s22] =	ssyncset.done $0x0  }
.Ltmp2:
0x8a: {  	[sflag:s22] =	ssyncadd.s32 $0xFFFFC000;
	(pc) =	sbr.rel @p0 .LBB2_1-.Ltmp2, $4  }
0x8b: {  	[hbm4b:s20+s3] =	stream.linear.scatter [tilespmem:s23], [sflag:$0x2], $0x4000, $0x38;
	[tilespmem:$0x1E800] =	vst v63  }
0x8c: {  	_ =	swait.ge [sflag:s22], $0x4000  }
0x8d: {  	[sflag:s22] =	ssyncset.done $0x0  }
0x8e: {  	[sflag:s22] =	ssyncadd.s32 $0xFFFFC000  }
0x8f: {  	_ =	sfence.sel $0x180000  }
0x90: {  	[bflag:$0x0] =	sbarrier.arrive $0xFFFF  }
0x91: {  	_ =	strace $0x9000005F  }
0x92: {  	s0 =	stileid.u32;
	[bflag:$0x2] =	sbarrier.arrive $0xFFFF  }
0x93: {  	p0 =	sne.s32 s0, $0x0;
	s0 =	rddreg [dreg:$0x3]  }
0x94: {  	s0 =	sadd.s32 @!p0 $0x100000, s0  }
0x95: {  	[sflag:s0] =	ssyncadd.tile.s32 @!p0 $0x1;
	_ =	shalt  }
.Lfunc_end2:
_tile_overlayer_lowered:
.L_overlay_start_2:
0x96: {  	(tag) =	ssettag $0x2  }
0x97: {  	s0 =	rddreg [dreg:$0x0];
	s2 =	stileid.u32  }
0x98: {  	s1 =	rddreg [dreg:$0x1];
	p0 =	sne.s32 s2, $0x0  }
0x99: {  	s3 =	rddreg [dreg:$0x2];
	[bflag:$0x3] =	sbarrier.arrive $0xFFFF;
	s2 =	simm.s32 @!p0 $0x1C02  }
0x9a: {  	[timem:s3], [sflag:s2] =	dma.local @!p0 [hbm:s0], s1  }
0x9b: {  	s0 =	simm.s32 @!p0 $0x2  }
0x9c: {  	_ =	swait.ge @!p0 [sflag:s0], s1  }
0x9d: {  	s1 =	ssub.s32 @!p0 $0x0, s1;
	[sflag:s0] =	ssyncset.done @!p0 $0x0  }
0x9e: {  	[sflag:s0] =	ssyncadd.s32 @!p0 s1  }
0x9f: {  	[bflag:$0x3] =	sbarrier.arrive $0xFFFF  }
0xa0: {  	_ =	shalt  }

// kernel: kernel.37.cloned.1.call-start
scs
__scs_entry_jumppad:
0x0: {  	(pc) =	sbr.rel $0x88, $3  }
0x1: {  	(tag) =	ssettag $0x0;
	lr =	simm.s32 $0x1  }
0x2: {  	[smem:$0x3F99] =	sst lr;
	_ =	strace $0xD0000000  }
0x3: {  	_ = 	snop  }
0x4: {  	_ = 	snop  }
0x5: {  	_ = 	snop  }
0x6: {  	_ = 	snop  }
0x7: {  	_ = 	snop  }
__scs_overlays_trampoline_lowered:
0x8: {  	[smem:$0x3FA8] =	sst s0  }
0x9: {  	[smem:$0x3FA9] =	sst s1  }
0xa: {  	[smem:$0x3FAA] =	sst s2  }
0xb: {  	[smem:$0x3FAB] =	sst s3  }
0xc: {  	[smem:$0x3FAC] =	sst s4  }
0xd: {  	[smem:$0x3FAD] =	sst s5  }
0xe: {  	[smem:$0x3FAE] =	sst s6  }
0xf: {  	[smem:$0x3FAF] =	sst s7  }
0x10: {  	[smem:$0x3FB0] =	sst s8  }
0x11: {  	[smem:$0x3FB1] =	sst s9;
	s0 =	simm.s32 @!p0 $0x0  }
0x12: {  	s1 =	sld [smem:$0x3F97];
	s0 =	simm.s32 @p0 $0x1  }
0x13: {  	[smem:$0x3FB2] =	sst s0;
	s0 =	simm.s32 @!p1 $0x0  }
0x14: {  	s2 =	sld [smem:$0x3F96];
	s0 =	simm.s32 @p1 $0x1  }
0x15: {  	[smem:$0x3FB3] =	sst s0;
	s0 =	simm.s32 @!p2 $0x0  }
0x16: {  	s3 =	sld [smem:$0x3FDB];
	s0 =	simm.s32 @p2 $0x1  }
0x17: {  	s4 =	simm.s32 $0x1BF5;
	[smem:$0x3FB5] =	sst s0  }
0x18: {  	s0 =	sld [smem:$0x3F98];
	_ =	swait.ge [sflag:s4], $0x0  }
0x19: {  	s7 =	sld [smem:$0x3F99]  }
0x1a: {  	s8 =	sadd.s32 $0xFFFFE003, lr  }
0x1b: {  	s9 =	sadd.s32 $0xFFFFFEF7, lr;
	s5 =	simm.s32 $0xFFFFFFFF;
	p2 =	slt.u32 s8, $0xFFFFF086  }
0x1c: {  	p1 =	slt.u32 s9, $0xF7A;
	s5 =	simm.s32 @!p2 $0x0  }
0x1d: {  	s5 =	simm.s32 @p1 $0x1;
	p0 =	seq.s32 s7, s2  }
0x1e: {  	s7 =	smul.u32 @!p0 $0xF7A, s2;
	p2 =	seq.s32 @!p0 s5, $0x0  }
0x1f: {  	s9 =	smul.u32 $0xF7A, s1;
	s8 =	simm.s32 @!p0 $0x1BF5;
	p2 =	por !p2, p0  }
0x20: {  	[sflag:s8] =	ssyncset.s32 @!p0 $0xFFFFF086;
	s6 =	sadd.s32 @!p0 s3, s7;
	s7 =	simm.s32 @!p0 $0x108  }
0x21: {  	s3 =	sadd.s32 s3, s9;
	s6 =	sadd.s32 @!p0 $0x88, s6;
	s7 =	simm.s32 @p2 $0x1082  }
0x22: {  	[simem:s7], [sflag:s8] =	dma.local @!p0 [hbm:s6], $0xF7A  }
0x23: {  	s9 =	sor.u32 $0xD0000000, s2;
	s6 =	simm.s32 $0x108;
	_ =	swait.ge @!p0 [sflag:s8], $0x0  }
0x24: {  	s3 =	sadd.s32 $0x88, s3;
	s6 =	simm.s32 @!p1 $0x1082;
	[sflag:s4] =	ssyncset.s32 $0xFFFFF086  }
0x25: {  	[simem:s6], [sflag:s4] =	dma.local [hbm:s3], $0xF7A  }
0x26: {  	[smem:$0x3F99] =	sst s1;
	(tag) =	ssettag s2;
	_ =	strace s9  }
0x27: {  	s1 =	sld [smem:$0x3FA9]  }
0x28: {  	s2 =	sld [smem:$0x3FAA]  }
0x29: {  	s4 =	sld [smem:$0x3FAC]  }
0x2a: {  	p0 =	seq.s32 s5, $0x0;
	s5 =	sld [smem:$0x3FAD]  }
0x2b: {  	s6 =	sld [smem:$0x3FAE]  }
0x2c: {  	s7 =	sld [smem:$0x3FAF]  }
0x2d: {  	s3 =	simm.s32 $0x108;
	s8 =	sld [smem:$0x3FB0]  }
0x2e: {  	s3 =	simm.s32 @!p0 $0x1082;
	s9 =	sld [smem:$0x3FB1]  }
0x2f: {  	lr =	sadd.s32 s0, s3;
	s0 =	sld [smem:$0x3FA8]  }
0x30: {  	s3 =	sld [smem:$0x3FAB]  }
0x31: {  	[smem:$0x3FB4] =	sst s10  }
0x32: {  	s10 =	sld [smem:$0x3FB2];
	_ =	sdelay $0x3  }
0x33: {  	p0 =	seq.s32 s10, $0x1;
	s10 =	sld [smem:$0x3FB4];
	_ =	sdelay $0x3  }
0x34: {  	[smem:$0x3FB4] =	sst s10  }
0x35: {  	s10 =	sld [smem:$0x3FB3];
	_ =	sdelay $0x3  }
0x36: {  	p1 =	seq.s32 s10, $0x1;
	s10 =	sld [smem:$0x3FB4];
	_ =	sdelay $0x3  }
0x37: {  	[smem:$0x3FB4] =	sst s10  }
0x38: {  	s10 =	sld [smem:$0x3FB5]  }
0x39: {  	_ = 	snop;
	(pc) =	sbr.ind lr, $3  }
0x3a: {  	_ = 	snop  }
0x3b: {  	_ = 	snop  }
0x3c: {  	p2 =	seq.s32 s10, $0x1;
	s10 =	sld [smem:$0x3FB4]  }
0x3d: {  	_ =	shalt  }
0x3e: {  	_ =	shalt  }
0x3f: {  	_ =	shalt  }
0x40: {  	_ =	shalt  }
0x41: {  	_ =	shalt  }
0x42: {  	_ =	shalt  }
0x43: {  	_ =	shalt  }
0x44: {  	_ =	shalt  }
0x45: {  	_ =	shalt  }
0x46: {  	_ =	shalt  }
0x47: {  	_ =	shalt  }
0x48: {  	_ =	shalt  }
0x49: {  	_ =	shalt  }
0x4a: {  	_ =	shalt  }
0x4b: {  	_ =	shalt  }
0x4c: {  	_ =	shalt  }
0x4d: {  	_ =	shalt  }
0x4e: {  	_ =	shalt  }
0x4f: {  	_ =	shalt  }
0x50: {  	_ =	shalt  }
0x51: {  	_ =	shalt  }
0x52: {  	_ =	shalt  }
0x53: {  	_ =	shalt  }
0x54: {  	_ =	shalt  }
0x55: {  	_ =	shalt  }
0x56: {  	_ =	shalt  }
0x57: {  	_ =	shalt  }
0x58: {  	_ =	shalt  }
0x59: {  	_ =	shalt  }
0x5a: {  	_ =	shalt  }
0x5b: {  	_ =	shalt  }
0x5c: {  	_ =	shalt  }
0x5d: {  	_ =	shalt  }
0x5e: {  	_ =	shalt  }
0x5f: {  	_ =	shalt  }
0x60: {  	_ =	shalt  }
0x61: {  	_ =	shalt  }
0x62: {  	_ =	shalt  }
0x63: {  	_ =	shalt  }
0x64: {  	_ =	shalt  }
0x65: {  	_ =	shalt  }
0x66: {  	_ =	shalt  }
0x67: {  	_ =	shalt  }
0x68: {  	_ =	shalt  }
0x69: {  	_ =	shalt  }
0x6a: {  	_ =	shalt  }
0x6b: {  	_ =	shalt  }
0x6c: {  	_ =	shalt  }
0x6d: {  	_ =	shalt  }
0x6e: {  	_ =	shalt  }
0x6f: {  	_ =	shalt  }
0x70: {  	_ =	shalt  }
0x71: {  	_ =	shalt  }
0x72: {  	_ =	shalt  }
0x73: {  	_ =	shalt  }
0x74: {  	_ =	shalt  }
0x75: {  	_ =	shalt  }
0x76: {  	_ =	shalt  }
0x77: {  	_ =	shalt  }
0x78: {  	_ =	shalt  }
0x79: {  	_ =	shalt  }
0x7a: {  	_ =	shalt  }
0x7b: {  	_ =	shalt  }
0x7c: {  	_ =	shalt  }
0x7d: {  	_ =	shalt  }
0x7e: {  	_ =	shalt  }
0x7f: {  	_ =	shalt  }
0x80: {  	_ =	shalt  }
0x81: {  	_ =	shalt  }
0x82: {  	_ =	shalt  }
0x83: {  	_ =	shalt  }
0x84: {  	_ =	shalt  }
0x85: {  	_ =	shalt  }
0x86: {  	_ =	shalt  }
0x87: {  	_ =	shalt  }
.Lfunc_end0:
.L_simem_size_0:
called_computation.9_lowered:
.L_overlay_start_0:
0x88: {  	s2 =	sld [smem:$0x3FD9]  }
0x89: {  	s3 =	sld [smem:$0x3FFE];
	_ =	sdelay $0x1  }
0x8a: {  	s1 =	srdreg.scid  }
0x8b: {  	s0 =	sand.u32 $0x1, s1  }
0x8c: {  	s17 =	sshll.u32 s0, $0xA;
	s2 =	sadd.s32 s3, s2  }
0x8d: {  	s2 =	sadd.s32 s2, s17  }
0x8e: {  	[smem:$0x3FC0] =	sst s2  }
0x8f: {  	_ = 	snop  }
0x90: {  	(tm) =	ssettm $0x1  }
0x91: {  	s18 =	sld [smem:$0x3FFB];
	_ =	sdelay $0x3  }
0x92: {  	_ =	strace s18  }
0x93: {  	s2 =	sld [smem:$0x3FFC];
	_ =	sdelay $0x3  }
0x94: {  	_ =	strace s2  }
0x95: {  	s2 =	sld [smem:$0x3FFD];
	_ =	sdelay $0x3  }
0x96: {  	_ =	strace s2  }
0x97: {  	_ =	strace $0x8FFFFFFF  }
0x98: {  	s19 =	sld [smem:$0x3FDB];
	_ =	sdelay $0x1  }
0x99: {  	s20 =	simm.s32 $_scs_section_size  }
0x9a: {  	s4 =	simm.s32 $_size__tile_overlayer_lowered;
	s5 =	simm.s32 $_tile_overlayer_lowered  }
0x9b: {  	s6 =	simm.s32 $0x1BFF;
	s21 =	sshll.u32 s5, $0x1;
	s3 =	sadd.s32 s20, s19  }
0x9c: {  	s22 =	simm.s32 $0x0;
	s4 =	sshll.u32 s4, $0x1;
	s5 =	sadd.s32 s21, s3  }
0x9d: {  	[timem:s22], [sflag:s6] =	dma.local [hbm:s5], s4  }
0x9e: {  	_ =	swait.ge [sflag:s6], s4  }
0x9f: {  	s4 =	ssub.s32 $0x0, s4;
	[sflag:s6] =	ssyncset.done $0x0  }
0xa0: {  	[sflag:s6] =	ssyncadd.s32 s4;
	_ =	sdelay $0x1  }
0xa1: {  	s23 =	simm.s32 $0x1B8B  }
0xa2: {  	_ =	swait.ge [sflag:s23], $0x1  }
0xa3: {  	[sflag:s23] =	ssyncset.done $0x0  }
0xa4: {  	[sflag:s23] =	ssyncadd.s32 $0xFFFFFFFF  }
0xa5: {  	s4 =	sld [smem:$0x0]  }
0xa6: {  	s5 =	sand.u32 $0xFFFFFFFE, s1  }
0xa7: {  	p0 =	sne.s32 s1, s5  }
0xa8: {  	s5 =	sshll.u32 @p0 s5, $0xE  }
0xa9: {  	s5 =	sadd.s32 @p0 $0x11B8D, s5;
	s6 =	sshll.u32 @p0 s4, $0x11  }
0xaa: {  	s5 =	sor.u32 @p0 s6, s5  }
0xab: {  	[sflag:s5] =	ssyncadd.remote.s32 @p0 $0x1;
	_ =	sdelay $0x1  }
0xac: {  	s5 =	simm.s32 @p0 $0x1B8D  }
0xad: {  	_ =	swait.eq @p0 [sflag:s5], $0x1  }
0xae: {  	[sflag:s5] =	ssyncadd.s32 @p0 $0xFFFFFFFF  }
0xaf: {  	s6 =	sshll.u32 @!p0 s1, $0xE  }
0xb0: {  	s6 =	sor.u32 @!p0 $0x4000, s6;
	s5 =	simm.s32 @!p0 $0x1B8D  }
0xb1: {  	s4 =	sshll.u32 @!p0 s4, $0x11;
	s6 =	sadd.s32 @!p0 $0x11B8D, s6;
	_ =	swait.eq @!p0 [sflag:s5], $0x1  }
0xb2: {  	s4 =	sor.u32 @!p0 s4, s6;
	[sflag:s5] =	ssyncadd.s32 @!p0 $0xFFFFFFFF  }
0xb3: {  	s25 =	simm.s32 $0x1B8E;
	s24 =	sld [smem:$0x3FFE];
	[sflag:s4] =	ssyncadd.remote.s32 @!p0 $0x1  }
0xb4: {  	s26 =	simm.s32 $execute0_lowered;
	[smem:$0x3FD2] =	sst s25  }
0xb5: {  	s5 =	sshll.u32 s26, $0x1;
	_ =	strace $0x80000061;
	[dreg:$0x1] =	wrdreg $0xFFFFFFFF  }
0xb6: {  	s28 =	simm.s32 $_size_execute0_lowered;
	s3 =	sadd.s32 s3, s5;
	[dreg:$0x0] =	wrdreg $0x0  }
0xb7: {  	s5 =	sshll.u32 s28, $0x1;
	[dreg:$0x2] =	wrdreg s3  }
0xb8: {  	[dreg:$0x3] =	wrdreg s5  }
0xb9: {  	[dreg:$0x4] =	wrdreg $0xC0  }
0xba: {  	_ =	task [dreg:s22], $0x5FFFF  }
0xbb: {  	[dreg:$0x1] =	wrdreg $0xFFFFFFFF  }
0xbc: {  	[dreg:$0x0] =	wrdreg $0x60  }
0xbd: {  	[dreg:$0x2] =	wrdreg s24  }
0xbe: {  	[dreg:$0x3] =	wrdreg $0xA8000  }
0xbf: {  	[dreg:$0x4] =	wrdreg $0xA  }
0xc0: {  	_ =	task.clear_ibuf [dreg:s22], $0x5FFFF;
	_ =	strace $0x90000061  }
0xc1: {  	s29 =	simm.s32 $0xA;
	_ =	strace $0x80000063  }
0xc2: {  	_ =	swait.ge [sflag:s29], $0x1  }
0xc3: {  	[sflag:s29] =	ssyncadd.s32 $0xFFFFFFFF  }
0xc4: {  	_ =	strace $0x90000063  }
0xc5: {  	_ =	sfence  }
0xc6: {  	s30 =	sld [smem:$0x0];
	_ =	sdelay $0x2  }
0xc7: {  	s31 =	sshll.u32 s1, $0xD;
	s1 =	sshrl.u32 s1, $0x2  }
0xc8: {  	s4 =	sand.u32 $0x4000, s31;
	s1 =	sadd.s32 s1, s30  }
0xc9: {  	s0 =	sor.u32 s4, s0;
	s1 =	sshll.u32 s1, $0x11  }
0xca: {  	s0 =	sor.u32 s1, s0  }
0xcb: {  	s0 =	sadd.s32 $0x8F2B, s0  }
0xcc: {  	[sflag:s0] =	ssyncadd.remote.s32 $0x1  }
0xcd: {  	_ =	sfence.sel $0xFFFF  }
0xce: {  	[dreg:$0x0] =	wrdreg $0xFFFFFFFF;
	(pc) =	sbr.abs _section_cstart, $3  }
0xcf: {  	[dreg:$0x1] =	wrdreg $0xFFFFFFFF  }
0xd0: {  	_ =	task.clear_ibuf [dreg:s22], $0x2FFFF;
	_ =	strace $0x9FFFFFFF  }
0xd1: {  	(tm) =	ssettm $0x7FFFFFFF  }
tec
execute0_lowered:
.L_overlay_start_1:
0x0: {  	(tag) =	ssettag $0x1  }
0x1: {  	s0 =	srdreg.scid;
	s5 =	rddreg [dreg:$0x0]  }
0x2: {  	s2 =	rddreg [dreg:$0x1];
	s1 =	stileid.u32  }
0x3: {  	s3 =	simm.s32 $0x0;
	s24 =	simm.s32 $0x2780;
	s25 =	simm.s32 $0x80  }
0x4: {  	s28 =	simm.s32 $0x1;
	s29 =	simm.s32 $0x0;
	s8 =	smul.u32 $0x50000, s1  }
0x5: {  	s0 =	sand.u32 $0x1, s0;
	[smem:$0x7FF] =	sst s3;
	s17 =	smul.u32 $0x14000, s1  }
0x6: {  	s21 =	sadd.s32 $0xC2C00, s5;
	s23 =	smul.u32 $0x4F0, s1;
	s4 =	sshll.u32 s0, $0x4  }
0x7: {  	_ =	strace $0x80000062;
	s7 =	smul.u32 $0x4F00, s0;
	s26 =	ssub.s32 $0x2, s0  }
0x8: {  	s0 =	smul.u32 $0x140000, s0;
	s4 =	sor.u32 s1, s4;
	s30 =	sshrl.u32 s26, $0x1  }
0x9: {  	s8 =	sshrl.u32 s8, $0x2;
	s13 =	sadd.s32 $0x4000, s17;
	s15 =	sadd.s32 $0x8000, s17  }
0xa: {  	s18 =	sadd.s32 $0xC000, s17;
	s22 =	sadd.s32 $0x10000, s17;
	s6 =	smul.u32 $0x4F0, s4  }
0xb: {  	s4 =	sadd.s32 $0x9AC00, s5;
	s20 =	sadd.s32 s7, s5;
	s7 =	ssub.s32 s26, s30  }
0xc: {  	s12 =	sadd.s32 s0, s17;
	s14 =	sadd.s32 s0, s13;
	s13 =	sadd.s32 s13, s2  }
0xd: {  	s16 =	sadd.s32 s0, s15;
	s15 =	sadd.s32 s15, s2;
	s19 =	sadd.s32 s0, s18  }
0xe: {  	s17 =	sadd.s32 s18, s2;
	s0 =	sadd.s32 s0, s22;
	s26 =	simm.s32 $0x2800  }
0xf: {  	s7 =	smax.u32 s7, $0x1;
	s12 =	sshrl.u32 s12, $0x3;
	s14 =	sshrl.u32 s14, $0x3  }
0x10: {  	s16 =	sshrl.u32 s16, $0x3;
	s19 =	sshrl.u32 s19, $0x3;
	s0 =	sshrl.u32 s0, $0x3  }
0x11: {  	s31 =	sadd.s32 s23, s20;
	s23 =	simm.s32 $0x6800;
	s6 =	sadd.s32 s6, s5  }
0x12: {  	s5 =	sadd.s32 s8, s2;
	s12 =	sadd.s32 s21, s12;
	s14 =	sadd.s32 s21, s14  }
0x13: {  	s16 =	sadd.s32 s21, s16;
	s18 =	sadd.s32 s21, s19;
	s19 =	sadd.s32 s22, s2  }
0x14: {  	s20 =	sadd.s32 s21, s0;
	s21 =	sadd.s32 $0xF000, s31;
	s22 =	simm.s32 $0x2  }
0x15: {  	s6 =	sadd.s32 $0x18E00, s6;
	s8 =	sadd.s32 $0x4000, s5;
	s9 =	sadd.s32 $0x8000, s5  }
0x16: {  	v0 =	vimm.f32 $0.0e+00;
	s10 =	sadd.s32 $0xC000, s5;
	s11 =	sadd.s32 $0x10000, s5;
	[dreg:$0x3] =	wrdreg s6  }
.LBB2_1:
0x17: {  	s0 =	rddreg [dreg:$0x3]  }
0x18: {  	[tilespmem:s3], [sflag:$0x2] =	stream.linear.gather [hbm4b:s0+s3], $0x2780, $0x38;
	[tilespmem:$0x1E800] =	vst v63  }
0x19: {  	_ =	swait.ge [sflag:s22], $0x2780  }
0x1a: {  	[sflag:s22] =	ssyncset.done $0x0  }
0x1b: {  	s30 =	simm.s32 $0x0;
	s31 =	simm.s32 $0x200;
	[sflag:s22] =	ssyncadd.s32 $0xFFFFD880  }
.LBB2_2:
0x1c: {  	p0 =	sne.s32 s31, $0xFE00;
	[tilespmem:s30+$0x6870] =	vst v0  }
0x1d: {  	[tilespmem:s30+$0x6800] =	vst v0  }
0x1e: {  	[tilespmem:s30+$0x6810] =	vst v0  }
.Ltmp0:
0x1f: {  	[tilespmem:s30+$0x6820] =	vst v0;
	(pc) =	sbr.rel @p0 .LBB2_2-.Ltmp0, $4  }
0x20: {  	[tilespmem:s30+$0x6830] =	vst v0  }
0x21: {  	[tilespmem:s30+$0x6840] =	vst v0  }
0x22: {  	[tilespmem:s30+$0x6850] =	vst v0  }
0x23: {  	[tilespmem:s30+$0x6860] =	vst v0;
	s30 =	sshra.s32 s31, $0x2;
	s31 =	sadd.s32 $0x200, s31  }
0x24: {  	[tilespmem:s30+$0x6870] =	vst v0  }
0x25: {  	[tilespmem:s30+$0x6800] =	vst v0  }
0x26: {  	[tilespmem:s30+$0x6810] =	vst v0  }
0x27: {  	[tilespmem:s30+$0x6820] =	vst v0  }
0x28: {  	[tilespmem:s30+$0x6830] =	vst v0  }
0x29: {  	[tilespmem:s30+$0x6840] =	vst v0  }
0x2a: {  	[tilespmem:s30+$0x6850] =	vst v0  }
0x2b: {  	[tilespmem:s30+$0x6860] =	vst v0  }
0x2c: {  	[spmem:s5] =	stream.linear.scatter [tilespmem:s23], [sflag:$0x2], $0x4000, $0x38;
	[tilespmem:$0x1E800] =	vst v63  }
0x2d: {  	_ =	swait.ge [sflag:s22], $0x4000  }
0x2e: {  	[sflag:s22] =	ssyncset.done $0x0  }
0x2f: {  	[sflag:s22] =	ssyncadd.s32 $0xFFFFC000  }
0x30: {  	[spmem:s8] =	stream.linear.scatter [tilespmem:s23], [sflag:$0x2], $0x4000, $0x38;
	[tilespmem:$0x1E800] =	vst v63  }
0x31: {  	_ =	swait.ge [sflag:s22], $0x4000  }
0x32: {  	[sflag:s22] =	ssyncset.done $0x0  }
0x33: {  	[sflag:s22] =	ssyncadd.s32 $0xFFFFC000  }
0x34: {  	[spmem:s9] =	stream.linear.scatter [tilespmem:s23], [sflag:$0x2], $0x4000, $0x38;
	[tilespmem:$0x1E800] =	vst v63  }
0x35: {  	_ =	swait.ge [sflag:s22], $0x4000  }
0x36: {  	[sflag:s22] =	ssyncset.done $0x0  }
0x37: {  	[sflag:s22] =	ssyncadd.s32 $0xFFFFC000  }
0x38: {  	[spmem:s10] =	stream.linear.scatter [tilespmem:s23], [sflag:$0x2], $0x4000, $0x38;
	[tilespmem:$0x1E800] =	vst v63  }
0x39: {  	_ =	swait.ge [sflag:s22], $0x4000  }
0x3a: {  	[sflag:s22] =	ssyncset.done $0x0  }
0x3b: {  	[sflag:s22] =	ssyncadd.s32 $0xFFFFC000  }
0x3c: {  	[spmem:s11] =	stream.linear.scatter [tilespmem:s23], [sflag:$0x2], $0x4000, $0x38;
	[tilespmem:$0x1E800] =	vst v63  }
0x3d: {  	_ =	swait.ge [sflag:s22], $0x4000  }
0x3e: {  	[sflag:s22] =	ssyncset.done $0x0  }
0x3f: {  	[sflag:s22] =	ssyncadd.s32 $0xFFFFC000  }
0x40: {  	s0 =	sadd.s32 $0x0, s21;
	[bflag:$0x0] =	sbarrier.arrive $0xFFFF  }
0x41: {  	[tilespmem:s24], [sflag:$0x2] =	stream.linear.gather [hbm4b:s0+s3], $0x80, $0x38;
	[tilespmem:$0x1E800] =	vst v63  }
0x42: {  	_ =	swait.ge [sflag:s22], $0x80  }
0x43: {  	[sflag:s22] =	ssyncset.done $0x0  }
0x44: {  	s6 =	simm.s32 $0x0;
	[sflag:s22] =	ssyncadd.s32 $0xFFFFFF80  }
0x45: {  	[tilespmem:s26], [sflag:$0x1] =	stream.indirect.gather [hbm4b:s4+s25], $0x80, s6, s25, $0xb8;
	[tilespmem:$0x1E800] =	vst v63  }
0x46: {  	_ =	swait.ge [sflag:s28], $0x4000  }
0x47: {  	[sflag:s28] =	ssyncset.done $0x0  }
0x48: {  	[sflag:s28] =	ssyncadd.s32 $0xFFFFC000  }
0x49: {  	[spmem:s2] =	stream.indirect.scatter.add.f32 [tilespmem:s26], [sflag:$0x2], $0x80, s24, s25, $0xb8;
	[tilespmem:$0x1E800] =	vst v63  }
0x4a: {  	s31 =	simm.s32 $0x10;
	_ =	swait.ge [sflag:s22], $0x4000  }
0x4b: {  	s30 =	simm.s32 $0x80;
	s0 =	simm.s32 $0x20;
	[sflag:s22] =	ssyncset.done $0x0  }
.LBB2_4:
0x4c: {  	s1 =	sadd.s32 s31, s21  }
0x4d: {  	[sflag:s22] =	ssyncadd.s32 $0xFFFFC000;
	s31 =	smov.u32 s0;
	s6 =	sadd.s32 $0x10, s0  }
0x4e: {  	[tilespmem:s24], [sflag:$0x2] =	stream.linear.gather [hbm4b:s1+s3], $0x80, $0x38;
	[tilespmem:$0x1E800] =	vst v63  }
0x4f: {  	p0 =	sne.s32 s0, $0x4E0;
	_ =	swait.ge [sflag:s22], $0x80  }
0x50: {  	[sflag:s22] =	ssyncset.done $0x0  }
0x51: {  	[sflag:s22] =	ssyncadd.s32 $0xFFFFFF80  }
0x52: {  	[tilespmem:s26], [sflag:$0x1] =	stream.indirect.gather [hbm4b:s4+s25], $0x80, s30, s25, $0xb8;
	[tilespmem:$0x1E800] =	vst v63  }
0x53: {  	_ =	swait.ge [sflag:s28], $0x4000  }
.Ltmp1:
0x54: {  	[sflag:s28] =	ssyncset.done $0x0;
	(pc) =	sbr.rel @p0 .LBB2_4-.Ltmp1, $4  }
0x55: {  	[sflag:s28] =	ssyncadd.s32 $0xFFFFC000  }
0x56: {  	[spmem:s2] =	stream.indirect.scatter.add.f32 [tilespmem:s26], [sflag:$0x2], $0x80, s24, s25, $0xb8;
	[tilespmem:$0x1E800] =	vst v63  }
0x57: {  	_ =	swait.ge [sflag:s22], $0x4000  }
0x58: {  	s0 =	smov.u32 s6;
	s30 =	sadd.s32 $0x80, s30;
	[sflag:s22] =	ssyncset.done $0x0  }
0x59: {  	s0 =	sadd.s32 s31, s21;
	[sflag:s22] =	ssyncadd.s32 $0xFFFFC000  }
0x5a: {  	[tilespmem:s24], [sflag:$0x2] =	stream.linear.gather [hbm4b:s0+s3], $0x80, $0x38;
	[tilespmem:$0x1E800] =	vst v63  }
0x5b: {  	_ =	swait.ge [sflag:s22], $0x80  }
0x5c: {  	[sflag:s22] =	ssyncset.done $0x0  }
0x5d: {  	[sflag:s22] =	ssyncadd.s32 $0xFFFFFF80  }
0x5e: {  	[tilespmem:s26], [sflag:$0x1] =	stream.indirect.gather [hbm4b:s4+s25], $0x80, s30, s25, $0xb8;
	[tilespmem:$0x1E800] =	vst v63  }
0x5f: {  	_ =	swait.ge [sflag:s28], $0x4000  }
0x60: {  	[sflag:s28] =	ssyncset.done $0x0  }
0x61: {  	[sflag:s28] =	ssyncadd.s32 $0xFFFFC000  }
0x62: {  	[spmem:s2] =	stream.indirect.scatter.add.f32 [tilespmem:s26], [sflag:$0x2], $0x80, s24, s25, $0xb8;
	[tilespmem:$0x1E800] =	vst v63  }
0x63: {  	_ =	swait.ge [sflag:s22], $0x4000  }
0x64: {  	[sflag:s22] =	ssyncset.done $0x0  }
0x65: {  	[sflag:s22] =	ssyncadd.s32 $0xFFFFC000  }
0x66: {  	[bflag:$0x0] =	sbarrier.arrive $0xFFFF  }
0x67: {  	[tilespmem:s23], [sflag:$0x2] =	stream.linear.gather [spmem:s5], $0x4000, $0x38;
	[tilespmem:$0x1E800] =	vst v63  }
0x68: {  	_ =	swait.ge [sflag:s22], $0x4000  }
0x69: {  	[sflag:s22] =	ssyncset.done $0x0  }
0x6a: {  	[sflag:s22] =	ssyncadd.s32 $0xFFFFC000  }
0x6b: {  	[hbm4b:s12+s3] =	stream.linear.scatter [tilespmem:s23], [sflag:$0x2], $0x4000, $0x38;
	[tilespmem:$0x1E800] =	vst v63  }
0x6c: {  	_ =	swait.ge [sflag:s22], $0x4000  }
0x6d: {  	[sflag:s22] =	ssyncset.done $0x0  }
0x6e: {  	[sflag:s22] =	ssyncadd.s32 $0xFFFFC000  }
0x6f: {  	[tilespmem:s23], [sflag:$0x2] =	stream.linear.gather [spmem:s13], $0x4000, $0x38;
	[tilespmem:$0x1E800] =	vst v63  }
0x70: {  	_ =	swait.ge [sflag:s22], $0x4000  }
0x71: {  	[sflag:s22] =	ssyncset.done $0x0  }
0x72: {  	[sflag:s22] =	ssyncadd.s32 $0xFFFFC000  }
0x73: {  	[hbm4b:s14+s3] =	stream.linear.scatter [tilespmem:s23], [sflag:$0x2], $0x4000, $0x38;
	[tilespmem:$0x1E800] =	vst v63  }
0x74: {  	_ =	swait.ge [sflag:s22], $0x4000  }
0x75: {  	[sflag:s22] =	ssyncset.done $0x0  }
0x76: {  	[sflag:s22] =	ssyncadd.s32 $0xFFFFC000  }
0x77: {  	[tilespmem:s23], [sflag:$0x2] =	stream.linear.gather [spmem:s15], $0x4000, $0x38;
	[tilespmem:$0x1E800] =	vst v63  }
0x78: {  	_ =	swait.ge [sflag:s22], $0x4000  }
0x79: {  	[sflag:s22] =	ssyncset.done $0x0  }
0x7a: {  	[sflag:s22] =	ssyncadd.s32 $0xFFFFC000  }
0x7b: {  	[hbm4b:s16+s3] =	stream.linear.scatter [tilespmem:s23], [sflag:$0x2], $0x4000, $0x38;
	[tilespmem:$0x1E800] =	vst v63  }
0x7c: {  	_ =	swait.ge [sflag:s22], $0x4000  }
0x7d: {  	[sflag:s22] =	ssyncset.done $0x0  }
0x7e: {  	[sflag:s22] =	ssyncadd.s32 $0xFFFFC000  }
0x7f: {  	[tilespmem:s23], [sflag:$0x2] =	stream.linear.gather [spmem:s17], $0x4000, $0x38;
	[tilespmem:$0x1E800] =	vst v63  }
0x80: {  	_ =	swait.ge [sflag:s22], $0x4000  }
0x81: {  	[sflag:s22] =	ssyncset.done $0x0  }
0x82: {  	[sflag:s22] =	ssyncadd.s32 $0xFFFFC000  }
0x83: {  	[hbm4b:s18+s3] =	stream.linear.scatter [tilespmem:s23], [sflag:$0x2], $0x4000, $0x38;
	[tilespmem:$0x1E800] =	vst v63  }
0x84: {  	_ =	swait.ge [sflag:s22], $0x4000  }
0x85: {  	[sflag:s22] =	ssyncset.done $0x0  }
0x86: {  	[sflag:s22] =	ssyncadd.s32 $0xFFFFC000  }
0x87: {  	[tilespmem:s23], [sflag:$0x2] =	stream.linear.gather [spmem:s19], $0x4000, $0x38;
	[tilespmem:$0x1E800] =	vst v63  }
0x88: {  	s29 =	sadd.s32 $0x1, s29;
	_ =	swait.ge [sflag:s22], $0x4000  }
0x89: {  	p0 =	sne.s32 s29, s7;
	[sflag:s22] =	ssyncset.done $0x0  }
.Ltmp2:
0x8a: {  	[sflag:s22] =	ssyncadd.s32 $0xFFFFC000;
	(pc) =	sbr.rel @p0 .LBB2_1-.Ltmp2, $4  }
0x8b: {  	[hbm4b:s20+s3] =	stream.linear.scatter [tilespmem:s23], [sflag:$0x2], $0x4000, $0x38;
	[tilespmem:$0x1E800] =	vst v63  }
0x8c: {  	_ =	swait.ge [sflag:s22], $0x4000  }
0x8d: {  	[sflag:s22] =	ssyncset.done $0x0  }
0x8e: {  	[sflag:s22] =	ssyncadd.s32 $0xFFFFC000  }
0x8f: {  	_ =	sfence.sel $0x180000  }
0x90: {  	[bflag:$0x0] =	sbarrier.arrive $0xFFFF  }
0x91: {  	_ =	strace $0x90000062  }
0x92: {  	s0 =	stileid.u32;
	[bflag:$0x2] =	sbarrier.arrive $0xFFFF  }
0x93: {  	p0 =	sne.s32 s0, $0x0;
	s0 =	rddreg [dreg:$0x2]  }
0x94: {  	s0 =	sadd.s32 @!p0 $0x100000, s0  }
0x95: {  	[sflag:s0] =	ssyncadd.tile.s32 @!p0 $0x1;
	_ =	shalt  }
.Lfunc_end2:
_tile_overlayer_lowered:
.L_overlay_start_2:
0x96: {  	(tag) =	ssettag $0x2  }
0x97: {  	s0 =	rddreg [dreg:$0x0];
	s2 =	stileid.u32  }
0x98: {  	s1 =	rddreg [dreg:$0x1];
	p0 =	sne.s32 s2, $0x0  }
0x99: {  	s3 =	rddreg [dreg:$0x2];
	[bflag:$0x3] =	sbarrier.arrive $0xFFFF;
	s2 =	simm.s32 @!p0 $0x1C02  }
0x9a: {  	[timem:s3], [sflag:s2] =	dma.local @!p0 [hbm:s0], s1  }
0x9b: {  	s0 =	simm.s32 @!p0 $0x2  }
0x9c: {  	_ =	swait.ge @!p0 [sflag:s0], s1  }
0x9d: {  	s1 =	ssub.s32 @!p0 $0x0, s1;
	[sflag:s0] =	ssyncset.done @!p0 $0x0  }
0x9e: {  	[sflag:s0] =	ssyncadd.s32 @!p0 s1  }
0x9f: {  	[bflag:$0x3] =	sbarrier.arrive $0xFFFF  }
0xa0: {  	_ =	shalt  }

// kernel: kernel.40.cloned.1.call-start
scs
__scs_entry_jumppad:
0x0: {  	(pc) =	sbr.rel $0x88, $3  }
0x1: {  	(tag) =	ssettag $0x0;
	lr =	simm.s32 $0x1  }
0x2: {  	[smem:$0x3F99] =	sst lr;
	_ =	strace $0xD0000000  }
0x3: {  	_ = 	snop  }
0x4: {  	_ = 	snop  }
0x5: {  	_ = 	snop  }
0x6: {  	_ = 	snop  }
0x7: {  	_ = 	snop  }
__scs_overlays_trampoline_lowered:
0x8: {  	[smem:$0x3FA8] =	sst s0  }
0x9: {  	[smem:$0x3FA9] =	sst s1  }
0xa: {  	[smem:$0x3FAA] =	sst s2  }
0xb: {  	[smem:$0x3FAB] =	sst s3  }
0xc: {  	[smem:$0x3FAC] =	sst s4  }
0xd: {  	[smem:$0x3FAD] =	sst s5  }
0xe: {  	[smem:$0x3FAE] =	sst s6  }
0xf: {  	[smem:$0x3FAF] =	sst s7  }
0x10: {  	[smem:$0x3FB0] =	sst s8  }
0x11: {  	[smem:$0x3FB1] =	sst s9;
	s0 =	simm.s32 @!p0 $0x0  }
0x12: {  	s1 =	sld [smem:$0x3F97];
	s0 =	simm.s32 @p0 $0x1  }
0x13: {  	[smem:$0x3FB2] =	sst s0;
	s0 =	simm.s32 @!p1 $0x0  }
0x14: {  	s2 =	sld [smem:$0x3F96];
	s0 =	simm.s32 @p1 $0x1  }
0x15: {  	[smem:$0x3FB3] =	sst s0;
	s0 =	simm.s32 @!p2 $0x0  }
0x16: {  	s3 =	sld [smem:$0x3FDB];
	s0 =	simm.s32 @p2 $0x1  }
0x17: {  	s4 =	simm.s32 $0x1BF5;
	[smem:$0x3FB5] =	sst s0  }
0x18: {  	s0 =	sld [smem:$0x3F98];
	_ =	swait.ge [sflag:s4], $0x0  }
0x19: {  	s7 =	sld [smem:$0x3F99]  }
0x1a: {  	s8 =	sadd.s32 $0xFFFFE003, lr  }
0x1b: {  	s9 =	sadd.s32 $0xFFFFFEF7, lr;
	s5 =	simm.s32 $0xFFFFFFFF;
	p2 =	slt.u32 s8, $0xFFFFF086  }
0x1c: {  	p1 =	slt.u32 s9, $0xF7A;
	s5 =	simm.s32 @!p2 $0x0  }
0x1d: {  	s5 =	simm.s32 @p1 $0x1;
	p0 =	seq.s32 s7, s2  }
0x1e: {  	s7 =	smul.u32 @!p0 $0xF7A, s2;
	p2 =	seq.s32 @!p0 s5, $0x0  }
0x1f: {  	s9 =	smul.u32 $0xF7A, s1;
	s8 =	simm.s32 @!p0 $0x1BF5;
	p2 =	por !p2, p0  }
0x20: {  	[sflag:s8] =	ssyncset.s32 @!p0 $0xFFFFF086;
	s6 =	sadd.s32 @!p0 s3, s7;
	s7 =	simm.s32 @!p0 $0x108  }
0x21: {  	s3 =	sadd.s32 s3, s9;
	s6 =	sadd.s32 @!p0 $0x88, s6;
	s7 =	simm.s32 @p2 $0x1082  }
0x22: {  	[simem:s7], [sflag:s8] =	dma.local @!p0 [hbm:s6], $0xF7A  }
0x23: {  	s9 =	sor.u32 $0xD0000000, s2;
	s6 =	simm.s32 $0x108;
	_ =	swait.ge @!p0 [sflag:s8], $0x0  }
0x24: {  	s3 =	sadd.s32 $0x88, s3;
	s6 =	simm.s32 @!p1 $0x1082;
	[sflag:s4] =	ssyncset.s32 $0xFFFFF086  }
0x25: {  	[simem:s6], [sflag:s4] =	dma.local [hbm:s3], $0xF7A  }
0x26: {  	[smem:$0x3F99] =	sst s1;
	(tag) =	ssettag s2;
	_ =	strace s9  }
0x27: {  	s1 =	sld [smem:$0x3FA9]  }
0x28: {  	s2 =	sld [smem:$0x3FAA]  }
0x29: {  	s4 =	sld [smem:$0x3FAC]  }
0x2a: {  	p0 =	seq.s32 s5, $0x0;
	s5 =	sld [smem:$0x3FAD]  }
0x2b: {  	s6 =	sld [smem:$0x3FAE]  }
0x2c: {  	s7 =	sld [smem:$0x3FAF]  }
0x2d: {  	s3 =	simm.s32 $0x108;
	s8 =	sld [smem:$0x3FB0]  }
0x2e: {  	s3 =	simm.s32 @!p0 $0x1082;
	s9 =	sld [smem:$0x3FB1]  }
0x2f: {  	lr =	sadd.s32 s0, s3;
	s0 =	sld [smem:$0x3FA8]  }
0x30: {  	s3 =	sld [smem:$0x3FAB]  }
0x31: {  	[smem:$0x3FB4] =	sst s10  }
0x32: {  	s10 =	sld [smem:$0x3FB2];
	_ =	sdelay $0x3  }
0x33: {  	p0 =	seq.s32 s10, $0x1;
	s10 =	sld [smem:$0x3FB4];
	_ =	sdelay $0x3  }
0x34: {  	[smem:$0x3FB4] =	sst s10  }
0x35: {  	s10 =	sld [smem:$0x3FB3];
	_ =	sdelay $0x3  }
0x36: {  	p1 =	seq.s32 s10, $0x1;
	s10 =	sld [smem:$0x3FB4];
	_ =	sdelay $0x3  }
0x37: {  	[smem:$0x3FB4] =	sst s10  }
0x38: {  	s10 =	sld [smem:$0x3FB5]  }
0x39: {  	_ = 	snop;
	(pc) =	sbr.ind lr, $3  }
0x3a: {  	_ = 	snop  }
0x3b: {  	_ = 	snop  }
0x3c: {  	p2 =	seq.s32 s10, $0x1;
	s10 =	sld [smem:$0x3FB4]  }
0x3d: {  	_ =	shalt  }
0x3e: {  	_ =	shalt  }
0x3f: {  	_ =	shalt  }
0x40: {  	_ =	shalt  }
0x41: {  	_ =	shalt  }
0x42: {  	_ =	shalt  }
0x43: {  	_ =	shalt  }
0x44: {  	_ =	shalt  }
0x45: {  	_ =	shalt  }
0x46: {  	_ =	shalt  }
0x47: {  	_ =	shalt  }
0x48: {  	_ =	shalt  }
0x49: {  	_ =	shalt  }
0x4a: {  	_ =	shalt  }
0x4b: {  	_ =	shalt  }
0x4c: {  	_ =	shalt  }
0x4d: {  	_ =	shalt  }
0x4e: {  	_ =	shalt  }
0x4f: {  	_ =	shalt  }
0x50: {  	_ =	shalt  }
0x51: {  	_ =	shalt  }
0x52: {  	_ =	shalt  }
0x53: {  	_ =	shalt  }
0x54: {  	_ =	shalt  }
0x55: {  	_ =	shalt  }
0x56: {  	_ =	shalt  }
0x57: {  	_ =	shalt  }
0x58: {  	_ =	shalt  }
0x59: {  	_ =	shalt  }
0x5a: {  	_ =	shalt  }
0x5b: {  	_ =	shalt  }
0x5c: {  	_ =	shalt  }
0x5d: {  	_ =	shalt  }
0x5e: {  	_ =	shalt  }
0x5f: {  	_ =	shalt  }
0x60: {  	_ =	shalt  }
0x61: {  	_ =	shalt  }
0x62: {  	_ =	shalt  }
0x63: {  	_ =	shalt  }
0x64: {  	_ =	shalt  }
0x65: {  	_ =	shalt  }
0x66: {  	_ =	shalt  }
0x67: {  	_ =	shalt  }
0x68: {  	_ =	shalt  }
0x69: {  	_ =	shalt  }
0x6a: {  	_ =	shalt  }
0x6b: {  	_ =	shalt  }
0x6c: {  	_ =	shalt  }
0x6d: {  	_ =	shalt  }
0x6e: {  	_ =	shalt  }
0x6f: {  	_ =	shalt  }
0x70: {  	_ =	shalt  }
0x71: {  	_ =	shalt  }
0x72: {  	_ =	shalt  }
0x73: {  	_ =	shalt  }
0x74: {  	_ =	shalt  }
0x75: {  	_ =	shalt  }
0x76: {  	_ =	shalt  }
0x77: {  	_ =	shalt  }
0x78: {  	_ =	shalt  }
0x79: {  	_ =	shalt  }
0x7a: {  	_ =	shalt  }
0x7b: {  	_ =	shalt  }
0x7c: {  	_ =	shalt  }
0x7d: {  	_ =	shalt  }
0x7e: {  	_ =	shalt  }
0x7f: {  	_ =	shalt  }
0x80: {  	_ =	shalt  }
0x81: {  	_ =	shalt  }
0x82: {  	_ =	shalt  }
0x83: {  	_ =	shalt  }
0x84: {  	_ =	shalt  }
0x85: {  	_ =	shalt  }
0x86: {  	_ =	shalt  }
0x87: {  	_ =	shalt  }
.Lfunc_end0:
.L_simem_size_0:
called_computation.10_lowered:
.L_overlay_start_0:
0x88: {  	s2 =	sld [smem:$0x3FD9]  }
0x89: {  	s3 =	sld [smem:$0x3FFE];
	_ =	sdelay $0x1  }
0x8a: {  	s1 =	srdreg.scid  }
0x8b: {  	s0 =	sand.u32 $0x1, s1  }
0x8c: {  	s17 =	sshll.u32 s0, $0xA;
	s2 =	sadd.s32 s3, s2  }
0x8d: {  	s2 =	sadd.s32 s2, s17  }
0x8e: {  	[smem:$0x3FC0] =	sst s2  }
0x8f: {  	_ = 	snop  }
0x90: {  	(tm) =	ssettm $0x1  }
0x91: {  	s18 =	sld [smem:$0x3FFB];
	_ =	sdelay $0x3  }
0x92: {  	_ =	strace s18  }
0x93: {  	s2 =	sld [smem:$0x3FFC];
	_ =	sdelay $0x3  }
0x94: {  	_ =	strace s2  }
0x95: {  	s2 =	sld [smem:$0x3FFD];
	_ =	sdelay $0x3  }
0x96: {  	_ =	strace s2  }
0x97: {  	_ =	strace $0x8FFFFFFF  }
0x98: {  	s19 =	sld [smem:$0x3FDB];
	_ =	sdelay $0x1  }
0x99: {  	s20 =	simm.s32 $_scs_section_size  }
0x9a: {  	s4 =	simm.s32 $_size__tile_overlayer_lowered;
	s5 =	simm.s32 $_tile_overlayer_lowered  }
0x9b: {  	s6 =	simm.s32 $0x1BFF;
	s21 =	sshll.u32 s5, $0x1;
	s3 =	sadd.s32 s20, s19  }
0x9c: {  	s22 =	simm.s32 $0x0;
	s4 =	sshll.u32 s4, $0x1;
	s5 =	sadd.s32 s21, s3  }
0x9d: {  	[timem:s22], [sflag:s6] =	dma.local [hbm:s5], s4  }
0x9e: {  	_ =	swait.ge [sflag:s6], s4  }
0x9f: {  	s4 =	ssub.s32 $0x0, s4;
	[sflag:s6] =	ssyncset.done $0x0  }
0xa0: {  	[sflag:s6] =	ssyncadd.s32 s4;
	_ =	sdelay $0x1  }
0xa1: {  	s23 =	simm.s32 $0x1B8B  }
0xa2: {  	_ =	swait.ge [sflag:s23], $0x1  }
0xa3: {  	[sflag:s23] =	ssyncset.done $0x0  }
0xa4: {  	[sflag:s23] =	ssyncadd.s32 $0xFFFFFFFF  }
0xa5: {  	s4 =	sld [smem:$0x0]  }
0xa6: {  	s5 =	sand.u32 $0xFFFFFFFE, s1  }
0xa7: {  	p0 =	sne.s32 s1, s5  }
0xa8: {  	s5 =	sshll.u32 @p0 s5, $0xE  }
0xa9: {  	s5 =	sadd.s32 @p0 $0x11B8D, s5;
	s6 =	sshll.u32 @p0 s4, $0x11  }
0xaa: {  	s5 =	sor.u32 @p0 s6, s5  }
0xab: {  	[sflag:s5] =	ssyncadd.remote.s32 @p0 $0x1;
	_ =	sdelay $0x1  }
0xac: {  	s5 =	simm.s32 @p0 $0x1B8D  }
0xad: {  	_ =	swait.eq @p0 [sflag:s5], $0x1  }
0xae: {  	[sflag:s5] =	ssyncadd.s32 @p0 $0xFFFFFFFF  }
0xaf: {  	s6 =	sshll.u32 @!p0 s1, $0xE  }
0xb0: {  	s6 =	sor.u32 @!p0 $0x4000, s6;
	s5 =	simm.s32 @!p0 $0x1B8D  }
0xb1: {  	s4 =	sshll.u32 @!p0 s4, $0x11;
	s6 =	sadd.s32 @!p0 $0x11B8D, s6;
	_ =	swait.eq @!p0 [sflag:s5], $0x1  }
0xb2: {  	s4 =	sor.u32 @!p0 s4, s6;
	[sflag:s5] =	ssyncadd.s32 @!p0 $0xFFFFFFFF  }
0xb3: {  	s25 =	simm.s32 $0x1B8E;
	s24 =	sld [smem:$0x3FFE];
	[sflag:s4] =	ssyncadd.remote.s32 @!p0 $0x1  }
0xb4: {  	s26 =	simm.s32 $execute0_lowered;
	[smem:$0x3FD2] =	sst s25  }
0xb5: {  	s5 =	sshll.u32 s26, $0x1;
	_ =	strace $0x80000064;
	[dreg:$0x1] =	wrdreg $0xFFFFFFFF  }
0xb6: {  	s28 =	simm.s32 $_size_execute0_lowered;
	s3 =	sadd.s32 s3, s5;
	[dreg:$0x0] =	wrdreg $0x0  }
0xb7: {  	s5 =	sshll.u32 s28, $0x1;
	[dreg:$0x2] =	wrdreg s3  }
0xb8: {  	[dreg:$0x3] =	wrdreg s5  }
0xb9: {  	[dreg:$0x4] =	wrdreg $0xC0  }
0xba: {  	_ =	task [dreg:s22], $0x5FFFF  }
0xbb: {  	[dreg:$0x1] =	wrdreg $0xFFFFFFFF  }
0xbc: {  	[dreg:$0x0] =	wrdreg $0x60  }
0xbd: {  	[dreg:$0x2] =	wrdreg s24  }
0xbe: {  	[dreg:$0x3] =	wrdreg $0xA8000  }
0xbf: {  	[dreg:$0x4] =	wrdreg $0xB  }
0xc0: {  	_ =	task.clear_ibuf [dreg:s22], $0x5FFFF;
	_ =	strace $0x90000064  }
0xc1: {  	s29 =	simm.s32 $0xB;
	_ =	strace $0x80000066  }
0xc2: {  	_ =	swait.ge [sflag:s29], $0x1  }
0xc3: {  	[sflag:s29] =	ssyncadd.s32 $0xFFFFFFFF  }
0xc4: {  	_ =	strace $0x90000066  }
0xc5: {  	_ =	sfence  }
0xc6: {  	s30 =	sld [smem:$0x0];
	_ =	sdelay $0x2  }
0xc7: {  	s31 =	sshll.u32 s1, $0xD;
	s1 =	sshrl.u32 s1, $0x2  }
0xc8: {  	s4 =	sand.u32 $0x4000, s31;
	s1 =	sadd.s32 s1, s30  }
0xc9: {  	s0 =	sor.u32 s4, s0;
	s1 =	sshll.u32 s1, $0x11  }
0xca: {  	s0 =	sor.u32 s1, s0  }
0xcb: {  	s0 =	sadd.s32 $0x8F2B, s0  }
0xcc: {  	[sflag:s0] =	ssyncadd.remote.s32 $0x1  }
0xcd: {  	_ =	sfence.sel $0xFFFF  }
0xce: {  	[dreg:$0x0] =	wrdreg $0xFFFFFFFF;
	(pc) =	sbr.abs _section_cstart, $3  }
0xcf: {  	[dreg:$0x1] =	wrdreg $0xFFFFFFFF  }
0xd0: {  	_ =	task.clear_ibuf [dreg:s22], $0x2FFFF;
	_ =	strace $0x9FFFFFFF  }
0xd1: {  	(tm) =	ssettm $0x7FFFFFFF  }
tec
execute0_lowered:
.L_overlay_start_1:
0x0: {  	(tag) =	ssettag $0x1  }
0x1: {  	s0 =	srdreg.scid;
	s5 =	rddreg [dreg:$0x0]  }
0x2: {  	s2 =	rddreg [dreg:$0x1];
	s1 =	stileid.u32  }
0x3: {  	s3 =	simm.s32 $0x0;
	s24 =	simm.s32 $0x2780;
	s25 =	simm.s32 $0x80  }
0x4: {  	s28 =	simm.s32 $0x1;
	s29 =	simm.s32 $0x0;
	s8 =	smul.u32 $0x50000, s1  }
0x5: {  	s0 =	sand.u32 $0x1, s0;
	[smem:$0x7FF] =	sst s3;
	s17 =	smul.u32 $0x14000, s1  }
0x6: {  	s21 =	sadd.s32 $0x112C00, s5;
	s23 =	smul.u32 $0x4F0, s1;
	s4 =	sshll.u32 s0, $0x4  }
0x7: {  	_ =	strace $0x80000065;
	s7 =	smul.u32 $0x4F00, s0;
	s26 =	ssub.s32 $0x2, s0  }
0x8: {  	s0 =	smul.u32 $0x140000, s0;
	s4 =	sor.u32 s1, s4;
	s30 =	sshrl.u32 s26, $0x1  }
0x9: {  	s8 =	sshrl.u32 s8, $0x2;
	s13 =	sadd.s32 $0x4000, s17;
	s15 =	sadd.s32 $0x8000, s17  }
0xa: {  	s18 =	sadd.s32 $0xC000, s17;
	s22 =	sadd.s32 $0x10000, s17;
	s6 =	smul.u32 $0x4F0, s4  }
0xb: {  	s4 =	sadd.s32 $0x22C00, s5;
	s20 =	sadd.s32 s7, s5;
	s7 =	ssub.s32 s26, s30  }
0xc: {  	s12 =	sadd.s32 s0, s17;
	s14 =	sadd.s32 s0, s13;
	s13 =	sadd.s32 s13, s2  }
0xd: {  	s16 =	sadd.s32 s0, s15;
	s15 =	sadd.s32 s15, s2;
	s19 =	sadd.s32 s0, s18  }
0xe: {  	s17 =	sadd.s32 s18, s2;
	s0 =	sadd.s32 s0, s22;
	s26 =	simm.s32 $0x2800  }
0xf: {  	s7 =	smax.u32 s7, $0x1;
	s12 =	sshrl.u32 s12, $0x3;
	s14 =	sshrl.u32 s14, $0x3  }
0x10: {  	s16 =	sshrl.u32 s16, $0x3;
	s19 =	sshrl.u32 s19, $0x3;
	s0 =	sshrl.u32 s0, $0x3  }
0x11: {  	s31 =	sadd.s32 s23, s20;
	s23 =	simm.s32 $0x6800;
	s6 =	sadd.s32 s6, s5  }
0x12: {  	s5 =	sadd.s32 s8, s2;
	s12 =	sadd.s32 s21, s12;
	s14 =	sadd.s32 s21, s14  }
0x13: {  	s16 =	sadd.s32 s21, s16;
	s18 =	sadd.s32 s21, s19;
	s19 =	sadd.s32 s22, s2  }
0x14: {  	s20 =	sadd.s32 s21, s0;
	s21 =	sadd.s32 $0xF000, s31;
	s22 =	simm.s32 $0x2  }
0x15: {  	s6 =	sadd.s32 $0x18E00, s6;
	s8 =	sadd.s32 $0x4000, s5;
	s9 =	sadd.s32 $0x8000, s5  }
0x16: {  	v0 =	vimm.f32 $0.0e+00;
	s10 =	sadd.s32 $0xC000, s5;
	s11 =	sadd.s32 $0x10000, s5;
	[dreg:$0x3] =	wrdreg s6  }
.LBB2_1:
0x17: {  	s0 =	rddreg [dreg:$0x3]  }
0x18: {  	[tilespmem:s3], [sflag:$0x2] =	stream.linear.gather [hbm4b:s0+s3], $0x2780, $0x38;
	[tilespmem:$0x1E800] =	vst v63  }
0x19: {  	_ =	swait.ge [sflag:s22], $0x2780  }
0x1a: {  	[sflag:s22] =	ssyncset.done $0x0  }
0x1b: {  	s30 =	simm.s32 $0x0;
	s31 =	simm.s32 $0x200;
	[sflag:s22] =	ssyncadd.s32 $0xFFFFD880  }
.LBB2_2:
0x1c: {  	p0 =	sne.s32 s31, $0xFE00;
	[tilespmem:s30+$0x6870] =	vst v0  }
0x1d: {  	[tilespmem:s30+$0x6800] =	vst v0  }
0x1e: {  	[tilespmem:s30+$0x6810] =	vst v0  }
.Ltmp0:
0x1f: {  	[tilespmem:s30+$0x6820] =	vst v0;
	(pc) =	sbr.rel @p0 .LBB2_2-.Ltmp0, $4  }
0x20: {  	[tilespmem:s30+$0x6830] =	vst v0  }
0x21: {  	[tilespmem:s30+$0x6840] =	vst v0  }
0x22: {  	[tilespmem:s30+$0x6850] =	vst v0  }
0x23: {  	[tilespmem:s30+$0x6860] =	vst v0;
	s30 =	sshra.s32 s31, $0x2;
	s31 =	sadd.s32 $0x200, s31  }
0x24: {  	[tilespmem:s30+$0x6870] =	vst v0  }
0x25: {  	[tilespmem:s30+$0x6800] =	vst v0  }
0x26: {  	[tilespmem:s30+$0x6810] =	vst v0  }
0x27: {  	[tilespmem:s30+$0x6820] =	vst v0  }
0x28: {  	[tilespmem:s30+$0x6830] =	vst v0  }
0x29: {  	[tilespmem:s30+$0x6840] =	vst v0  }
0x2a: {  	[tilespmem:s30+$0x6850] =	vst v0  }
0x2b: {  	[tilespmem:s30+$0x6860] =	vst v0  }
0x2c: {  	[spmem:s5] =	stream.linear.scatter [tilespmem:s23], [sflag:$0x2], $0x4000, $0x38;
	[tilespmem:$0x1E800] =	vst v63  }
0x2d: {  	_ =	swait.ge [sflag:s22], $0x4000  }
0x2e: {  	[sflag:s22] =	ssyncset.done $0x0  }
0x2f: {  	[sflag:s22] =	ssyncadd.s32 $0xFFFFC000  }
0x30: {  	[spmem:s8] =	stream.linear.scatter [tilespmem:s23], [sflag:$0x2], $0x4000, $0x38;
	[tilespmem:$0x1E800] =	vst v63  }
0x31: {  	_ =	swait.ge [sflag:s22], $0x4000  }
0x32: {  	[sflag:s22] =	ssyncset.done $0x0  }
0x33: {  	[sflag:s22] =	ssyncadd.s32 $0xFFFFC000  }
0x34: {  	[spmem:s9] =	stream.linear.scatter [tilespmem:s23], [sflag:$0x2], $0x4000, $0x38;
	[tilespmem:$0x1E800] =	vst v63  }
0x35: {  	_ =	swait.ge [sflag:s22], $0x4000  }
0x36: {  	[sflag:s22] =	ssyncset.done $0x0  }
0x37: {  	[sflag:s22] =	ssyncadd.s32 $0xFFFFC000  }
0x38: {  	[spmem:s10] =	stream.linear.scatter [tilespmem:s23], [sflag:$0x2], $0x4000, $0x38;
	[tilespmem:$0x1E800] =	vst v63  }
0x39: {  	_ =	swait.ge [sflag:s22], $0x4000  }
0x3a: {  	[sflag:s22] =	ssyncset.done $0x0  }
0x3b: {  	[sflag:s22] =	ssyncadd.s32 $0xFFFFC000  }
0x3c: {  	[spmem:s11] =	stream.linear.scatter [tilespmem:s23], [sflag:$0x2], $0x4000, $0x38;
	[tilespmem:$0x1E800] =	vst v63  }
0x3d: {  	_ =	swait.ge [sflag:s22], $0x4000  }
0x3e: {  	[sflag:s22] =	ssyncset.done $0x0  }
0x3f: {  	[sflag:s22] =	ssyncadd.s32 $0xFFFFC000  }
0x40: {  	s0 =	sadd.s32 $0x0, s21;
	[bflag:$0x0] =	sbarrier.arrive $0xFFFF  }
0x41: {  	[tilespmem:s24], [sflag:$0x2] =	stream.linear.gather [hbm4b:s0+s3], $0x80, $0x38;
	[tilespmem:$0x1E800] =	vst v63  }
0x42: {  	_ =	swait.ge [sflag:s22], $0x80  }
0x43: {  	[sflag:s22] =	ssyncset.done $0x0  }
0x44: {  	s6 =	simm.s32 $0x0;
	[sflag:s22] =	ssyncadd.s32 $0xFFFFFF80  }
0x45: {  	[tilespmem:s26], [sflag:$0x1] =	stream.indirect.gather [hbm4b:s4+s25], $0x80, s6, s25, $0xb8;
	[tilespmem:$0x1E800] =	vst v63  }
0x46: {  	_ =	swait.ge [sflag:s28], $0x4000  }
0x47: {  	[sflag:s28] =	ssyncset.done $0x0  }
0x48: {  	[sflag:s28] =	ssyncadd.s32 $0xFFFFC000  }
0x49: {  	[spmem:s2] =	stream.indirect.scatter.add.f32 [tilespmem:s26], [sflag:$0x2], $0x80, s24, s25, $0xb8;
	[tilespmem:$0x1E800] =	vst v63  }
0x4a: {  	s31 =	simm.s32 $0x10;
	_ =	swait.ge [sflag:s22], $0x4000  }
0x4b: {  	s30 =	simm.s32 $0x80;
	s0 =	simm.s32 $0x20;
	[sflag:s22] =	ssyncset.done $0x0  }
.LBB2_4:
0x4c: {  	s1 =	sadd.s32 s31, s21  }
0x4d: {  	[sflag:s22] =	ssyncadd.s32 $0xFFFFC000;
	s31 =	smov.u32 s0;
	s6 =	sadd.s32 $0x10, s0  }
0x4e: {  	[tilespmem:s24], [sflag:$0x2] =	stream.linear.gather [hbm4b:s1+s3], $0x80, $0x38;
	[tilespmem:$0x1E800] =	vst v63  }
0x4f: {  	p0 =	sne.s32 s0, $0x4E0;
	_ =	swait.ge [sflag:s22], $0x80  }
0x50: {  	[sflag:s22] =	ssyncset.done $0x0  }
0x51: {  	[sflag:s22] =	ssyncadd.s32 $0xFFFFFF80  }
0x52: {  	[tilespmem:s26], [sflag:$0x1] =	stream.indirect.gather [hbm4b:s4+s25], $0x80, s30, s25, $0xb8;
	[tilespmem:$0x1E800] =	vst v63  }
0x53: {  	_ =	swait.ge [sflag:s28], $0x4000  }
.Ltmp1:
0x54: {  	[sflag:s28] =	ssyncset.done $0x0;
	(pc) =	sbr.rel @p0 .LBB2_4-.Ltmp1, $4  }
0x55: {  	[sflag:s28] =	ssyncadd.s32 $0xFFFFC000  }
0x56: {  	[spmem:s2] =	stream.indirect.scatter.add.f32 [tilespmem:s26], [sflag:$0x2], $0x80, s24, s25, $0xb8;
	[tilespmem:$0x1E800] =	vst v63  }
0x57: {  	_ =	swait.ge [sflag:s22], $0x4000  }
0x58: {  	s0 =	smov.u32 s6;
	s30 =	sadd.s32 $0x80, s30;
	[sflag:s22] =	ssyncset.done $0x0  }
0x59: {  	s0 =	sadd.s32 s31, s21;
	[sflag:s22] =	ssyncadd.s32 $0xFFFFC000  }
0x5a: {  	[tilespmem:s24], [sflag:$0x2] =	stream.linear.gather [hbm4b:s0+s3], $0x80, $0x38;
	[tilespmem:$0x1E800] =	vst v63  }
0x5b: {  	_ =	swait.ge [sflag:s22], $0x80  }
0x5c: {  	[sflag:s22] =	ssyncset.done $0x0  }
0x5d: {  	[sflag:s22] =	ssyncadd.s32 $0xFFFFFF80  }
0x5e: {  	[tilespmem:s26], [sflag:$0x1] =	stream.indirect.gather [hbm4b:s4+s25], $0x80, s30, s25, $0xb8;
	[tilespmem:$0x1E800] =	vst v63  }
0x5f: {  	_ =	swait.ge [sflag:s28], $0x4000  }
0x60: {  	[sflag:s28] =	ssyncset.done $0x0  }
0x61: {  	[sflag:s28] =	ssyncadd.s32 $0xFFFFC000  }
0x62: {  	[spmem:s2] =	stream.indirect.scatter.add.f32 [tilespmem:s26], [sflag:$0x2], $0x80, s24, s25, $0xb8;
	[tilespmem:$0x1E800] =	vst v63  }
0x63: {  	_ =	swait.ge [sflag:s22], $0x4000  }
0x64: {  	[sflag:s22] =	ssyncset.done $0x0  }
0x65: {  	[sflag:s22] =	ssyncadd.s32 $0xFFFFC000  }
0x66: {  	[bflag:$0x0] =	sbarrier.arrive $0xFFFF  }
0x67: {  	[tilespmem:s23], [sflag:$0x2] =	stream.linear.gather [spmem:s5], $0x4000, $0x38;
	[tilespmem:$0x1E800] =	vst v63  }
0x68: {  	_ =	swait.ge [sflag:s22], $0x4000  }
0x69: {  	[sflag:s22] =	ssyncset.done $0x0  }
0x6a: {  	[sflag:s22] =	ssyncadd.s32 $0xFFFFC000  }
0x6b: {  	[hbm4b:s12+s3] =	stream.linear.scatter [tilespmem:s23], [sflag:$0x2], $0x4000, $0x38;
	[tilespmem:$0x1E800] =	vst v63  }
0x6c: {  	_ =	swait.ge [sflag:s22], $0x4000  }
0x6d: {  	[sflag:s22] =	ssyncset.done $0x0  }
0x6e: {  	[sflag:s22] =	ssyncadd.s32 $0xFFFFC000  }
0x6f: {  	[tilespmem:s23], [sflag:$0x2] =	stream.linear.gather [spmem:s13], $0x4000, $0x38;
	[tilespmem:$0x1E800] =	vst v63  }
0x70: {  	_ =	swait.ge [sflag:s22], $0x4000  }
0x71: {  	[sflag:s22] =	ssyncset.done $0x0  }
0x72: {  	[sflag:s22] =	ssyncadd.s32 $0xFFFFC000  }
0x73: {  	[hbm4b:s14+s3] =	stream.linear.scatter [tilespmem:s23], [sflag:$0x2], $0x4000, $0x38;
	[tilespmem:$0x1E800] =	vst v63  }
0x74: {  	_ =	swait.ge [sflag:s22], $0x4000  }
0x75: {  	[sflag:s22] =	ssyncset.done $0x0  }
0x76: {  	[sflag:s22] =	ssyncadd.s32 $0xFFFFC000  }
0x77: {  	[tilespmem:s23], [sflag:$0x2] =	stream.linear.gather [spmem:s15], $0x4000, $0x38;
	[tilespmem:$0x1E800] =	vst v63  }
0x78: {  	_ =	swait.ge [sflag:s22], $0x4000  }
0x79: {  	[sflag:s22] =	ssyncset.done $0x0  }
0x7a: {  	[sflag:s22] =	ssyncadd.s32 $0xFFFFC000  }
0x7b: {  	[hbm4b:s16+s3] =	stream.linear.scatter [tilespmem:s23], [sflag:$0x2], $0x4000, $0x38;
	[tilespmem:$0x1E800] =	vst v63  }
0x7c: {  	_ =	swait.ge [sflag:s22], $0x4000  }
0x7d: {  	[sflag:s22] =	ssyncset.done $0x0  }
0x7e: {  	[sflag:s22] =	ssyncadd.s32 $0xFFFFC000  }
0x7f: {  	[tilespmem:s23], [sflag:$0x2] =	stream.linear.gather [spmem:s17], $0x4000, $0x38;
	[tilespmem:$0x1E800] =	vst v63  }
0x80: {  	_ =	swait.ge [sflag:s22], $0x4000  }
0x81: {  	[sflag:s22] =	ssyncset.done $0x0  }
0x82: {  	[sflag:s22] =	ssyncadd.s32 $0xFFFFC000  }
0x83: {  	[hbm4b:s18+s3] =	stream.linear.scatter [tilespmem:s23], [sflag:$0x2], $0x4000, $0x38;
	[tilespmem:$0x1E800] =	vst v63  }
0x84: {  	_ =	swait.ge [sflag:s22], $0x4000  }
0x85: {  	[sflag:s22] =	ssyncset.done $0x0  }
0x86: {  	[sflag:s22] =	ssyncadd.s32 $0xFFFFC000  }
0x87: {  	[tilespmem:s23], [sflag:$0x2] =	stream.linear.gather [spmem:s19], $0x4000, $0x38;
	[tilespmem:$0x1E800] =	vst v63  }
0x88: {  	s29 =	sadd.s32 $0x1, s29;
	_ =	swait.ge [sflag:s22], $0x4000  }
0x89: {  	p0 =	sne.s32 s29, s7;
	[sflag:s22] =	ssyncset.done $0x0  }
.Ltmp2:
0x8a: {  	[sflag:s22] =	ssyncadd.s32 $0xFFFFC000;
	(pc) =	sbr.rel @p0 .LBB2_1-.Ltmp2, $4  }
0x8b: {  	[hbm4b:s20+s3] =	stream.linear.scatter [tilespmem:s23], [sflag:$0x2], $0x4000, $0x38;
	[tilespmem:$0x1E800] =	vst v63  }
0x8c: {  	_ =	swait.ge [sflag:s22], $0x4000  }
0x8d: {  	[sflag:s22] =	ssyncset.done $0x0  }
0x8e: {  	[sflag:s22] =	ssyncadd.s32 $0xFFFFC000  }
0x8f: {  	_ =	sfence.sel $0x180000  }
0x90: {  	[bflag:$0x0] =	sbarrier.arrive $0xFFFF  }
0x91: {  	_ =	strace $0x90000065  }
0x92: {  	s0 =	stileid.u32;
	[bflag:$0x2] =	sbarrier.arrive $0xFFFF  }
0x93: {  	p0 =	sne.s32 s0, $0x0;
	s0 =	rddreg [dreg:$0x2]  }
0x94: {  	s0 =	sadd.s32 @!p0 $0x100000, s0  }
0x95: {  	[sflag:s0] =	ssyncadd.tile.s32 @!p0 $0x1;
	_ =	shalt  }
.Lfunc_end2:
_tile_overlayer_lowered:
.L_overlay_start_2:
0x96: {  	(tag) =	ssettag $0x2  }
0x97: {  	s0 =	rddreg [dreg:$0x0];
	s2 =	stileid.u32  }
0x98: {  	s1 =	rddreg [dreg:$0x1];
	p0 =	sne.s32 s2, $0x0  }
0x99: {  	s3 =	rddreg [dreg:$0x2];
	[bflag:$0x3] =	sbarrier.arrive $0xFFFF;
	s2 =	simm.s32 @!p0 $0x1C02  }
0x9a: {  	[timem:s3], [sflag:s2] =	dma.local @!p0 [hbm:s0], s1  }
0x9b: {  	s0 =	simm.s32 @!p0 $0x2  }
0x9c: {  	_ =	swait.ge @!p0 [sflag:s0], s1  }
0x9d: {  	s1 =	ssub.s32 @!p0 $0x0, s1;
	[sflag:s0] =	ssyncset.done @!p0 $0x0  }
0x9e: {  	[sflag:s0] =	ssyncadd.s32 @!p0 s1  }
0x9f: {  	[bflag:$0x3] =	sbarrier.arrive $0xFFFF  }
0xa0: {  	_ =	shalt  }

// kernel: kernel.43.cloned.1.call-start
scs
__scs_entry_jumppad:
0x0: {  	(pc) =	sbr.rel $0x88, $3  }
0x1: {  	(tag) =	ssettag $0x0;
	lr =	simm.s32 $0x1  }
0x2: {  	[smem:$0x3F99] =	sst lr;
	_ =	strace $0xD0000000  }
0x3: {  	_ = 	snop  }
0x4: {  	_ = 	snop  }
0x5: {  	_ = 	snop  }
0x6: {  	_ = 	snop  }
0x7: {  	_ = 	snop  }
__scs_overlays_trampoline_lowered:
0x8: {  	[smem:$0x3FA8] =	sst s0  }
0x9: {  	[smem:$0x3FA9] =	sst s1  }
0xa: {  	[smem:$0x3FAA] =	sst s2  }
0xb: {  	[smem:$0x3FAB] =	sst s3  }
0xc: {  	[smem:$0x3FAC] =	sst s4  }
0xd: {  	[smem:$0x3FAD] =	sst s5  }
0xe: {  	[smem:$0x3FAE] =	sst s6  }
0xf: {  	[smem:$0x3FAF] =	sst s7  }
0x10: {  	[smem:$0x3FB0] =	sst s8  }
0x11: {  	[smem:$0x3FB1] =	sst s9;
	s0 =	simm.s32 @!p0 $0x0  }
0x12: {  	s1 =	sld [smem:$0x3F97];
	s0 =	simm.s32 @p0 $0x1  }
0x13: {  	[smem:$0x3FB2] =	sst s0;
	s0 =	simm.s32 @!p1 $0x0  }
0x14: {  	s2 =	sld [smem:$0x3F96];
	s0 =	simm.s32 @p1 $0x1  }
0x15: {  	[smem:$0x3FB3] =	sst s0;
	s0 =	simm.s32 @!p2 $0x0  }
0x16: {  	s3 =	sld [smem:$0x3FDB];
	s0 =	simm.s32 @p2 $0x1  }
0x17: {  	s4 =	simm.s32 $0x1BF5;
	[smem:$0x3FB5] =	sst s0  }
0x18: {  	s0 =	sld [smem:$0x3F98];
	_ =	swait.ge [sflag:s4], $0x0  }
0x19: {  	s7 =	sld [smem:$0x3F99]  }
0x1a: {  	s8 =	sadd.s32 $0xFFFFE003, lr  }
0x1b: {  	s9 =	sadd.s32 $0xFFFFFEF7, lr;
	s5 =	simm.s32 $0xFFFFFFFF;
	p2 =	slt.u32 s8, $0xFFFFF086  }
0x1c: {  	p1 =	slt.u32 s9, $0xF7A;
	s5 =	simm.s32 @!p2 $0x0  }
0x1d: {  	s5 =	simm.s32 @p1 $0x1;
	p0 =	seq.s32 s7, s2  }
0x1e: {  	s7 =	smul.u32 @!p0 $0xF7A, s2;
	p2 =	seq.s32 @!p0 s5, $0x0  }
0x1f: {  	s9 =	smul.u32 $0xF7A, s1;
	s8 =	simm.s32 @!p0 $0x1BF5;
	p2 =	por !p2, p0  }
0x20: {  	[sflag:s8] =	ssyncset.s32 @!p0 $0xFFFFF086;
	s6 =	sadd.s32 @!p0 s3, s7;
	s7 =	simm.s32 @!p0 $0x108  }
0x21: {  	s3 =	sadd.s32 s3, s9;
	s6 =	sadd.s32 @!p0 $0x88, s6;
	s7 =	simm.s32 @p2 $0x1082  }
0x22: {  	[simem:s7], [sflag:s8] =	dma.local @!p0 [hbm:s6], $0xF7A  }
0x23: {  	s9 =	sor.u32 $0xD0000000, s2;
	s6 =	simm.s32 $0x108;
	_ =	swait.ge @!p0 [sflag:s8], $0x0  }
0x24: {  	s3 =	sadd.s32 $0x88, s3;
	s6 =	simm.s32 @!p1 $0x1082;
	[sflag:s4] =	ssyncset.s32 $0xFFFFF086  }
0x25: {  	[simem:s6], [sflag:s4] =	dma.local [hbm:s3], $0xF7A  }
0x26: {  	[smem:$0x3F99] =	sst s1;
	(tag) =	ssettag s2;
	_ =	strace s9  }
0x27: {  	s1 =	sld [smem:$0x3FA9]  }
0x28: {  	s2 =	sld [smem:$0x3FAA]  }
0x29: {  	s4 =	sld [smem:$0x3FAC]  }
0x2a: {  	p0 =	seq.s32 s5, $0x0;
	s5 =	sld [smem:$0x3FAD]  }
0x2b: {  	s6 =	sld [smem:$0x3FAE]  }
0x2c: {  	s7 =	sld [smem:$0x3FAF]  }
0x2d: {  	s3 =	simm.s32 $0x108;
	s8 =	sld [smem:$0x3FB0]  }
0x2e: {  	s3 =	simm.s32 @!p0 $0x1082;
	s9 =	sld [smem:$0x3FB1]  }
0x2f: {  	lr =	sadd.s32 s0, s3;
	s0 =	sld [smem:$0x3FA8]  }
0x30: {  	s3 =	sld [smem:$0x3FAB]  }
0x31: {  	[smem:$0x3FB4] =	sst s10  }
0x32: {  	s10 =	sld [smem:$0x3FB2];
	_ =	sdelay $0x3  }
0x33: {  	p0 =	seq.s32 s10, $0x1;
	s10 =	sld [smem:$0x3FB4];
	_ =	sdelay $0x3  }
0x34: {  	[smem:$0x3FB4] =	sst s10  }
0x35: {  	s10 =	sld [smem:$0x3FB3];
	_ =	sdelay $0x3  }
0x36: {  	p1 =	seq.s32 s10, $0x1;
	s10 =	sld [smem:$0x3FB4];
	_ =	sdelay $0x3  }
0x37: {  	[smem:$0x3FB4] =	sst s10  }
0x38: {  	s10 =	sld [smem:$0x3FB5]  }
0x39: {  	_ = 	snop;
	(pc) =	sbr.ind lr, $3  }
0x3a: {  	_ = 	snop  }
0x3b: {  	_ = 	snop  }
0x3c: {  	p2 =	seq.s32 s10, $0x1;
	s10 =	sld [smem:$0x3FB4]  }
0x3d: {  	_ =	shalt  }
0x3e: {  	_ =	shalt  }
0x3f: {  	_ =	shalt  }
0x40: {  	_ =	shalt  }
0x41: {  	_ =	shalt  }
0x42: {  	_ =	shalt  }
0x43: {  	_ =	shalt  }
0x44: {  	_ =	shalt  }
0x45: {  	_ =	shalt  }
0x46: {  	_ =	shalt  }
0x47: {  	_ =	shalt  }
0x48: {  	_ =	shalt  }
0x49: {  	_ =	shalt  }
0x4a: {  	_ =	shalt  }
0x4b: {  	_ =	shalt  }
0x4c: {  	_ =	shalt  }
0x4d: {  	_ =	shalt  }
0x4e: {  	_ =	shalt  }
0x4f: {  	_ =	shalt  }
0x50: {  	_ =	shalt  }
0x51: {  	_ =	shalt  }
0x52: {  	_ =	shalt  }
0x53: {  	_ =	shalt  }
0x54: {  	_ =	shalt  }
0x55: {  	_ =	shalt  }
0x56: {  	_ =	shalt  }
0x57: {  	_ =	shalt  }
0x58: {  	_ =	shalt  }
0x59: {  	_ =	shalt  }
0x5a: {  	_ =	shalt  }
0x5b: {  	_ =	shalt  }
0x5c: {  	_ =	shalt  }
0x5d: {  	_ =	shalt  }
0x5e: {  	_ =	shalt  }
0x5f: {  	_ =	shalt  }
0x60: {  	_ =	shalt  }
0x61: {  	_ =	shalt  }
0x62: {  	_ =	shalt  }
0x63: {  	_ =	shalt  }
0x64: {  	_ =	shalt  }
0x65: {  	_ =	shalt  }
0x66: {  	_ =	shalt  }
0x67: {  	_ =	shalt  }
0x68: {  	_ =	shalt  }
0x69: {  	_ =	shalt  }
0x6a: {  	_ =	shalt  }
0x6b: {  	_ =	shalt  }
0x6c: {  	_ =	shalt  }
0x6d: {  	_ =	shalt  }
0x6e: {  	_ =	shalt  }
0x6f: {  	_ =	shalt  }
0x70: {  	_ =	shalt  }
0x71: {  	_ =	shalt  }
0x72: {  	_ =	shalt  }
0x73: {  	_ =	shalt  }
0x74: {  	_ =	shalt  }
0x75: {  	_ =	shalt  }
0x76: {  	_ =	shalt  }
0x77: {  	_ =	shalt  }
0x78: {  	_ =	shalt  }
0x79: {  	_ =	shalt  }
0x7a: {  	_ =	shalt  }
0x7b: {  	_ =	shalt  }
0x7c: {  	_ =	shalt  }
0x7d: {  	_ =	shalt  }
0x7e: {  	_ =	shalt  }
0x7f: {  	_ =	shalt  }
0x80: {  	_ =	shalt  }
0x81: {  	_ =	shalt  }
0x82: {  	_ =	shalt  }
0x83: {  	_ =	shalt  }
0x84: {  	_ =	shalt  }
0x85: {  	_ =	shalt  }
0x86: {  	_ =	shalt  }
0x87: {  	_ =	shalt  }
.Lfunc_end0:
.L_simem_size_0:
called_computation.11_lowered:
.L_overlay_start_0:
0x88: {  	s2 =	sld [smem:$0x3FD9]  }
0x89: {  	s3 =	sld [smem:$0x3FFE];
	_ =	sdelay $0x1  }
0x8a: {  	s1 =	srdreg.scid  }
0x8b: {  	s0 =	sand.u32 $0x1, s1  }
0x8c: {  	s17 =	sshll.u32 s0, $0xA;
	s2 =	sadd.s32 s3, s2  }
0x8d: {  	s2 =	sadd.s32 s2, s17  }
0x8e: {  	[smem:$0x3FC0] =	sst s2  }
0x8f: {  	_ = 	snop  }
0x90: {  	(tm) =	ssettm $0x1  }
0x91: {  	s18 =	sld [smem:$0x3FFB];
	_ =	sdelay $0x3  }
0x92: {  	_ =	strace s18  }
0x93: {  	s2 =	sld [smem:$0x3FFC];
	_ =	sdelay $0x3  }
0x94: {  	_ =	strace s2  }
0x95: {  	s2 =	sld [smem:$0x3FFD];
	_ =	sdelay $0x3  }
0x96: {  	_ =	strace s2  }
0x97: {  	_ =	strace $0x8FFFFFFF  }
0x98: {  	s19 =	sld [smem:$0x3FDB];
	_ =	sdelay $0x1  }
0x99: {  	s20 =	simm.s32 $_scs_section_size  }
0x9a: {  	s4 =	simm.s32 $_size__tile_overlayer_lowered;
	s5 =	simm.s32 $_tile_overlayer_lowered  }
0x9b: {  	s6 =	simm.s32 $0x1BFF;
	s21 =	sshll.u32 s5, $0x1;
	s3 =	sadd.s32 s20, s19  }
0x9c: {  	s22 =	simm.s32 $0x0;
	s4 =	sshll.u32 s4, $0x1;
	s5 =	sadd.s32 s21, s3  }
0x9d: {  	[timem:s22], [sflag:s6] =	dma.local [hbm:s5], s4  }
0x9e: {  	_ =	swait.ge [sflag:s6], s4  }
0x9f: {  	s4 =	ssub.s32 $0x0, s4;
	[sflag:s6] =	ssyncset.done $0x0  }
0xa0: {  	[sflag:s6] =	ssyncadd.s32 s4;
	_ =	sdelay $0x1  }
0xa1: {  	s23 =	simm.s32 $0x1B8B  }
0xa2: {  	_ =	swait.ge [sflag:s23], $0x1  }
0xa3: {  	[sflag:s23] =	ssyncset.done $0x0  }
0xa4: {  	[sflag:s23] =	ssyncadd.s32 $0xFFFFFFFF  }
0xa5: {  	s4 =	sld [smem:$0x0]  }
0xa6: {  	s5 =	sand.u32 $0xFFFFFFFE, s1  }
0xa7: {  	p0 =	sne.s32 s1, s5  }
0xa8: {  	s5 =	sshll.u32 @p0 s5, $0xE  }
0xa9: {  	s5 =	sadd.s32 @p0 $0x11B8D, s5;
	s6 =	sshll.u32 @p0 s4, $0x11  }
0xaa: {  	s5 =	sor.u32 @p0 s6, s5  }
0xab: {  	[sflag:s5] =	ssyncadd.remote.s32 @p0 $0x1;
	_ =	sdelay $0x1  }
0xac: {  	s5 =	simm.s32 @p0 $0x1B8D  }
0xad: {  	_ =	swait.eq @p0 [sflag:s5], $0x1  }
0xae: {  	[sflag:s5] =	ssyncadd.s32 @p0 $0xFFFFFFFF  }
0xaf: {  	s6 =	sshll.u32 @!p0 s1, $0xE  }
0xb0: {  	s6 =	sor.u32 @!p0 $0x4000, s6;
	s5 =	simm.s32 @!p0 $0x1B8D  }
0xb1: {  	s4 =	sshll.u32 @!p0 s4, $0x11;
	s6 =	sadd.s32 @!p0 $0x11B8D, s6;
	_ =	swait.eq @!p0 [sflag:s5], $0x1  }
0xb2: {  	s4 =	sor.u32 @!p0 s4, s6;
	[sflag:s5] =	ssyncadd.s32 @!p0 $0xFFFFFFFF  }
0xb3: {  	s25 =	simm.s32 $0x1B8E;
	s24 =	sld [smem:$0x3FFE];
	[sflag:s4] =	ssyncadd.remote.s32 @!p0 $0x1  }
0xb4: {  	s26 =	simm.s32 $execute0_lowered;
	[smem:$0x3FD2] =	sst s25  }
0xb5: {  	s5 =	sshll.u32 s26, $0x1;
	_ =	strace $0x80000067;
	[dreg:$0x1] =	wrdreg $0xFFFFFFFF  }
0xb6: {  	s28 =	simm.s32 $_size_execute0_lowered;
	s3 =	sadd.s32 s3, s5;
	[dreg:$0x0] =	wrdreg $0x0  }
0xb7: {  	s5 =	sshll.u32 s28, $0x1;
	[dreg:$0x2] =	wrdreg s3  }
0xb8: {  	[dreg:$0x3] =	wrdreg s5  }
0xb9: {  	[dreg:$0x4] =	wrdreg $0xC0  }
0xba: {  	_ =	task [dreg:s22], $0x5FFFF  }
0xbb: {  	[dreg:$0x1] =	wrdreg $0xFFFFFFFF  }
0xbc: {  	[dreg:$0x0] =	wrdreg $0x60  }
0xbd: {  	[dreg:$0x2] =	wrdreg s24  }
0xbe: {  	[dreg:$0x3] =	wrdreg $0xA8000  }
0xbf: {  	[dreg:$0x4] =	wrdreg $0xC  }
0xc0: {  	_ =	task.clear_ibuf [dreg:s22], $0x5FFFF;
	_ =	strace $0x90000067  }
0xc1: {  	s29 =	simm.s32 $0xC;
	_ =	strace $0x80000069  }
0xc2: {  	_ =	swait.ge [sflag:s29], $0x1  }
0xc3: {  	[sflag:s29] =	ssyncadd.s32 $0xFFFFFFFF  }
0xc4: {  	_ =	strace $0x90000069  }
0xc5: {  	_ =	sfence  }
0xc6: {  	s30 =	sld [smem:$0x0];
	_ =	sdelay $0x2  }
0xc7: {  	s31 =	sshll.u32 s1, $0xD;
	s1 =	sshrl.u32 s1, $0x2  }
0xc8: {  	s4 =	sand.u32 $0x4000, s31;
	s1 =	sadd.s32 s1, s30  }
0xc9: {  	s0 =	sor.u32 s4, s0;
	s1 =	sshll.u32 s1, $0x11  }
0xca: {  	s0 =	sor.u32 s1, s0  }
0xcb: {  	s0 =	sadd.s32 $0x8F2B, s0  }
0xcc: {  	[sflag:s0] =	ssyncadd.remote.s32 $0x1  }
0xcd: {  	_ =	sfence.sel $0xFFFF  }
0xce: {  	[dreg:$0x0] =	wrdreg $0xFFFFFFFF;
	(pc) =	sbr.abs _section_cstart, $3  }
0xcf: {  	[dreg:$0x1] =	wrdreg $0xFFFFFFFF  }
0xd0: {  	_ =	task.clear_ibuf [dreg:s22], $0x2FFFF;
	_ =	strace $0x9FFFFFFF  }
0xd1: {  	(tm) =	ssettm $0x7FFFFFFF  }
tec
execute0_lowered:
.L_overlay_start_1:
0x0: {  	(tag) =	ssettag $0x1  }
0x1: {  	s0 =	srdreg.scid;
	s5 =	rddreg [dreg:$0x0]  }
0x2: {  	s2 =	rddreg [dreg:$0x1];
	s1 =	stileid.u32  }
0x3: {  	s3 =	simm.s32 $0x0;
	s24 =	simm.s32 $0x2780;
	s25 =	simm.s32 $0x80  }
0x4: {  	s28 =	simm.s32 $0x1;
	s29 =	simm.s32 $0x0;
	s8 =	smul.u32 $0x50000, s1  }
0x5: {  	s0 =	sand.u32 $0x1, s0;
	[smem:$0x7FF] =	sst s3;
	s17 =	smul.u32 $0x14000, s1  }
0x6: {  	s21 =	sadd.s32 $0x162C00, s5;
	s23 =	smul.u32 $0x4F0, s1;
	s4 =	sshll.u32 s0, $0x4  }
0x7: {  	_ =	strace $0x80000068;
	s7 =	smul.u32 $0x4F00, s0;
	s26 =	ssub.s32 $0x2, s0  }
0x8: {  	s0 =	smul.u32 $0x140000, s0;
	s4 =	sor.u32 s1, s4;
	s30 =	sshrl.u32 s26, $0x1  }
0x9: {  	s8 =	sshrl.u32 s8, $0x2;
	s13 =	sadd.s32 $0x4000, s17;
	s15 =	sadd.s32 $0x8000, s17  }
0xa: {  	s18 =	sadd.s32 $0xC000, s17;
	s22 =	sadd.s32 $0x10000, s17;
	s6 =	smul.u32 $0x4F0, s4  }
0xb: {  	s4 =	sadd.s32 $0x4AC00, s5;
	s20 =	sadd.s32 s7, s5;
	s7 =	ssub.s32 s26, s30  }
0xc: {  	s12 =	sadd.s32 s0, s17;
	s14 =	sadd.s32 s0, s13;
	s13 =	sadd.s32 s13, s2  }
0xd: {  	s16 =	sadd.s32 s0, s15;
	s15 =	sadd.s32 s15, s2;
	s19 =	sadd.s32 s0, s18  }
0xe: {  	s17 =	sadd.s32 s18, s2;
	s0 =	sadd.s32 s0, s22;
	s26 =	simm.s32 $0x2800  }
0xf: {  	s7 =	smax.u32 s7, $0x1;
	s12 =	sshrl.u32 s12, $0x3;
	s14 =	sshrl.u32 s14, $0x3  }
0x10: {  	s16 =	sshrl.u32 s16, $0x3;
	s19 =	sshrl.u32 s19, $0x3;
	s0 =	sshrl.u32 s0, $0x3  }
0x11: {  	s31 =	sadd.s32 s23, s20;
	s23 =	simm.s32 $0x6800;
	s6 =	sadd.s32 s6, s5  }
0x12: {  	s5 =	sadd.s32 s8, s2;
	s12 =	sadd.s32 s21, s12;
	s14 =	sadd.s32 s21, s14  }
0x13: {  	s16 =	sadd.s32 s21, s16;
	s18 =	sadd.s32 s21, s19;
	s19 =	sadd.s32 s22, s2  }
0x14: {  	s20 =	sadd.s32 s21, s0;
	s21 =	sadd.s32 $0xF000, s31;
	s22 =	simm.s32 $0x2  }
0x15: {  	s6 =	sadd.s32 $0x18E00, s6;
	s8 =	sadd.s32 $0x4000, s5;
	s9 =	sadd.s32 $0x8000, s5  }
0x16: {  	v0 =	vimm.f32 $0.0e+00;
	s10 =	sadd.s32 $0xC000, s5;
	s11 =	sadd.s32 $0x10000, s5;
	[dreg:$0x3] =	wrdreg s6  }
.LBB2_1:
0x17: {  	s0 =	rddreg [dreg:$0x3]  }
0x18: {  	[tilespmem:s3], [sflag:$0x2] =	stream.linear.gather [hbm4b:s0+s3], $0x2780, $0x38;
	[tilespmem:$0x1E800] =	vst v63  }
0x19: {  	_ =	swait.ge [sflag:s22], $0x2780  }
0x1a: {  	[sflag:s22] =	ssyncset.done $0x0  }
0x1b: {  	s30 =	simm.s32 $0x0;
	s31 =	simm.s32 $0x200;
	[sflag:s22] =	ssyncadd.s32 $0xFFFFD880  }
.LBB2_2:
0x1c: {  	p0 =	sne.s32 s31, $0xFE00;
	[tilespmem:s30+$0x6870] =	vst v0  }
0x1d: {  	[tilespmem:s30+$0x6800] =	vst v0  }
0x1e: {  	[tilespmem:s30+$0x6810] =	vst v0  }
.Ltmp0:
0x1f: {  	[tilespmem:s30+$0x6820] =	vst v0;
	(pc) =	sbr.rel @p0 .LBB2_2-.Ltmp0, $4  }
0x20: {  	[tilespmem:s30+$0x6830] =	vst v0  }
0x21: {  	[tilespmem:s30+$0x6840] =	vst v0  }
0x22: {  	[tilespmem:s30+$0x6850] =	vst v0  }
0x23: {  	[tilespmem:s30+$0x6860] =	vst v0;
	s30 =	sshra.s32 s31, $0x2;
	s31 =	sadd.s32 $0x200, s31  }
0x24: {  	[tilespmem:s30+$0x6870] =	vst v0  }
0x25: {  	[tilespmem:s30+$0x6800] =	vst v0  }
0x26: {  	[tilespmem:s30+$0x6810] =	vst v0  }
0x27: {  	[tilespmem:s30+$0x6820] =	vst v0  }
0x28: {  	[tilespmem:s30+$0x6830] =	vst v0  }
0x29: {  	[tilespmem:s30+$0x6840] =	vst v0  }
0x2a: {  	[tilespmem:s30+$0x6850] =	vst v0  }
0x2b: {  	[tilespmem:s30+$0x6860] =	vst v0  }
0x2c: {  	[spmem:s5] =	stream.linear.scatter [tilespmem:s23], [sflag:$0x2], $0x4000, $0x38;
	[tilespmem:$0x1E800] =	vst v63  }
0x2d: {  	_ =	swait.ge [sflag:s22], $0x4000  }
0x2e: {  	[sflag:s22] =	ssyncset.done $0x0  }
0x2f: {  	[sflag:s22] =	ssyncadd.s32 $0xFFFFC000  }
0x30: {  	[spmem:s8] =	stream.linear.scatter [tilespmem:s23], [sflag:$0x2], $0x4000, $0x38;
	[tilespmem:$0x1E800] =	vst v63  }
0x31: {  	_ =	swait.ge [sflag:s22], $0x4000  }
0x32: {  	[sflag:s22] =	ssyncset.done $0x0  }
0x33: {  	[sflag:s22] =	ssyncadd.s32 $0xFFFFC000  }
0x34: {  	[spmem:s9] =	stream.linear.scatter [tilespmem:s23], [sflag:$0x2], $0x4000, $0x38;
	[tilespmem:$0x1E800] =	vst v63  }
0x35: {  	_ =	swait.ge [sflag:s22], $0x4000  }
0x36: {  	[sflag:s22] =	ssyncset.done $0x0  }
0x37: {  	[sflag:s22] =	ssyncadd.s32 $0xFFFFC000  }
0x38: {  	[spmem:s10] =	stream.linear.scatter [tilespmem:s23], [sflag:$0x2], $0x4000, $0x38;
	[tilespmem:$0x1E800] =	vst v63  }
0x39: {  	_ =	swait.ge [sflag:s22], $0x4000  }
0x3a: {  	[sflag:s22] =	ssyncset.done $0x0  }
0x3b: {  	[sflag:s22] =	ssyncadd.s32 $0xFFFFC000  }
0x3c: {  	[spmem:s11] =	stream.linear.scatter [tilespmem:s23], [sflag:$0x2], $0x4000, $0x38;
	[tilespmem:$0x1E800] =	vst v63  }
0x3d: {  	_ =	swait.ge [sflag:s22], $0x4000  }
0x3e: {  	[sflag:s22] =	ssyncset.done $0x0  }
0x3f: {  	[sflag:s22] =	ssyncadd.s32 $0xFFFFC000  }
0x40: {  	s0 =	sadd.s32 $0x0, s21;
	[bflag:$0x0] =	sbarrier.arrive $0xFFFF  }
0x41: {  	[tilespmem:s24], [sflag:$0x2] =	stream.linear.gather [hbm4b:s0+s3], $0x80, $0x38;
	[tilespmem:$0x1E800] =	vst v63  }
0x42: {  	_ =	swait.ge [sflag:s22], $0x80  }
0x43: {  	[sflag:s22] =	ssyncset.done $0x0  }
0x44: {  	s6 =	simm.s32 $0x0;
	[sflag:s22] =	ssyncadd.s32 $0xFFFFFF80  }
0x45: {  	[tilespmem:s26], [sflag:$0x1] =	stream.indirect.gather [hbm4b:s4+s25], $0x80, s6, s25, $0xb8;
	[tilespmem:$0x1E800] =	vst v63  }
0x46: {  	_ =	swait.ge [sflag:s28], $0x4000  }
0x47: {  	[sflag:s28] =	ssyncset.done $0x0  }
0x48: {  	[sflag:s28] =	ssyncadd.s32 $0xFFFFC000  }
0x49: {  	[spmem:s2] =	stream.indirect.scatter.add.f32 [tilespmem:s26], [sflag:$0x2], $0x80, s24, s25, $0xb8;
	[tilespmem:$0x1E800] =	vst v63  }
0x4a: {  	s31 =	simm.s32 $0x10;
	_ =	swait.ge [sflag:s22], $0x4000  }
0x4b: {  	s30 =	simm.s32 $0x80;
	s0 =	simm.s32 $0x20;
	[sflag:s22] =	ssyncset.done $0x0  }
.LBB2_4:
0x4c: {  	s1 =	sadd.s32 s31, s21  }
0x4d: {  	[sflag:s22] =	ssyncadd.s32 $0xFFFFC000;
	s31 =	smov.u32 s0;
	s6 =	sadd.s32 $0x10, s0  }
0x4e: {  	[tilespmem:s24], [sflag:$0x2] =	stream.linear.gather [hbm4b:s1+s3], $0x80, $0x38;
	[tilespmem:$0x1E800] =	vst v63  }
0x4f: {  	p0 =	sne.s32 s0, $0x4E0;
	_ =	swait.ge [sflag:s22], $0x80  }
0x50: {  	[sflag:s22] =	ssyncset.done $0x0  }
0x51: {  	[sflag:s22] =	ssyncadd.s32 $0xFFFFFF80  }
0x52: {  	[tilespmem:s26], [sflag:$0x1] =	stream.indirect.gather [hbm4b:s4+s25], $0x80, s30, s25, $0xb8;
	[tilespmem:$0x1E800] =	vst v63  }
0x53: {  	_ =	swait.ge [sflag:s28], $0x4000  }
.Ltmp1:
0x54: {  	[sflag:s28] =	ssyncset.done $0x0;
	(pc) =	sbr.rel @p0 .LBB2_4-.Ltmp1, $4  }
0x55: {  	[sflag:s28] =	ssyncadd.s32 $0xFFFFC000  }
0x56: {  	[spmem:s2] =	stream.indirect.scatter.add.f32 [tilespmem:s26], [sflag:$0x2], $0x80, s24, s25, $0xb8;
	[tilespmem:$0x1E800] =	vst v63  }
0x57: {  	_ =	swait.ge [sflag:s22], $0x4000  }
0x58: {  	s0 =	smov.u32 s6;
	s30 =	sadd.s32 $0x80, s30;
	[sflag:s22] =	ssyncset.done $0x0  }
0x59: {  	s0 =	sadd.s32 s31, s21;
	[sflag:s22] =	ssyncadd.s32 $0xFFFFC000  }
0x5a: {  	[tilespmem:s24], [sflag:$0x2] =	stream.linear.gather [hbm4b:s0+s3], $0x80, $0x38;
	[tilespmem:$0x1E800] =	vst v63  }
0x5b: {  	_ =	swait.ge [sflag:s22], $0x80  }
0x5c: {  	[sflag:s22] =	ssyncset.done $0x0  }
0x5d: {  	[sflag:s22] =	ssyncadd.s32 $0xFFFFFF80  }
0x5e: {  	[tilespmem:s26], [sflag:$0x1] =	stream.indirect.gather [hbm4b:s4+s25], $0x80, s30, s25, $0xb8;
	[tilespmem:$0x1E800] =	vst v63  }
0x5f: {  	_ =	swait.ge [sflag:s28], $0x4000  }
0x60: {  	[sflag:s28] =	ssyncset.done $0x0  }
0x61: {  	[sflag:s28] =	ssyncadd.s32 $0xFFFFC000  }
0x62: {  	[spmem:s2] =	stream.indirect.scatter.add.f32 [tilespmem:s26], [sflag:$0x2], $0x80, s24, s25, $0xb8;
	[tilespmem:$0x1E800] =	vst v63  }
0x63: {  	_ =	swait.ge [sflag:s22], $0x4000  }
0x64: {  	[sflag:s22] =	ssyncset.done $0x0  }
0x65: {  	[sflag:s22] =	ssyncadd.s32 $0xFFFFC000  }
0x66: {  	[bflag:$0x0] =	sbarrier.arrive $0xFFFF  }
0x67: {  	[tilespmem:s23], [sflag:$0x2] =	stream.linear.gather [spmem:s5], $0x4000, $0x38;
	[tilespmem:$0x1E800] =	vst v63  }
0x68: {  	_ =	swait.ge [sflag:s22], $0x4000  }
0x69: {  	[sflag:s22] =	ssyncset.done $0x0  }
0x6a: {  	[sflag:s22] =	ssyncadd.s32 $0xFFFFC000  }
0x6b: {  	[hbm4b:s12+s3] =	stream.linear.scatter [tilespmem:s23], [sflag:$0x2], $0x4000, $0x38;
	[tilespmem:$0x1E800] =	vst v63  }
0x6c: {  	_ =	swait.ge [sflag:s22], $0x4000  }
0x6d: {  	[sflag:s22] =	ssyncset.done $0x0  }
0x6e: {  	[sflag:s22] =	ssyncadd.s32 $0xFFFFC000  }
0x6f: {  	[tilespmem:s23], [sflag:$0x2] =	stream.linear.gather [spmem:s13], $0x4000, $0x38;
	[tilespmem:$0x1E800] =	vst v63  }
0x70: {  	_ =	swait.ge [sflag:s22], $0x4000  }
0x71: {  	[sflag:s22] =	ssyncset.done $0x0  }
0x72: {  	[sflag:s22] =	ssyncadd.s32 $0xFFFFC000  }
0x73: {  	[hbm4b:s14+s3] =	stream.linear.scatter [tilespmem:s23], [sflag:$0x2], $0x4000, $0x38;
	[tilespmem:$0x1E800] =	vst v63  }
0x74: {  	_ =	swait.ge [sflag:s22], $0x4000  }
0x75: {  	[sflag:s22] =	ssyncset.done $0x0  }
0x76: {  	[sflag:s22] =	ssyncadd.s32 $0xFFFFC000  }
0x77: {  	[tilespmem:s23], [sflag:$0x2] =	stream.linear.gather [spmem:s15], $0x4000, $0x38;
	[tilespmem:$0x1E800] =	vst v63  }
0x78: {  	_ =	swait.ge [sflag:s22], $0x4000  }
0x79: {  	[sflag:s22] =	ssyncset.done $0x0  }
0x7a: {  	[sflag:s22] =	ssyncadd.s32 $0xFFFFC000  }
0x7b: {  	[hbm4b:s16+s3] =	stream.linear.scatter [tilespmem:s23], [sflag:$0x2], $0x4000, $0x38;
	[tilespmem:$0x1E800] =	vst v63  }
0x7c: {  	_ =	swait.ge [sflag:s22], $0x4000  }
0x7d: {  	[sflag:s22] =	ssyncset.done $0x0  }
0x7e: {  	[sflag:s22] =	ssyncadd.s32 $0xFFFFC000  }
0x7f: {  	[tilespmem:s23], [sflag:$0x2] =	stream.linear.gather [spmem:s17], $0x4000, $0x38;
	[tilespmem:$0x1E800] =	vst v63  }
0x80: {  	_ =	swait.ge [sflag:s22], $0x4000  }
0x81: {  	[sflag:s22] =	ssyncset.done $0x0  }
0x82: {  	[sflag:s22] =	ssyncadd.s32 $0xFFFFC000  }
0x83: {  	[hbm4b:s18+s3] =	stream.linear.scatter [tilespmem:s23], [sflag:$0x2], $0x4000, $0x38;
	[tilespmem:$0x1E800] =	vst v63  }
0x84: {  	_ =	swait.ge [sflag:s22], $0x4000  }
0x85: {  	[sflag:s22] =	ssyncset.done $0x0  }
0x86: {  	[sflag:s22] =	ssyncadd.s32 $0xFFFFC000  }
0x87: {  	[tilespmem:s23], [sflag:$0x2] =	stream.linear.gather [spmem:s19], $0x4000, $0x38;
	[tilespmem:$0x1E800] =	vst v63  }
0x88: {  	s29 =	sadd.s32 $0x1, s29;
	_ =	swait.ge [sflag:s22], $0x4000  }
0x89: {  	p0 =	sne.s32 s29, s7;
	[sflag:s22] =	ssyncset.done $0x0  }
.Ltmp2:
0x8a: {  	[sflag:s22] =	ssyncadd.s32 $0xFFFFC000;
	(pc) =	sbr.rel @p0 .LBB2_1-.Ltmp2, $4  }
0x8b: {  	[hbm4b:s20+s3] =	stream.linear.scatter [tilespmem:s23], [sflag:$0x2], $0x4000, $0x38;
	[tilespmem:$0x1E800] =	vst v63  }
0x8c: {  	_ =	swait.ge [sflag:s22], $0x4000  }
0x8d: {  	[sflag:s22] =	ssyncset.done $0x0  }
0x8e: {  	[sflag:s22] =	ssyncadd.s32 $0xFFFFC000  }
0x8f: {  	_ =	sfence.sel $0x180000  }
0x90: {  	[bflag:$0x0] =	sbarrier.arrive $0xFFFF  }
0x91: {  	_ =	strace $0x90000068  }
0x92: {  	s0 =	stileid.u32;
	[bflag:$0x2] =	sbarrier.arrive $0xFFFF  }
0x93: {  	p0 =	sne.s32 s0, $0x0;
	s0 =	rddreg [dreg:$0x2]  }
0x94: {  	s0 =	sadd.s32 @!p0 $0x100000, s0  }
0x95: {  	[sflag:s0] =	ssyncadd.tile.s32 @!p0 $0x1;
	_ =	shalt  }
.Lfunc_end2:
_tile_overlayer_lowered:
.L_overlay_start_2:
0x96: {  	(tag) =	ssettag $0x2  }
0x97: {  	s0 =	rddreg [dreg:$0x0];
	s2 =	stileid.u32  }
0x98: {  	s1 =	rddreg [dreg:$0x1];
	p0 =	sne.s32 s2, $0x0  }
0x99: {  	s3 =	rddreg [dreg:$0x2];
	[bflag:$0x3] =	sbarrier.arrive $0xFFFF;
	s2 =	simm.s32 @!p0 $0x1C02  }
0x9a: {  	[timem:s3], [sflag:s2] =	dma.local @!p0 [hbm:s0], s1  }
0x9b: {  	s0 =	simm.s32 @!p0 $0x2  }
0x9c: {  	_ =	swait.ge @!p0 [sflag:s0], s1  }
0x9d: {  	s1 =	ssub.s32 @!p0 $0x0, s1;
	[sflag:s0] =	ssyncset.done @!p0 $0x0  }
0x9e: {  	[sflag:s0] =	ssyncadd.s32 @!p0 s1  }
0x9f: {  	[bflag:$0x3] =	sbarrier.arrive $0xFFFF  }
0xa0: {  	_ =	shalt  }

</sc_bundles>
